<compile_context>
chip_gen: v7x
topology: tpu7x:2x2x1
jax: 0.10.2.dev20260603
libtpu: 0.0.44.dev20260713+nightly
codegen_flags: <defaults>
</compile_context>

<pallas_src>
import functools

import jax
import jax.numpy as jnp
from jax import lax
from jax.experimental import pallas as pl
from jax.experimental.pallas import tpu as pltpu
from jax.experimental.pallas import tpu_sc as plsc

_VOCAB = 1_000_000
_SIZE = 64
_BATCH = 4096
_SEQ = 200
_NC = 2
_NS = 16
_NW = _NC * _NS
_ROWS = _BATCH * _SEQ
_RPW = _ROWS // _NW
_CH = 2 * _SEQ
_NCHUNK = _RPW // _CH
_NBUF = 3
_LANES = 16
_NVEC = _SIZE // _LANES
_NGAT = _CH // _LANES


def _positional_rows():
    pos = jnp.arange(_SEQ, dtype=jnp.float32)[:, None]
    period = jnp.power(10000.0, 2.0 * jnp.arange(_SIZE // 2, dtype=jnp.float32) / _SIZE)
    sin = jnp.sin(pos / period[None, :])
    cos = jnp.cos(pos / period[None, :])
    pe = jnp.zeros((_SEQ, _SIZE), dtype=jnp.float32)
    pe = pe.at[:, 0::2].set(sin)
    pe = pe.at[:, 1::2].set(cos)
    return pe


_mesh = plsc.VectorSubcoreMesh(core_axis_name="c", subcore_axis_name="s")


@functools.partial(
    pl.kernel,
    out_type=jax.ShapeDtypeStruct((_ROWS, _SIZE), jnp.float32),
    mesh=_mesh,
    scratch_types=[
        pltpu.VMEM((_RPW,), jnp.int32),
        pltpu.VMEM((_SEQ, _SIZE), jnp.float32),
        pltpu.VMEM((_NBUF, _CH, _SIZE), jnp.float32),
        pltpu.SemaphoreType.DMA,
        pltpu.SemaphoreType.DMA,
        pltpu.SemaphoreType.DMA,
        pltpu.SemaphoreType.DMA,
        pltpu.SemaphoreType.DMA,
        pltpu.SemaphoreType.DMA,
    ],
    compiler_params=pltpu.CompilerParams(use_tc_tiling_on_sc=False),
)
def _emb_kernel(table_hbm, table2_hbm, idx_hbm, pe_hbm, out_hbm,
                idx_v, pe_v, gbuf,
                gsem0, gsem1, gsem2, ssem0, ssem1, ssem2):
    wid = lax.axis_index("s") * _NC + lax.axis_index("c")
    base = wid * _RPW
    gsems = (gsem0, gsem1, gsem2)
    ssems = (ssem0, ssem1, ssem2)

    pltpu.sync_copy(idx_hbm.at[pl.ds(base, _RPW)], idx_v)
    pltpu.sync_copy(pe_hbm, pe_v)

    def start_gathers(i, b):
        c0 = i * _CH
        srcs = (table_hbm, table2_hbm)
        for k in range(_NGAT):
            iv = idx_v[pl.ds(c0 + k * _LANES, _LANES)]
            pltpu.make_async_copy(
                srcs[k % 2].at[iv],
                gbuf.at[b, pl.ds(k * _LANES, _LANES)],
                gsems[b],
            ).start()

    def wait_gathers(b):
        pltpu.make_async_copy(
            table_hbm.at[pl.ds(0, _CH)], gbuf.at[b], gsems[b]
        ).wait()

    def scatter_desc(i, b):
        return pltpu.make_async_copy(
            gbuf.at[b],
            out_hbm.at[pl.ds(base + i * _CH, _CH)],
            ssems[b],
        )

    def fma(b):
        @plsc.parallel_loop(0, _SEQ, 1, unroll=8)
        def _(r):
            for h in range(2):
                for v in range(_NVEC):
                    sl = pl.ds(v * _LANES, _LANES)
                    gbuf[b, r + h * _SEQ, sl] = (
                        gbuf[b, r + h * _SEQ, sl] * 8.0 + pe_v[r, sl]
                    )

    for i in range(_NBUF - 1):
        start_gathers(i, i)

    def outer(gi, carry):
        for b in range(_NBUF):
            i = gi * _NBUF + b
            wait_gathers(b)
            fma(b)
            scatter_desc(i, b).start()

            nb = (b + 2) % _NBUF
            if b == 0:
                @pl.when(gi == 0)
                def _():
                    start_gathers(i + 2, nb)

                @pl.when(gi > 0)
                def _():
                    scatter_desc(i - 1, nb).wait()
                    start_gathers(i + 2, nb)
            elif b == _NBUF - 1:
                @pl.when(gi < _NCHUNK // _NBUF - 1)
                def _():
                    scatter_desc(i - 1, nb).wait()
                    start_gathers(i + 2, nb)
            else:
                scatter_desc(i - 1, nb).wait()
                start_gathers(i + 2, nb)

        return carry

    lax.fori_loop(0, _NCHUNK // _NBUF, outer, 0)

    _LAST = _NCHUNK - 1
    wait_gathers(0)
    fma(0)
    scatter_desc(_LAST, 0).start()

    for j in range(_NBUF):
        i = _LAST - (_NBUF - 1) + j
        scatter_desc(i, i % _NBUF).wait()


def kernel(input, table):
    idx = input.reshape(-1).astype(jnp.int32)
    pe = _positional_rows()
    out = _emb_kernel(table, table, idx, pe)
    return out.reshape(_BATCH, _SEQ, _SIZE)

# --- scband reference (transcript-rebuilt; emitter-appended) ---
"""Pipeline reference for scband-embedding-45440753991704 (READ-ONLY COPY).

The authoritative reference and input builder live on the scoring server;
editing this copy changes nothing except your own understanding.
"""

import jax, jax.numpy as jnp
import numpy as np

VOCAB = 1000000
SIZE = 64
BATCH = 4096
SEQ = 200


def setup_inputs(seed: int = 0) -> dict:
    key = jax.random.key(seed)
    k1, k2 = jax.random.split(key)
    inp = jax.random.randint(k1, (BATCH, SEQ), 0, VOCAB, dtype=jnp.int64 if jax.config.jax_enable_x64 else jnp.int32)
    table = jax.random.normal(k2, (VOCAB, SIZE), dtype=jnp.float32)
    return {"input": inp, "table": table}


def _positional_encoding(seq_len, size):
    pos = jnp.arange(seq_len, dtype=jnp.float32)[:, None]  # (S, 1)
    period = jnp.power(10000.0, 2.0 * jnp.arange(size // 2, dtype=jnp.float32) / size)  # (size//2,)
    sin = jnp.sin(pos / period[None, :])  # (S, size//2)
    cos = jnp.cos(pos / period[None, :])  # (S, size//2)
    pe = jnp.zeros((seq_len, size), dtype=jnp.float32)
    pe = pe.at[:, 0::2].set(sin)
    pe = pe.at[:, 1::2].set(cos)
    return pe


def reference(input, table):
    # embedding lookup scaled by sqrt(size)
    emb = jnp.take(table, input, axis=0) * np.sqrt(SIZE)
    seq_len = input.shape[1]
    pe = _positional_encoding(seq_len, SIZE)  # (S, SIZE)
    emb = emb + pe[None, :, :]
    return emb

if __name__ == "__main__":
    import jax
    _d = setup_inputs()
    print(jax.jit(kernel)(*tuple(_d.values())))

</pallas_src>

<mosaic_0001>
#map = affine_map<(d0, d1) -> (0, 0)>
#map1 = affine_map<(d0, d1) -> (0)>
module attributes {stable_mosaic.version = 14 : i64} {
  func.func @_emb_kernel(%arg0: i32, %arg1: i32, %arg2: memref<1000000x64xf32, #tpu.memory_space<hbm>>, %arg3: memref<1000000x64xf32, #tpu.memory_space<hbm>>, %arg4: memref<819200xi32, #tpu.memory_space<hbm>>, %arg5: memref<200x64xf32, #tpu.memory_space<hbm>>, %arg6: memref<819200x64xf32, #tpu.memory_space<hbm>>, %arg7: memref<25600xi32, #tpu.memory_space<vmem>>, %arg8: memref<200x64xf32, #tpu.memory_space<vmem>>, %arg9: memref<3x400x64xf32, #tpu.memory_space<vmem>>, %arg10: memref<!tpu.dma_semaphore, #tpu.memory_space<semaphore_mem>>, %arg11: memref<!tpu.dma_semaphore, #tpu.memory_space<semaphore_mem>>, %arg12: memref<!tpu.dma_semaphore, #tpu.memory_space<semaphore_mem>>, %arg13: memref<!tpu.dma_semaphore, #tpu.memory_space<semaphore_mem>>, %arg14: memref<!tpu.dma_semaphore, #tpu.memory_space<semaphore_mem>>, %arg15: memref<!tpu.dma_semaphore, #tpu.memory_space<semaphore_mem>>) attributes {dimension_semantics = [#tpu.dimension_semantics<core_parallel>, #tpu.dimension_semantics<subcore_parallel>], iteration_bounds = array<i64: 2, 16>, scalar_prefetch = 0 : i64, scratch_operands = 9 : i64, tpu.core_type = #tpu.core_type<sc_vector_subcore>, window_params = [{transform_indices = #map}, {transform_indices = #map}, {transform_indices = #map1}, {transform_indices = #map}, {transform_indices = #map}]} {
    %mul3A = arith.constant 2 : i32
    %mul3A_0 = arith.muli %arg1, %mul3A : i32
    %add3A = arith.addi %mul3A_0, %arg0 : i32
    %mul3A_1 = arith.constant 25600 : i32
    %mul3A_2 = arith.muli %add3A, %mul3A_1 : i32
    "tpu.region"() ({
      %run_scoped3A = tpu.sem_alloc : memref<!tpu.dma_semaphore, #tpu.memory_space<semaphore_mem>>
      %dma_start3A_632 = tpu.memref_slice %arg4[%mul3A_2] : memref<819200xi32, #tpu.memory_space<hbm>> -> memref<25600xi32, #tpu.memory_space<hbm>>
      %dma_start3A_633 = tpu.memref_slice %arg4[%mul3A_2] : memref<819200xi32, #tpu.memory_space<hbm>> -> memref<25600xi32, #tpu.memory_space<hbm>>
      tpu.enqueue_dma source(%dma_start3A_633 : memref<25600xi32, #tpu.memory_space<hbm>>) target(%arg7 : memref<25600xi32, #tpu.memory_space<vmem>>) target_semaphore(%run_scoped3A : memref<!tpu.dma_semaphore, #tpu.memory_space<semaphore_mem>>)
      %dma_wait3A_634 = tpu.memref_slice %arg4[%mul3A_2] : memref<819200xi32, #tpu.memory_space<hbm>> -> memref<25600xi32, #tpu.memory_space<hbm>>
      %dma_wait3A_635 = tpu.memref_slice %arg4[%mul3A_2] : memref<819200xi32, #tpu.memory_space<hbm>> -> memref<25600xi32, #tpu.memory_space<hbm>>
      tpu.wait_dma2 semaphore(%run_scoped3A : memref<!tpu.dma_semaphore, #tpu.memory_space<semaphore_mem>>) src(%dma_wait3A_635 : memref<25600xi32, #tpu.memory_space<hbm>>) dst(%arg7 : memref<25600xi32, #tpu.memory_space<vmem>>)
      tpu.yield
    }) : () -> ()
    "tpu.region"() ({
      %run_scoped3A = tpu.sem_alloc : memref<!tpu.dma_semaphore, #tpu.memory_space<semaphore_mem>>
      tpu.enqueue_dma source(%arg5 : memref<200x64xf32, #tpu.memory_space<hbm>>) target(%arg8 : memref<200x64xf32, #tpu.memory_space<vmem>>) target_semaphore(%run_scoped3A : memref<!tpu.dma_semaphore, #tpu.memory_space<semaphore_mem>>)
      tpu.wait_dma2 semaphore(%run_scoped3A : memref<!tpu.dma_semaphore, #tpu.memory_space<semaphore_mem>>) src(%arg5 : memref<200x64xf32, #tpu.memory_space<hbm>>) dst(%arg8 : memref<200x64xf32, #tpu.memory_space<vmem>>)
      tpu.yield
    }) : () -> ()
    %get3A = arith.constant 0 : index
    %get3A_3 = tpu.vector_load %arg7[%get3A] {strides = array<i32>} : memref<25600xi32, #tpu.memory_space<vmem>>, vector<16xi32>,
    %get3A_4 = vector.shape_cast %get3A_3 : vector<16xi32> to vector<16xi32>
    %dma_start3A = arith.constant 0 : i32
    %dma_start3A_5 = arith.constant 0 : i32
    %dma_start3A_6 = arith.constant 0 : i32
    %dma_start3A_7 = tpu.memref_slice %arg9[%dma_start3A, %dma_start3A_5, %dma_start3A_6] : memref<3x400x64xf32, #tpu.memory_space<vmem>> -> memref<1x16x64xf32, #tpu.memory_space<vmem>>
    %dma_start3A_8 = tpu.memref_squeeze %dma_start3A_7 : memref<1x16x64xf32, #tpu.memory_space<vmem>> -> memref<16x64xf32, #tpu.memory_space<vmem>>
    %dma_start3A_9 = arith.constant 0 : i32
    %dma_start3A_10 = arith.constant 0 : i32
    %dma_start3A_11 = tpu.memref_slice %arg2[%dma_start3A_9, %dma_start3A_10] : memref<1000000x64xf32, #tpu.memory_space<hbm>> -> memref<1000000x64xf32, #tpu.memory_space<hbm>>
    tpu.enqueue_indirect_dma source(%dma_start3A_11 : memref<1000000x64xf32, #tpu.memory_space<hbm>>) target(%dma_start3A_8 : memref<16x64xf32, #tpu.memory_space<vmem>>) offsets(%get3A_4 : vector<16xi32>) semaphore(%arg10 : memref<!tpu.dma_semaphore, #tpu.memory_space<semaphore_mem>>)
    %get3A_12 = arith.constant 16 : index
    %get3A_13 = tpu.vector_load %arg7[%get3A_12] {strides = array<i32>} : memref<25600xi32, #tpu.memory_space<vmem>>, vector<16xi32>,
    %get3A_14 = vector.shape_cast %get3A_13 : vector<16xi32> to vector<16xi32>
    %dma_start3A_15 = arith.constant 0 : i32
    %dma_start3A_16 = arith.constant 16 : i32
    %dma_start3A_17 = arith.constant 0 : i32
    %dma_start3A_18 = tpu.memref_slice %arg9[%dma_start3A_15, %dma_start3A_16, %dma_start3A_17] : memref<3x400x64xf32, #tpu.memory_space<vmem>> -> memref<1x16x64xf32, #tpu.memory_space<vmem>>
    %dma_start3A_19 = tpu.memref_squeeze %dma_start3A_18 : memref<1x16x64xf32, #tpu.memory_space<vmem>> -> memref<16x64xf32, #tpu.memory_space<vmem>>
    %dma_start3A_20 = arith.constant 0 : i32
    %dma_start3A_21 = arith.constant 0 : i32
    %dma_start3A_22 = tpu.memref_slice %arg3[%dma_start3A_20, %dma_start3A_21] : memref<1000000x64xf32, #tpu.memory_space<hbm>> -> memref<1000000x64xf32, #tpu.memory_space<hbm>>
    tpu.enqueue_indirect_dma source(%dma_start3A_22 : memref<1000000x64xf32, #tpu.memory_space<hbm>>) target(%dma_start3A_19 : memref<16x64xf32, #tpu.memory_space<vmem>>) offsets(%get3A_14 : vector<16xi32>) semaphore(%arg10 : memref<!tpu.dma_semaphore, #tpu.memory_space<semaphore_mem>>)
    %get3A_23 = arith.constant 32 : index
    %get3A_24 = tpu.vector_load %arg7[%get3A_23] {strides = array<i32>} : memref<25600xi32, #tpu.memory_space<vmem>>, vector<16xi32>,
    %get3A_25 = vector.shape_cast %get3A_24 : vector<16xi32> to vector<16xi32>
    %dma_start3A_26 = arith.constant 0 : i32
    %dma_start3A_27 = arith.constant 32 : i32
    %dma_start3A_28 = arith.constant 0 : i32
    %dma_start3A_29 = tpu.memref_slice %arg9[%dma_start3A_26, %dma_start3A_27, %dma_start3A_28] : memref<3x400x64xf32, #tpu.memory_space<vmem>> -> memref<1x16x64xf32, #tpu.memory_space<vmem>>
    %dma_start3A_30 = tpu.memref_squeeze %dma_start3A_29 : memref<1x16x64xf32, #tpu.memory_space<vmem>> -> memref<16x64xf32, #tpu.memory_space<vmem>>
    %dma_start3A_31 = arith.constant 0 : i32
    %dma_start3A_32 = arith.constant 0 : i32
    %dma_start3A_33 = tpu.memref_slice %arg2[%dma_start3A_31, %dma_start3A_32] : memref<1000000x64xf32, #tpu.memory_space<hbm>> -> memref<1000000x64xf32, #tpu.memory_space<hbm>>
    tpu.enqueue_indirect_dma source(%dma_start3A_33 : memref<1000000x64xf32, #tpu.memory_space<hbm>>) target(%dma_start3A_30 : memref<16x64xf32, #tpu.memory_space<vmem>>) offsets(%get3A_25 : vector<16xi32>) semaphore(%arg10 : memref<!tpu.dma_semaphore, #tpu.memory_space<semaphore_mem>>)
    %get3A_34 = arith.constant 48 : index
    %get3A_35 = tpu.vector_load %arg7[%get3A_34] {strides = array<i32>} : memref<25600xi32, #tpu.memory_space<vmem>>, vector<16xi32>,
    %get3A_36 = vector.shape_cast %get3A_35 : vector<16xi32> to vector<16xi32>
    %dma_start3A_37 = arith.constant 0 : i32
    %dma_start3A_38 = arith.constant 48 : i32
    %dma_start3A_39 = arith.constant 0 : i32
    %dma_start3A_40 = tpu.memref_slice %arg9[%dma_start3A_37, %dma_start3A_38, %dma_start3A_39] : memref<3x400x64xf32, #tpu.memory_space<vmem>> -> memref<1x16x64xf32, #tpu.memory_space<vmem>>
    %dma_start3A_41 = tpu.memref_squeeze %dma_start3A_40 : memref<1x16x64xf32, #tpu.memory_space<vmem>> -> memref<16x64xf32, #tpu.memory_space<vmem>>
    %dma_start3A_42 = arith.constant 0 : i32
    %dma_start3A_43 = arith.constant 0 : i32
    %dma_start3A_44 = tpu.memref_slice %arg3[%dma_start3A_42, %dma_start3A_43] : memref<1000000x64xf32, #tpu.memory_space<hbm>> -> memref<1000000x64xf32, #tpu.memory_space<hbm>>
    tpu.enqueue_indirect_dma source(%dma_start3A_44 : memref<1000000x64xf32, #tpu.memory_space<hbm>>) target(%dma_start3A_41 : memref<16x64xf32, #tpu.memory_space<vmem>>) offsets(%get3A_36 : vector<16xi32>) semaphore(%arg10 : memref<!tpu.dma_semaphore, #tpu.memory_space<semaphore_mem>>)
    %get3A_45 = arith.constant 64 : index
    %get3A_46 = tpu.vector_load %arg7[%get3A_45] {strides = array<i32>} : memref<25600xi32, #tpu.memory_space<vmem>>, vector<16xi32>,
    %get3A_47 = vector.shape_cast %get3A_46 : vector<16xi32> to vector<16xi32>
    %dma_start3A_48 = arith.constant 0 : i32
    %dma_start3A_49 = arith.constant 64 : i32
    %dma_start3A_50 = arith.constant 0 : i32
    %dma_start3A_51 = tpu.memref_slice %arg9[%dma_start3A_48, %dma_start3A_49, %dma_start3A_50] : memref<3x400x64xf32, #tpu.memory_space<vmem>> -> memref<1x16x64xf32, #tpu.memory_space<vmem>>
    %dma_start3A_52 = tpu.memref_squeeze %dma_start3A_51 : memref<1x16x64xf32, #tpu.memory_space<vmem>> -> memref<16x64xf32, #tpu.memory_space<vmem>>
    %dma_start3A_53 = arith.constant 0 : i32
    %dma_start3A_54 = arith.constant 0 : i32
    %dma_start3A_55 = tpu.memref_slice %arg2[%dma_start3A_53, %dma_start3A_54] : memref<1000000x64xf32, #tpu.memory_space<hbm>> -> memref<1000000x64xf32, #tpu.memory_space<hbm>>
    tpu.enqueue_indirect_dma source(%dma_start3A_55 : memref<1000000x64xf32, #tpu.memory_space<hbm>>) target(%dma_start3A_52 : memref<16x64xf32, #tpu.memory_space<vmem>>) offsets(%get3A_47 : vector<16xi32>) semaphore(%arg10 : memref<!tpu.dma_semaphore, #tpu.memory_space<semaphore_mem>>)
    %get3A_56 = arith.constant 80 : index
    %get3A_57 = tpu.vector_load %arg7[%get3A_56] {strides = array<i32>} : memref<25600xi32, #tpu.memory_space<vmem>>, vector<16xi32>,
    %get3A_58 = vector.shape_cast %get3A_57 : vector<16xi32> to vector<16xi32>
    %dma_start3A_59 = arith.constant 0 : i32
    %dma_start3A_60 = arith.constant 80 : i32
    %dma_start3A_61 = arith.constant 0 : i32
    %dma_start3A_62 = tpu.memref_slice %arg9[%dma_start3A_59, %dma_start3A_60, %dma_start3A_61] : memref<3x400x64xf32, #tpu.memory_space<vmem>> -> memref<1x16x64xf32, #tpu.memory_space<vmem>>
    %dma_start3A_63 = tpu.memref_squeeze %dma_start3A_62 : memref<1x16x64xf32, #tpu.memory_space<vmem>> -> memref<16x64xf32, #tpu.memory_space<vmem>>
    %dma_start3A_64 = arith.constant 0 : i32
    %dma_start3A_65 = arith.constant 0 : i32
    %dma_start3A_66 = tpu.memref_slice %arg3[%dma_start3A_64, %dma_start3A_65] : memref<1000000x64xf32, #tpu.memory_space<hbm>> -> memref<1000000x64xf32, #tpu.memory_space<hbm>>
    tpu.enqueue_indirect_dma source(%dma_start3A_66 : memref<1000000x64xf32, #tpu.memory_space<hbm>>) target(%dma_start3A_63 : memref<16x64xf32, #tpu.memory_space<vmem>>) offsets(%get3A_58 : vector<16xi32>) semaphore(%arg10 : memref<!tpu.dma_semaphore, #tpu.memory_space<semaphore_mem>>)
    %get3A_67 = arith.constant 96 : index
    %get3A_68 = tpu.vector_load %arg7[%get3A_67] {strides = array<i32>} : memref<25600xi32, #tpu.memory_space<vmem>>, vector<16xi32>,
    %get3A_69 = vector.shape_cast %get3A_68 : vector<16xi32> to vector<16xi32>
    %dma_start3A_70 = arith.constant 0 : i32
    %dma_start3A_71 = arith.constant 96 : i32
    %dma_start3A_72 = arith.constant 0 : i32
    %dma_start3A_73 = tpu.memref_slice %arg9[%dma_start3A_70, %dma_start3A_71, %dma_start3A_72] : memref<3x400x64xf32, #tpu.memory_space<vmem>> -> memref<1x16x64xf32, #tpu.memory_space<vmem>>
    %dma_start3A_74 = tpu.memref_squeeze %dma_start3A_73 : memref<1x16x64xf32, #tpu.memory_space<vmem>> -> memref<16x64xf32, #tpu.memory_space<vmem>>
    %dma_start3A_75 = arith.constant 0 : i32
    %dma_start3A_76 = arith.constant 0 : i32
    %dma_start3A_77 = tpu.memref_slice %arg2[%dma_start3A_75, %dma_start3A_76] : memref<1000000x64xf32, #tpu.memory_space<hbm>> -> memref<1000000x64xf32, #tpu.memory_space<hbm>>
    tpu.enqueue_indirect_dma source(%dma_start3A_77 : memref<1000000x64xf32, #tpu.memory_space<hbm>>) target(%dma_start3A_74 : memref<16x64xf32, #tpu.memory_space<vmem>>) offsets(%get3A_69 : vector<16xi32>) semaphore(%arg10 : memref<!tpu.dma_semaphore, #tpu.memory_space<semaphore_mem>>)
    %get3A_78 = arith.constant 112 : index
    %get3A_79 = tpu.vector_load %arg7[%get3A_78] {strides = array<i32>} : memref<25600xi32, #tpu.memory_space<vmem>>, vector<16xi32>,
    %get3A_80 = vector.shape_cast %get3A_79 : vector<16xi32> to vector<16xi32>
    %dma_start3A_81 = arith.constant 0 : i32
    %dma_start3A_82 = arith.constant 112 : i32
    %dma_start3A_83 = arith.constant 0 : i32
    %dma_start3A_84 = tpu.memref_slice %arg9[%dma_start3A_81, %dma_start3A_82, %dma_start3A_83] : memref<3x400x64xf32, #tpu.memory_space<vmem>> -> memref<1x16x64xf32, #tpu.memory_space<vmem>>
    %dma_start3A_85 = tpu.memref_squeeze %dma_start3A_84 : memref<1x16x64xf32, #tpu.memory_space<vmem>> -> memref<16x64xf32, #tpu.memory_space<vmem>>
    %dma_start3A_86 = arith.constant 0 : i32
    %dma_start3A_87 = arith.constant 0 : i32
    %dma_start3A_88 = tpu.memref_slice %arg3[%dma_start3A_86, %dma_start3A_87] : memref<1000000x64xf32, #tpu.memory_space<hbm>> -> memref<1000000x64xf32, #tpu.memory_space<hbm>>
    tpu.enqueue_indirect_dma source(%dma_start3A_88 : memref<1000000x64xf32, #tpu.memory_space<hbm>>) target(%dma_start3A_85 : memref<16x64xf32, #tpu.memory_space<vmem>>) offsets(%get3A_80 : vector<16xi32>) semaphore(%arg10 : memref<!tpu.dma_semaphore, #tpu.memory_space<semaphore_mem>>)
    %get3A_89 = arith.constant 128 : index
    %get3A_90 = tpu.vector_load %arg7[%get3A_89] {strides = array<i32>} : memref<25600xi32, #tpu.memory_space<vmem>>, vector<16xi32>,
    %get3A_91 = vector.shape_cast %get3A_90 : vector<16xi32> to vector<16xi32>
    %dma_start3A_92 = arith.constant 0 : i32
    %dma_start3A_93 = arith.constant 128 : i32
    %dma_start3A_94 = arith.constant 0 : i32
    %dma_start3A_95 = tpu.memref_slice %arg9[%dma_start3A_92, %dma_start3A_93, %dma_start3A_94] : memref<3x400x64xf32, #tpu.memory_space<vmem>> -> memref<1x16x64xf32, #tpu.memory_space<vmem>>
    %dma_start3A_96 = tpu.memref_squeeze %dma_start3A_95 : memref<1x16x64xf32, #tpu.memory_space<vmem>> -> memref<16x64xf32, #tpu.memory_space<vmem>>
    %dma_start3A_97 = arith.constant 0 : i32
    %dma_start3A_98 = arith.constant 0 : i32
    %dma_start3A_99 = tpu.memref_slice %arg2[%dma_start3A_97, %dma_start3A_98] : memref<1000000x64xf32, #tpu.memory_space<hbm>> -> memref<1000000x64xf32, #tpu.memory_space<hbm>>
    tpu.enqueue_indirect_dma source(%dma_start3A_99 : memref<1000000x64xf32, #tpu.memory_space<hbm>>) target(%dma_start3A_96 : memref<16x64xf32, #tpu.memory_space<vmem>>) offsets(%get3A_91 : vector<16xi32>) semaphore(%arg10 : memref<!tpu.dma_semaphore, #tpu.memory_space<semaphore_mem>>)
    %get3A_100 = arith.constant 144 : index
    %get3A_101 = tpu.vector_load %arg7[%get3A_100] {strides = array<i32>} : memref<25600xi32, #tpu.memory_space<vmem>>, vector<16xi32>,
    %get3A_102 = vector.shape_cast %get3A_101 : vector<16xi32> to vector<16xi32>
    %dma_start3A_103 = arith.constant 0 : i32
    %dma_start3A_104 = arith.constant 144 : i32
    %dma_start3A_105 = arith.constant 0 : i32
    %dma_start3A_106 = tpu.memref_slice %arg9[%dma_start3A_103, %dma_start3A_104, %dma_start3A_105] : memref<3x400x64xf32, #tpu.memory_space<vmem>> -> memref<1x16x64xf32, #tpu.memory_space<vmem>>
    %dma_start3A_107 = tpu.memref_squeeze %dma_start3A_106 : memref<1x16x64xf32, #tpu.memory_space<vmem>> -> memref<16x64xf32, #tpu.memory_space<vmem>>
    %dma_start3A_108 = arith.constant 0 : i32
    %dma_start3A_109 = arith.constant 0 : i32
    %dma_start3A_110 = tpu.memref_slice %arg3[%dma_start3A_108, %dma_start3A_109] : memref<1000000x64xf32, #tpu.memory_space<hbm>> -> memref<1000000x64xf32, #tpu.memory_space<hbm>>
    tpu.enqueue_indirect_dma source(%dma_start3A_110 : memref<1000000x64xf32, #tpu.memory_space<hbm>>) target(%dma_start3A_107 : memref<16x64xf32, #tpu.memory_space<vmem>>) offsets(%get3A_102 : vector<16xi32>) semaphore(%arg10 : memref<!tpu.dma_semaphore, #tpu.memory_space<semaphore_mem>>)
    %get3A_111 = arith.constant 160 : index
    %get3A_112 = tpu.vector_load %arg7[%get3A_111] {strides = array<i32>} : memref<25600xi32, #tpu.memory_space<vmem>>, vector<16xi32>,
    %get3A_113 = vector.shape_cast %get3A_112 : vector<16xi32> to vector<16xi32>
    %dma_start3A_114 = arith.constant 0 : i32
    %dma_start3A_115 = arith.constant 160 : i32
    %dma_start3A_116 = arith.constant 0 : i32
    %dma_start3A_117 = tpu.memref_slice %arg9[%dma_start3A_114, %dma_start3A_115, %dma_start3A_116] : memref<3x400x64xf32, #tpu.memory_space<vmem>> -> memref<1x16x64xf32, #tpu.memory_space<vmem>>
    %dma_start3A_118 = tpu.memref_squeeze %dma_start3A_117 : memref<1x16x64xf32, #tpu.memory_space<vmem>> -> memref<16x64xf32, #tpu.memory_space<vmem>>
    %dma_start3A_119 = arith.constant 0 : i32
    %dma_start3A_120 = arith.constant 0 : i32
    %dma_start3A_121 = tpu.memref_slice %arg2[%dma_start3A_119, %dma_start3A_120] : memref<1000000x64xf32, #tpu.memory_space<hbm>> -> memref<1000000x64xf32, #tpu.memory_space<hbm>>
    tpu.enqueue_indirect_dma source(%dma_start3A_121 : memref<1000000x64xf32, #tpu.memory_space<hbm>>) target(%dma_start3A_118 : memref<16x64xf32, #tpu.memory_space<vmem>>) offsets(%get3A_113 : vector<16xi32>) semaphore(%arg10 : memref<!tpu.dma_semaphore, #tpu.memory_space<semaphore_mem>>)
    %get3A_122 = arith.constant 176 : index
    %get3A_123 = tpu.vector_load %arg7[%get3A_122] {strides = array<i32>} : memref<25600xi32, #tpu.memory_space<vmem>>, vector<16xi32>,
    %get3A_124 = vector.shape_cast %get3A_123 : vector<16xi32> to vector<16xi32>
    %dma_start3A_125 = arith.constant 0 : i32
    %dma_start3A_126 = arith.constant 176 : i32
    %dma_start3A_127 = arith.constant 0 : i32
    %dma_start3A_128 = tpu.memref_slice %arg9[%dma_start3A_125, %dma_start3A_126, %dma_start3A_127] : memref<3x400x64xf32, #tpu.memory_space<vmem>> -> memref<1x16x64xf32, #tpu.memory_space<vmem>>
    %dma_start3A_129 = tpu.memref_squeeze %dma_start3A_128 : memref<1x16x64xf32, #tpu.memory_space<vmem>> -> memref<16x64xf32, #tpu.memory_space<vmem>>
    %dma_start3A_130 = arith.constant 0 : i32
    %dma_start3A_131 = arith.constant 0 : i32
    %dma_start3A_132 = tpu.memref_slice %arg3[%dma_start3A_130, %dma_start3A_131] : memref<1000000x64xf32, #tpu.memory_space<hbm>> -> memref<1000000x64xf32, #tpu.memory_space<hbm>>
    tpu.enqueue_indirect_dma source(%dma_start3A_132 : memref<1000000x64xf32, #tpu.memory_space<hbm>>) target(%dma_start3A_129 : memref<16x64xf32, #tpu.memory_space<vmem>>) offsets(%get3A_124 : vector<16xi32>) semaphore(%arg10 : memref<!tpu.dma_semaphore, #tpu.memory_space<semaphore_mem>>)
    %get3A_133 = arith.constant 192 : index
    %get3A_134 = tpu.vector_load %arg7[%get3A_133] {strides = array<i32>} : memref<25600xi32, #tpu.memory_space<vmem>>, vector<16xi32>,
    %get3A_135 = vector.shape_cast %get3A_134 : vector<16xi32> to vector<16xi32>
    %dma_start3A_136 = arith.constant 0 : i32
    %dma_start3A_137 = arith.constant 192 : i32
    %dma_start3A_138 = arith.constant 0 : i32
    %dma_start3A_139 = tpu.memref_slice %arg9[%dma_start3A_136, %dma_start3A_137, %dma_start3A_138] : memref<3x400x64xf32, #tpu.memory_space<vmem>> -> memref<1x16x64xf32, #tpu.memory_space<vmem>>
    %dma_start3A_140 = tpu.memref_squeeze %dma_start3A_139 : memref<1x16x64xf32, #tpu.memory_space<vmem>> -> memref<16x64xf32, #tpu.memory_space<vmem>>
    %dma_start3A_141 = arith.constant 0 : i32
    %dma_start3A_142 = arith.constant 0 : i32
    %dma_start3A_143 = tpu.memref_slice %arg2[%dma_start3A_141, %dma_start3A_142] : memref<1000000x64xf32, #tpu.memory_space<hbm>> -> memref<1000000x64xf32, #tpu.memory_space<hbm>>
    tpu.enqueue_indirect_dma source(%dma_start3A_143 : memref<1000000x64xf32, #tpu.memory_space<hbm>>) target(%dma_start3A_140 : memref<16x64xf32, #tpu.memory_space<vmem>>) offsets(%get3A_135 : vector<16xi32>) semaphore(%arg10 : memref<!tpu.dma_semaphore, #tpu.memory_space<semaphore_mem>>)
    %get3A_144 = arith.constant 208 : index
    %get3A_145 = tpu.vector_load %arg7[%get3A_144] {strides = array<i32>} : memref<25600xi32, #tpu.memory_space<vmem>>, vector<16xi32>,
    %get3A_146 = vector.shape_cast %get3A_145 : vector<16xi32> to vector<16xi32>
    %dma_start3A_147 = arith.constant 0 : i32
    %dma_start3A_148 = arith.constant 208 : i32
    %dma_start3A_149 = arith.constant 0 : i32
    %dma_start3A_150 = tpu.memref_slice %arg9[%dma_start3A_147, %dma_start3A_148, %dma_start3A_149] : memref<3x400x64xf32, #tpu.memory_space<vmem>> -> memref<1x16x64xf32, #tpu.memory_space<vmem>>
    %dma_start3A_151 = tpu.memref_squeeze %dma_start3A_150 : memref<1x16x64xf32, #tpu.memory_space<vmem>> -> memref<16x64xf32, #tpu.memory_space<vmem>>
    %dma_start3A_152 = arith.constant 0 : i32
    %dma_start3A_153 = arith.constant 0 : i32
    %dma_start3A_154 = tpu.memref_slice %arg3[%dma_start3A_152, %dma_start3A_153] : memref<1000000x64xf32, #tpu.memory_space<hbm>> -> memref<1000000x64xf32, #tpu.memory_space<hbm>>
    tpu.enqueue_indirect_dma source(%dma_start3A_154 : memref<1000000x64xf32, #tpu.memory_space<hbm>>) target(%dma_start3A_151 : memref<16x64xf32, #tpu.memory_space<vmem>>) offsets(%get3A_146 : vector<16xi32>) semaphore(%arg10 : memref<!tpu.dma_semaphore, #tpu.memory_space<semaphore_mem>>)
    %get3A_155 = arith.constant 224 : index
    %get3A_156 = tpu.vector_load %arg7[%get3A_155] {strides = array<i32>} : memref<25600xi32, #tpu.memory_space<vmem>>, vector<16xi32>,
    %get3A_157 = vector.shape_cast %get3A_156 : vector<16xi32> to vector<16xi32>
    %dma_start3A_158 = arith.constant 0 : i32
    %dma_start3A_159 = arith.constant 224 : i32
    %dma_start3A_160 = arith.constant 0 : i32
    %dma_start3A_161 = tpu.memref_slice %arg9[%dma_start3A_158, %dma_start3A_159, %dma_start3A_160] : memref<3x400x64xf32, #tpu.memory_space<vmem>> -> memref<1x16x64xf32, #tpu.memory_space<vmem>>
    %dma_start3A_162 = tpu.memref_squeeze %dma_start3A_161 : memref<1x16x64xf32, #tpu.memory_space<vmem>> -> memref<16x64xf32, #tpu.memory_space<vmem>>
    %dma_start3A_163 = arith.constant 0 : i32
    %dma_start3A_164 = arith.constant 0 : i32
    %dma_start3A_165 = tpu.memref_slice %arg2[%dma_start3A_163, %dma_start3A_164] : memref<1000000x64xf32, #tpu.memory_space<hbm>> -> memref<1000000x64xf32, #tpu.memory_space<hbm>>
    tpu.enqueue_indirect_dma source(%dma_start3A_165 : memref<1000000x64xf32, #tpu.memory_space<hbm>>) target(%dma_start3A_162 : memref<16x64xf32, #tpu.memory_space<vmem>>) offsets(%get3A_157 : vector<16xi32>) semaphore(%arg10 : memref<!tpu.dma_semaphore, #tpu.memory_space<semaphore_mem>>)
    %get3A_166 = arith.constant 240 : index
    %get3A_167 = tpu.vector_load %arg7[%get3A_166] {strides = array<i32>} : memref<25600xi32, #tpu.memory_space<vmem>>, vector<16xi32>,
    %get3A_168 = vector.shape_cast %get3A_167 : vector<16xi32> to vector<16xi32>
    %dma_start3A_169 = arith.constant 0 : i32
    %dma_start3A_170 = arith.constant 240 : i32
    %dma_start3A_171 = arith.constant 0 : i32
    %dma_start3A_172 = tpu.memref_slice %arg9[%dma_start3A_169, %dma_start3A_170, %dma_start3A_171] : memref<3x400x64xf32, #tpu.memory_space<vmem>> -> memref<1x16x64xf32, #tpu.memory_space<vmem>>
    %dma_start3A_173 = tpu.memref_squeeze %dma_start3A_172 : memref<1x16x64xf32, #tpu.memory_space<vmem>> -> memref<16x64xf32, #tpu.memory_space<vmem>>
    %dma_start3A_174 = arith.constant 0 : i32
    %dma_start3A_175 = arith.constant 0 : i32
    %dma_start3A_176 = tpu.memref_slice %arg3[%dma_start3A_174, %dma_start3A_175] : memref<1000000x64xf32, #tpu.memory_space<hbm>> -> memref<1000000x64xf32, #tpu.memory_space<hbm>>
    tpu.enqueue_indirect_dma source(%dma_start3A_176 : memref<1000000x64xf32, #tpu.memory_space<hbm>>) target(%dma_start3A_173 : memref<16x64xf32, #tpu.memory_space<vmem>>) offsets(%get3A_168 : vector<16xi32>) semaphore(%arg10 : memref<!tpu.dma_semaphore, #tpu.memory_space<semaphore_mem>>)
    %get3A_177 = arith.constant 256 : index
    %get3A_178 = tpu.vector_load %arg7[%get3A_177] {strides = array<i32>} : memref<25600xi32, #tpu.memory_space<vmem>>, vector<16xi32>,
    %get3A_179 = vector.shape_cast %get3A_178 : vector<16xi32> to vector<16xi32>
    %dma_start3A_180 = arith.constant 0 : i32
    %dma_start3A_181 = arith.constant 256 : i32
    %dma_start3A_182 = arith.constant 0 : i32
    %dma_start3A_183 = tpu.memref_slice %arg9[%dma_start3A_180, %dma_start3A_181, %dma_start3A_182] : memref<3x400x64xf32, #tpu.memory_space<vmem>> -> memref<1x16x64xf32, #tpu.memory_space<vmem>>
    %dma_start3A_184 = tpu.memref_squeeze %dma_start3A_183 : memref<1x16x64xf32, #tpu.memory_space<vmem>> -> memref<16x64xf32, #tpu.memory_space<vmem>>
    %dma_start3A_185 = arith.constant 0 : i32
    %dma_start3A_186 = arith.constant 0 : i32
    %dma_start3A_187 = tpu.memref_slice %arg2[%dma_start3A_185, %dma_start3A_186] : memref<1000000x64xf32, #tpu.memory_space<hbm>> -> memref<1000000x64xf32, #tpu.memory_space<hbm>>
    tpu.enqueue_indirect_dma source(%dma_start3A_187 : memref<1000000x64xf32, #tpu.memory_space<hbm>>) target(%dma_start3A_184 : memref<16x64xf32, #tpu.memory_space<vmem>>) offsets(%get3A_179 : vector<16xi32>) semaphore(%arg10 : memref<!tpu.dma_semaphore, #tpu.memory_space<semaphore_mem>>)
    %get3A_188 = arith.constant 272 : index
    %get3A_189 = tpu.vector_load %arg7[%get3A_188] {strides = array<i32>} : memref<25600xi32, #tpu.memory_space<vmem>>, vector<16xi32>,
    %get3A_190 = vector.shape_cast %get3A_189 : vector<16xi32> to vector<16xi32>
    %dma_start3A_191 = arith.constant 0 : i32
    %dma_start3A_192 = arith.constant 272 : i32
    %dma_start3A_193 = arith.constant 0 : i32
    %dma_start3A_194 = tpu.memref_slice %arg9[%dma_start3A_191, %dma_start3A_192, %dma_start3A_193] : memref<3x400x64xf32, #tpu.memory_space<vmem>> -> memref<1x16x64xf32, #tpu.memory_space<vmem>>
    %dma_start3A_195 = tpu.memref_squeeze %dma_start3A_194 : memref<1x16x64xf32, #tpu.memory_space<vmem>> -> memref<16x64xf32, #tpu.memory_space<vmem>>
    %dma_start3A_196 = arith.constant 0 : i32
    %dma_start3A_197 = arith.constant 0 : i32
    %dma_start3A_198 = tpu.memref_slice %arg3[%dma_start3A_196, %dma_start3A_197] : memref<1000000x64xf32, #tpu.memory_space<hbm>> -> memref<1000000x64xf32, #tpu.memory_space<hbm>>
    tpu.enqueue_indirect_dma source(%dma_start3A_198 : memref<1000000x64xf32, #tpu.memory_space<hbm>>) target(%dma_start3A_195 : memref<16x64xf32, #tpu.memory_space<vmem>>) offsets(%get3A_190 : vector<16xi32>) semaphore(%arg10 : memref<!tpu.dma_semaphore, #tpu.memory_space<semaphore_mem>>)
    %get3A_199 = arith.constant 288 : index
    %get3A_200 = tpu.vector_load %arg7[%get3A_199] {strides = array<i32>} : memref<25600xi32, #tpu.memory_space<vmem>>, vector<16xi32>,
    %get3A_201 = vector.shape_cast %get3A_200 : vector<16xi32> to vector<16xi32>
    %dma_start3A_202 = arith.constant 0 : i32
    %dma_start3A_203 = arith.constant 288 : i32
    %dma_start3A_204 = arith.constant 0 : i32
    %dma_start3A_205 = tpu.memref_slice %arg9[%dma_start3A_202, %dma_start3A_203, %dma_start3A_204] : memref<3x400x64xf32, #tpu.memory_space<vmem>> -> memref<1x16x64xf32, #tpu.memory_space<vmem>>
    %dma_start3A_206 = tpu.memref_squeeze %dma_start3A_205 : memref<1x16x64xf32, #tpu.memory_space<vmem>> -> memref<16x64xf32, #tpu.memory_space<vmem>>
    %dma_start3A_207 = arith.constant 0 : i32
    %dma_start3A_208 = arith.constant 0 : i32
    %dma_start3A_209 = tpu.memref_slice %arg2[%dma_start3A_207, %dma_start3A_208] : memref<1000000x64xf32, #tpu.memory_space<hbm>> -> memref<1000000x64xf32, #tpu.memory_space<hbm>>
    tpu.enqueue_indirect_dma source(%dma_start3A_209 : memref<1000000x64xf32, #tpu.memory_space<hbm>>) target(%dma_start3A_206 : memref<16x64xf32, #tpu.memory_space<vmem>>) offsets(%get3A_201 : vector<16xi32>) semaphore(%arg10 : memref<!tpu.dma_semaphore, #tpu.memory_space<semaphore_mem>>)
    %get3A_210 = arith.constant 304 : index
    %get3A_211 = tpu.vector_load %arg7[%get3A_210] {strides = array<i32>} : memref<25600xi32, #tpu.memory_space<vmem>>, vector<16xi32>,
    %get3A_212 = vector.shape_cast %get3A_211 : vector<16xi32> to vector<16xi32>
    %dma_start3A_213 = arith.constant 0 : i32
    %dma_start3A_214 = arith.constant 304 : i32
    %dma_start3A_215 = arith.constant 0 : i32
    %dma_start3A_216 = tpu.memref_slice %arg9[%dma_start3A_213, %dma_start3A_214, %dma_start3A_215] : memref<3x400x64xf32, #tpu.memory_space<vmem>> -> memref<1x16x64xf32, #tpu.memory_space<vmem>>
    %dma_start3A_217 = tpu.memref_squeeze %dma_start3A_216 : memref<1x16x64xf32, #tpu.memory_space<vmem>> -> memref<16x64xf32, #tpu.memory_space<vmem>>
    %dma_start3A_218 = arith.constant 0 : i32
    %dma_start3A_219 = arith.constant 0 : i32
    %dma_start3A_220 = tpu.memref_slice %arg3[%dma_start3A_218, %dma_start3A_219] : memref<1000000x64xf32, #tpu.memory_space<hbm>> -> memref<1000000x64xf32, #tpu.memory_space<hbm>>
    tpu.enqueue_indirect_dma source(%dma_start3A_220 : memref<1000000x64xf32, #tpu.memory_space<hbm>>) target(%dma_start3A_217 : memref<16x64xf32, #tpu.memory_space<vmem>>) offsets(%get3A_212 : vector<16xi32>) semaphore(%arg10 : memref<!tpu.dma_semaphore, #tpu.memory_space<semaphore_mem>>)
    %get3A_221 = arith.constant 320 : index
    %get3A_222 = tpu.vector_load %arg7[%get3A_221] {strides = array<i32>} : memref<25600xi32, #tpu.memory_space<vmem>>, vector<16xi32>,
    %get3A_223 = vector.shape_cast %get3A_222 : vector<16xi32> to vector<16xi32>
    %dma_start3A_224 = arith.constant 0 : i32
    %dma_start3A_225 = arith.constant 320 : i32
    %dma_start3A_226 = arith.constant 0 : i32
    %dma_start3A_227 = tpu.memref_slice %arg9[%dma_start3A_224, %dma_start3A_225, %dma_start3A_226] : memref<3x400x64xf32, #tpu.memory_space<vmem>> -> memref<1x16x64xf32, #tpu.memory_space<vmem>>
    %dma_start3A_228 = tpu.memref_squeeze %dma_start3A_227 : memref<1x16x64xf32, #tpu.memory_space<vmem>> -> memref<16x64xf32, #tpu.memory_space<vmem>>
    %dma_start3A_229 = arith.constant 0 : i32
    %dma_start3A_230 = arith.constant 0 : i32
    %dma_start3A_231 = tpu.memref_slice %arg2[%dma_start3A_229, %dma_start3A_230] : memref<1000000x64xf32, #tpu.memory_space<hbm>> -> memref<1000000x64xf32, #tpu.memory_space<hbm>>
    tpu.enqueue_indirect_dma source(%dma_start3A_231 : memref<1000000x64xf32, #tpu.memory_space<hbm>>) target(%dma_start3A_228 : memref<16x64xf32, #tpu.memory_space<vmem>>) offsets(%get3A_223 : vector<16xi32>) semaphore(%arg10 : memref<!tpu.dma_semaphore, #tpu.memory_space<semaphore_mem>>)
    %get3A_232 = arith.constant 336 : index
    %get3A_233 = tpu.vector_load %arg7[%get3A_232] {strides = array<i32>} : memref<25600xi32, #tpu.memory_space<vmem>>, vector<16xi32>,
    %get3A_234 = vector.shape_cast %get3A_233 : vector<16xi32> to vector<16xi32>
    %dma_start3A_235 = arith.constant 0 : i32
    %dma_start3A_236 = arith.constant 336 : i32
    %dma_start3A_237 = arith.constant 0 : i32
    %dma_start3A_238 = tpu.memref_slice %arg9[%dma_start3A_235, %dma_start3A_236, %dma_start3A_237] : memref<3x400x64xf32, #tpu.memory_space<vmem>> -> memref<1x16x64xf32, #tpu.memory_space<vmem>>
    %dma_start3A_239 = tpu.memref_squeeze %dma_start3A_238 : memref<1x16x64xf32, #tpu.memory_space<vmem>> -> memref<16x64xf32, #tpu.memory_space<vmem>>
    %dma_start3A_240 = arith.constant 0 : i32
    %dma_start3A_241 = arith.constant 0 : i32
    %dma_start3A_242 = tpu.memref_slice %arg3[%dma_start3A_240, %dma_start3A_241] : memref<1000000x64xf32, #tpu.memory_space<hbm>> -> memref<1000000x64xf32, #tpu.memory_space<hbm>>
    tpu.enqueue_indirect_dma source(%dma_start3A_242 : memref<1000000x64xf32, #tpu.memory_space<hbm>>) target(%dma_start3A_239 : memref<16x64xf32, #tpu.memory_space<vmem>>) offsets(%get3A_234 : vector<16xi32>) semaphore(%arg10 : memref<!tpu.dma_semaphore, #tpu.memory_space<semaphore_mem>>)
    %get3A_243 = arith.constant 352 : index
    %get3A_244 = tpu.vector_load %arg7[%get3A_243] {strides = array<i32>} : memref<25600xi32, #tpu.memory_space<vmem>>, vector<16xi32>,
    %get3A_245 = vector.shape_cast %get3A_244 : vector<16xi32> to vector<16xi32>
    %dma_start3A_246 = arith.constant 0 : i32
    %dma_start3A_247 = arith.constant 352 : i32
    %dma_start3A_248 = arith.constant 0 : i32
    %dma_start3A_249 = tpu.memref_slice %arg9[%dma_start3A_246, %dma_start3A_247, %dma_start3A_248] : memref<3x400x64xf32, #tpu.memory_space<vmem>> -> memref<1x16x64xf32, #tpu.memory_space<vmem>>
    %dma_start3A_250 = tpu.memref_squeeze %dma_start3A_249 : memref<1x16x64xf32, #tpu.memory_space<vmem>> -> memref<16x64xf32, #tpu.memory_space<vmem>>
    %dma_start3A_251 = arith.constant 0 : i32
    %dma_start3A_252 = arith.constant 0 : i32
    %dma_start3A_253 = tpu.memref_slice %arg2[%dma_start3A_251, %dma_start3A_252] : memref<1000000x64xf32, #tpu.memory_space<hbm>> -> memref<1000000x64xf32, #tpu.memory_space<hbm>>
    tpu.enqueue_indirect_dma source(%dma_start3A_253 : memref<1000000x64xf32, #tpu.memory_space<hbm>>) target(%dma_start3A_250 : memref<16x64xf32, #tpu.memory_space<vmem>>) offsets(%get3A_245 : vector<16xi32>) semaphore(%arg10 : memref<!tpu.dma_semaphore, #tpu.memory_space<semaphore_mem>>)
    %get3A_254 = arith.constant 368 : index
    %get3A_255 = tpu.vector_load %arg7[%get3A_254] {strides = array<i32>} : memref<25600xi32, #tpu.memory_space<vmem>>, vector<16xi32>,
    %get3A_256 = vector.shape_cast %get3A_255 : vector<16xi32> to vector<16xi32>
    %dma_start3A_257 = arith.constant 0 : i32
    %dma_start3A_258 = arith.constant 368 : i32
    %dma_start3A_259 = arith.constant 0 : i32
    %dma_start3A_260 = tpu.memref_slice %arg9[%dma_start3A_257, %dma_start3A_258, %dma_start3A_259] : memref<3x400x64xf32, #tpu.memory_space<vmem>> -> memref<1x16x64xf32, #tpu.memory_space<vmem>>
    %dma_start3A_261 = tpu.memref_squeeze %dma_start3A_260 : memref<1x16x64xf32, #tpu.memory_space<vmem>> -> memref<16x64xf32, #tpu.memory_space<vmem>>
    %dma_start3A_262 = arith.constant 0 : i32
    %dma_start3A_263 = arith.constant 0 : i32
    %dma_start3A_264 = tpu.memref_slice %arg3[%dma_start3A_262, %dma_start3A_263] : memref<1000000x64xf32, #tpu.memory_space<hbm>> -> memref<1000000x64xf32, #tpu.memory_space<hbm>>
    tpu.enqueue_indirect_dma source(%dma_start3A_264 : memref<1000000x64xf32, #tpu.memory_space<hbm>>) target(%dma_start3A_261 : memref<16x64xf32, #tpu.memory_space<vmem>>) offsets(%get3A_256 : vector<16xi32>) semaphore(%arg10 : memref<!tpu.dma_semaphore, #tpu.memory_space<semaphore_mem>>)
    %get3A_265 = arith.constant 384 : index
    %get3A_266 = tpu.vector_load %arg7[%get3A_265] {strides = array<i32>} : memref<25600xi32, #tpu.memory_space<vmem>>, vector<16xi32>,
    %get3A_267 = vector.shape_cast %get3A_266 : vector<16xi32> to vector<16xi32>
    %dma_start3A_268 = arith.constant 0 : i32
    %dma_start3A_269 = arith.constant 384 : i32
    %dma_start3A_270 = arith.constant 0 : i32
    %dma_start3A_271 = tpu.memref_slice %arg9[%dma_start3A_268, %dma_start3A_269, %dma_start3A_270] : memref<3x400x64xf32, #tpu.memory_space<vmem>> -> memref<1x16x64xf32, #tpu.memory_space<vmem>>
    %dma_start3A_272 = tpu.memref_squeeze %dma_start3A_271 : memref<1x16x64xf32, #tpu.memory_space<vmem>> -> memref<16x64xf32, #tpu.memory_space<vmem>>
    %dma_start3A_273 = arith.constant 0 : i32
    %dma_start3A_274 = arith.constant 0 : i32
    %dma_start3A_275 = tpu.memref_slice %arg2[%dma_start3A_273, %dma_start3A_274] : memref<1000000x64xf32, #tpu.memory_space<hbm>> -> memref<1000000x64xf32, #tpu.memory_space<hbm>>
    tpu.enqueue_indirect_dma source(%dma_start3A_275 : memref<1000000x64xf32, #tpu.memory_space<hbm>>) target(%dma_start3A_272 : memref<16x64xf32, #tpu.memory_space<vmem>>) offsets(%get3A_267 : vector<16xi32>) semaphore(%arg10 : memref<!tpu.dma_semaphore, #tpu.memory_space<semaphore_mem>>)
    %get3A_276 = arith.constant 400 : index
    %get3A_277 = tpu.vector_load %arg7[%get3A_276] {strides = array<i32>} : memref<25600xi32, #tpu.memory_space<vmem>>, vector<16xi32>,
    %get3A_278 = vector.shape_cast %get3A_277 : vector<16xi32> to vector<16xi32>
    %dma_start3A_279 = arith.constant 1 : i32
    %dma_start3A_280 = arith.constant 0 : i32
    %dma_start3A_281 = arith.constant 0 : i32
    %dma_start3A_282 = tpu.memref_slice %arg9[%dma_start3A_279, %dma_start3A_280, %dma_start3A_281] : memref<3x400x64xf32, #tpu.memory_space<vmem>> -> memref<1x16x64xf32, #tpu.memory_space<vmem>>
    %dma_start3A_283 = tpu.memref_squeeze %dma_start3A_282 : memref<1x16x64xf32, #tpu.memory_space<vmem>> -> memref<16x64xf32, #tpu.memory_space<vmem>>
    %dma_start3A_284 = arith.constant 0 : i32
    %dma_start3A_285 = arith.constant 0 : i32
    %dma_start3A_286 = tpu.memref_slice %arg2[%dma_start3A_284, %dma_start3A_285] : memref<1000000x64xf32, #tpu.memory_space<hbm>> -> memref<1000000x64xf32, #tpu.memory_space<hbm>>
    tpu.enqueue_indirect_dma source(%dma_start3A_286 : memref<1000000x64xf32, #tpu.memory_space<hbm>>) target(%dma_start3A_283 : memref<16x64xf32, #tpu.memory_space<vmem>>) offsets(%get3A_278 : vector<16xi32>) semaphore(%arg11 : memref<!tpu.dma_semaphore, #tpu.memory_space<semaphore_mem>>)
    %get3A_287 = arith.constant 416 : index
    %get3A_288 = tpu.vector_load %arg7[%get3A_287] {strides = array<i32>} : memref<25600xi32, #tpu.memory_space<vmem>>, vector<16xi32>,
    %get3A_289 = vector.shape_cast %get3A_288 : vector<16xi32> to vector<16xi32>
    %dma_start3A_290 = arith.constant 1 : i32
    %dma_start3A_291 = arith.constant 16 : i32
    %dma_start3A_292 = arith.constant 0 : i32
    %dma_start3A_293 = tpu.memref_slice %arg9[%dma_start3A_290, %dma_start3A_291, %dma_start3A_292] : memref<3x400x64xf32, #tpu.memory_space<vmem>> -> memref<1x16x64xf32, #tpu.memory_space<vmem>>
    %dma_start3A_294 = tpu.memref_squeeze %dma_start3A_293 : memref<1x16x64xf32, #tpu.memory_space<vmem>> -> memref<16x64xf32, #tpu.memory_space<vmem>>
    %dma_start3A_295 = arith.constant 0 : i32
    %dma_start3A_296 = arith.constant 0 : i32
    %dma_start3A_297 = tpu.memref_slice %arg3[%dma_start3A_295, %dma_start3A_296] : memref<1000000x64xf32, #tpu.memory_space<hbm>> -> memref<1000000x64xf32, #tpu.memory_space<hbm>>
    tpu.enqueue_indirect_dma source(%dma_start3A_297 : memref<1000000x64xf32, #tpu.memory_space<hbm>>) target(%dma_start3A_294 : memref<16x64xf32, #tpu.memory_space<vmem>>) offsets(%get3A_289 : vector<16xi32>) semaphore(%arg11 : memref<!tpu.dma_semaphore, #tpu.memory_space<semaphore_mem>>)
    %get3A_298 = arith.constant 432 : index
    %get3A_299 = tpu.vector_load %arg7[%get3A_298] {strides = array<i32>} : memref<25600xi32, #tpu.memory_space<vmem>>, vector<16xi32>,
    %get3A_300 = vector.shape_cast %get3A_299 : vector<16xi32> to vector<16xi32>
    %dma_start3A_301 = arith.constant 1 : i32
    %dma_start3A_302 = arith.constant 32 : i32
    %dma_start3A_303 = arith.constant 0 : i32
    %dma_start3A_304 = tpu.memref_slice %arg9[%dma_start3A_301, %dma_start3A_302, %dma_start3A_303] : memref<3x400x64xf32, #tpu.memory_space<vmem>> -> memref<1x16x64xf32, #tpu.memory_space<vmem>>
    %dma_start3A_305 = tpu.memref_squeeze %dma_start3A_304 : memref<1x16x64xf32, #tpu.memory_space<vmem>> -> memref<16x64xf32, #tpu.memory_space<vmem>>
    %dma_start3A_306 = arith.constant 0 : i32
    %dma_start3A_307 = arith.constant 0 : i32
    %dma_start3A_308 = tpu.memref_slice %arg2[%dma_start3A_306, %dma_start3A_307] : memref<1000000x64xf32, #tpu.memory_space<hbm>> -> memref<1000000x64xf32, #tpu.memory_space<hbm>>
    tpu.enqueue_indirect_dma source(%dma_start3A_308 : memref<1000000x64xf32, #tpu.memory_space<hbm>>) target(%dma_start3A_305 : memref<16x64xf32, #tpu.memory_space<vmem>>) offsets(%get3A_300 : vector<16xi32>) semaphore(%arg11 : memref<!tpu.dma_semaphore, #tpu.memory_space<semaphore_mem>>)
    %get3A_309 = arith.constant 448 : index
    %get3A_310 = tpu.vector_load %arg7[%get3A_309] {strides = array<i32>} : memref<25600xi32, #tpu.memory_space<vmem>>, vector<16xi32>,
    %get3A_311 = vector.shape_cast %get3A_310 : vector<16xi32> to vector<16xi32>
    %dma_start3A_312 = arith.constant 1 : i32
    %dma_start3A_313 = arith.constant 48 : i32
    %dma_start3A_314 = arith.constant 0 : i32
    %dma_start3A_315 = tpu.memref_slice %arg9[%dma_start3A_312, %dma_start3A_313, %dma_start3A_314] : memref<3x400x64xf32, #tpu.memory_space<vmem>> -> memref<1x16x64xf32, #tpu.memory_space<vmem>>
    %dma_start3A_316 = tpu.memref_squeeze %dma_start3A_315 : memref<1x16x64xf32, #tpu.memory_space<vmem>> -> memref<16x64xf32, #tpu.memory_space<vmem>>
    %dma_start3A_317 = arith.constant 0 : i32
    %dma_start3A_318 = arith.constant 0 : i32
    %dma_start3A_319 = tpu.memref_slice %arg3[%dma_start3A_317, %dma_start3A_318] : memref<1000000x64xf32, #tpu.memory_space<hbm>> -> memref<1000000x64xf32, #tpu.memory_space<hbm>>
    tpu.enqueue_indirect_dma source(%dma_start3A_319 : memref<1000000x64xf32, #tpu.memory_space<hbm>>) target(%dma_start3A_316 : memref<16x64xf32, #tpu.memory_space<vmem>>) offsets(%get3A_311 : vector<16xi32>) semaphore(%arg11 : memref<!tpu.dma_semaphore, #tpu.memory_space<semaphore_mem>>)
    %get3A_320 = arith.constant 464 : index
    %get3A_321 = tpu.vector_load %arg7[%get3A_320] {strides = array<i32>} : memref<25600xi32, #tpu.memory_space<vmem>>, vector<16xi32>,
    %get3A_322 = vector.shape_cast %get3A_321 : vector<16xi32> to vector<16xi32>
    %dma_start3A_323 = arith.constant 1 : i32
    %dma_start3A_324 = arith.constant 64 : i32
    %dma_start3A_325 = arith.constant 0 : i32
    %dma_start3A_326 = tpu.memref_slice %arg9[%dma_start3A_323, %dma_start3A_324, %dma_start3A_325] : memref<3x400x64xf32, #tpu.memory_space<vmem>> -> memref<1x16x64xf32, #tpu.memory_space<vmem>>
    %dma_start3A_327 = tpu.memref_squeeze %dma_start3A_326 : memref<1x16x64xf32, #tpu.memory_space<vmem>> -> memref<16x64xf32, #tpu.memory_space<vmem>>
    %dma_start3A_328 = arith.constant 0 : i32
    %dma_start3A_329 = arith.constant 0 : i32
    %dma_start3A_330 = tpu.memref_slice %arg2[%dma_start3A_328, %dma_start3A_329] : memref<1000000x64xf32, #tpu.memory_space<hbm>> -> memref<1000000x64xf32, #tpu.memory_space<hbm>>
    tpu.enqueue_indirect_dma source(%dma_start3A_330 : memref<1000000x64xf32, #tpu.memory_space<hbm>>) target(%dma_start3A_327 : memref<16x64xf32, #tpu.memory_space<vmem>>) offsets(%get3A_322 : vector<16xi32>) semaphore(%arg11 : memref<!tpu.dma_semaphore, #tpu.memory_space<semaphore_mem>>)
    %get3A_331 = arith.constant 480 : index
    %get3A_332 = tpu.vector_load %arg7[%get3A_331] {strides = array<i32>} : memref<25600xi32, #tpu.memory_space<vmem>>, vector<16xi32>,
    %get3A_333 = vector.shape_cast %get3A_332 : vector<16xi32> to vector<16xi32>
    %dma_start3A_334 = arith.constant 1 : i32
    %dma_start3A_335 = arith.constant 80 : i32
    %dma_start3A_336 = arith.constant 0 : i32
    %dma_start3A_337 = tpu.memref_slice %arg9[%dma_start3A_334, %dma_start3A_335, %dma_start3A_336] : memref<3x400x64xf32, #tpu.memory_space<vmem>> -> memref<1x16x64xf32, #tpu.memory_space<vmem>>
    %dma_start3A_338 = tpu.memref_squeeze %dma_start3A_337 : memref<1x16x64xf32, #tpu.memory_space<vmem>> -> memref<16x64xf32, #tpu.memory_space<vmem>>
    %dma_start3A_339 = arith.constant 0 : i32
    %dma_start3A_340 = arith.constant 0 : i32
    %dma_start3A_341 = tpu.memref_slice %arg3[%dma_start3A_339, %dma_start3A_340] : memref<1000000x64xf32, #tpu.memory_space<hbm>> -> memref<1000000x64xf32, #tpu.memory_space<hbm>>
    tpu.enqueue_indirect_dma source(%dma_start3A_341 : memref<1000000x64xf32, #tpu.memory_space<hbm>>) target(%dma_start3A_338 : memref<16x64xf32, #tpu.memory_space<vmem>>) offsets(%get3A_333 : vector<16xi32>) semaphore(%arg11 : memref<!tpu.dma_semaphore, #tpu.memory_space<semaphore_mem>>)
    %get3A_342 = arith.constant 496 : index
    %get3A_343 = tpu.vector_load %arg7[%get3A_342] {strides = array<i32>} : memref<25600xi32, #tpu.memory_space<vmem>>, vector<16xi32>,
    %get3A_344 = vector.shape_cast %get3A_343 : vector<16xi32> to vector<16xi32>
    %dma_start3A_345 = arith.constant 1 : i32
    %dma_start3A_346 = arith.constant 96 : i32
    %dma_start3A_347 = arith.constant 0 : i32
    %dma_start3A_348 = tpu.memref_slice %arg9[%dma_start3A_345, %dma_start3A_346, %dma_start3A_347] : memref<3x400x64xf32, #tpu.memory_space<vmem>> -> memref<1x16x64xf32, #tpu.memory_space<vmem>>
    %dma_start3A_349 = tpu.memref_squeeze %dma_start3A_348 : memref<1x16x64xf32, #tpu.memory_space<vmem>> -> memref<16x64xf32, #tpu.memory_space<vmem>>
    %dma_start3A_350 = arith.constant 0 : i32
    %dma_start3A_351 = arith.constant 0 : i32
    %dma_start3A_352 = tpu.memref_slice %arg2[%dma_start3A_350, %dma_start3A_351] : memref<1000000x64xf32, #tpu.memory_space<hbm>> -> memref<1000000x64xf32, #tpu.memory_space<hbm>>
    tpu.enqueue_indirect_dma source(%dma_start3A_352 : memref<1000000x64xf32, #tpu.memory_space<hbm>>) target(%dma_start3A_349 : memref<16x64xf32, #tpu.memory_space<vmem>>) offsets(%get3A_344 : vector<16xi32>) semaphore(%arg11 : memref<!tpu.dma_semaphore, #tpu.memory_space<semaphore_mem>>)
    %get3A_353 = arith.constant 512 : index
    %get3A_354 = tpu.vector_load %arg7[%get3A_353] {strides = array<i32>} : memref<25600xi32, #tpu.memory_space<vmem>>, vector<16xi32>,
    %get3A_355 = vector.shape_cast %get3A_354 : vector<16xi32> to vector<16xi32>
    %dma_start3A_356 = arith.constant 1 : i32
    %dma_start3A_357 = arith.constant 112 : i32
    %dma_start3A_358 = arith.constant 0 : i32
    %dma_start3A_359 = tpu.memref_slice %arg9[%dma_start3A_356, %dma_start3A_357, %dma_start3A_358] : memref<3x400x64xf32, #tpu.memory_space<vmem>> -> memref<1x16x64xf32, #tpu.memory_space<vmem>>
    %dma_start3A_360 = tpu.memref_squeeze %dma_start3A_359 : memref<1x16x64xf32, #tpu.memory_space<vmem>> -> memref<16x64xf32, #tpu.memory_space<vmem>>
    %dma_start3A_361 = arith.constant 0 : i32
    %dma_start3A_362 = arith.constant 0 : i32
    %dma_start3A_363 = tpu.memref_slice %arg3[%dma_start3A_361, %dma_start3A_362] : memref<1000000x64xf32, #tpu.memory_space<hbm>> -> memref<1000000x64xf32, #tpu.memory_space<hbm>>
    tpu.enqueue_indirect_dma source(%dma_start3A_363 : memref<1000000x64xf32, #tpu.memory_space<hbm>>) target(%dma_start3A_360 : memref<16x64xf32, #tpu.memory_space<vmem>>) offsets(%get3A_355 : vector<16xi32>) semaphore(%arg11 : memref<!tpu.dma_semaphore, #tpu.memory_space<semaphore_mem>>)
    %get3A_364 = arith.constant 528 : index
    %get3A_365 = tpu.vector_load %arg7[%get3A_364] {strides = array<i32>} : memref<25600xi32, #tpu.memory_space<vmem>>, vector<16xi32>,
    %get3A_366 = vector.shape_cast %get3A_365 : vector<16xi32> to vector<16xi32>
    %dma_start3A_367 = arith.constant 1 : i32
    %dma_start3A_368 = arith.constant 128 : i32
    %dma_start3A_369 = arith.constant 0 : i32
    %dma_start3A_370 = tpu.memref_slice %arg9[%dma_start3A_367, %dma_start3A_368, %dma_start3A_369] : memref<3x400x64xf32, #tpu.memory_space<vmem>> -> memref<1x16x64xf32, #tpu.memory_space<vmem>>
    %dma_start3A_371 = tpu.memref_squeeze %dma_start3A_370 : memref<1x16x64xf32, #tpu.memory_space<vmem>> -> memref<16x64xf32, #tpu.memory_space<vmem>>
    %dma_start3A_372 = arith.constant 0 : i32
    %dma_start3A_373 = arith.constant 0 : i32
    %dma_start3A_374 = tpu.memref_slice %arg2[%dma_start3A_372, %dma_start3A_373] : memref<1000000x64xf32, #tpu.memory_space<hbm>> -> memref<1000000x64xf32, #tpu.memory_space<hbm>>
    tpu.enqueue_indirect_dma source(%dma_start3A_374 : memref<1000000x64xf32, #tpu.memory_space<hbm>>) target(%dma_start3A_371 : memref<16x64xf32, #tpu.memory_space<vmem>>) offsets(%get3A_366 : vector<16xi32>) semaphore(%arg11 : memref<!tpu.dma_semaphore, #tpu.memory_space<semaphore_mem>>)
    %get3A_375 = arith.constant 544 : index
    %get3A_376 = tpu.vector_load %arg7[%get3A_375] {strides = array<i32>} : memref<25600xi32, #tpu.memory_space<vmem>>, vector<16xi32>,
    %get3A_377 = vector.shape_cast %get3A_376 : vector<16xi32> to vector<16xi32>
    %dma_start3A_378 = arith.constant 1 : i32
    %dma_start3A_379 = arith.constant 144 : i32
    %dma_start3A_380 = arith.constant 0 : i32
    %dma_start3A_381 = tpu.memref_slice %arg9[%dma_start3A_378, %dma_start3A_379, %dma_start3A_380] : memref<3x400x64xf32, #tpu.memory_space<vmem>> -> memref<1x16x64xf32, #tpu.memory_space<vmem>>
    %dma_start3A_382 = tpu.memref_squeeze %dma_start3A_381 : memref<1x16x64xf32, #tpu.memory_space<vmem>> -> memref<16x64xf32, #tpu.memory_space<vmem>>
    %dma_start3A_383 = arith.constant 0 : i32
    %dma_start3A_384 = arith.constant 0 : i32
    %dma_start3A_385 = tpu.memref_slice %arg3[%dma_start3A_383, %dma_start3A_384] : memref<1000000x64xf32, #tpu.memory_space<hbm>> -> memref<1000000x64xf32, #tpu.memory_space<hbm>>
    tpu.enqueue_indirect_dma source(%dma_start3A_385 : memref<1000000x64xf32, #tpu.memory_space<hbm>>) target(%dma_start3A_382 : memref<16x64xf32, #tpu.memory_space<vmem>>) offsets(%get3A_377 : vector<16xi32>) semaphore(%arg11 : memref<!tpu.dma_semaphore, #tpu.memory_space<semaphore_mem>>)
    %get3A_386 = arith.constant 560 : index
    %get3A_387 = tpu.vector_load %arg7[%get3A_386] {strides = array<i32>} : memref<25600xi32, #tpu.memory_space<vmem>>, vector<16xi32>,
    %get3A_388 = vector.shape_cast %get3A_387 : vector<16xi32> to vector<16xi32>
    %dma_start3A_389 = arith.constant 1 : i32
    %dma_start3A_390 = arith.constant 160 : i32
    %dma_start3A_391 = arith.constant 0 : i32
    %dma_start3A_392 = tpu.memref_slice %arg9[%dma_start3A_389, %dma_start3A_390, %dma_start3A_391] : memref<3x400x64xf32, #tpu.memory_space<vmem>> -> memref<1x16x64xf32, #tpu.memory_space<vmem>>
    %dma_start3A_393 = tpu.memref_squeeze %dma_start3A_392 : memref<1x16x64xf32, #tpu.memory_space<vmem>> -> memref<16x64xf32, #tpu.memory_space<vmem>>
    %dma_start3A_394 = arith.constant 0 : i32
    %dma_start3A_395 = arith.constant 0 : i32
    %dma_start3A_396 = tpu.memref_slice %arg2[%dma_start3A_394, %dma_start3A_395] : memref<1000000x64xf32, #tpu.memory_space<hbm>> -> memref<1000000x64xf32, #tpu.memory_space<hbm>>
    tpu.enqueue_indirect_dma source(%dma_start3A_396 : memref<1000000x64xf32, #tpu.memory_space<hbm>>) target(%dma_start3A_393 : memref<16x64xf32, #tpu.memory_space<vmem>>) offsets(%get3A_388 : vector<16xi32>) semaphore(%arg11 : memref<!tpu.dma_semaphore, #tpu.memory_space<semaphore_mem>>)
    %get3A_397 = arith.constant 576 : index
    %get3A_398 = tpu.vector_load %arg7[%get3A_397] {strides = array<i32>} : memref<25600xi32, #tpu.memory_space<vmem>>, vector<16xi32>,
    %get3A_399 = vector.shape_cast %get3A_398 : vector<16xi32> to vector<16xi32>
    %dma_start3A_400 = arith.constant 1 : i32
    %dma_start3A_401 = arith.constant 176 : i32
    %dma_start3A_402 = arith.constant 0 : i32
    %dma_start3A_403 = tpu.memref_slice %arg9[%dma_start3A_400, %dma_start3A_401, %dma_start3A_402] : memref<3x400x64xf32, #tpu.memory_space<vmem>> -> memref<1x16x64xf32, #tpu.memory_space<vmem>>
    %dma_start3A_404 = tpu.memref_squeeze %dma_start3A_403 : memref<1x16x64xf32, #tpu.memory_space<vmem>> -> memref<16x64xf32, #tpu.memory_space<vmem>>
    %dma_start3A_405 = arith.constant 0 : i32
    %dma_start3A_406 = arith.constant 0 : i32
    %dma_start3A_407 = tpu.memref_slice %arg3[%dma_start3A_405, %dma_start3A_406] : memref<1000000x64xf32, #tpu.memory_space<hbm>> -> memref<1000000x64xf32, #tpu.memory_space<hbm>>
    tpu.enqueue_indirect_dma source(%dma_start3A_407 : memref<1000000x64xf32, #tpu.memory_space<hbm>>) target(%dma_start3A_404 : memref<16x64xf32, #tpu.memory_space<vmem>>) offsets(%get3A_399 : vector<16xi32>) semaphore(%arg11 : memref<!tpu.dma_semaphore, #tpu.memory_space<semaphore_mem>>)
    %get3A_408 = arith.constant 592 : index
    %get3A_409 = tpu.vector_load %arg7[%get3A_408] {strides = array<i32>} : memref<25600xi32, #tpu.memory_space<vmem>>, vector<16xi32>,
    %get3A_410 = vector.shape_cast %get3A_409 : vector<16xi32> to vector<16xi32>
    %dma_start3A_411 = arith.constant 1 : i32
    %dma_start3A_412 = arith.constant 192 : i32
    %dma_start3A_413 = arith.constant 0 : i32
    %dma_start3A_414 = tpu.memref_slice %arg9[%dma_start3A_411, %dma_start3A_412, %dma_start3A_413] : memref<3x400x64xf32, #tpu.memory_space<vmem>> -> memref<1x16x64xf32, #tpu.memory_space<vmem>>
    %dma_start3A_415 = tpu.memref_squeeze %dma_start3A_414 : memref<1x16x64xf32, #tpu.memory_space<vmem>> -> memref<16x64xf32, #tpu.memory_space<vmem>>
    %dma_start3A_416 = arith.constant 0 : i32
    %dma_start3A_417 = arith.constant 0 : i32
    %dma_start3A_418 = tpu.memref_slice %arg2[%dma_start3A_416, %dma_start3A_417] : memref<1000000x64xf32, #tpu.memory_space<hbm>> -> memref<1000000x64xf32, #tpu.memory_space<hbm>>
    tpu.enqueue_indirect_dma source(%dma_start3A_418 : memref<1000000x64xf32, #tpu.memory_space<hbm>>) target(%dma_start3A_415 : memref<16x64xf32, #tpu.memory_space<vmem>>) offsets(%get3A_410 : vector<16xi32>) semaphore(%arg11 : memref<!tpu.dma_semaphore, #tpu.memory_space<semaphore_mem>>)
    %get3A_419 = arith.constant 608 : index
    %get3A_420 = tpu.vector_load %arg7[%get3A_419] {strides = array<i32>} : memref<25600xi32, #tpu.memory_space<vmem>>, vector<16xi32>,
    %get3A_421 = vector.shape_cast %get3A_420 : vector<16xi32> to vector<16xi32>
    %dma_start3A_422 = arith.constant 1 : i32
    %dma_start3A_423 = arith.constant 208 : i32
    %dma_start3A_424 = arith.constant 0 : i32
    %dma_start3A_425 = tpu.memref_slice %arg9[%dma_start3A_422, %dma_start3A_423, %dma_start3A_424] : memref<3x400x64xf32, #tpu.memory_space<vmem>> -> memref<1x16x64xf32, #tpu.memory_space<vmem>>
    %dma_start3A_426 = tpu.memref_squeeze %dma_start3A_425 : memref<1x16x64xf32, #tpu.memory_space<vmem>> -> memref<16x64xf32, #tpu.memory_space<vmem>>
    %dma_start3A_427 = arith.constant 0 : i32
    %dma_start3A_428 = arith.constant 0 : i32
    %dma_start3A_429 = tpu.memref_slice %arg3[%dma_start3A_427, %dma_start3A_428] : memref<1000000x64xf32, #tpu.memory_space<hbm>> -> memref<1000000x64xf32, #tpu.memory_space<hbm>>
    tpu.enqueue_indirect_dma source(%dma_start3A_429 : memref<1000000x64xf32, #tpu.memory_space<hbm>>) target(%dma_start3A_426 : memref<16x64xf32, #tpu.memory_space<vmem>>) offsets(%get3A_421 : vector<16xi32>) semaphore(%arg11 : memref<!tpu.dma_semaphore, #tpu.memory_space<semaphore_mem>>)
    %get3A_430 = arith.constant 624 : index
    %get3A_431 = tpu.vector_load %arg7[%get3A_430] {strides = array<i32>} : memref<25600xi32, #tpu.memory_space<vmem>>, vector<16xi32>,
    %get3A_432 = vector.shape_cast %get3A_431 : vector<16xi32> to vector<16xi32>
    %dma_start3A_433 = arith.constant 1 : i32
    %dma_start3A_434 = arith.constant 224 : i32
    %dma_start3A_435 = arith.constant 0 : i32
    %dma_start3A_436 = tpu.memref_slice %arg9[%dma_start3A_433, %dma_start3A_434, %dma_start3A_435] : memref<3x400x64xf32, #tpu.memory_space<vmem>> -> memref<1x16x64xf32, #tpu.memory_space<vmem>>
    %dma_start3A_437 = tpu.memref_squeeze %dma_start3A_436 : memref<1x16x64xf32, #tpu.memory_space<vmem>> -> memref<16x64xf32, #tpu.memory_space<vmem>>
    %dma_start3A_438 = arith.constant 0 : i32
    %dma_start3A_439 = arith.constant 0 : i32
    %dma_start3A_440 = tpu.memref_slice %arg2[%dma_start3A_438, %dma_start3A_439] : memref<1000000x64xf32, #tpu.memory_space<hbm>> -> memref<1000000x64xf32, #tpu.memory_space<hbm>>
    tpu.enqueue_indirect_dma source(%dma_start3A_440 : memref<1000000x64xf32, #tpu.memory_space<hbm>>) target(%dma_start3A_437 : memref<16x64xf32, #tpu.memory_space<vmem>>) offsets(%get3A_432 : vector<16xi32>) semaphore(%arg11 : memref<!tpu.dma_semaphore, #tpu.memory_space<semaphore_mem>>)
    %get3A_441 = arith.constant 640 : index
    %get3A_442 = tpu.vector_load %arg7[%get3A_441] {strides = array<i32>} : memref<25600xi32, #tpu.memory_space<vmem>>, vector<16xi32>,
    %get3A_443 = vector.shape_cast %get3A_442 : vector<16xi32> to vector<16xi32>
    %dma_start3A_444 = arith.constant 1 : i32
    %dma_start3A_445 = arith.constant 240 : i32
    %dma_start3A_446 = arith.constant 0 : i32
    %dma_start3A_447 = tpu.memref_slice %arg9[%dma_start3A_444, %dma_start3A_445, %dma_start3A_446] : memref<3x400x64xf32, #tpu.memory_space<vmem>> -> memref<1x16x64xf32, #tpu.memory_space<vmem>>
    %dma_start3A_448 = tpu.memref_squeeze %dma_start3A_447 : memref<1x16x64xf32, #tpu.memory_space<vmem>> -> memref<16x64xf32, #tpu.memory_space<vmem>>
    %dma_start3A_449 = arith.constant 0 : i32
    %dma_start3A_450 = arith.constant 0 : i32
    %dma_start3A_451 = tpu.memref_slice %arg3[%dma_start3A_449, %dma_start3A_450] : memref<1000000x64xf32, #tpu.memory_space<hbm>> -> memref<1000000x64xf32, #tpu.memory_space<hbm>>
    tpu.enqueue_indirect_dma source(%dma_start3A_451 : memref<1000000x64xf32, #tpu.memory_space<hbm>>) target(%dma_start3A_448 : memref<16x64xf32, #tpu.memory_space<vmem>>) offsets(%get3A_443 : vector<16xi32>) semaphore(%arg11 : memref<!tpu.dma_semaphore, #tpu.memory_space<semaphore_mem>>)
    %get3A_452 = arith.constant 656 : index
    %get3A_453 = tpu.vector_load %arg7[%get3A_452] {strides = array<i32>} : memref<25600xi32, #tpu.memory_space<vmem>>, vector<16xi32>,
    %get3A_454 = vector.shape_cast %get3A_453 : vector<16xi32> to vector<16xi32>
    %dma_start3A_455 = arith.constant 1 : i32
    %dma_start3A_456 = arith.constant 256 : i32
    %dma_start3A_457 = arith.constant 0 : i32
    %dma_start3A_458 = tpu.memref_slice %arg9[%dma_start3A_455, %dma_start3A_456, %dma_start3A_457] : memref<3x400x64xf32, #tpu.memory_space<vmem>> -> memref<1x16x64xf32, #tpu.memory_space<vmem>>
    %dma_start3A_459 = tpu.memref_squeeze %dma_start3A_458 : memref<1x16x64xf32, #tpu.memory_space<vmem>> -> memref<16x64xf32, #tpu.memory_space<vmem>>
    %dma_start3A_460 = arith.constant 0 : i32
    %dma_start3A_461 = arith.constant 0 : i32
    %dma_start3A_462 = tpu.memref_slice %arg2[%dma_start3A_460, %dma_start3A_461] : memref<1000000x64xf32, #tpu.memory_space<hbm>> -> memref<1000000x64xf32, #tpu.memory_space<hbm>>
    tpu.enqueue_indirect_dma source(%dma_start3A_462 : memref<1000000x64xf32, #tpu.memory_space<hbm>>) target(%dma_start3A_459 : memref<16x64xf32, #tpu.memory_space<vmem>>) offsets(%get3A_454 : vector<16xi32>) semaphore(%arg11 : memref<!tpu.dma_semaphore, #tpu.memory_space<semaphore_mem>>)
    %get3A_463 = arith.constant 672 : index
    %get3A_464 = tpu.vector_load %arg7[%get3A_463] {strides = array<i32>} : memref<25600xi32, #tpu.memory_space<vmem>>, vector<16xi32>,
    %get3A_465 = vector.shape_cast %get3A_464 : vector<16xi32> to vector<16xi32>
    %dma_start3A_466 = arith.constant 1 : i32
    %dma_start3A_467 = arith.constant 272 : i32
    %dma_start3A_468 = arith.constant 0 : i32
    %dma_start3A_469 = tpu.memref_slice %arg9[%dma_start3A_466, %dma_start3A_467, %dma_start3A_468] : memref<3x400x64xf32, #tpu.memory_space<vmem>> -> memref<1x16x64xf32, #tpu.memory_space<vmem>>
    %dma_start3A_470 = tpu.memref_squeeze %dma_start3A_469 : memref<1x16x64xf32, #tpu.memory_space<vmem>> -> memref<16x64xf32, #tpu.memory_space<vmem>>
    %dma_start3A_471 = arith.constant 0 : i32
    %dma_start3A_472 = arith.constant 0 : i32
    %dma_start3A_473 = tpu.memref_slice %arg3[%dma_start3A_471, %dma_start3A_472] : memref<1000000x64xf32, #tpu.memory_space<hbm>> -> memref<1000000x64xf32, #tpu.memory_space<hbm>>
    tpu.enqueue_indirect_dma source(%dma_start3A_473 : memref<1000000x64xf32, #tpu.memory_space<hbm>>) target(%dma_start3A_470 : memref<16x64xf32, #tpu.memory_space<vmem>>) offsets(%get3A_465 : vector<16xi32>) semaphore(%arg11 : memref<!tpu.dma_semaphore, #tpu.memory_space<semaphore_mem>>)
    %get3A_474 = arith.constant 688 : index
    %get3A_475 = tpu.vector_load %arg7[%get3A_474] {strides = array<i32>} : memref<25600xi32, #tpu.memory_space<vmem>>, vector<16xi32>,
    %get3A_476 = vector.shape_cast %get3A_475 : vector<16xi32> to vector<16xi32>
    %dma_start3A_477 = arith.constant 1 : i32
    %dma_start3A_478 = arith.constant 288 : i32
    %dma_start3A_479 = arith.constant 0 : i32
    %dma_start3A_480 = tpu.memref_slice %arg9[%dma_start3A_477, %dma_start3A_478, %dma_start3A_479] : memref<3x400x64xf32, #tpu.memory_space<vmem>> -> memref<1x16x64xf32, #tpu.memory_space<vmem>>
    %dma_start3A_481 = tpu.memref_squeeze %dma_start3A_480 : memref<1x16x64xf32, #tpu.memory_space<vmem>> -> memref<16x64xf32, #tpu.memory_space<vmem>>
    %dma_start3A_482 = arith.constant 0 : i32
    %dma_start3A_483 = arith.constant 0 : i32
    %dma_start3A_484 = tpu.memref_slice %arg2[%dma_start3A_482, %dma_start3A_483] : memref<1000000x64xf32, #tpu.memory_space<hbm>> -> memref<1000000x64xf32, #tpu.memory_space<hbm>>
    tpu.enqueue_indirect_dma source(%dma_start3A_484 : memref<1000000x64xf32, #tpu.memory_space<hbm>>) target(%dma_start3A_481 : memref<16x64xf32, #tpu.memory_space<vmem>>) offsets(%get3A_476 : vector<16xi32>) semaphore(%arg11 : memref<!tpu.dma_semaphore, #tpu.memory_space<semaphore_mem>>)
    %get3A_485 = arith.constant 704 : index
    %get3A_486 = tpu.vector_load %arg7[%get3A_485] {strides = array<i32>} : memref<25600xi32, #tpu.memory_space<vmem>>, vector<16xi32>,
    %get3A_487 = vector.shape_cast %get3A_486 : vector<16xi32> to vector<16xi32>
    %dma_start3A_488 = arith.constant 1 : i32
    %dma_start3A_489 = arith.constant 304 : i32
    %dma_start3A_490 = arith.constant 0 : i32
    %dma_start3A_491 = tpu.memref_slice %arg9[%dma_start3A_488, %dma_start3A_489, %dma_start3A_490] : memref<3x400x64xf32, #tpu.memory_space<vmem>> -> memref<1x16x64xf32, #tpu.memory_space<vmem>>
    %dma_start3A_492 = tpu.memref_squeeze %dma_start3A_491 : memref<1x16x64xf32, #tpu.memory_space<vmem>> -> memref<16x64xf32, #tpu.memory_space<vmem>>
    %dma_start3A_493 = arith.constant 0 : i32
    %dma_start3A_494 = arith.constant 0 : i32
    %dma_start3A_495 = tpu.memref_slice %arg3[%dma_start3A_493, %dma_start3A_494] : memref<1000000x64xf32, #tpu.memory_space<hbm>> -> memref<1000000x64xf32, #tpu.memory_space<hbm>>
    tpu.enqueue_indirect_dma source(%dma_start3A_495 : memref<1000000x64xf32, #tpu.memory_space<hbm>>) target(%dma_start3A_492 : memref<16x64xf32, #tpu.memory_space<vmem>>) offsets(%get3A_487 : vector<16xi32>) semaphore(%arg11 : memref<!tpu.dma_semaphore, #tpu.memory_space<semaphore_mem>>)
    %get3A_496 = arith.constant 720 : index
    %get3A_497 = tpu.vector_load %arg7[%get3A_496] {strides = array<i32>} : memref<25600xi32, #tpu.memory_space<vmem>>, vector<16xi32>,
    %get3A_498 = vector.shape_cast %get3A_497 : vector<16xi32> to vector<16xi32>
    %dma_start3A_499 = arith.constant 1 : i32
    %dma_start3A_500 = arith.constant 320 : i32
    %dma_start3A_501 = arith.constant 0 : i32
    %dma_start3A_502 = tpu.memref_slice %arg9[%dma_start3A_499, %dma_start3A_500, %dma_start3A_501] : memref<3x400x64xf32, #tpu.memory_space<vmem>> -> memref<1x16x64xf32, #tpu.memory_space<vmem>>
    %dma_start3A_503 = tpu.memref_squeeze %dma_start3A_502 : memref<1x16x64xf32, #tpu.memory_space<vmem>> -> memref<16x64xf32, #tpu.memory_space<vmem>>
    %dma_start3A_504 = arith.constant 0 : i32
    %dma_start3A_505 = arith.constant 0 : i32
    %dma_start3A_506 = tpu.memref_slice %arg2[%dma_start3A_504, %dma_start3A_505] : memref<1000000x64xf32, #tpu.memory_space<hbm>> -> memref<1000000x64xf32, #tpu.memory_space<hbm>>
    tpu.enqueue_indirect_dma source(%dma_start3A_506 : memref<1000000x64xf32, #tpu.memory_space<hbm>>) target(%dma_start3A_503 : memref<16x64xf32, #tpu.memory_space<vmem>>) offsets(%get3A_498 : vector<16xi32>) semaphore(%arg11 : memref<!tpu.dma_semaphore, #tpu.memory_space<semaphore_mem>>)
    %get3A_507 = arith.constant 736 : index
    %get3A_508 = tpu.vector_load %arg7[%get3A_507] {strides = array<i32>} : memref<25600xi32, #tpu.memory_space<vmem>>, vector<16xi32>,
    %get3A_509 = vector.shape_cast %get3A_508 : vector<16xi32> to vector<16xi32>
    %dma_start3A_510 = arith.constant 1 : i32
    %dma_start3A_511 = arith.constant 336 : i32
    %dma_start3A_512 = arith.constant 0 : i32
    %dma_start3A_513 = tpu.memref_slice %arg9[%dma_start3A_510, %dma_start3A_511, %dma_start3A_512] : memref<3x400x64xf32, #tpu.memory_space<vmem>> -> memref<1x16x64xf32, #tpu.memory_space<vmem>>
    %dma_start3A_514 = tpu.memref_squeeze %dma_start3A_513 : memref<1x16x64xf32, #tpu.memory_space<vmem>> -> memref<16x64xf32, #tpu.memory_space<vmem>>
    %dma_start3A_515 = arith.constant 0 : i32
    %dma_start3A_516 = arith.constant 0 : i32
    %dma_start3A_517 = tpu.memref_slice %arg3[%dma_start3A_515, %dma_start3A_516] : memref<1000000x64xf32, #tpu.memory_space<hbm>> -> memref<1000000x64xf32, #tpu.memory_space<hbm>>
    tpu.enqueue_indirect_dma source(%dma_start3A_517 : memref<1000000x64xf32, #tpu.memory_space<hbm>>) target(%dma_start3A_514 : memref<16x64xf32, #tpu.memory_space<vmem>>) offsets(%get3A_509 : vector<16xi32>) semaphore(%arg11 : memref<!tpu.dma_semaphore, #tpu.memory_space<semaphore_mem>>)
    %get3A_518 = arith.constant 752 : index
    %get3A_519 = tpu.vector_load %arg7[%get3A_518] {strides = array<i32>} : memref<25600xi32, #tpu.memory_space<vmem>>, vector<16xi32>,
    %get3A_520 = vector.shape_cast %get3A_519 : vector<16xi32> to vector<16xi32>
    %dma_start3A_521 = arith.constant 1 : i32
    %dma_start3A_522 = arith.constant 352 : i32
    %dma_start3A_523 = arith.constant 0 : i32
    %dma_start3A_524 = tpu.memref_slice %arg9[%dma_start3A_521, %dma_start3A_522, %dma_start3A_523] : memref<3x400x64xf32, #tpu.memory_space<vmem>> -> memref<1x16x64xf32, #tpu.memory_space<vmem>>
    %dma_start3A_525 = tpu.memref_squeeze %dma_start3A_524 : memref<1x16x64xf32, #tpu.memory_space<vmem>> -> memref<16x64xf32, #tpu.memory_space<vmem>>
    %dma_start3A_526 = arith.constant 0 : i32
    %dma_start3A_527 = arith.constant 0 : i32
    %dma_start3A_528 = tpu.memref_slice %arg2[%dma_start3A_526, %dma_start3A_527] : memref<1000000x64xf32, #tpu.memory_space<hbm>> -> memref<1000000x64xf32, #tpu.memory_space<hbm>>
    tpu.enqueue_indirect_dma source(%dma_start3A_528 : memref<1000000x64xf32, #tpu.memory_space<hbm>>) target(%dma_start3A_525 : memref<16x64xf32, #tpu.memory_space<vmem>>) offsets(%get3A_520 : vector<16xi32>) semaphore(%arg11 : memref<!tpu.dma_semaphore, #tpu.memory_space<semaphore_mem>>)
    %get3A_529 = arith.constant 768 : index
    %get3A_530 = tpu.vector_load %arg7[%get3A_529] {strides = array<i32>} : memref<25600xi32, #tpu.memory_space<vmem>>, vector<16xi32>,
    %get3A_531 = vector.shape_cast %get3A_530 : vector<16xi32> to vector<16xi32>
    %dma_start3A_532 = arith.constant 1 : i32
    %dma_start3A_533 = arith.constant 368 : i32
    %dma_start3A_534 = arith.constant 0 : i32
    %dma_start3A_535 = tpu.memref_slice %arg9[%dma_start3A_532, %dma_start3A_533, %dma_start3A_534] : memref<3x400x64xf32, #tpu.memory_space<vmem>> -> memref<1x16x64xf32, #tpu.memory_space<vmem>>
    %dma_start3A_536 = tpu.memref_squeeze %dma_start3A_535 : memref<1x16x64xf32, #tpu.memory_space<vmem>> -> memref<16x64xf32, #tpu.memory_space<vmem>>
    %dma_start3A_537 = arith.constant 0 : i32
    %dma_start3A_538 = arith.constant 0 : i32
    %dma_start3A_539 = tpu.memref_slice %arg3[%dma_start3A_537, %dma_start3A_538] : memref<1000000x64xf32, #tpu.memory_space<hbm>> -> memref<1000000x64xf32, #tpu.memory_space<hbm>>
    tpu.enqueue_indirect_dma source(%dma_start3A_539 : memref<1000000x64xf32, #tpu.memory_space<hbm>>) target(%dma_start3A_536 : memref<16x64xf32, #tpu.memory_space<vmem>>) offsets(%get3A_531 : vector<16xi32>) semaphore(%arg11 : memref<!tpu.dma_semaphore, #tpu.memory_space<semaphore_mem>>)
    %get3A_540 = arith.constant 784 : index
    %get3A_541 = tpu.vector_load %arg7[%get3A_540] {strides = array<i32>} : memref<25600xi32, #tpu.memory_space<vmem>>, vector<16xi32>,
    %get3A_542 = vector.shape_cast %get3A_541 : vector<16xi32> to vector<16xi32>
    %dma_start3A_543 = arith.constant 1 : i32
    %dma_start3A_544 = arith.constant 384 : i32
    %dma_start3A_545 = arith.constant 0 : i32
    %dma_start3A_546 = tpu.memref_slice %arg9[%dma_start3A_543, %dma_start3A_544, %dma_start3A_545] : memref<3x400x64xf32, #tpu.memory_space<vmem>> -> memref<1x16x64xf32, #tpu.memory_space<vmem>>
    %dma_start3A_547 = tpu.memref_squeeze %dma_start3A_546 : memref<1x16x64xf32, #tpu.memory_space<vmem>> -> memref<16x64xf32, #tpu.memory_space<vmem>>
    %dma_start3A_548 = arith.constant 0 : i32
    %dma_start3A_549 = arith.constant 0 : i32
    %dma_start3A_550 = tpu.memref_slice %arg2[%dma_start3A_548, %dma_start3A_549] : memref<1000000x64xf32, #tpu.memory_space<hbm>> -> memref<1000000x64xf32, #tpu.memory_space<hbm>>
    tpu.enqueue_indirect_dma source(%dma_start3A_550 : memref<1000000x64xf32, #tpu.memory_space<hbm>>) target(%dma_start3A_547 : memref<16x64xf32, #tpu.memory_space<vmem>>) offsets(%get3A_542 : vector<16xi32>) semaphore(%arg11 : memref<!tpu.dma_semaphore, #tpu.memory_space<semaphore_mem>>)
    %scan3A = arith.constant 0 : i32
    %scan3A_551 = arith.constant 0 : i32
    %scan3A_552 = arith.constant 21 : i32
    %scan3A_553 = arith.addi %scan3A_551, %scan3A_552 : i32
    %scan3A_554 = arith.constant 1 : i32
    scf.for %scan3A_632 = %scan3A_551 to %scan3A_553 step %scan3A_554  : i32 {
      %mul3A_633 = arith.constant 3 : i32
      %mul3A_634 = arith.muli %scan3A_632, %mul3A_633 : i32
      %add3A_635 = arith.constant 0 : i32
      %add3A_636 = arith.addi %mul3A_634, %add3A_635 : i32
      %dma_wait3A_637 = arith.constant 0 : i32
      %dma_wait3A_638 = arith.constant 0 : i32
      %dma_wait3A_639 = arith.constant 0 : i32
      %dma_wait3A_640 = tpu.memref_slice %arg9[%dma_wait3A_637, %dma_wait3A_638, %dma_wait3A_639] : memref<3x400x64xf32, #tpu.memory_space<vmem>> -> memref<1x400x64xf32, #tpu.memory_space<vmem>>
      %dma_wait3A_641 = tpu.memref_squeeze %dma_wait3A_640 : memref<1x400x64xf32, #tpu.memory_space<vmem>> -> memref<400x64xf32, #tpu.memory_space<vmem>>
      %dma_wait3A_642 = arith.constant 0 : i32
      %dma_wait3A_643 = arith.constant 0 : i32
      %dma_wait3A_644 = tpu.memref_slice %arg2[%dma_wait3A_642, %dma_wait3A_643] : memref<1000000x64xf32, #tpu.memory_space<hbm>> -> memref<400x64xf32, #tpu.memory_space<hbm>>
      %dma_wait3A_645 = arith.constant 0 : i32
      %dma_wait3A_646 = arith.constant 0 : i32
      %dma_wait3A_647 = tpu.memref_slice %arg9[%dma_wait3A_637, %dma_wait3A_645, %dma_wait3A_646] : memref<3x400x64xf32, #tpu.memory_space<vmem>> -> memref<1x400x64xf32, #tpu.memory_space<vmem>>
      %dma_wait3A_648 = tpu.memref_squeeze %dma_wait3A_647 : memref<1x400x64xf32, #tpu.memory_space<vmem>> -> memref<400x64xf32, #tpu.memory_space<vmem>>
      %dma_wait3A_649 = arith.constant 0 : i32
      %dma_wait3A_650 = arith.constant 0 : i32
      %dma_wait3A_651 = tpu.memref_slice %arg2[%dma_wait3A_649, %dma_wait3A_650] : memref<1000000x64xf32, #tpu.memory_space<hbm>> -> memref<400x64xf32, #tpu.memory_space<hbm>>
      tpu.wait_dma2 semaphore(%arg10 : memref<!tpu.dma_semaphore, #tpu.memory_space<semaphore_mem>>) src(%dma_wait3A_651 : memref<400x64xf32, #tpu.memory_space<hbm>>) dst(%dma_wait3A_648 : memref<400x64xf32, #tpu.memory_space<vmem>>)
      %parallel_loop3A_652 = arith.constant 0 : i32
      %parallel_loop3A_653 = arith.constant 200 : i32
      %parallel_loop3A_654 = arith.constant 1 : i32
      scf.for %parallel_loop3A_1103 = %parallel_loop3A_652 to %parallel_loop3A_653 step %parallel_loop3A_654  : i32 {
        %parallel_loop3A_1104 = arith.constant 0 : i32
        %parallel_loop3A_1105 = arith.addi %parallel_loop3A_1103, %parallel_loop3A_1104 : i32
        %parallel_loop3A_1106 = arith.constant 0 : i32
        %parallel_loop3A_1107 = arith.index_cast %parallel_loop3A_1106 : i32 to index
        %parallel_loop3A_1108 = arith.index_cast %parallel_loop3A_1105 : i32 to index
        %parallel_loop3A_1109 = arith.constant 0 : index
        %parallel_loop3A_1110 = tpu.vector_load %arg9[%parallel_loop3A_1107, %parallel_loop3A_1108, %parallel_loop3A_1109] {strides = array<i32>} : memref<3x400x64xf32, #tpu.memory_space<vmem>>, vector<1x1x16xf32>,
        %parallel_loop3A_1111 = vector.shape_cast %parallel_loop3A_1110 : vector<1x1x16xf32> to vector<16xf32>
        %parallel_loop3A_1112 = arith.constant 8.000000e+00 : f32
        %parallel_loop3A_1113 = vector.broadcast %parallel_loop3A_1112 : f32 to vector<16xf32>
        %parallel_loop3A_1114 = arith.mulf %parallel_loop3A_1111, %parallel_loop3A_1113 : vector<16xf32>
        %parallel_loop3A_1115 = arith.index_cast %parallel_loop3A_1103 : i32 to index
        %parallel_loop3A_1116 = arith.constant 0 : index
        %parallel_loop3A_1117 = tpu.vector_load %arg8[%parallel_loop3A_1115, %parallel_loop3A_1116] {strides = array<i32>} : memref<200x64xf32, #tpu.memory_space<vmem>>, vector<1x16xf32>,
        %parallel_loop3A_1118 = vector.shape_cast %parallel_loop3A_1117 : vector<1x16xf32> to vector<16xf32>
        %parallel_loop3A_1119 = arith.addf %parallel_loop3A_1114, %parallel_loop3A_1118 : vector<16xf32>
        %parallel_loop3A_1120 = arith.constant 0 : i32
        %parallel_loop3A_1121 = arith.addi %parallel_loop3A_1103, %parallel_loop3A_1120 : i32
        %parallel_loop3A_1122 = arith.constant 0 : i32
        %parallel_loop3A_1123 = arith.index_cast %parallel_loop3A_1122 : i32 to index
        %parallel_loop3A_1124 = arith.index_cast %parallel_loop3A_1121 : i32 to index
        %parallel_loop3A_1125 = arith.constant 0 : index
        %parallel_loop3A_1126 = tpu.vector_load %arg9[%parallel_loop3A_1123, %parallel_loop3A_1124, %parallel_loop3A_1125] {strides = array<i32>} : memref<3x400x64xf32, #tpu.memory_space<vmem>>, vector<1x1x16xf32>,
        %parallel_loop3A_1127 = vector.shape_cast %parallel_loop3A_1126 : vector<1x1x16xf32> to vector<16xf32>
        %parallel_loop3A_1128 = vector.shape_cast %parallel_loop3A_1119 : vector<16xf32> to vector<1x1x16xf32>
        tpu.vector_store %arg9[%parallel_loop3A_1123, %parallel_loop3A_1124, %parallel_loop3A_1125], %parallel_loop3A_1128 {strides = array<i32>} : memref<3x400x64xf32, #tpu.memory_space<vmem>>, vector<1x1x16xf32>,
        %parallel_loop3A_1129 = arith.constant 0 : i32
        %parallel_loop3A_1130 = arith.addi %parallel_loop3A_1103, %parallel_loop3A_1129 : i32
        %parallel_loop3A_1131 = arith.constant 0 : i32
        %parallel_loop3A_1132 = arith.index_cast %parallel_loop3A_1131 : i32 to index
        %parallel_loop3A_1133 = arith.index_cast %parallel_loop3A_1130 : i32 to index
        %parallel_loop3A_1134 = arith.constant 16 : index
        %parallel_loop3A_1135 = tpu.vector_load %arg9[%parallel_loop3A_1132, %parallel_loop3A_1133, %parallel_loop3A_1134] {strides = array<i32>} : memref<3x400x64xf32, #tpu.memory_space<vmem>>, vector<1x1x16xf32>,
        %parallel_loop3A_1136 = vector.shape_cast %parallel_loop3A_1135 : vector<1x1x16xf32> to vector<16xf32>
        %parallel_loop3A_1137 = arith.constant 8.000000e+00 : f32
        %parallel_loop3A_1138 = vector.broadcast %parallel_loop3A_1137 : f32 to vector<16xf32>
        %parallel_loop3A_1139 = arith.mulf %parallel_loop3A_1136, %parallel_loop3A_1138 : vector<16xf32>
        %parallel_loop3A_1140 = arith.index_cast %parallel_loop3A_1103 : i32 to index
        %parallel_loop3A_1141 = arith.constant 16 : index
        %parallel_loop3A_1142 = tpu.vector_load %arg8[%parallel_loop3A_1140, %parallel_loop3A_1141] {strides = array<i32>} : memref<200x64xf32, #tpu.memory_space<vmem>>, vector<1x16xf32>,
        %parallel_loop3A_1143 = vector.shape_cast %parallel_loop3A_1142 : vector<1x16xf32> to vector<16xf32>
        %parallel_loop3A_1144 = arith.addf %parallel_loop3A_1139, %parallel_loop3A_1143 : vector<16xf32>
        %parallel_loop3A_1145 = arith.constant 0 : i32
        %parallel_loop3A_1146 = arith.addi %parallel_loop3A_1103, %parallel_loop3A_1145 : i32
        %parallel_loop3A_1147 = arith.constant 0 : i32
        %parallel_loop3A_1148 = arith.index_cast %parallel_loop3A_1147 : i32 to index
        %parallel_loop3A_1149 = arith.index_cast %parallel_loop3A_1146 : i32 to index
        %parallel_loop3A_1150 = arith.constant 16 : index
        %parallel_loop3A_1151 = tpu.vector_load %arg9[%parallel_loop3A_1148, %parallel_loop3A_1149, %parallel_loop3A_1150] {strides = array<i32>} : memref<3x400x64xf32, #tpu.memory_space<vmem>>, vector<1x1x16xf32>,
        %parallel_loop3A_1152 = vector.shape_cast %parallel_loop3A_1151 : vector<1x1x16xf32> to vector<16xf32>
        %parallel_loop3A_1153 = vector.shape_cast %parallel_loop3A_1144 : vector<16xf32> to vector<1x1x16xf32>
        tpu.vector_store %arg9[%parallel_loop3A_1148, %parallel_loop3A_1149, %parallel_loop3A_1150], %parallel_loop3A_1153 {strides = array<i32>} : memref<3x400x64xf32, #tpu.memory_space<vmem>>, vector<1x1x16xf32>,
        %parallel_loop3A_1154 = arith.constant 0 : i32
        %parallel_loop3A_1155 = arith.addi %parallel_loop3A_1103, %parallel_loop3A_1154 : i32
        %parallel_loop3A_1156 = arith.constant 0 : i32
        %parallel_loop3A_1157 = arith.index_cast %parallel_loop3A_1156 : i32 to index
        %parallel_loop3A_1158 = arith.index_cast %parallel_loop3A_1155 : i32 to index
        %parallel_loop3A_1159 = arith.constant 32 : index
        %parallel_loop3A_1160 = tpu.vector_load %arg9[%parallel_loop3A_1157, %parallel_loop3A_1158, %parallel_loop3A_1159] {strides = array<i32>} : memref<3x400x64xf32, #tpu.memory_space<vmem>>, vector<1x1x16xf32>,
        %parallel_loop3A_1161 = vector.shape_cast %parallel_loop3A_1160 : vector<1x1x16xf32> to vector<16xf32>
        %parallel_loop3A_1162 = arith.constant 8.000000e+00 : f32
        %parallel_loop3A_1163 = vector.broadcast %parallel_loop3A_1162 : f32 to vector<16xf32>
        %parallel_loop3A_1164 = arith.mulf %parallel_loop3A_1161, %parallel_loop3A_1163 : vector<16xf32>
        %parallel_loop3A_1165 = arith.index_cast %parallel_loop3A_1103 : i32 to index
        %parallel_loop3A_1166 = arith.constant 32 : index
        %parallel_loop3A_1167 = tpu.vector_load %arg8[%parallel_loop3A_1165, %parallel_loop3A_1166] {strides = array<i32>} : memref<200x64xf32, #tpu.memory_space<vmem>>, vector<1x16xf32>,
        %parallel_loop3A_1168 = vector.shape_cast %parallel_loop3A_1167 : vector<1x16xf32> to vector<16xf32>
        %parallel_loop3A_1169 = arith.addf %parallel_loop3A_1164, %parallel_loop3A_1168 : vector<16xf32>
        %parallel_loop3A_1170 = arith.constant 0 : i32
        %parallel_loop3A_1171 = arith.addi %parallel_loop3A_1103, %parallel_loop3A_1170 : i32
        %parallel_loop3A_1172 = arith.constant 0 : i32
        %parallel_loop3A_1173 = arith.index_cast %parallel_loop3A_1172 : i32 to index
        %parallel_loop3A_1174 = arith.index_cast %parallel_loop3A_1171 : i32 to index
        %parallel_loop3A_1175 = arith.constant 32 : index
        %parallel_loop3A_1176 = tpu.vector_load %arg9[%parallel_loop3A_1173, %parallel_loop3A_1174, %parallel_loop3A_1175] {strides = array<i32>} : memref<3x400x64xf32, #tpu.memory_space<vmem>>, vector<1x1x16xf32>,
        %parallel_loop3A_1177 = vector.shape_cast %parallel_loop3A_1176 : vector<1x1x16xf32> to vector<16xf32>
        %parallel_loop3A_1178 = vector.shape_cast %parallel_loop3A_1169 : vector<16xf32> to vector<1x1x16xf32>
        tpu.vector_store %arg9[%parallel_loop3A_1173, %parallel_loop3A_1174, %parallel_loop3A_1175], %parallel_loop3A_1178 {strides = array<i32>} : memref<3x400x64xf32, #tpu.memory_space<vmem>>, vector<1x1x16xf32>,
        %parallel_loop3A_1179 = arith.constant 0 : i32
        %parallel_loop3A_1180 = arith.addi %parallel_loop3A_1103, %parallel_loop3A_1179 : i32
        %parallel_loop3A_1181 = arith.constant 0 : i32
        %parallel_loop3A_1182 = arith.index_cast %parallel_loop3A_1181 : i32 to index
        %parallel_loop3A_1183 = arith.index_cast %parallel_loop3A_1180 : i32 to index
        %parallel_loop3A_1184 = arith.constant 48 : index
        %parallel_loop3A_1185 = tpu.vector_load %arg9[%parallel_loop3A_1182, %parallel_loop3A_1183, %parallel_loop3A_1184] {strides = array<i32>} : memref<3x400x64xf32, #tpu.memory_space<vmem>>, vector<1x1x16xf32>,
        %parallel_loop3A_1186 = vector.shape_cast %parallel_loop3A_1185 : vector<1x1x16xf32> to vector<16xf32>
        %parallel_loop3A_1187 = arith.constant 8.000000e+00 : f32
        %parallel_loop3A_1188 = vector.broadcast %parallel_loop3A_1187 : f32 to vector<16xf32>
        %parallel_loop3A_1189 = arith.mulf %parallel_loop3A_1186, %parallel_loop3A_1188 : vector<16xf32>
        %parallel_loop3A_1190 = arith.index_cast %parallel_loop3A_1103 : i32 to index
        %parallel_loop3A_1191 = arith.constant 48 : index
        %parallel_loop3A_1192 = tpu.vector_load %arg8[%parallel_loop3A_1190, %parallel_loop3A_1191] {strides = array<i32>} : memref<200x64xf32, #tpu.memory_space<vmem>>, vector<1x16xf32>,
        %parallel_loop3A_1193 = vector.shape_cast %parallel_loop3A_1192 : vector<1x16xf32> to vector<16xf32>
        %parallel_loop3A_1194 = arith.addf %parallel_loop3A_1189, %parallel_loop3A_1193 : vector<16xf32>
        %parallel_loop3A_1195 = arith.constant 0 : i32
        %parallel_loop3A_1196 = arith.addi %parallel_loop3A_1103, %parallel_loop3A_1195 : i32
        %parallel_loop3A_1197 = arith.constant 0 : i32
        %parallel_loop3A_1198 = arith.index_cast %parallel_loop3A_1197 : i32 to index
        %parallel_loop3A_1199 = arith.index_cast %parallel_loop3A_1196 : i32 to index
        %parallel_loop3A_1200 = arith.constant 48 : index
        %parallel_loop3A_1201 = tpu.vector_load %arg9[%parallel_loop3A_1198, %parallel_loop3A_1199, %parallel_loop3A_1200] {strides = array<i32>} : memref<3x400x64xf32, #tpu.memory_space<vmem>>, vector<1x1x16xf32>,
        %parallel_loop3A_1202 = vector.shape_cast %parallel_loop3A_1201 : vector<1x1x16xf32> to vector<16xf32>
        %parallel_loop3A_1203 = vector.shape_cast %parallel_loop3A_1194 : vector<16xf32> to vector<1x1x16xf32>
        tpu.vector_store %arg9[%parallel_loop3A_1198, %parallel_loop3A_1199, %parallel_loop3A_1200], %parallel_loop3A_1203 {strides = array<i32>} : memref<3x400x64xf32, #tpu.memory_space<vmem>>, vector<1x1x16xf32>,
        %parallel_loop3A_1204 = arith.constant 200 : i32
        %parallel_loop3A_1205 = arith.addi %parallel_loop3A_1103, %parallel_loop3A_1204 : i32
        %parallel_loop3A_1206 = arith.constant 0 : i32
        %parallel_loop3A_1207 = arith.index_cast %parallel_loop3A_1206 : i32 to index
        %parallel_loop3A_1208 = arith.index_cast %parallel_loop3A_1205 : i32 to index
        %parallel_loop3A_1209 = arith.constant 0 : index
        %parallel_loop3A_1210 = tpu.vector_load %arg9[%parallel_loop3A_1207, %parallel_loop3A_1208, %parallel_loop3A_1209] {strides = array<i32>} : memref<3x400x64xf32, #tpu.memory_space<vmem>>, vector<1x1x16xf32>,
        %parallel_loop3A_1211 = vector.shape_cast %parallel_loop3A_1210 : vector<1x1x16xf32> to vector<16xf32>
        %parallel_loop3A_1212 = arith.constant 8.000000e+00 : f32
        %parallel_loop3A_1213 = vector.broadcast %parallel_loop3A_1212 : f32 to vector<16xf32>
        %parallel_loop3A_1214 = arith.mulf %parallel_loop3A_1211, %parallel_loop3A_1213 : vector<16xf32>
        %parallel_loop3A_1215 = arith.index_cast %parallel_loop3A_1103 : i32 to index
        %parallel_loop3A_1216 = arith.constant 0 : index
        %parallel_loop3A_1217 = tpu.vector_load %arg8[%parallel_loop3A_1215, %parallel_loop3A_1216] {strides = array<i32>} : memref<200x64xf32, #tpu.memory_space<vmem>>, vector<1x16xf32>,
        %parallel_loop3A_1218 = vector.shape_cast %parallel_loop3A_1217 : vector<1x16xf32> to vector<16xf32>
        %parallel_loop3A_1219 = arith.addf %parallel_loop3A_1214, %parallel_loop3A_1218 : vector<16xf32>
        %parallel_loop3A_1220 = arith.constant 200 : i32
        %parallel_loop3A_1221 = arith.addi %parallel_loop3A_1103, %parallel_loop3A_1220 : i32
        %parallel_loop3A_1222 = arith.constant 0 : i32
        %parallel_loop3A_1223 = arith.index_cast %parallel_loop3A_1222 : i32 to index
        %parallel_loop3A_1224 = arith.index_cast %parallel_loop3A_1221 : i32 to index
        %parallel_loop3A_1225 = arith.constant 0 : index
        %parallel_loop3A_1226 = tpu.vector_load %arg9[%parallel_loop3A_1223, %parallel_loop3A_1224, %parallel_loop3A_1225] {strides = array<i32>} : memref<3x400x64xf32, #tpu.memory_space<vmem>>, vector<1x1x16xf32>,
        %parallel_loop3A_1227 = vector.shape_cast %parallel_loop3A_1226 : vector<1x1x16xf32> to vector<16xf32>
        %parallel_loop3A_1228 = vector.shape_cast %parallel_loop3A_1219 : vector<16xf32> to vector<1x1x16xf32>
        tpu.vector_store %arg9[%parallel_loop3A_1223, %parallel_loop3A_1224, %parallel_loop3A_1225], %parallel_loop3A_1228 {strides = array<i32>} : memref<3x400x64xf32, #tpu.memory_space<vmem>>, vector<1x1x16xf32>,
        %parallel_loop3A_1229 = arith.constant 200 : i32
        %parallel_loop3A_1230 = arith.addi %parallel_loop3A_1103, %parallel_loop3A_1229 : i32
        %parallel_loop3A_1231 = arith.constant 0 : i32
        %parallel_loop3A_1232 = arith.index_cast %parallel_loop3A_1231 : i32 to index
        %parallel_loop3A_1233 = arith.index_cast %parallel_loop3A_1230 : i32 to index
        %parallel_loop3A_1234 = arith.constant 16 : index
        %parallel_loop3A_1235 = tpu.vector_load %arg9[%parallel_loop3A_1232, %parallel_loop3A_1233, %parallel_loop3A_1234] {strides = array<i32>} : memref<3x400x64xf32, #tpu.memory_space<vmem>>, vector<1x1x16xf32>,
        %parallel_loop3A_1236 = vector.shape_cast %parallel_loop3A_1235 : vector<1x1x16xf32> to vector<16xf32>
        %parallel_loop3A_1237 = arith.constant 8.000000e+00 : f32
        %parallel_loop3A_1238 = vector.broadcast %parallel_loop3A_1237 : f32 to vector<16xf32>
        %parallel_loop3A_1239 = arith.mulf %parallel_loop3A_1236, %parallel_loop3A_1238 : vector<16xf32>
        %parallel_loop3A_1240 = arith.index_cast %parallel_loop3A_1103 : i32 to index
        %parallel_loop3A_1241 = arith.constant 16 : index
        %parallel_loop3A_1242 = tpu.vector_load %arg8[%parallel_loop3A_1240, %parallel_loop3A_1241] {strides = array<i32>} : memref<200x64xf32, #tpu.memory_space<vmem>>, vector<1x16xf32>,
        %parallel_loop3A_1243 = vector.shape_cast %parallel_loop3A_1242 : vector<1x16xf32> to vector<16xf32>
        %parallel_loop3A_1244 = arith.addf %parallel_loop3A_1239, %parallel_loop3A_1243 : vector<16xf32>
        %parallel_loop3A_1245 = arith.constant 200 : i32
        %parallel_loop3A_1246 = arith.addi %parallel_loop3A_1103, %parallel_loop3A_1245 : i32
        %parallel_loop3A_1247 = arith.constant 0 : i32
        %parallel_loop3A_1248 = arith.index_cast %parallel_loop3A_1247 : i32 to index
        %parallel_loop3A_1249 = arith.index_cast %parallel_loop3A_1246 : i32 to index
        %parallel_loop3A_1250 = arith.constant 16 : index
        %parallel_loop3A_1251 = tpu.vector_load %arg9[%parallel_loop3A_1248, %parallel_loop3A_1249, %parallel_loop3A_1250] {strides = array<i32>} : memref<3x400x64xf32, #tpu.memory_space<vmem>>, vector<1x1x16xf32>,
        %parallel_loop3A_1252 = vector.shape_cast %parallel_loop3A_1251 : vector<1x1x16xf32> to vector<16xf32>
        %parallel_loop3A_1253 = vector.shape_cast %parallel_loop3A_1244 : vector<16xf32> to vector<1x1x16xf32>
        tpu.vector_store %arg9[%parallel_loop3A_1248, %parallel_loop3A_1249, %parallel_loop3A_1250], %parallel_loop3A_1253 {strides = array<i32>} : memref<3x400x64xf32, #tpu.memory_space<vmem>>, vector<1x1x16xf32>,
        %parallel_loop3A_1254 = arith.constant 200 : i32
        %parallel_loop3A_1255 = arith.addi %parallel_loop3A_1103, %parallel_loop3A_1254 : i32
        %parallel_loop3A_1256 = arith.constant 0 : i32
        %parallel_loop3A_1257 = arith.index_cast %parallel_loop3A_1256 : i32 to index
        %parallel_loop3A_1258 = arith.index_cast %parallel_loop3A_1255 : i32 to index
        %parallel_loop3A_1259 = arith.constant 32 : index
        %parallel_loop3A_1260 = tpu.vector_load %arg9[%parallel_loop3A_1257, %parallel_loop3A_1258, %parallel_loop3A_1259] {strides = array<i32>} : memref<3x400x64xf32, #tpu.memory_space<vmem>>, vector<1x1x16xf32>,
        %parallel_loop3A_1261 = vector.shape_cast %parallel_loop3A_1260 : vector<1x1x16xf32> to vector<16xf32>
        %parallel_loop3A_1262 = arith.constant 8.000000e+00 : f32
        %parallel_loop3A_1263 = vector.broadcast %parallel_loop3A_1262 : f32 to vector<16xf32>
        %parallel_loop3A_1264 = arith.mulf %parallel_loop3A_1261, %parallel_loop3A_1263 : vector<16xf32>
        %parallel_loop3A_1265 = arith.index_cast %parallel_loop3A_1103 : i32 to index
        %parallel_loop3A_1266 = arith.constant 32 : index
        %parallel_loop3A_1267 = tpu.vector_load %arg8[%parallel_loop3A_1265, %parallel_loop3A_1266] {strides = array<i32>} : memref<200x64xf32, #tpu.memory_space<vmem>>, vector<1x16xf32>,
        %parallel_loop3A_1268 = vector.shape_cast %parallel_loop3A_1267 : vector<1x16xf32> to vector<16xf32>
        %parallel_loop3A_1269 = arith.addf %parallel_loop3A_1264, %parallel_loop3A_1268 : vector<16xf32>
        %parallel_loop3A_1270 = arith.constant 200 : i32
        %parallel_loop3A_1271 = arith.addi %parallel_loop3A_1103, %parallel_loop3A_1270 : i32
        %parallel_loop3A_1272 = arith.constant 0 : i32
        %parallel_loop3A_1273 = arith.index_cast %parallel_loop3A_1272 : i32 to index
        %parallel_loop3A_1274 = arith.index_cast %parallel_loop3A_1271 : i32 to index
        %parallel_loop3A_1275 = arith.constant 32 : index
        %parallel_loop3A_1276 = tpu.vector_load %arg9[%parallel_loop3A_1273, %parallel_loop3A_1274, %parallel_loop3A_1275] {strides = array<i32>} : memref<3x400x64xf32, #tpu.memory_space<vmem>>, vector<1x1x16xf32>,
        %parallel_loop3A_1277 = vector.shape_cast %parallel_loop3A_1276 : vector<1x1x16xf32> to vector<16xf32>
        %parallel_loop3A_1278 = vector.shape_cast %parallel_loop3A_1269 : vector<16xf32> to vector<1x1x16xf32>
        tpu.vector_store %arg9[%parallel_loop3A_1273, %parallel_loop3A_1274, %parallel_loop3A_1275], %parallel_loop3A_1278 {strides = array<i32>} : memref<3x400x64xf32, #tpu.memory_space<vmem>>, vector<1x1x16xf32>,
        %parallel_loop3A_1279 = arith.constant 200 : i32
        %parallel_loop3A_1280 = arith.addi %parallel_loop3A_1103, %parallel_loop3A_1279 : i32
        %parallel_loop3A_1281 = arith.constant 0 : i32
        %parallel_loop3A_1282 = arith.index_cast %parallel_loop3A_1281 : i32 to index
        %parallel_loop3A_1283 = arith.index_cast %parallel_loop3A_1280 : i32 to index
        %parallel_loop3A_1284 = arith.constant 48 : index
        %parallel_loop3A_1285 = tpu.vector_load %arg9[%parallel_loop3A_1282, %parallel_loop3A_1283, %parallel_loop3A_1284] {strides = array<i32>} : memref<3x400x64xf32, #tpu.memory_space<vmem>>, vector<1x1x16xf32>,
        %parallel_loop3A_1286 = vector.shape_cast %parallel_loop3A_1285 : vector<1x1x16xf32> to vector<16xf32>
        %parallel_loop3A_1287 = arith.constant 8.000000e+00 : f32
        %parallel_loop3A_1288 = vector.broadcast %parallel_loop3A_1287 : f32 to vector<16xf32>
        %parallel_loop3A_1289 = arith.mulf %parallel_loop3A_1286, %parallel_loop3A_1288 : vector<16xf32>
        %parallel_loop3A_1290 = arith.index_cast %parallel_loop3A_1103 : i32 to index
        %parallel_loop3A_1291 = arith.constant 48 : index
        %parallel_loop3A_1292 = tpu.vector_load %arg8[%parallel_loop3A_1290, %parallel_loop3A_1291] {strides = array<i32>} : memref<200x64xf32, #tpu.memory_space<vmem>>, vector<1x16xf32>,
        %parallel_loop3A_1293 = vector.shape_cast %parallel_loop3A_1292 : vector<1x16xf32> to vector<16xf32>
        %parallel_loop3A_1294 = arith.addf %parallel_loop3A_1289, %parallel_loop3A_1293 : vector<16xf32>
        %parallel_loop3A_1295 = arith.constant 200 : i32
        %parallel_loop3A_1296 = arith.addi %parallel_loop3A_1103, %parallel_loop3A_1295 : i32
        %parallel_loop3A_1297 = arith.constant 0 : i32
        %parallel_loop3A_1298 = arith.index_cast %parallel_loop3A_1297 : i32 to index
        %parallel_loop3A_1299 = arith.index_cast %parallel_loop3A_1296 : i32 to index
        %parallel_loop3A_1300 = arith.constant 48 : index
        %parallel_loop3A_1301 = tpu.vector_load %arg9[%parallel_loop3A_1298, %parallel_loop3A_1299, %parallel_loop3A_1300] {strides = array<i32>} : memref<3x400x64xf32, #tpu.memory_space<vmem>>, vector<1x1x16xf32>,
        %parallel_loop3A_1302 = vector.shape_cast %parallel_loop3A_1301 : vector<1x1x16xf32> to vector<16xf32>
        %parallel_loop3A_1303 = vector.shape_cast %parallel_loop3A_1294 : vector<16xf32> to vector<1x1x16xf32>
        tpu.vector_store %arg9[%parallel_loop3A_1298, %parallel_loop3A_1299, %parallel_loop3A_1300], %parallel_loop3A_1303 {strides = array<i32>} : memref<3x400x64xf32, #tpu.memory_space<vmem>>, vector<1x1x16xf32>,
      } {sc.loop_unroll_factor = 8 : i64, sc.parallel_access}
      %mul3A_655 = arith.constant 400 : i32
      %mul3A_656 = arith.muli %add3A_636, %mul3A_655 : i32
      %add3A_657 = arith.addi %mul3A_2, %mul3A_656 : i32
      %dma_start3A_658 = arith.constant 0 : i32
      %dma_start3A_659 = arith.constant 0 : i32
      %dma_start3A_660 = arith.constant 0 : i32
      %dma_start3A_661 = tpu.memref_slice %arg9[%dma_start3A_658, %dma_start3A_659, %dma_start3A_660] : memref<3x400x64xf32, #tpu.memory_space<vmem>> -> memref<1x400x64xf32, #tpu.memory_space<vmem>>
      %dma_start3A_662 = tpu.memref_squeeze %dma_start3A_661 : memref<1x400x64xf32, #tpu.memory_space<vmem>> -> memref<400x64xf32, #tpu.memory_space<vmem>>
      %dma_start3A_663 = arith.constant 0 : i32
      %dma_start3A_664 = tpu.memref_slice %arg6[%add3A_657, %dma_start3A_663] : memref<819200x64xf32, #tpu.memory_space<hbm>> -> memref<400x64xf32, #tpu.memory_space<hbm>>
      %dma_start3A_665 = arith.constant 0 : i32
      %dma_start3A_666 = tpu.memref_slice %arg6[%add3A_657, %dma_start3A_665] : memref<819200x64xf32, #tpu.memory_space<hbm>> -> memref<400x64xf32, #tpu.memory_space<hbm>>
      %dma_start3A_667 = arith.constant 0 : i32
      %dma_start3A_668 = arith.constant 0 : i32
      %dma_start3A_669 = tpu.memref_slice %arg9[%dma_start3A_658, %dma_start3A_667, %dma_start3A_668] : memref<3x400x64xf32, #tpu.memory_space<vmem>> -> memref<1x400x64xf32, #tpu.memory_space<vmem>>
      %dma_start3A_670 = tpu.memref_squeeze %dma_start3A_669 : memref<1x400x64xf32, #tpu.memory_space<vmem>> -> memref<400x64xf32, #tpu.memory_space<vmem>>
      tpu.enqueue_dma source(%dma_start3A_670 : memref<400x64xf32, #tpu.memory_space<vmem>>) target(%dma_start3A_666 : memref<400x64xf32, #tpu.memory_space<hbm>>) target_semaphore(%arg13 : memref<!tpu.dma_semaphore, #tpu.memory_space<semaphore_mem>>)
      %eq3A = arith.constant 0 : i32
      %eq3A_671 = arith.cmpi eq, %scan3A_632, %eq3A : i32
      %convert_element_type3A = arith.extui %eq3A_671 : i1 to i32
      %cond3A = arith.constant 0 : i32
      %cond3A_672 = arith.cmpi ne, %convert_element_type3A, %cond3A : i32
      scf.if %cond3A_672 {
        %add3A_1103 = arith.constant 2 : i32
        %add3A_1104 = arith.addi %add3A_636, %add3A_1103 : i32
        %mul3A_1105 = arith.constant 400 : i32
        %mul3A_1106 = arith.muli %add3A_1104, %mul3A_1105 : i32
        %add3A_1107 = arith.constant 0 : i32
        %add3A_1108 = arith.addi %mul3A_1106, %add3A_1107 : i32
        %get3A_1109 = arith.index_cast %add3A_1108 : i32 to index
        %get3A_1110 = tpu.vector_load %arg7[%get3A_1109] {strides = array<i32>} : memref<25600xi32, #tpu.memory_space<vmem>>, vector<16xi32>,
        %get3A_1111 = vector.shape_cast %get3A_1110 : vector<16xi32> to vector<16xi32>
        %dma_start3A_1112 = arith.constant 2 : i32
        %dma_start3A_1113 = arith.constant 0 : i32
        %dma_start3A_1114 = arith.constant 0 : i32
        %dma_start3A_1115 = tpu.memref_slice %arg9[%dma_start3A_1112, %dma_start3A_1113, %dma_start3A_1114] : memref<3x400x64xf32, #tpu.memory_space<vmem>> -> memref<1x16x64xf32, #tpu.memory_space<vmem>>
        %dma_start3A_1116 = tpu.memref_squeeze %dma_start3A_1115 : memref<1x16x64xf32, #tpu.memory_space<vmem>> -> memref<16x64xf32, #tpu.memory_space<vmem>>
        %dma_start3A_1117 = arith.constant 0 : i32
        %dma_start3A_1118 = arith.constant 0 : i32
        %dma_start3A_1119 = tpu.memref_slice %arg2[%dma_start3A_1117, %dma_start3A_1118] : memref<1000000x64xf32, #tpu.memory_space<hbm>> -> memref<1000000x64xf32, #tpu.memory_space<hbm>>
        tpu.enqueue_indirect_dma source(%dma_start3A_1119 : memref<1000000x64xf32, #tpu.memory_space<hbm>>) target(%dma_start3A_1116 : memref<16x64xf32, #tpu.memory_space<vmem>>) offsets(%get3A_1111 : vector<16xi32>) semaphore(%arg12 : memref<!tpu.dma_semaphore, #tpu.memory_space<semaphore_mem>>)
        %add3A_1120 = arith.constant 16 : i32
        %add3A_1121 = arith.addi %mul3A_1106, %add3A_1120 : i32
        %get3A_1122 = arith.index_cast %add3A_1121 : i32 to index
        %get3A_1123 = tpu.vector_load %arg7[%get3A_1122] {strides = array<i32>} : memref<25600xi32, #tpu.memory_space<vmem>>, vector<16xi32>,
        %get3A_1124 = vector.shape_cast %get3A_1123 : vector<16xi32> to vector<16xi32>
        %dma_start3A_1125 = arith.constant 2 : i32
        %dma_start3A_1126 = arith.constant 16 : i32
        %dma_start3A_1127 = arith.constant 0 : i32
        %dma_start3A_1128 = tpu.memref_slice %arg9[%dma_start3A_1125, %dma_start3A_1126, %dma_start3A_1127] : memref<3x400x64xf32, #tpu.memory_space<vmem>> -> memref<1x16x64xf32, #tpu.memory_space<vmem>>
        %dma_start3A_1129 = tpu.memref_squeeze %dma_start3A_1128 : memref<1x16x64xf32, #tpu.memory_space<vmem>> -> memref<16x64xf32, #tpu.memory_space<vmem>>
        %dma_start3A_1130 = arith.constant 0 : i32
        %dma_start3A_1131 = arith.constant 0 : i32
        %dma_start3A_1132 = tpu.memref_slice %arg3[%dma_start3A_1130, %dma_start3A_1131] : memref<1000000x64xf32, #tpu.memory_space<hbm>> -> memref<1000000x64xf32, #tpu.memory_space<hbm>>
        tpu.enqueue_indirect_dma source(%dma_start3A_1132 : memref<1000000x64xf32, #tpu.memory_space<hbm>>) target(%dma_start3A_1129 : memref<16x64xf32, #tpu.memory_space<vmem>>) offsets(%get3A_1124 : vector<16xi32>) semaphore(%arg12 : memref<!tpu.dma_semaphore, #tpu.memory_space<semaphore_mem>>)
        %add3A_1133 = arith.constant 32 : i32
        %add3A_1134 = arith.addi %mul3A_1106, %add3A_1133 : i32
        %get3A_1135 = arith.index_cast %add3A_1134 : i32 to index
        %get3A_1136 = tpu.vector_load %arg7[%get3A_1135] {strides = array<i32>} : memref<25600xi32, #tpu.memory_space<vmem>>, vector<16xi32>,
        %get3A_1137 = vector.shape_cast %get3A_1136 : vector<16xi32> to vector<16xi32>
        %dma_start3A_1138 = arith.constant 2 : i32
        %dma_start3A_1139 = arith.constant 32 : i32
        %dma_start3A_1140 = arith.constant 0 : i32
        %dma_start3A_1141 = tpu.memref_slice %arg9[%dma_start3A_1138, %dma_start3A_1139, %dma_start3A_1140] : memref<3x400x64xf32, #tpu.memory_space<vmem>> -> memref<1x16x64xf32, #tpu.memory_space<vmem>>
        %dma_start3A_1142 = tpu.memref_squeeze %dma_start3A_1141 : memref<1x16x64xf32, #tpu.memory_space<vmem>> -> memref<16x64xf32, #tpu.memory_space<vmem>>
        %dma_start3A_1143 = arith.constant 0 : i32
        %dma_start3A_1144 = arith.constant 0 : i32
        %dma_start3A_1145 = tpu.memref_slice %arg2[%dma_start3A_1143, %dma_start3A_1144] : memref<1000000x64xf32, #tpu.memory_space<hbm>> -> memref<1000000x64xf32, #tpu.memory_space<hbm>>
        tpu.enqueue_indirect_dma source(%dma_start3A_1145 : memref<1000000x64xf32, #tpu.memory_space<hbm>>) target(%dma_start3A_1142 : memref<16x64xf32, #tpu.memory_space<vmem>>) offsets(%get3A_1137 : vector<16xi32>) semaphore(%arg12 : memref<!tpu.dma_semaphore, #tpu.memory_space<semaphore_mem>>)
        %add3A_1146 = arith.constant 48 : i32
        %add3A_1147 = arith.addi %mul3A_1106, %add3A_1146 : i32
        %get3A_1148 = arith.index_cast %add3A_1147 : i32 to index
        %get3A_1149 = tpu.vector_load %arg7[%get3A_1148] {strides = array<i32>} : memref<25600xi32, #tpu.memory_space<vmem>>, vector<16xi32>,
        %get3A_1150 = vector.shape_cast %get3A_1149 : vector<16xi32> to vector<16xi32>
        %dma_start3A_1151 = arith.constant 2 : i32
        %dma_start3A_1152 = arith.constant 48 : i32
        %dma_start3A_1153 = arith.constant 0 : i32
        %dma_start3A_1154 = tpu.memref_slice %arg9[%dma_start3A_1151, %dma_start3A_1152, %dma_start3A_1153] : memref<3x400x64xf32, #tpu.memory_space<vmem>> -> memref<1x16x64xf32, #tpu.memory_space<vmem>>
        %dma_start3A_1155 = tpu.memref_squeeze %dma_start3A_1154 : memref<1x16x64xf32, #tpu.memory_space<vmem>> -> memref<16x64xf32, #tpu.memory_space<vmem>>
        %dma_start3A_1156 = arith.constant 0 : i32
        %dma_start3A_1157 = arith.constant 0 : i32
        %dma_start3A_1158 = tpu.memref_slice %arg3[%dma_start3A_1156, %dma_start3A_1157] : memref<1000000x64xf32, #tpu.memory_space<hbm>> -> memref<1000000x64xf32, #tpu.memory_space<hbm>>
        tpu.enqueue_indirect_dma source(%dma_start3A_1158 : memref<1000000x64xf32, #tpu.memory_space<hbm>>) target(%dma_start3A_1155 : memref<16x64xf32, #tpu.memory_space<vmem>>) offsets(%get3A_1150 : vector<16xi32>) semaphore(%arg12 : memref<!tpu.dma_semaphore, #tpu.memory_space<semaphore_mem>>)
        %add3A_1159 = arith.constant 64 : i32
        %add3A_1160 = arith.addi %mul3A_1106, %add3A_1159 : i32
        %get3A_1161 = arith.index_cast %add3A_1160 : i32 to index
        %get3A_1162 = tpu.vector_load %arg7[%get3A_1161] {strides = array<i32>} : memref<25600xi32, #tpu.memory_space<vmem>>, vector<16xi32>,
        %get3A_1163 = vector.shape_cast %get3A_1162 : vector<16xi32> to vector<16xi32>
        %dma_start3A_1164 = arith.constant 2 : i32
        %dma_start3A_1165 = arith.constant 64 : i32
        %dma_start3A_1166 = arith.constant 0 : i32
        %dma_start3A_1167 = tpu.memref_slice %arg9[%dma_start3A_1164, %dma_start3A_1165, %dma_start3A_1166] : memref<3x400x64xf32, #tpu.memory_space<vmem>> -> memref<1x16x64xf32, #tpu.memory_space<vmem>>
        %dma_start3A_1168 = tpu.memref_squeeze %dma_start3A_1167 : memref<1x16x64xf32, #tpu.memory_space<vmem>> -> memref<16x64xf32, #tpu.memory_space<vmem>>
        %dma_start3A_1169 = arith.constant 0 : i32
        %dma_start3A_1170 = arith.constant 0 : i32
        %dma_start3A_1171 = tpu.memref_slice %arg2[%dma_start3A_1169, %dma_start3A_1170] : memref<1000000x64xf32, #tpu.memory_space<hbm>> -> memref<1000000x64xf32, #tpu.memory_space<hbm>>
        tpu.enqueue_indirect_dma source(%dma_start3A_1171 : memref<1000000x64xf32, #tpu.memory_space<hbm>>) target(%dma_start3A_1168 : memref<16x64xf32, #tpu.memory_space<vmem>>) offsets(%get3A_1163 : vector<16xi32>) semaphore(%arg12 : memref<!tpu.dma_semaphore, #tpu.memory_space<semaphore_mem>>)
        %add3A_1172 = arith.constant 80 : i32
        %add3A_1173 = arith.addi %mul3A_1106, %add3A_1172 : i32
        %get3A_1174 = arith.index_cast %add3A_1173 : i32 to index
        %get3A_1175 = tpu.vector_load %arg7[%get3A_1174] {strides = array<i32>} : memref<25600xi32, #tpu.memory_space<vmem>>, vector<16xi32>,
        %get3A_1176 = vector.shape_cast %get3A_1175 : vector<16xi32> to vector<16xi32>
        %dma_start3A_1177 = arith.constant 2 : i32
        %dma_start3A_1178 = arith.constant 80 : i32
        %dma_start3A_1179 = arith.constant 0 : i32
        %dma_start3A_1180 = tpu.memref_slice %arg9[%dma_start3A_1177, %dma_start3A_1178, %dma_start3A_1179] : memref<3x400x64xf32, #tpu.memory_space<vmem>> -> memref<1x16x64xf32, #tpu.memory_space<vmem>>
        %dma_start3A_1181 = tpu.memref_squeeze %dma_start3A_1180 : memref<1x16x64xf32, #tpu.memory_space<vmem>> -> memref<16x64xf32, #tpu.memory_space<vmem>>
        %dma_start3A_1182 = arith.constant 0 : i32
        %dma_start3A_1183 = arith.constant 0 : i32
        %dma_start3A_1184 = tpu.memref_slice %arg3[%dma_start3A_1182, %dma_start3A_1183] : memref<1000000x64xf32, #tpu.memory_space<hbm>> -> memref<1000000x64xf32, #tpu.memory_space<hbm>>
        tpu.enqueue_indirect_dma source(%dma_start3A_1184 : memref<1000000x64xf32, #tpu.memory_space<hbm>>) target(%dma_start3A_1181 : memref<16x64xf32, #tpu.memory_space<vmem>>) offsets(%get3A_1176 : vector<16xi32>) semaphore(%arg12 : memref<!tpu.dma_semaphore, #tpu.memory_space<semaphore_mem>>)
        %add3A_1185 = arith.constant 96 : i32
        %add3A_1186 = arith.addi %mul3A_1106, %add3A_1185 : i32
        %get3A_1187 = arith.index_cast %add3A_1186 : i32 to index
        %get3A_1188 = tpu.vector_load %arg7[%get3A_1187] {strides = array<i32>} : memref<25600xi32, #tpu.memory_space<vmem>>, vector<16xi32>,
        %get3A_1189 = vector.shape_cast %get3A_1188 : vector<16xi32> to vector<16xi32>
        %dma_start3A_1190 = arith.constant 2 : i32
        %dma_start3A_1191 = arith.constant 96 : i32
        %dma_start3A_1192 = arith.constant 0 : i32
        %dma_start3A_1193 = tpu.memref_slice %arg9[%dma_start3A_1190, %dma_start3A_1191, %dma_start3A_1192] : memref<3x400x64xf32, #tpu.memory_space<vmem>> -> memref<1x16x64xf32, #tpu.memory_space<vmem>>
        %dma_start3A_1194 = tpu.memref_squeeze %dma_start3A_1193 : memref<1x16x64xf32, #tpu.memory_space<vmem>> -> memref<16x64xf32, #tpu.memory_space<vmem>>
        %dma_start3A_1195 = arith.constant 0 : i32
        %dma_start3A_1196 = arith.constant 0 : i32
        %dma_start3A_1197 = tpu.memref_slice %arg2[%dma_start3A_1195, %dma_start3A_1196] : memref<1000000x64xf32, #tpu.memory_space<hbm>> -> memref<1000000x64xf32, #tpu.memory_space<hbm>>
        tpu.enqueue_indirect_dma source(%dma_start3A_1197 : memref<1000000x64xf32, #tpu.memory_space<hbm>>) target(%dma_start3A_1194 : memref<16x64xf32, #tpu.memory_space<vmem>>) offsets(%get3A_1189 : vector<16xi32>) semaphore(%arg12 : memref<!tpu.dma_semaphore, #tpu.memory_space<semaphore_mem>>)
        %add3A_1198 = arith.constant 112 : i32
        %add3A_1199 = arith.addi %mul3A_1106, %add3A_1198 : i32
        %get3A_1200 = arith.index_cast %add3A_1199 : i32 to index
        %get3A_1201 = tpu.vector_load %arg7[%get3A_1200] {strides = array<i32>} : memref<25600xi32, #tpu.memory_space<vmem>>, vector<16xi32>,
        %get3A_1202 = vector.shape_cast %get3A_1201 : vector<16xi32> to vector<16xi32>
        %dma_start3A_1203 = arith.constant 2 : i32
        %dma_start3A_1204 = arith.constant 112 : i32
        %dma_start3A_1205 = arith.constant 0 : i32
        %dma_start3A_1206 = tpu.memref_slice %arg9[%dma_start3A_1203, %dma_start3A_1204, %dma_start3A_1205] : memref<3x400x64xf32, #tpu.memory_space<vmem>> -> memref<1x16x64xf32, #tpu.memory_space<vmem>>
        %dma_start3A_1207 = tpu.memref_squeeze %dma_start3A_1206 : memref<1x16x64xf32, #tpu.memory_space<vmem>> -> memref<16x64xf32, #tpu.memory_space<vmem>>
        %dma_start3A_1208 = arith.constant 0 : i32
        %dma_start3A_1209 = arith.constant 0 : i32
        %dma_start3A_1210 = tpu.memref_slice %arg3[%dma_start3A_1208, %dma_start3A_1209] : memref<1000000x64xf32, #tpu.memory_space<hbm>> -> memref<1000000x64xf32, #tpu.memory_space<hbm>>
        tpu.enqueue_indirect_dma source(%dma_start3A_1210 : memref<1000000x64xf32, #tpu.memory_space<hbm>>) target(%dma_start3A_1207 : memref<16x64xf32, #tpu.memory_space<vmem>>) offsets(%get3A_1202 : vector<16xi32>) semaphore(%arg12 : memref<!tpu.dma_semaphore, #tpu.memory_space<semaphore_mem>>)
        %add3A_1211 = arith.constant 128 : i32
        %add3A_1212 = arith.addi %mul3A_1106, %add3A_1211 : i32
        %get3A_1213 = arith.index_cast %add3A_1212 : i32 to index
        %get3A_1214 = tpu.vector_load %arg7[%get3A_1213] {strides = array<i32>} : memref<25600xi32, #tpu.memory_space<vmem>>, vector<16xi32>,
        %get3A_1215 = vector.shape_cast %get3A_1214 : vector<16xi32> to vector<16xi32>
        %dma_start3A_1216 = arith.constant 2 : i32
        %dma_start3A_1217 = arith.constant 128 : i32
        %dma_start3A_1218 = arith.constant 0 : i32
        %dma_start3A_1219 = tpu.memref_slice %arg9[%dma_start3A_1216, %dma_start3A_1217, %dma_start3A_1218] : memref<3x400x64xf32, #tpu.memory_space<vmem>> -> memref<1x16x64xf32, #tpu.memory_space<vmem>>
        %dma_start3A_1220 = tpu.memref_squeeze %dma_start3A_1219 : memref<1x16x64xf32, #tpu.memory_space<vmem>> -> memref<16x64xf32, #tpu.memory_space<vmem>>
        %dma_start3A_1221 = arith.constant 0 : i32
        %dma_start3A_1222 = arith.constant 0 : i32
        %dma_start3A_1223 = tpu.memref_slice %arg2[%dma_start3A_1221, %dma_start3A_1222] : memref<1000000x64xf32, #tpu.memory_space<hbm>> -> memref<1000000x64xf32, #tpu.memory_space<hbm>>
        tpu.enqueue_indirect_dma source(%dma_start3A_1223 : memref<1000000x64xf32, #tpu.memory_space<hbm>>) target(%dma_start3A_1220 : memref<16x64xf32, #tpu.memory_space<vmem>>) offsets(%get3A_1215 : vector<16xi32>) semaphore(%arg12 : memref<!tpu.dma_semaphore, #tpu.memory_space<semaphore_mem>>)
        %add3A_1224 = arith.constant 144 : i32
        %add3A_1225 = arith.addi %mul3A_1106, %add3A_1224 : i32
        %get3A_1226 = arith.index_cast %add3A_1225 : i32 to index
        %get3A_1227 = tpu.vector_load %arg7[%get3A_1226] {strides = array<i32>} : memref<25600xi32, #tpu.memory_space<vmem>>, vector<16xi32>,
        %get3A_1228 = vector.shape_cast %get3A_1227 : vector<16xi32> to vector<16xi32>
        %dma_start3A_1229 = arith.constant 2 : i32
        %dma_start3A_1230 = arith.constant 144 : i32
        %dma_start3A_1231 = arith.constant 0 : i32
        %dma_start3A_1232 = tpu.memref_slice %arg9[%dma_start3A_1229, %dma_start3A_1230, %dma_start3A_1231] : memref<3x400x64xf32, #tpu.memory_space<vmem>> -> memref<1x16x64xf32, #tpu.memory_space<vmem>>
        %dma_start3A_1233 = tpu.memref_squeeze %dma_start3A_1232 : memref<1x16x64xf32, #tpu.memory_space<vmem>> -> memref<16x64xf32, #tpu.memory_space<vmem>>
        %dma_start3A_1234 = arith.constant 0 : i32
        %dma_start3A_1235 = arith.constant 0 : i32
        %dma_start3A_1236 = tpu.memref_slice %arg3[%dma_start3A_1234, %dma_start3A_1235] : memref<1000000x64xf32, #tpu.memory_space<hbm>> -> memref<1000000x64xf32, #tpu.memory_space<hbm>>
        tpu.enqueue_indirect_dma source(%dma_start3A_1236 : memref<1000000x64xf32, #tpu.memory_space<hbm>>) target(%dma_start3A_1233 : memref<16x64xf32, #tpu.memory_space<vmem>>) offsets(%get3A_1228 : vector<16xi32>) semaphore(%arg12 : memref<!tpu.dma_semaphore, #tpu.memory_space<semaphore_mem>>)
        %add3A_1237 = arith.constant 160 : i32
        %add3A_1238 = arith.addi %mul3A_1106, %add3A_1237 : i32
        %get3A_1239 = arith.index_cast %add3A_1238 : i32 to index
        %get3A_1240 = tpu.vector_load %arg7[%get3A_1239] {strides = array<i32>} : memref<25600xi32, #tpu.memory_space<vmem>>, vector<16xi32>,
        %get3A_1241 = vector.shape_cast %get3A_1240 : vector<16xi32> to vector<16xi32>
        %dma_start3A_1242 = arith.constant 2 : i32
        %dma_start3A_1243 = arith.constant 160 : i32
        %dma_start3A_1244 = arith.constant 0 : i32
        %dma_start3A_1245 = tpu.memref_slice %arg9[%dma_start3A_1242, %dma_start3A_1243, %dma_start3A_1244] : memref<3x400x64xf32, #tpu.memory_space<vmem>> -> memref<1x16x64xf32, #tpu.memory_space<vmem>>
        %dma_start3A_1246 = tpu.memref_squeeze %dma_start3A_1245 : memref<1x16x64xf32, #tpu.memory_space<vmem>> -> memref<16x64xf32, #tpu.memory_space<vmem>>
        %dma_start3A_1247 = arith.constant 0 : i32
        %dma_start3A_1248 = arith.constant 0 : i32
        %dma_start3A_1249 = tpu.memref_slice %arg2[%dma_start3A_1247, %dma_start3A_1248] : memref<1000000x64xf32, #tpu.memory_space<hbm>> -> memref<1000000x64xf32, #tpu.memory_space<hbm>>
        tpu.enqueue_indirect_dma source(%dma_start3A_1249 : memref<1000000x64xf32, #tpu.memory_space<hbm>>) target(%dma_start3A_1246 : memref<16x64xf32, #tpu.memory_space<vmem>>) offsets(%get3A_1241 : vector<16xi32>) semaphore(%arg12 : memref<!tpu.dma_semaphore, #tpu.memory_space<semaphore_mem>>)
        %add3A_1250 = arith.constant 176 : i32
        %add3A_1251 = arith.addi %mul3A_1106, %add3A_1250 : i32
        %get3A_1252 = arith.index_cast %add3A_1251 : i32 to index
        %get3A_1253 = tpu.vector_load %arg7[%get3A_1252] {strides = array<i32>} : memref<25600xi32, #tpu.memory_space<vmem>>, vector<16xi32>,
        %get3A_1254 = vector.shape_cast %get3A_1253 : vector<16xi32> to vector<16xi32>
        %dma_start3A_1255 = arith.constant 2 : i32
        %dma_start3A_1256 = arith.constant 176 : i32
        %dma_start3A_1257 = arith.constant 0 : i32
        %dma_start3A_1258 = tpu.memref_slice %arg9[%dma_start3A_1255, %dma_start3A_1256, %dma_start3A_1257] : memref<3x400x64xf32, #tpu.memory_space<vmem>> -> memref<1x16x64xf32, #tpu.memory_space<vmem>>
        %dma_start3A_1259 = tpu.memref_squeeze %dma_start3A_1258 : memref<1x16x64xf32, #tpu.memory_space<vmem>> -> memref<16x64xf32, #tpu.memory_space<vmem>>
        %dma_start3A_1260 = arith.constant 0 : i32
        %dma_start3A_1261 = arith.constant 0 : i32
        %dma_start3A_1262 = tpu.memref_slice %arg3[%dma_start3A_1260, %dma_start3A_1261] : memref<1000000x64xf32, #tpu.memory_space<hbm>> -> memref<1000000x64xf32, #tpu.memory_space<hbm>>
        tpu.enqueue_indirect_dma source(%dma_start3A_1262 : memref<1000000x64xf32, #tpu.memory_space<hbm>>) target(%dma_start3A_1259 : memref<16x64xf32, #tpu.memory_space<vmem>>) offsets(%get3A_1254 : vector<16xi32>) semaphore(%arg12 : memref<!tpu.dma_semaphore, #tpu.memory_space<semaphore_mem>>)
        %add3A_1263 = arith.constant 192 : i32
        %add3A_1264 = arith.addi %mul3A_1106, %add3A_1263 : i32
        %get3A_1265 = arith.index_cast %add3A_1264 : i32 to index
        %get3A_1266 = tpu.vector_load %arg7[%get3A_1265] {strides = array<i32>} : memref<25600xi32, #tpu.memory_space<vmem>>, vector<16xi32>,
        %get3A_1267 = vector.shape_cast %get3A_1266 : vector<16xi32> to vector<16xi32>
        %dma_start3A_1268 = arith.constant 2 : i32
        %dma_start3A_1269 = arith.constant 192 : i32
        %dma_start3A_1270 = arith.constant 0 : i32
        %dma_start3A_1271 = tpu.memref_slice %arg9[%dma_start3A_1268, %dma_start3A_1269, %dma_start3A_1270] : memref<3x400x64xf32, #tpu.memory_space<vmem>> -> memref<1x16x64xf32, #tpu.memory_space<vmem>>
        %dma_start3A_1272 = tpu.memref_squeeze %dma_start3A_1271 : memref<1x16x64xf32, #tpu.memory_space<vmem>> -> memref<16x64xf32, #tpu.memory_space<vmem>>
        %dma_start3A_1273 = arith.constant 0 : i32
        %dma_start3A_1274 = arith.constant 0 : i32
        %dma_start3A_1275 = tpu.memref_slice %arg2[%dma_start3A_1273, %dma_start3A_1274] : memref<1000000x64xf32, #tpu.memory_space<hbm>> -> memref<1000000x64xf32, #tpu.memory_space<hbm>>
        tpu.enqueue_indirect_dma source(%dma_start3A_1275 : memref<1000000x64xf32, #tpu.memory_space<hbm>>) target(%dma_start3A_1272 : memref<16x64xf32, #tpu.memory_space<vmem>>) offsets(%get3A_1267 : vector<16xi32>) semaphore(%arg12 : memref<!tpu.dma_semaphore, #tpu.memory_space<semaphore_mem>>)
        %add3A_1276 = arith.constant 208 : i32
        %add3A_1277 = arith.addi %mul3A_1106, %add3A_1276 : i32
        %get3A_1278 = arith.index_cast %add3A_1277 : i32 to index
        %get3A_1279 = tpu.vector_load %arg7[%get3A_1278] {strides = array<i32>} : memref<25600xi32, #tpu.memory_space<vmem>>, vector<16xi32>,
        %get3A_1280 = vector.shape_cast %get3A_1279 : vector<16xi32> to vector<16xi32>
        %dma_start3A_1281 = arith.constant 2 : i32
        %dma_start3A_1282 = arith.constant 208 : i32
        %dma_start3A_1283 = arith.constant 0 : i32
        %dma_start3A_1284 = tpu.memref_slice %arg9[%dma_start3A_1281, %dma_start3A_1282, %dma_start3A_1283] : memref<3x400x64xf32, #tpu.memory_space<vmem>> -> memref<1x16x64xf32, #tpu.memory_space<vmem>>
        %dma_start3A_1285 = tpu.memref_squeeze %dma_start3A_1284 : memref<1x16x64xf32, #tpu.memory_space<vmem>> -> memref<16x64xf32, #tpu.memory_space<vmem>>
        %dma_start3A_1286 = arith.constant 0 : i32
        %dma_start3A_1287 = arith.constant 0 : i32
        %dma_start3A_1288 = tpu.memref_slice %arg3[%dma_start3A_1286, %dma_start3A_1287] : memref<1000000x64xf32, #tpu.memory_space<hbm>> -> memref<1000000x64xf32, #tpu.memory_space<hbm>>
        tpu.enqueue_indirect_dma source(%dma_start3A_1288 : memref<1000000x64xf32, #tpu.memory_space<hbm>>) target(%dma_start3A_1285 : memref<16x64xf32, #tpu.memory_space<vmem>>) offsets(%get3A_1280 : vector<16xi32>) semaphore(%arg12 : memref<!tpu.dma_semaphore, #tpu.memory_space<semaphore_mem>>)
        %add3A_1289 = arith.constant 224 : i32
        %add3A_1290 = arith.addi %mul3A_1106, %add3A_1289 : i32
        %get3A_1291 = arith.index_cast %add3A_1290 : i32 to index
        %get3A_1292 = tpu.vector_load %arg7[%get3A_1291] {strides = array<i32>} : memref<25600xi32, #tpu.memory_space<vmem>>, vector<16xi32>,
        %get3A_1293 = vector.shape_cast %get3A_1292 : vector<16xi32> to vector<16xi32>
        %dma_start3A_1294 = arith.constant 2 : i32
        %dma_start3A_1295 = arith.constant 224 : i32
        %dma_start3A_1296 = arith.constant 0 : i32
        %dma_start3A_1297 = tpu.memref_slice %arg9[%dma_start3A_1294, %dma_start3A_1295, %dma_start3A_1296] : memref<3x400x64xf32, #tpu.memory_space<vmem>> -> memref<1x16x64xf32, #tpu.memory_space<vmem>>
        %dma_start3A_1298 = tpu.memref_squeeze %dma_start3A_1297 : memref<1x16x64xf32, #tpu.memory_space<vmem>> -> memref<16x64xf32, #tpu.memory_space<vmem>>
        %dma_start3A_1299 = arith.constant 0 : i32
        %dma_start3A_1300 = arith.constant 0 : i32
        %dma_start3A_1301 = tpu.memref_slice %arg2[%dma_start3A_1299, %dma_start3A_1300] : memref<1000000x64xf32, #tpu.memory_space<hbm>> -> memref<1000000x64xf32, #tpu.memory_space<hbm>>
        tpu.enqueue_indirect_dma source(%dma_start3A_1301 : memref<1000000x64xf32, #tpu.memory_space<hbm>>) target(%dma_start3A_1298 : memref<16x64xf32, #tpu.memory_space<vmem>>) offsets(%get3A_1293 : vector<16xi32>) semaphore(%arg12 : memref<!tpu.dma_semaphore, #tpu.memory_space<semaphore_mem>>)
        %add3A_1302 = arith.constant 240 : i32
        %add3A_1303 = arith.addi %mul3A_1106, %add3A_1302 : i32
        %get3A_1304 = arith.index_cast %add3A_1303 : i32 to index
        %get3A_1305 = tpu.vector_load %arg7[%get3A_1304] {strides = array<i32>} : memref<25600xi32, #tpu.memory_space<vmem>>, vector<16xi32>,
        %get3A_1306 = vector.shape_cast %get3A_1305 : vector<16xi32> to vector<16xi32>
        %dma_start3A_1307 = arith.constant 2 : i32
        %dma_start3A_1308 = arith.constant 240 : i32
        %dma_start3A_1309 = arith.constant 0 : i32
        %dma_start3A_1310 = tpu.memref_slice %arg9[%dma_start3A_1307, %dma_start3A_1308, %dma_start3A_1309] : memref<3x400x64xf32, #tpu.memory_space<vmem>> -> memref<1x16x64xf32, #tpu.memory_space<vmem>>
        %dma_start3A_1311 = tpu.memref_squeeze %dma_start3A_1310 : memref<1x16x64xf32, #tpu.memory_space<vmem>> -> memref<16x64xf32, #tpu.memory_space<vmem>>
        %dma_start3A_1312 = arith.constant 0 : i32
        %dma_start3A_1313 = arith.constant 0 : i32
        %dma_start3A_1314 = tpu.memref_slice %arg3[%dma_start3A_1312, %dma_start3A_1313] : memref<1000000x64xf32, #tpu.memory_space<hbm>> -> memref<1000000x64xf32, #tpu.memory_space<hbm>>
        tpu.enqueue_indirect_dma source(%dma_start3A_1314 : memref<1000000x64xf32, #tpu.memory_space<hbm>>) target(%dma_start3A_1311 : memref<16x64xf32, #tpu.memory_space<vmem>>) offsets(%get3A_1306 : vector<16xi32>) semaphore(%arg12 : memref<!tpu.dma_semaphore, #tpu.memory_space<semaphore_mem>>)
        %add3A_1315 = arith.constant 256 : i32
        %add3A_1316 = arith.addi %mul3A_1106, %add3A_1315 : i32
        %get3A_1317 = arith.index_cast %add3A_1316 : i32 to index
        %get3A_1318 = tpu.vector_load %arg7[%get3A_1317] {strides = array<i32>} : memref<25600xi32, #tpu.memory_space<vmem>>, vector<16xi32>,
        %get3A_1319 = vector.shape_cast %get3A_1318 : vector<16xi32> to vector<16xi32>
        %dma_start3A_1320 = arith.constant 2 : i32
        %dma_start3A_1321 = arith.constant 256 : i32
        %dma_start3A_1322 = arith.constant 0 : i32
        %dma_start3A_1323 = tpu.memref_slice %arg9[%dma_start3A_1320, %dma_start3A_1321, %dma_start3A_1322] : memref<3x400x64xf32, #tpu.memory_space<vmem>> -> memref<1x16x64xf32, #tpu.memory_space<vmem>>
        %dma_start3A_1324 = tpu.memref_squeeze %dma_start3A_1323 : memref<1x16x64xf32, #tpu.memory_space<vmem>> -> memref<16x64xf32, #tpu.memory_space<vmem>>
        %dma_start3A_1325 = arith.constant 0 : i32
        %dma_start3A_1326 = arith.constant 0 : i32
        %dma_start3A_1327 = tpu.memref_slice %arg2[%dma_start3A_1325, %dma_start3A_1326] : memref<1000000x64xf32, #tpu.memory_space<hbm>> -> memref<1000000x64xf32, #tpu.memory_space<hbm>>
        tpu.enqueue_indirect_dma source(%dma_start3A_1327 : memref<1000000x64xf32, #tpu.memory_space<hbm>>) target(%dma_start3A_1324 : memref<16x64xf32, #tpu.memory_space<vmem>>) offsets(%get3A_1319 : vector<16xi32>) semaphore(%arg12 : memref<!tpu.dma_semaphore, #tpu.memory_space<semaphore_mem>>)
        %add3A_1328 = arith.constant 272 : i32
        %add3A_1329 = arith.addi %mul3A_1106, %add3A_1328 : i32
        %get3A_1330 = arith.index_cast %add3A_1329 : i32 to index
        %get3A_1331 = tpu.vector_load %arg7[%get3A_1330] {strides = array<i32>} : memref<25600xi32, #tpu.memory_space<vmem>>, vector<16xi32>,
        %get3A_1332 = vector.shape_cast %get3A_1331 : vector<16xi32> to vector<16xi32>
        %dma_start3A_1333 = arith.constant 2 : i32
        %dma_start3A_1334 = arith.constant 272 : i32
        %dma_start3A_1335 = arith.constant 0 : i32
        %dma_start3A_1336 = tpu.memref_slice %arg9[%dma_start3A_1333, %dma_start3A_1334, %dma_start3A_1335] : memref<3x400x64xf32, #tpu.memory_space<vmem>> -> memref<1x16x64xf32, #tpu.memory_space<vmem>>
        %dma_start3A_1337 = tpu.memref_squeeze %dma_start3A_1336 : memref<1x16x64xf32, #tpu.memory_space<vmem>> -> memref<16x64xf32, #tpu.memory_space<vmem>>
        %dma_start3A_1338 = arith.constant 0 : i32
        %dma_start3A_1339 = arith.constant 0 : i32
        %dma_start3A_1340 = tpu.memref_slice %arg3[%dma_start3A_1338, %dma_start3A_1339] : memref<1000000x64xf32, #tpu.memory_space<hbm>> -> memref<1000000x64xf32, #tpu.memory_space<hbm>>
        tpu.enqueue_indirect_dma source(%dma_start3A_1340 : memref<1000000x64xf32, #tpu.memory_space<hbm>>) target(%dma_start3A_1337 : memref<16x64xf32, #tpu.memory_space<vmem>>) offsets(%get3A_1332 : vector<16xi32>) semaphore(%arg12 : memref<!tpu.dma_semaphore, #tpu.memory_space<semaphore_mem>>)
        %add3A_1341 = arith.constant 288 : i32
        %add3A_1342 = arith.addi %mul3A_1106, %add3A_1341 : i32
        %get3A_1343 = arith.index_cast %add3A_1342 : i32 to index
        %get3A_1344 = tpu.vector_load %arg7[%get3A_1343] {strides = array<i32>} : memref<25600xi32, #tpu.memory_space<vmem>>, vector<16xi32>,
        %get3A_1345 = vector.shape_cast %get3A_1344 : vector<16xi32> to vector<16xi32>
        %dma_start3A_1346 = arith.constant 2 : i32
        %dma_start3A_1347 = arith.constant 288 : i32
        %dma_start3A_1348 = arith.constant 0 : i32
        %dma_start3A_1349 = tpu.memref_slice %arg9[%dma_start3A_1346, %dma_start3A_1347, %dma_start3A_1348] : memref<3x400x64xf32, #tpu.memory_space<vmem>> -> memref<1x16x64xf32, #tpu.memory_space<vmem>>
        %dma_start3A_1350 = tpu.memref_squeeze %dma_start3A_1349 : memref<1x16x64xf32, #tpu.memory_space<vmem>> -> memref<16x64xf32, #tpu.memory_space<vmem>>
        %dma_start3A_1351 = arith.constant 0 : i32
        %dma_start3A_1352 = arith.constant 0 : i32
        %dma_start3A_1353 = tpu.memref_slice %arg2[%dma_start3A_1351, %dma_start3A_1352] : memref<1000000x64xf32, #tpu.memory_space<hbm>> -> memref<1000000x64xf32, #tpu.memory_space<hbm>>
        tpu.enqueue_indirect_dma source(%dma_start3A_1353 : memref<1000000x64xf32, #tpu.memory_space<hbm>>) target(%dma_start3A_1350 : memref<16x64xf32, #tpu.memory_space<vmem>>) offsets(%get3A_1345 : vector<16xi32>) semaphore(%arg12 : memref<!tpu.dma_semaphore, #tpu.memory_space<semaphore_mem>>)
        %add3A_1354 = arith.constant 304 : i32
        %add3A_1355 = arith.addi %mul3A_1106, %add3A_1354 : i32
        %get3A_1356 = arith.index_cast %add3A_1355 : i32 to index
        %get3A_1357 = tpu.vector_load %arg7[%get3A_1356] {strides = array<i32>} : memref<25600xi32, #tpu.memory_space<vmem>>, vector<16xi32>,
        %get3A_1358 = vector.shape_cast %get3A_1357 : vector<16xi32> to vector<16xi32>
        %dma_start3A_1359 = arith.constant 2 : i32
        %dma_start3A_1360 = arith.constant 304 : i32
        %dma_start3A_1361 = arith.constant 0 : i32
        %dma_start3A_1362 = tpu.memref_slice %arg9[%dma_start3A_1359, %dma_start3A_1360, %dma_start3A_1361] : memref<3x400x64xf32, #tpu.memory_space<vmem>> -> memref<1x16x64xf32, #tpu.memory_space<vmem>>
        %dma_start3A_1363 = tpu.memref_squeeze %dma_start3A_1362 : memref<1x16x64xf32, #tpu.memory_space<vmem>> -> memref<16x64xf32, #tpu.memory_space<vmem>>
        %dma_start3A_1364 = arith.constant 0 : i32
        %dma_start3A_1365 = arith.constant 0 : i32
        %dma_start3A_1366 = tpu.memref_slice %arg3[%dma_start3A_1364, %dma_start3A_1365] : memref<1000000x64xf32, #tpu.memory_space<hbm>> -> memref<1000000x64xf32, #tpu.memory_space<hbm>>
        tpu.enqueue_indirect_dma source(%dma_start3A_1366 : memref<1000000x64xf32, #tpu.memory_space<hbm>>) target(%dma_start3A_1363 : memref<16x64xf32, #tpu.memory_space<vmem>>) offsets(%get3A_1358 : vector<16xi32>) semaphore(%arg12 : memref<!tpu.dma_semaphore, #tpu.memory_space<semaphore_mem>>)
        %add3A_1367 = arith.constant 320 : i32
        %add3A_1368 = arith.addi %mul3A_1106, %add3A_1367 : i32
        %get3A_1369 = arith.index_cast %add3A_1368 : i32 to index
        %get3A_1370 = tpu.vector_load %arg7[%get3A_1369] {strides = array<i32>} : memref<25600xi32, #tpu.memory_space<vmem>>, vector<16xi32>,
        %get3A_1371 = vector.shape_cast %get3A_1370 : vector<16xi32> to vector<16xi32>
        %dma_start3A_1372 = arith.constant 2 : i32
        %dma_start3A_1373 = arith.constant 320 : i32
        %dma_start3A_1374 = arith.constant 0 : i32
        %dma_start3A_1375 = tpu.memref_slice %arg9[%dma_start3A_1372, %dma_start3A_1373, %dma_start3A_1374] : memref<3x400x64xf32, #tpu.memory_space<vmem>> -> memref<1x16x64xf32, #tpu.memory_space<vmem>>
        %dma_start3A_1376 = tpu.memref_squeeze %dma_start3A_1375 : memref<1x16x64xf32, #tpu.memory_space<vmem>> -> memref<16x64xf32, #tpu.memory_space<vmem>>
        %dma_start3A_1377 = arith.constant 0 : i32
        %dma_start3A_1378 = arith.constant 0 : i32
        %dma_start3A_1379 = tpu.memref_slice %arg2[%dma_start3A_1377, %dma_start3A_1378] : memref<1000000x64xf32, #tpu.memory_space<hbm>> -> memref<1000000x64xf32, #tpu.memory_space<hbm>>
        tpu.enqueue_indirect_dma source(%dma_start3A_1379 : memref<1000000x64xf32, #tpu.memory_space<hbm>>) target(%dma_start3A_1376 : memref<16x64xf32, #tpu.memory_space<vmem>>) offsets(%get3A_1371 : vector<16xi32>) semaphore(%arg12 : memref<!tpu.dma_semaphore, #tpu.memory_space<semaphore_mem>>)
        %add3A_1380 = arith.constant 336 : i32
        %add3A_1381 = arith.addi %mul3A_1106, %add3A_1380 : i32
        %get3A_1382 = arith.index_cast %add3A_1381 : i32 to index
        %get3A_1383 = tpu.vector_load %arg7[%get3A_1382] {strides = array<i32>} : memref<25600xi32, #tpu.memory_space<vmem>>, vector<16xi32>,
        %get3A_1384 = vector.shape_cast %get3A_1383 : vector<16xi32> to vector<16xi32>
        %dma_start3A_1385 = arith.constant 2 : i32
        %dma_start3A_1386 = arith.constant 336 : i32
        %dma_start3A_1387 = arith.constant 0 : i32
        %dma_start3A_1388 = tpu.memref_slice %arg9[%dma_start3A_1385, %dma_start3A_1386, %dma_start3A_1387] : memref<3x400x64xf32, #tpu.memory_space<vmem>> -> memref<1x16x64xf32, #tpu.memory_space<vmem>>
        %dma_start3A_1389 = tpu.memref_squeeze %dma_start3A_1388 : memref<1x16x64xf32, #tpu.memory_space<vmem>> -> memref<16x64xf32, #tpu.memory_space<vmem>>
        %dma_start3A_1390 = arith.constant 0 : i32
        %dma_start3A_1391 = arith.constant 0 : i32
        %dma_start3A_1392 = tpu.memref_slice %arg3[%dma_start3A_1390, %dma_start3A_1391] : memref<1000000x64xf32, #tpu.memory_space<hbm>> -> memref<1000000x64xf32, #tpu.memory_space<hbm>>
        tpu.enqueue_indirect_dma source(%dma_start3A_1392 : memref<1000000x64xf32, #tpu.memory_space<hbm>>) target(%dma_start3A_1389 : memref<16x64xf32, #tpu.memory_space<vmem>>) offsets(%get3A_1384 : vector<16xi32>) semaphore(%arg12 : memref<!tpu.dma_semaphore, #tpu.memory_space<semaphore_mem>>)
        %add3A_1393 = arith.constant 352 : i32
        %add3A_1394 = arith.addi %mul3A_1106, %add3A_1393 : i32
        %get3A_1395 = arith.index_cast %add3A_1394 : i32 to index
        %get3A_1396 = tpu.vector_load %arg7[%get3A_1395] {strides = array<i32>} : memref<25600xi32, #tpu.memory_space<vmem>>, vector<16xi32>,
        %get3A_1397 = vector.shape_cast %get3A_1396 : vector<16xi32> to vector<16xi32>
        %dma_start3A_1398 = arith.constant 2 : i32
        %dma_start3A_1399 = arith.constant 352 : i32
        %dma_start3A_1400 = arith.constant 0 : i32
        %dma_start3A_1401 = tpu.memref_slice %arg9[%dma_start3A_1398, %dma_start3A_1399, %dma_start3A_1400] : memref<3x400x64xf32, #tpu.memory_space<vmem>> -> memref<1x16x64xf32, #tpu.memory_space<vmem>>
        %dma_start3A_1402 = tpu.memref_squeeze %dma_start3A_1401 : memref<1x16x64xf32, #tpu.memory_space<vmem>> -> memref<16x64xf32, #tpu.memory_space<vmem>>
        %dma_start3A_1403 = arith.constant 0 : i32
        %dma_start3A_1404 = arith.constant 0 : i32
        %dma_start3A_1405 = tpu.memref_slice %arg2[%dma_start3A_1403, %dma_start3A_1404] : memref<1000000x64xf32, #tpu.memory_space<hbm>> -> memref<1000000x64xf32, #tpu.memory_space<hbm>>
        tpu.enqueue_indirect_dma source(%dma_start3A_1405 : memref<1000000x64xf32, #tpu.memory_space<hbm>>) target(%dma_start3A_1402 : memref<16x64xf32, #tpu.memory_space<vmem>>) offsets(%get3A_1397 : vector<16xi32>) semaphore(%arg12 : memref<!tpu.dma_semaphore, #tpu.memory_space<semaphore_mem>>)
        %add3A_1406 = arith.constant 368 : i32
        %add3A_1407 = arith.addi %mul3A_1106, %add3A_1406 : i32
        %get3A_1408 = arith.index_cast %add3A_1407 : i32 to index
        %get3A_1409 = tpu.vector_load %arg7[%get3A_1408] {strides = array<i32>} : memref<25600xi32, #tpu.memory_space<vmem>>, vector<16xi32>,
        %get3A_1410 = vector.shape_cast %get3A_1409 : vector<16xi32> to vector<16xi32>
        %dma_start3A_1411 = arith.constant 2 : i32
        %dma_start3A_1412 = arith.constant 368 : i32
        %dma_start3A_1413 = arith.constant 0 : i32
        %dma_start3A_1414 = tpu.memref_slice %arg9[%dma_start3A_1411, %dma_start3A_1412, %dma_start3A_1413] : memref<3x400x64xf32, #tpu.memory_space<vmem>> -> memref<1x16x64xf32, #tpu.memory_space<vmem>>
        %dma_start3A_1415 = tpu.memref_squeeze %dma_start3A_1414 : memref<1x16x64xf32, #tpu.memory_space<vmem>> -> memref<16x64xf32, #tpu.memory_space<vmem>>
        %dma_start3A_1416 = arith.constant 0 : i32
        %dma_start3A_1417 = arith.constant 0 : i32
        %dma_start3A_1418 = tpu.memref_slice %arg3[%dma_start3A_1416, %dma_start3A_1417] : memref<1000000x64xf32, #tpu.memory_space<hbm>> -> memref<1000000x64xf32, #tpu.memory_space<hbm>>
        tpu.enqueue_indirect_dma source(%dma_start3A_1418 : memref<1000000x64xf32, #tpu.memory_space<hbm>>) target(%dma_start3A_1415 : memref<16x64xf32, #tpu.memory_space<vmem>>) offsets(%get3A_1410 : vector<16xi32>) semaphore(%arg12 : memref<!tpu.dma_semaphore, #tpu.memory_space<semaphore_mem>>)
        %add3A_1419 = arith.constant 384 : i32
        %add3A_1420 = arith.addi %mul3A_1106, %add3A_1419 : i32
        %get3A_1421 = arith.index_cast %add3A_1420 : i32 to index
        %get3A_1422 = tpu.vector_load %arg7[%get3A_1421] {strides = array<i32>} : memref<25600xi32, #tpu.memory_space<vmem>>, vector<16xi32>,
        %get3A_1423 = vector.shape_cast %get3A_1422 : vector<16xi32> to vector<16xi32>
        %dma_start3A_1424 = arith.constant 2 : i32
        %dma_start3A_1425 = arith.constant 384 : i32
        %dma_start3A_1426 = arith.constant 0 : i32
        %dma_start3A_1427 = tpu.memref_slice %arg9[%dma_start3A_1424, %dma_start3A_1425, %dma_start3A_1426] : memref<3x400x64xf32, #tpu.memory_space<vmem>> -> memref<1x16x64xf32, #tpu.memory_space<vmem>>
        %dma_start3A_1428 = tpu.memref_squeeze %dma_start3A_1427 : memref<1x16x64xf32, #tpu.memory_space<vmem>> -> memref<16x64xf32, #tpu.memory_space<vmem>>
        %dma_start3A_1429 = arith.constant 0 : i32
        %dma_start3A_1430 = arith.constant 0 : i32
        %dma_start3A_1431 = tpu.memref_slice %arg2[%dma_start3A_1429, %dma_start3A_1430] : memref<1000000x64xf32, #tpu.memory_space<hbm>> -> memref<1000000x64xf32, #tpu.memory_space<hbm>>
        tpu.enqueue_indirect_dma source(%dma_start3A_1431 : memref<1000000x64xf32, #tpu.memory_space<hbm>>) target(%dma_start3A_1428 : memref<16x64xf32, #tpu.memory_space<vmem>>) offsets(%get3A_1423 : vector<16xi32>) semaphore(%arg12 : memref<!tpu.dma_semaphore, #tpu.memory_space<semaphore_mem>>)
      } else {
      }
      %gt3A = arith.constant 0 : i32
      %gt3A_673 = arith.cmpi sgt, %scan3A_632, %gt3A : i32
      %convert_element_type3A_674 = arith.extui %gt3A_673 : i1 to i32
      %cond3A_675 = arith.constant 0 : i32
      %cond3A_676 = arith.cmpi ne, %convert_element_type3A_674, %cond3A_675 : i32
      scf.if %cond3A_676 {
        %sub3A_1103 = arith.constant 1 : i32
        %sub3A_1104 = arith.subi %add3A_636, %sub3A_1103 : i32
        %mul3A_1105 = arith.constant 400 : i32
        %mul3A_1106 = arith.muli %sub3A_1104, %mul3A_1105 : i32
        %add3A_1107 = arith.addi %mul3A_2, %mul3A_1106 : i32
        %dma_wait3A_1108 = arith.constant 2 : i32
        %dma_wait3A_1109 = arith.constant 0 : i32
        %dma_wait3A_1110 = arith.constant 0 : i32
        %dma_wait3A_1111 = tpu.memref_slice %arg9[%dma_wait3A_1108, %dma_wait3A_1109, %dma_wait3A_1110] : memref<3x400x64xf32, #tpu.memory_space<vmem>> -> memref<1x400x64xf32, #tpu.memory_space<vmem>>
        %dma_wait3A_1112 = tpu.memref_squeeze %dma_wait3A_1111 : memref<1x400x64xf32, #tpu.memory_space<vmem>> -> memref<400x64xf32, #tpu.memory_space<vmem>>
        %dma_wait3A_1113 = arith.constant 0 : i32
        %dma_wait3A_1114 = tpu.memref_slice %arg6[%add3A_1107, %dma_wait3A_1113] : memref<819200x64xf32, #tpu.memory_space<hbm>> -> memref<400x64xf32, #tpu.memory_space<hbm>>
        %dma_wait3A_1115 = arith.constant 0 : i32
        %dma_wait3A_1116 = tpu.memref_slice %arg6[%add3A_1107, %dma_wait3A_1115] : memref<819200x64xf32, #tpu.memory_space<hbm>> -> memref<400x64xf32, #tpu.memory_space<hbm>>
        %dma_wait3A_1117 = arith.constant 0 : i32
        %dma_wait3A_1118 = arith.constant 0 : i32
        %dma_wait3A_1119 = tpu.memref_slice %arg9[%dma_wait3A_1108, %dma_wait3A_1117, %dma_wait3A_1118] : memref<3x400x64xf32, #tpu.memory_space<vmem>> -> memref<1x400x64xf32, #tpu.memory_space<vmem>>
        %dma_wait3A_1120 = tpu.memref_squeeze %dma_wait3A_1119 : memref<1x400x64xf32, #tpu.memory_space<vmem>> -> memref<400x64xf32, #tpu.memory_space<vmem>>
        tpu.wait_dma2 semaphore(%arg15 : memref<!tpu.dma_semaphore, #tpu.memory_space<semaphore_mem>>) src(%dma_wait3A_1120 : memref<400x64xf32, #tpu.memory_space<vmem>>) dst(%dma_wait3A_1116 : memref<400x64xf32, #tpu.memory_space<hbm>>)
        %add3A_1121 = arith.constant 2 : i32
        %add3A_1122 = arith.addi %add3A_636, %add3A_1121 : i32
        %mul3A_1123 = arith.constant 400 : i32
        %mul3A_1124 = arith.muli %add3A_1122, %mul3A_1123 : i32
        %add3A_1125 = arith.constant 0 : i32
        %add3A_1126 = arith.addi %mul3A_1124, %add3A_1125 : i32
        %get3A_1127 = arith.index_cast %add3A_1126 : i32 to index
        %get3A_1128 = tpu.vector_load %arg7[%get3A_1127] {strides = array<i32>} : memref<25600xi32, #tpu.memory_space<vmem>>, vector<16xi32>,
        %get3A_1129 = vector.shape_cast %get3A_1128 : vector<16xi32> to vector<16xi32>
        %dma_start3A_1130 = arith.constant 2 : i32
        %dma_start3A_1131 = arith.constant 0 : i32
        %dma_start3A_1132 = arith.constant 0 : i32
        %dma_start3A_1133 = tpu.memref_slice %arg9[%dma_start3A_1130, %dma_start3A_1131, %dma_start3A_1132] : memref<3x400x64xf32, #tpu.memory_space<vmem>> -> memref<1x16x64xf32, #tpu.memory_space<vmem>>
        %dma_start3A_1134 = tpu.memref_squeeze %dma_start3A_1133 : memref<1x16x64xf32, #tpu.memory_space<vmem>> -> memref<16x64xf32, #tpu.memory_space<vmem>>
        %dma_start3A_1135 = arith.constant 0 : i32
        %dma_start3A_1136 = arith.constant 0 : i32
        %dma_start3A_1137 = tpu.memref_slice %arg2[%dma_start3A_1135, %dma_start3A_1136] : memref<1000000x64xf32, #tpu.memory_space<hbm>> -> memref<1000000x64xf32, #tpu.memory_space<hbm>>
        tpu.enqueue_indirect_dma source(%dma_start3A_1137 : memref<1000000x64xf32, #tpu.memory_space<hbm>>) target(%dma_start3A_1134 : memref<16x64xf32, #tpu.memory_space<vmem>>) offsets(%get3A_1129 : vector<16xi32>) semaphore(%arg12 : memref<!tpu.dma_semaphore, #tpu.memory_space<semaphore_mem>>)
        %add3A_1138 = arith.constant 16 : i32
        %add3A_1139 = arith.addi %mul3A_1124, %add3A_1138 : i32
        %get3A_1140 = arith.index_cast %add3A_1139 : i32 to index
        %get3A_1141 = tpu.vector_load %arg7[%get3A_1140] {strides = array<i32>} : memref<25600xi32, #tpu.memory_space<vmem>>, vector<16xi32>,
        %get3A_1142 = vector.shape_cast %get3A_1141 : vector<16xi32> to vector<16xi32>
        %dma_start3A_1143 = arith.constant 2 : i32
        %dma_start3A_1144 = arith.constant 16 : i32
        %dma_start3A_1145 = arith.constant 0 : i32
        %dma_start3A_1146 = tpu.memref_slice %arg9[%dma_start3A_1143, %dma_start3A_1144, %dma_start3A_1145] : memref<3x400x64xf32, #tpu.memory_space<vmem>> -> memref<1x16x64xf32, #tpu.memory_space<vmem>>
        %dma_start3A_1147 = tpu.memref_squeeze %dma_start3A_1146 : memref<1x16x64xf32, #tpu.memory_space<vmem>> -> memref<16x64xf32, #tpu.memory_space<vmem>>
        %dma_start3A_1148 = arith.constant 0 : i32
        %dma_start3A_1149 = arith.constant 0 : i32
        %dma_start3A_1150 = tpu.memref_slice %arg3[%dma_start3A_1148, %dma_start3A_1149] : memref<1000000x64xf32, #tpu.memory_space<hbm>> -> memref<1000000x64xf32, #tpu.memory_space<hbm>>
        tpu.enqueue_indirect_dma source(%dma_start3A_1150 : memref<1000000x64xf32, #tpu.memory_space<hbm>>) target(%dma_start3A_1147 : memref<16x64xf32, #tpu.memory_space<vmem>>) offsets(%get3A_1142 : vector<16xi32>) semaphore(%arg12 : memref<!tpu.dma_semaphore, #tpu.memory_space<semaphore_mem>>)
        %add3A_1151 = arith.constant 32 : i32
        %add3A_1152 = arith.addi %mul3A_1124, %add3A_1151 : i32
        %get3A_1153 = arith.index_cast %add3A_1152 : i32 to index
        %get3A_1154 = tpu.vector_load %arg7[%get3A_1153] {strides = array<i32>} : memref<25600xi32, #tpu.memory_space<vmem>>, vector<16xi32>,
        %get3A_1155 = vector.shape_cast %get3A_1154 : vector<16xi32> to vector<16xi32>
        %dma_start3A_1156 = arith.constant 2 : i32
        %dma_start3A_1157 = arith.constant 32 : i32
        %dma_start3A_1158 = arith.constant 0 : i32
        %dma_start3A_1159 = tpu.memref_slice %arg9[%dma_start3A_1156, %dma_start3A_1157, %dma_start3A_1158] : memref<3x400x64xf32, #tpu.memory_space<vmem>> -> memref<1x16x64xf32, #tpu.memory_space<vmem>>
        %dma_start3A_1160 = tpu.memref_squeeze %dma_start3A_1159 : memref<1x16x64xf32, #tpu.memory_space<vmem>> -> memref<16x64xf32, #tpu.memory_space<vmem>>
        %dma_start3A_1161 = arith.constant 0 : i32
        %dma_start3A_1162 = arith.constant 0 : i32
        %dma_start3A_1163 = tpu.memref_slice %arg2[%dma_start3A_1161, %dma_start3A_1162] : memref<1000000x64xf32, #tpu.memory_space<hbm>> -> memref<1000000x64xf32, #tpu.memory_space<hbm>>
        tpu.enqueue_indirect_dma source(%dma_start3A_1163 : memref<1000000x64xf32, #tpu.memory_space<hbm>>) target(%dma_start3A_1160 : memref<16x64xf32, #tpu.memory_space<vmem>>) offsets(%get3A_1155 : vector<16xi32>) semaphore(%arg12 : memref<!tpu.dma_semaphore, #tpu.memory_space<semaphore_mem>>)
        %add3A_1164 = arith.constant 48 : i32
        %add3A_1165 = arith.addi %mul3A_1124, %add3A_1164 : i32
        %get3A_1166 = arith.index_cast %add3A_1165 : i32 to index
        %get3A_1167 = tpu.vector_load %arg7[%get3A_1166] {strides = array<i32>} : memref<25600xi32, #tpu.memory_space<vmem>>, vector<16xi32>,
        %get3A_1168 = vector.shape_cast %get3A_1167 : vector<16xi32> to vector<16xi32>
        %dma_start3A_1169 = arith.constant 2 : i32
        %dma_start3A_1170 = arith.constant 48 : i32
        %dma_start3A_1171 = arith.constant 0 : i32
        %dma_start3A_1172 = tpu.memref_slice %arg9[%dma_start3A_1169, %dma_start3A_1170, %dma_start3A_1171] : memref<3x400x64xf32, #tpu.memory_space<vmem>> -> memref<1x16x64xf32, #tpu.memory_space<vmem>>
        %dma_start3A_1173 = tpu.memref_squeeze %dma_start3A_1172 : memref<1x16x64xf32, #tpu.memory_space<vmem>> -> memref<16x64xf32, #tpu.memory_space<vmem>>
        %dma_start3A_1174 = arith.constant 0 : i32
        %dma_start3A_1175 = arith.constant 0 : i32
        %dma_start3A_1176 = tpu.memref_slice %arg3[%dma_start3A_1174, %dma_start3A_1175] : memref<1000000x64xf32, #tpu.memory_space<hbm>> -> memref<1000000x64xf32, #tpu.memory_space<hbm>>
        tpu.enqueue_indirect_dma source(%dma_start3A_1176 : memref<1000000x64xf32, #tpu.memory_space<hbm>>) target(%dma_start3A_1173 : memref<16x64xf32, #tpu.memory_space<vmem>>) offsets(%get3A_1168 : vector<16xi32>) semaphore(%arg12 : memref<!tpu.dma_semaphore, #tpu.memory_space<semaphore_mem>>)
        %add3A_1177 = arith.constant 64 : i32
        %add3A_1178 = arith.addi %mul3A_1124, %add3A_1177 : i32
        %get3A_1179 = arith.index_cast %add3A_1178 : i32 to index
        %get3A_1180 = tpu.vector_load %arg7[%get3A_1179] {strides = array<i32>} : memref<25600xi32, #tpu.memory_space<vmem>>, vector<16xi32>,
        %get3A_1181 = vector.shape_cast %get3A_1180 : vector<16xi32> to vector<16xi32>
        %dma_start3A_1182 = arith.constant 2 : i32
        %dma_start3A_1183 = arith.constant 64 : i32
        %dma_start3A_1184 = arith.constant 0 : i32
        %dma_start3A_1185 = tpu.memref_slice %arg9[%dma_start3A_1182, %dma_start3A_1183, %dma_start3A_1184] : memref<3x400x64xf32, #tpu.memory_space<vmem>> -> memref<1x16x64xf32, #tpu.memory_space<vmem>>
        %dma_start3A_1186 = tpu.memref_squeeze %dma_start3A_1185 : memref<1x16x64xf32, #tpu.memory_space<vmem>> -> memref<16x64xf32, #tpu.memory_space<vmem>>
        %dma_start3A_1187 = arith.constant 0 : i32
        %dma_start3A_1188 = arith.constant 0 : i32
        %dma_start3A_1189 = tpu.memref_slice %arg2[%dma_start3A_1187, %dma_start3A_1188] : memref<1000000x64xf32, #tpu.memory_space<hbm>> -> memref<1000000x64xf32, #tpu.memory_space<hbm>>
        tpu.enqueue_indirect_dma source(%dma_start3A_1189 : memref<1000000x64xf32, #tpu.memory_space<hbm>>) target(%dma_start3A_1186 : memref<16x64xf32, #tpu.memory_space<vmem>>) offsets(%get3A_1181 : vector<16xi32>) semaphore(%arg12 : memref<!tpu.dma_semaphore, #tpu.memory_space<semaphore_mem>>)
        %add3A_1190 = arith.constant 80 : i32
        %add3A_1191 = arith.addi %mul3A_1124, %add3A_1190 : i32
        %get3A_1192 = arith.index_cast %add3A_1191 : i32 to index
        %get3A_1193 = tpu.vector_load %arg7[%get3A_1192] {strides = array<i32>} : memref<25600xi32, #tpu.memory_space<vmem>>, vector<16xi32>,
        %get3A_1194 = vector.shape_cast %get3A_1193 : vector<16xi32> to vector<16xi32>
        %dma_start3A_1195 = arith.constant 2 : i32
        %dma_start3A_1196 = arith.constant 80 : i32
        %dma_start3A_1197 = arith.constant 0 : i32
        %dma_start3A_1198 = tpu.memref_slice %arg9[%dma_start3A_1195, %dma_start3A_1196, %dma_start3A_1197] : memref<3x400x64xf32, #tpu.memory_space<vmem>> -> memref<1x16x64xf32, #tpu.memory_space<vmem>>
        %dma_start3A_1199 = tpu.memref_squeeze %dma_start3A_1198 : memref<1x16x64xf32, #tpu.memory_space<vmem>> -> memref<16x64xf32, #tpu.memory_space<vmem>>
        %dma_start3A_1200 = arith.constant 0 : i32
        %dma_start3A_1201 = arith.constant 0 : i32
        %dma_start3A_1202 = tpu.memref_slice %arg3[%dma_start3A_1200, %dma_start3A_1201] : memref<1000000x64xf32, #tpu.memory_space<hbm>> -> memref<1000000x64xf32, #tpu.memory_space<hbm>>
        tpu.enqueue_indirect_dma source(%dma_start3A_1202 : memref<1000000x64xf32, #tpu.memory_space<hbm>>) target(%dma_start3A_1199 : memref<16x64xf32, #tpu.memory_space<vmem>>) offsets(%get3A_1194 : vector<16xi32>) semaphore(%arg12 : memref<!tpu.dma_semaphore, #tpu.memory_space<semaphore_mem>>)
        %add3A_1203 = arith.constant 96 : i32
        %add3A_1204 = arith.addi %mul3A_1124, %add3A_1203 : i32
        %get3A_1205 = arith.index_cast %add3A_1204 : i32 to index
        %get3A_1206 = tpu.vector_load %arg7[%get3A_1205] {strides = array<i32>} : memref<25600xi32, #tpu.memory_space<vmem>>, vector<16xi32>,
        %get3A_1207 = vector.shape_cast %get3A_1206 : vector<16xi32> to vector<16xi32>
        %dma_start3A_1208 = arith.constant 2 : i32
        %dma_start3A_1209 = arith.constant 96 : i32
        %dma_start3A_1210 = arith.constant 0 : i32
        %dma_start3A_1211 = tpu.memref_slice %arg9[%dma_start3A_1208, %dma_start3A_1209, %dma_start3A_1210] : memref<3x400x64xf32, #tpu.memory_space<vmem>> -> memref<1x16x64xf32, #tpu.memory_space<vmem>>
        %dma_start3A_1212 = tpu.memref_squeeze %dma_start3A_1211 : memref<1x16x64xf32, #tpu.memory_space<vmem>> -> memref<16x64xf32, #tpu.memory_space<vmem>>
        %dma_start3A_1213 = arith.constant 0 : i32
        %dma_start3A_1214 = arith.constant 0 : i32
        %dma_start3A_1215 = tpu.memref_slice %arg2[%dma_start3A_1213, %dma_start3A_1214] : memref<1000000x64xf32, #tpu.memory_space<hbm>> -> memref<1000000x64xf32, #tpu.memory_space<hbm>>
        tpu.enqueue_indirect_dma source(%dma_start3A_1215 : memref<1000000x64xf32, #tpu.memory_space<hbm>>) target(%dma_start3A_1212 : memref<16x64xf32, #tpu.memory_space<vmem>>) offsets(%get3A_1207 : vector<16xi32>) semaphore(%arg12 : memref<!tpu.dma_semaphore, #tpu.memory_space<semaphore_mem>>)
        %add3A_1216 = arith.constant 112 : i32
        %add3A_1217 = arith.addi %mul3A_1124, %add3A_1216 : i32
        %get3A_1218 = arith.index_cast %add3A_1217 : i32 to index
        %get3A_1219 = tpu.vector_load %arg7[%get3A_1218] {strides = array<i32>} : memref<25600xi32, #tpu.memory_space<vmem>>, vector<16xi32>,
        %get3A_1220 = vector.shape_cast %get3A_1219 : vector<16xi32> to vector<16xi32>
        %dma_start3A_1221 = arith.constant 2 : i32
        %dma_start3A_1222 = arith.constant 112 : i32
        %dma_start3A_1223 = arith.constant 0 : i32
        %dma_start3A_1224 = tpu.memref_slice %arg9[%dma_start3A_1221, %dma_start3A_1222, %dma_start3A_1223] : memref<3x400x64xf32, #tpu.memory_space<vmem>> -> memref<1x16x64xf32, #tpu.memory_space<vmem>>
        %dma_start3A_1225 = tpu.memref_squeeze %dma_start3A_1224 : memref<1x16x64xf32, #tpu.memory_space<vmem>> -> memref<16x64xf32, #tpu.memory_space<vmem>>
        %dma_start3A_1226 = arith.constant 0 : i32
        %dma_start3A_1227 = arith.constant 0 : i32
        %dma_start3A_1228 = tpu.memref_slice %arg3[%dma_start3A_1226, %dma_start3A_1227] : memref<1000000x64xf32, #tpu.memory_space<hbm>> -> memref<1000000x64xf32, #tpu.memory_space<hbm>>
        tpu.enqueue_indirect_dma source(%dma_start3A_1228 : memref<1000000x64xf32, #tpu.memory_space<hbm>>) target(%dma_start3A_1225 : memref<16x64xf32, #tpu.memory_space<vmem>>) offsets(%get3A_1220 : vector<16xi32>) semaphore(%arg12 : memref<!tpu.dma_semaphore, #tpu.memory_space<semaphore_mem>>)
        %add3A_1229 = arith.constant 128 : i32
        %add3A_1230 = arith.addi %mul3A_1124, %add3A_1229 : i32
        %get3A_1231 = arith.index_cast %add3A_1230 : i32 to index
        %get3A_1232 = tpu.vector_load %arg7[%get3A_1231] {strides = array<i32>} : memref<25600xi32, #tpu.memory_space<vmem>>, vector<16xi32>,
        %get3A_1233 = vector.shape_cast %get3A_1232 : vector<16xi32> to vector<16xi32>
        %dma_start3A_1234 = arith.constant 2 : i32
        %dma_start3A_1235 = arith.constant 128 : i32
        %dma_start3A_1236 = arith.constant 0 : i32
        %dma_start3A_1237 = tpu.memref_slice %arg9[%dma_start3A_1234, %dma_start3A_1235, %dma_start3A_1236] : memref<3x400x64xf32, #tpu.memory_space<vmem>> -> memref<1x16x64xf32, #tpu.memory_space<vmem>>
        %dma_start3A_1238 = tpu.memref_squeeze %dma_start3A_1237 : memref<1x16x64xf32, #tpu.memory_space<vmem>> -> memref<16x64xf32, #tpu.memory_space<vmem>>
        %dma_start3A_1239 = arith.constant 0 : i32
        %dma_start3A_1240 = arith.constant 0 : i32
        %dma_start3A_1241 = tpu.memref_slice %arg2[%dma_start3A_1239, %dma_start3A_1240] : memref<1000000x64xf32, #tpu.memory_space<hbm>> -> memref<1000000x64xf32, #tpu.memory_space<hbm>>
        tpu.enqueue_indirect_dma source(%dma_start3A_1241 : memref<1000000x64xf32, #tpu.memory_space<hbm>>) target(%dma_start3A_1238 : memref<16x64xf32, #tpu.memory_space<vmem>>) offsets(%get3A_1233 : vector<16xi32>) semaphore(%arg12 : memref<!tpu.dma_semaphore, #tpu.memory_space<semaphore_mem>>)
        %add3A_1242 = arith.constant 144 : i32
        %add3A_1243 = arith.addi %mul3A_1124, %add3A_1242 : i32
        %get3A_1244 = arith.index_cast %add3A_1243 : i32 to index
        %get3A_1245 = tpu.vector_load %arg7[%get3A_1244] {strides = array<i32>} : memref<25600xi32, #tpu.memory_space<vmem>>, vector<16xi32>,
        %get3A_1246 = vector.shape_cast %get3A_1245 : vector<16xi32> to vector<16xi32>
        %dma_start3A_1247 = arith.constant 2 : i32
        %dma_start3A_1248 = arith.constant 144 : i32
        %dma_start3A_1249 = arith.constant 0 : i32
        %dma_start3A_1250 = tpu.memref_slice %arg9[%dma_start3A_1247, %dma_start3A_1248, %dma_start3A_1249] : memref<3x400x64xf32, #tpu.memory_space<vmem>> -> memref<1x16x64xf32, #tpu.memory_space<vmem>>
        %dma_start3A_1251 = tpu.memref_squeeze %dma_start3A_1250 : memref<1x16x64xf32, #tpu.memory_space<vmem>> -> memref<16x64xf32, #tpu.memory_space<vmem>>
        %dma_start3A_1252 = arith.constant 0 : i32
        %dma_start3A_1253 = arith.constant 0 : i32
        %dma_start3A_1254 = tpu.memref_slice %arg3[%dma_start3A_1252, %dma_start3A_1253] : memref<1000000x64xf32, #tpu.memory_space<hbm>> -> memref<1000000x64xf32, #tpu.memory_space<hbm>>
        tpu.enqueue_indirect_dma source(%dma_start3A_1254 : memref<1000000x64xf32, #tpu.memory_space<hbm>>) target(%dma_start3A_1251 : memref<16x64xf32, #tpu.memory_space<vmem>>) offsets(%get3A_1246 : vector<16xi32>) semaphore(%arg12 : memref<!tpu.dma_semaphore, #tpu.memory_space<semaphore_mem>>)
        %add3A_1255 = arith.constant 160 : i32
        %add3A_1256 = arith.addi %mul3A_1124, %add3A_1255 : i32
        %get3A_1257 = arith.index_cast %add3A_1256 : i32 to index
        %get3A_1258 = tpu.vector_load %arg7[%get3A_1257] {strides = array<i32>} : memref<25600xi32, #tpu.memory_space<vmem>>, vector<16xi32>,
        %get3A_1259 = vector.shape_cast %get3A_1258 : vector<16xi32> to vector<16xi32>
        %dma_start3A_1260 = arith.constant 2 : i32
        %dma_start3A_1261 = arith.constant 160 : i32
        %dma_start3A_1262 = arith.constant 0 : i32
        %dma_start3A_1263 = tpu.memref_slice %arg9[%dma_start3A_1260, %dma_start3A_1261, %dma_start3A_1262] : memref<3x400x64xf32, #tpu.memory_space<vmem>> -> memref<1x16x64xf32, #tpu.memory_space<vmem>>
        %dma_start3A_1264 = tpu.memref_squeeze %dma_start3A_1263 : memref<1x16x64xf32, #tpu.memory_space<vmem>> -> memref<16x64xf32, #tpu.memory_space<vmem>>
        %dma_start3A_1265 = arith.constant 0 : i32
        %dma_start3A_1266 = arith.constant 0 : i32
        %dma_start3A_1267 = tpu.memref_slice %arg2[%dma_start3A_1265, %dma_start3A_1266] : memref<1000000x64xf32, #tpu.memory_space<hbm>> -> memref<1000000x64xf32, #tpu.memory_space<hbm>>
        tpu.enqueue_indirect_dma source(%dma_start3A_1267 : memref<1000000x64xf32, #tpu.memory_space<hbm>>) target(%dma_start3A_1264 : memref<16x64xf32, #tpu.memory_space<vmem>>) offsets(%get3A_1259 : vector<16xi32>) semaphore(%arg12 : memref<!tpu.dma_semaphore, #tpu.memory_space<semaphore_mem>>)
        %add3A_1268 = arith.constant 176 : i32
        %add3A_1269 = arith.addi %mul3A_1124, %add3A_1268 : i32
        %get3A_1270 = arith.index_cast %add3A_1269 : i32 to index
        %get3A_1271 = tpu.vector_load %arg7[%get3A_1270] {strides = array<i32>} : memref<25600xi32, #tpu.memory_space<vmem>>, vector<16xi32>,
        %get3A_1272 = vector.shape_cast %get3A_1271 : vector<16xi32> to vector<16xi32>
        %dma_start3A_1273 = arith.constant 2 : i32
        %dma_start3A_1274 = arith.constant 176 : i32
        %dma_start3A_1275 = arith.constant 0 : i32
        %dma_start3A_1276 = tpu.memref_slice %arg9[%dma_start3A_1273, %dma_start3A_1274, %dma_start3A_1275] : memref<3x400x64xf32, #tpu.memory_space<vmem>> -> memref<1x16x64xf32, #tpu.memory_space<vmem>>
        %dma_start3A_1277 = tpu.memref_squeeze %dma_start3A_1276 : memref<1x16x64xf32, #tpu.memory_space<vmem>> -> memref<16x64xf32, #tpu.memory_space<vmem>>
        %dma_start3A_1278 = arith.constant 0 : i32
        %dma_start3A_1279 = arith.constant 0 : i32
        %dma_start3A_1280 = tpu.memref_slice %arg3[%dma_start3A_1278, %dma_start3A_1279] : memref<1000000x64xf32, #tpu.memory_space<hbm>> -> memref<1000000x64xf32, #tpu.memory_space<hbm>>
        tpu.enqueue_indirect_dma source(%dma_start3A_1280 : memref<1000000x64xf32, #tpu.memory_space<hbm>>) target(%dma_start3A_1277 : memref<16x64xf32, #tpu.memory_space<vmem>>) offsets(%get3A_1272 : vector<16xi32>) semaphore(%arg12 : memref<!tpu.dma_semaphore, #tpu.memory_space<semaphore_mem>>)
        %add3A_1281 = arith.constant 192 : i32
        %add3A_1282 = arith.addi %mul3A_1124, %add3A_1281 : i32
        %get3A_1283 = arith.index_cast %add3A_1282 : i32 to index
        %get3A_1284 = tpu.vector_load %arg7[%get3A_1283] {strides = array<i32>} : memref<25600xi32, #tpu.memory_space<vmem>>, vector<16xi32>,
        %get3A_1285 = vector.shape_cast %get3A_1284 : vector<16xi32> to vector<16xi32>
        %dma_start3A_1286 = arith.constant 2 : i32
        %dma_start3A_1287 = arith.constant 192 : i32
        %dma_start3A_1288 = arith.constant 0 : i32
        %dma_start3A_1289 = tpu.memref_slice %arg9[%dma_start3A_1286, %dma_start3A_1287, %dma_start3A_1288] : memref<3x400x64xf32, #tpu.memory_space<vmem>> -> memref<1x16x64xf32, #tpu.memory_space<vmem>>
        %dma_start3A_1290 = tpu.memref_squeeze %dma_start3A_1289 : memref<1x16x64xf32, #tpu.memory_space<vmem>> -> memref<16x64xf32, #tpu.memory_space<vmem>>
        %dma_start3A_1291 = arith.constant 0 : i32
        %dma_start3A_1292 = arith.constant 0 : i32
        %dma_start3A_1293 = tpu.memref_slice %arg2[%dma_start3A_1291, %dma_start3A_1292] : memref<1000000x64xf32, #tpu.memory_space<hbm>> -> memref<1000000x64xf32, #tpu.memory_space<hbm>>
        tpu.enqueue_indirect_dma source(%dma_start3A_1293 : memref<1000000x64xf32, #tpu.memory_space<hbm>>) target(%dma_start3A_1290 : memref<16x64xf32, #tpu.memory_space<vmem>>) offsets(%get3A_1285 : vector<16xi32>) semaphore(%arg12 : memref<!tpu.dma_semaphore, #tpu.memory_space<semaphore_mem>>)
        %add3A_1294 = arith.constant 208 : i32
        %add3A_1295 = arith.addi %mul3A_1124, %add3A_1294 : i32
        %get3A_1296 = arith.index_cast %add3A_1295 : i32 to index
        %get3A_1297 = tpu.vector_load %arg7[%get3A_1296] {strides = array<i32>} : memref<25600xi32, #tpu.memory_space<vmem>>, vector<16xi32>,
        %get3A_1298 = vector.shape_cast %get3A_1297 : vector<16xi32> to vector<16xi32>
        %dma_start3A_1299 = arith.constant 2 : i32
        %dma_start3A_1300 = arith.constant 208 : i32
        %dma_start3A_1301 = arith.constant 0 : i32
        %dma_start3A_1302 = tpu.memref_slice %arg9[%dma_start3A_1299, %dma_start3A_1300, %dma_start3A_1301] : memref<3x400x64xf32, #tpu.memory_space<vmem>> -> memref<1x16x64xf32, #tpu.memory_space<vmem>>
        %dma_start3A_1303 = tpu.memref_squeeze %dma_start3A_1302 : memref<1x16x64xf32, #tpu.memory_space<vmem>> -> memref<16x64xf32, #tpu.memory_space<vmem>>
        %dma_start3A_1304 = arith.constant 0 : i32
        %dma_start3A_1305 = arith.constant 0 : i32
        %dma_start3A_1306 = tpu.memref_slice %arg3[%dma_start3A_1304, %dma_start3A_1305] : memref<1000000x64xf32, #tpu.memory_space<hbm>> -> memref<1000000x64xf32, #tpu.memory_space<hbm>>
        tpu.enqueue_indirect_dma source(%dma_start3A_1306 : memref<1000000x64xf32, #tpu.memory_space<hbm>>) target(%dma_start3A_1303 : memref<16x64xf32, #tpu.memory_space<vmem>>) offsets(%get3A_1298 : vector<16xi32>) semaphore(%arg12 : memref<!tpu.dma_semaphore, #tpu.memory_space<semaphore_mem>>)
        %add3A_1307 = arith.constant 224 : i32
        %add3A_1308 = arith.addi %mul3A_1124, %add3A_1307 : i32
        %get3A_1309 = arith.index_cast %add3A_1308 : i32 to index
        %get3A_1310 = tpu.vector_load %arg7[%get3A_1309] {strides = array<i32>} : memref<25600xi32, #tpu.memory_space<vmem>>, vector<16xi32>,
        %get3A_1311 = vector.shape_cast %get3A_1310 : vector<16xi32> to vector<16xi32>
        %dma_start3A_1312 = arith.constant 2 : i32
        %dma_start3A_1313 = arith.constant 224 : i32
        %dma_start3A_1314 = arith.constant 0 : i32
        %dma_start3A_1315 = tpu.memref_slice %arg9[%dma_start3A_1312, %dma_start3A_1313, %dma_start3A_1314] : memref<3x400x64xf32, #tpu.memory_space<vmem>> -> memref<1x16x64xf32, #tpu.memory_space<vmem>>
        %dma_start3A_1316 = tpu.memref_squeeze %dma_start3A_1315 : memref<1x16x64xf32, #tpu.memory_space<vmem>> -> memref<16x64xf32, #tpu.memory_space<vmem>>
        %dma_start3A_1317 = arith.constant 0 : i32
        %dma_start3A_1318 = arith.constant 0 : i32
        %dma_start3A_1319 = tpu.memref_slice %arg2[%dma_start3A_1317, %dma_start3A_1318] : memref<1000000x64xf32, #tpu.memory_space<hbm>> -> memref<1000000x64xf32, #tpu.memory_space<hbm>>
        tpu.enqueue_indirect_dma source(%dma_start3A_1319 : memref<1000000x64xf32, #tpu.memory_space<hbm>>) target(%dma_start3A_1316 : memref<16x64xf32, #tpu.memory_space<vmem>>) offsets(%get3A_1311 : vector<16xi32>) semaphore(%arg12 : memref<!tpu.dma_semaphore, #tpu.memory_space<semaphore_mem>>)
        %add3A_1320 = arith.constant 240 : i32
        %add3A_1321 = arith.addi %mul3A_1124, %add3A_1320 : i32
        %get3A_1322 = arith.index_cast %add3A_1321 : i32 to index
        %get3A_1323 = tpu.vector_load %arg7[%get3A_1322] {strides = array<i32>} : memref<25600xi32, #tpu.memory_space<vmem>>, vector<16xi32>,
        %get3A_1324 = vector.shape_cast %get3A_1323 : vector<16xi32> to vector<16xi32>
        %dma_start3A_1325 = arith.constant 2 : i32
        %dma_start3A_1326 = arith.constant 240 : i32
        %dma_start3A_1327 = arith.constant 0 : i32
        %dma_start3A_1328 = tpu.memref_slice %arg9[%dma_start3A_1325, %dma_start3A_1326, %dma_start3A_1327] : memref<3x400x64xf32, #tpu.memory_space<vmem>> -> memref<1x16x64xf32, #tpu.memory_space<vmem>>
        %dma_start3A_1329 = tpu.memref_squeeze %dma_start3A_1328 : memref<1x16x64xf32, #tpu.memory_space<vmem>> -> memref<16x64xf32, #tpu.memory_space<vmem>>
        %dma_start3A_1330 = arith.constant 0 : i32
        %dma_start3A_1331 = arith.constant 0 : i32
        %dma_start3A_1332 = tpu.memref_slice %arg3[%dma_start3A_1330, %dma_start3A_1331] : memref<1000000x64xf32, #tpu.memory_space<hbm>> -> memref<1000000x64xf32, #tpu.memory_space<hbm>>
        tpu.enqueue_indirect_dma source(%dma_start3A_1332 : memref<1000000x64xf32, #tpu.memory_space<hbm>>) target(%dma_start3A_1329 : memref<16x64xf32, #tpu.memory_space<vmem>>) offsets(%get3A_1324 : vector<16xi32>) semaphore(%arg12 : memref<!tpu.dma_semaphore, #tpu.memory_space<semaphore_mem>>)
        %add3A_1333 = arith.constant 256 : i32
        %add3A_1334 = arith.addi %mul3A_1124, %add3A_1333 : i32
        %get3A_1335 = arith.index_cast %add3A_1334 : i32 to index
        %get3A_1336 = tpu.vector_load %arg7[%get3A_1335] {strides = array<i32>} : memref<25600xi32, #tpu.memory_space<vmem>>, vector<16xi32>,
        %get3A_1337 = vector.shape_cast %get3A_1336 : vector<16xi32> to vector<16xi32>
        %dma_start3A_1338 = arith.constant 2 : i32
        %dma_start3A_1339 = arith.constant 256 : i32
        %dma_start3A_1340 = arith.constant 0 : i32
        %dma_start3A_1341 = tpu.memref_slice %arg9[%dma_start3A_1338, %dma_start3A_1339, %dma_start3A_1340] : memref<3x400x64xf32, #tpu.memory_space<vmem>> -> memref<1x16x64xf32, #tpu.memory_space<vmem>>
        %dma_start3A_1342 = tpu.memref_squeeze %dma_start3A_1341 : memref<1x16x64xf32, #tpu.memory_space<vmem>> -> memref<16x64xf32, #tpu.memory_space<vmem>>
        %dma_start3A_1343 = arith.constant 0 : i32
        %dma_start3A_1344 = arith.constant 0 : i32
        %dma_start3A_1345 = tpu.memref_slice %arg2[%dma_start3A_1343, %dma_start3A_1344] : memref<1000000x64xf32, #tpu.memory_space<hbm>> -> memref<1000000x64xf32, #tpu.memory_space<hbm>>
        tpu.enqueue_indirect_dma source(%dma_start3A_1345 : memref<1000000x64xf32, #tpu.memory_space<hbm>>) target(%dma_start3A_1342 : memref<16x64xf32, #tpu.memory_space<vmem>>) offsets(%get3A_1337 : vector<16xi32>) semaphore(%arg12 : memref<!tpu.dma_semaphore, #tpu.memory_space<semaphore_mem>>)
        %add3A_1346 = arith.constant 272 : i32
        %add3A_1347 = arith.addi %mul3A_1124, %add3A_1346 : i32
        %get3A_1348 = arith.index_cast %add3A_1347 : i32 to index
        %get3A_1349 = tpu.vector_load %arg7[%get3A_1348] {strides = array<i32>} : memref<25600xi32, #tpu.memory_space<vmem>>, vector<16xi32>,
        %get3A_1350 = vector.shape_cast %get3A_1349 : vector<16xi32> to vector<16xi32>
        %dma_start3A_1351 = arith.constant 2 : i32
        %dma_start3A_1352 = arith.constant 272 : i32
        %dma_start3A_1353 = arith.constant 0 : i32
        %dma_start3A_1354 = tpu.memref_slice %arg9[%dma_start3A_1351, %dma_start3A_1352, %dma_start3A_1353] : memref<3x400x64xf32, #tpu.memory_space<vmem>> -> memref<1x16x64xf32, #tpu.memory_space<vmem>>
        %dma_start3A_1355 = tpu.memref_squeeze %dma_start3A_1354 : memref<1x16x64xf32, #tpu.memory_space<vmem>> -> memref<16x64xf32, #tpu.memory_space<vmem>>
        %dma_start3A_1356 = arith.constant 0 : i32
        %dma_start3A_1357 = arith.constant 0 : i32
        %dma_start3A_1358 = tpu.memref_slice %arg3[%dma_start3A_1356, %dma_start3A_1357] : memref<1000000x64xf32, #tpu.memory_space<hbm>> -> memref<1000000x64xf32, #tpu.memory_space<hbm>>
        tpu.enqueue_indirect_dma source(%dma_start3A_1358 : memref<1000000x64xf32, #tpu.memory_space<hbm>>) target(%dma_start3A_1355 : memref<16x64xf32, #tpu.memory_space<vmem>>) offsets(%get3A_1350 : vector<16xi32>) semaphore(%arg12 : memref<!tpu.dma_semaphore, #tpu.memory_space<semaphore_mem>>)
        %add3A_1359 = arith.constant 288 : i32
        %add3A_1360 = arith.addi %mul3A_1124, %add3A_1359 : i32
        %get3A_1361 = arith.index_cast %add3A_1360 : i32 to index
        %get3A_1362 = tpu.vector_load %arg7[%get3A_1361] {strides = array<i32>} : memref<25600xi32, #tpu.memory_space<vmem>>, vector<16xi32>,
        %get3A_1363 = vector.shape_cast %get3A_1362 : vector<16xi32> to vector<16xi32>
        %dma_start3A_1364 = arith.constant 2 : i32
        %dma_start3A_1365 = arith.constant 288 : i32
        %dma_start3A_1366 = arith.constant 0 : i32
        %dma_start3A_1367 = tpu.memref_slice %arg9[%dma_start3A_1364, %dma_start3A_1365, %dma_start3A_1366] : memref<3x400x64xf32, #tpu.memory_space<vmem>> -> memref<1x16x64xf32, #tpu.memory_space<vmem>>
        %dma_start3A_1368 = tpu.memref_squeeze %dma_start3A_1367 : memref<1x16x64xf32, #tpu.memory_space<vmem>> -> memref<16x64xf32, #tpu.memory_space<vmem>>
        %dma_start3A_1369 = arith.constant 0 : i32
        %dma_start3A_1370 = arith.constant 0 : i32
        %dma_start3A_1371 = tpu.memref_slice %arg2[%dma_start3A_1369, %dma_start3A_1370] : memref<1000000x64xf32, #tpu.memory_space<hbm>> -> memref<1000000x64xf32, #tpu.memory_space<hbm>>
        tpu.enqueue_indirect_dma source(%dma_start3A_1371 : memref<1000000x64xf32, #tpu.memory_space<hbm>>) target(%dma_start3A_1368 : memref<16x64xf32, #tpu.memory_space<vmem>>) offsets(%get3A_1363 : vector<16xi32>) semaphore(%arg12 : memref<!tpu.dma_semaphore, #tpu.memory_space<semaphore_mem>>)
        %add3A_1372 = arith.constant 304 : i32
        %add3A_1373 = arith.addi %mul3A_1124, %add3A_1372 : i32
        %get3A_1374 = arith.index_cast %add3A_1373 : i32 to index
        %get3A_1375 = tpu.vector_load %arg7[%get3A_1374] {strides = array<i32>} : memref<25600xi32, #tpu.memory_space<vmem>>, vector<16xi32>,
        %get3A_1376 = vector.shape_cast %get3A_1375 : vector<16xi32> to vector<16xi32>
        %dma_start3A_1377 = arith.constant 2 : i32
        %dma_start3A_1378 = arith.constant 304 : i32
        %dma_start3A_1379 = arith.constant 0 : i32
        %dma_start3A_1380 = tpu.memref_slice %arg9[%dma_start3A_1377, %dma_start3A_1378, %dma_start3A_1379] : memref<3x400x64xf32, #tpu.memory_space<vmem>> -> memref<1x16x64xf32, #tpu.memory_space<vmem>>
        %dma_start3A_1381 = tpu.memref_squeeze %dma_start3A_1380 : memref<1x16x64xf32, #tpu.memory_space<vmem>> -> memref<16x64xf32, #tpu.memory_space<vmem>>
        %dma_start3A_1382 = arith.constant 0 : i32
        %dma_start3A_1383 = arith.constant 0 : i32
        %dma_start3A_1384 = tpu.memref_slice %arg3[%dma_start3A_1382, %dma_start3A_1383] : memref<1000000x64xf32, #tpu.memory_space<hbm>> -> memref<1000000x64xf32, #tpu.memory_space<hbm>>
        tpu.enqueue_indirect_dma source(%dma_start3A_1384 : memref<1000000x64xf32, #tpu.memory_space<hbm>>) target(%dma_start3A_1381 : memref<16x64xf32, #tpu.memory_space<vmem>>) offsets(%get3A_1376 : vector<16xi32>) semaphore(%arg12 : memref<!tpu.dma_semaphore, #tpu.memory_space<semaphore_mem>>)
        %add3A_1385 = arith.constant 320 : i32
        %add3A_1386 = arith.addi %mul3A_1124, %add3A_1385 : i32
        %get3A_1387 = arith.index_cast %add3A_1386 : i32 to index
        %get3A_1388 = tpu.vector_load %arg7[%get3A_1387] {strides = array<i32>} : memref<25600xi32, #tpu.memory_space<vmem>>, vector<16xi32>,
        %get3A_1389 = vector.shape_cast %get3A_1388 : vector<16xi32> to vector<16xi32>
        %dma_start3A_1390 = arith.constant 2 : i32
        %dma_start3A_1391 = arith.constant 320 : i32
        %dma_start3A_1392 = arith.constant 0 : i32
        %dma_start3A_1393 = tpu.memref_slice %arg9[%dma_start3A_1390, %dma_start3A_1391, %dma_start3A_1392] : memref<3x400x64xf32, #tpu.memory_space<vmem>> -> memref<1x16x64xf32, #tpu.memory_space<vmem>>
        %dma_start3A_1394 = tpu.memref_squeeze %dma_start3A_1393 : memref<1x16x64xf32, #tpu.memory_space<vmem>> -> memref<16x64xf32, #tpu.memory_space<vmem>>
        %dma_start3A_1395 = arith.constant 0 : i32
        %dma_start3A_1396 = arith.constant 0 : i32
        %dma_start3A_1397 = tpu.memref_slice %arg2[%dma_start3A_1395, %dma_start3A_1396] : memref<1000000x64xf32, #tpu.memory_space<hbm>> -> memref<1000000x64xf32, #tpu.memory_space<hbm>>
        tpu.enqueue_indirect_dma source(%dma_start3A_1397 : memref<1000000x64xf32, #tpu.memory_space<hbm>>) target(%dma_start3A_1394 : memref<16x64xf32, #tpu.memory_space<vmem>>) offsets(%get3A_1389 : vector<16xi32>) semaphore(%arg12 : memref<!tpu.dma_semaphore, #tpu.memory_space<semaphore_mem>>)
        %add3A_1398 = arith.constant 336 : i32
        %add3A_1399 = arith.addi %mul3A_1124, %add3A_1398 : i32
        %get3A_1400 = arith.index_cast %add3A_1399 : i32 to index
        %get3A_1401 = tpu.vector_load %arg7[%get3A_1400] {strides = array<i32>} : memref<25600xi32, #tpu.memory_space<vmem>>, vector<16xi32>,
        %get3A_1402 = vector.shape_cast %get3A_1401 : vector<16xi32> to vector<16xi32>
        %dma_start3A_1403 = arith.constant 2 : i32
        %dma_start3A_1404 = arith.constant 336 : i32
        %dma_start3A_1405 = arith.constant 0 : i32
        %dma_start3A_1406 = tpu.memref_slice %arg9[%dma_start3A_1403, %dma_start3A_1404, %dma_start3A_1405] : memref<3x400x64xf32, #tpu.memory_space<vmem>> -> memref<1x16x64xf32, #tpu.memory_space<vmem>>
        %dma_start3A_1407 = tpu.memref_squeeze %dma_start3A_1406 : memref<1x16x64xf32, #tpu.memory_space<vmem>> -> memref<16x64xf32, #tpu.memory_space<vmem>>
        %dma_start3A_1408 = arith.constant 0 : i32
        %dma_start3A_1409 = arith.constant 0 : i32
        %dma_start3A_1410 = tpu.memref_slice %arg3[%dma_start3A_1408, %dma_start3A_1409] : memref<1000000x64xf32, #tpu.memory_space<hbm>> -> memref<1000000x64xf32, #tpu.memory_space<hbm>>
        tpu.enqueue_indirect_dma source(%dma_start3A_1410 : memref<1000000x64xf32, #tpu.memory_space<hbm>>) target(%dma_start3A_1407 : memref<16x64xf32, #tpu.memory_space<vmem>>) offsets(%get3A_1402 : vector<16xi32>) semaphore(%arg12 : memref<!tpu.dma_semaphore, #tpu.memory_space<semaphore_mem>>)
        %add3A_1411 = arith.constant 352 : i32
        %add3A_1412 = arith.addi %mul3A_1124, %add3A_1411 : i32
        %get3A_1413 = arith.index_cast %add3A_1412 : i32 to index
        %get3A_1414 = tpu.vector_load %arg7[%get3A_1413] {strides = array<i32>} : memref<25600xi32, #tpu.memory_space<vmem>>, vector<16xi32>,
        %get3A_1415 = vector.shape_cast %get3A_1414 : vector<16xi32> to vector<16xi32>
        %dma_start3A_1416 = arith.constant 2 : i32
        %dma_start3A_1417 = arith.constant 352 : i32
        %dma_start3A_1418 = arith.constant 0 : i32
        %dma_start3A_1419 = tpu.memref_slice %arg9[%dma_start3A_1416, %dma_start3A_1417, %dma_start3A_1418] : memref<3x400x64xf32, #tpu.memory_space<vmem>> -> memref<1x16x64xf32, #tpu.memory_space<vmem>>
        %dma_start3A_1420 = tpu.memref_squeeze %dma_start3A_1419 : memref<1x16x64xf32, #tpu.memory_space<vmem>> -> memref<16x64xf32, #tpu.memory_space<vmem>>
        %dma_start3A_1421 = arith.constant 0 : i32
        %dma_start3A_1422 = arith.constant 0 : i32
        %dma_start3A_1423 = tpu.memref_slice %arg2[%dma_start3A_1421, %dma_start3A_1422] : memref<1000000x64xf32, #tpu.memory_space<hbm>> -> memref<1000000x64xf32, #tpu.memory_space<hbm>>
        tpu.enqueue_indirect_dma source(%dma_start3A_1423 : memref<1000000x64xf32, #tpu.memory_space<hbm>>) target(%dma_start3A_1420 : memref<16x64xf32, #tpu.memory_space<vmem>>) offsets(%get3A_1415 : vector<16xi32>) semaphore(%arg12 : memref<!tpu.dma_semaphore, #tpu.memory_space<semaphore_mem>>)
        %add3A_1424 = arith.constant 368 : i32
        %add3A_1425 = arith.addi %mul3A_1124, %add3A_1424 : i32
        %get3A_1426 = arith.index_cast %add3A_1425 : i32 to index
        %get3A_1427 = tpu.vector_load %arg7[%get3A_1426] {strides = array<i32>} : memref<25600xi32, #tpu.memory_space<vmem>>, vector<16xi32>,
        %get3A_1428 = vector.shape_cast %get3A_1427 : vector<16xi32> to vector<16xi32>
        %dma_start3A_1429 = arith.constant 2 : i32
        %dma_start3A_1430 = arith.constant 368 : i32
        %dma_start3A_1431 = arith.constant 0 : i32
        %dma_start3A_1432 = tpu.memref_slice %arg9[%dma_start3A_1429, %dma_start3A_1430, %dma_start3A_1431] : memref<3x400x64xf32, #tpu.memory_space<vmem>> -> memref<1x16x64xf32, #tpu.memory_space<vmem>>
        %dma_start3A_1433 = tpu.memref_squeeze %dma_start3A_1432 : memref<1x16x64xf32, #tpu.memory_space<vmem>> -> memref<16x64xf32, #tpu.memory_space<vmem>>
        %dma_start3A_1434 = arith.constant 0 : i32
        %dma_start3A_1435 = arith.constant 0 : i32
        %dma_start3A_1436 = tpu.memref_slice %arg3[%dma_start3A_1434, %dma_start3A_1435] : memref<1000000x64xf32, #tpu.memory_space<hbm>> -> memref<1000000x64xf32, #tpu.memory_space<hbm>>
        tpu.enqueue_indirect_dma source(%dma_start3A_1436 : memref<1000000x64xf32, #tpu.memory_space<hbm>>) target(%dma_start3A_1433 : memref<16x64xf32, #tpu.memory_space<vmem>>) offsets(%get3A_1428 : vector<16xi32>) semaphore(%arg12 : memref<!tpu.dma_semaphore, #tpu.memory_space<semaphore_mem>>)
        %add3A_1437 = arith.constant 384 : i32
        %add3A_1438 = arith.addi %mul3A_1124, %add3A_1437 : i32
        %get3A_1439 = arith.index_cast %add3A_1438 : i32 to index
        %get3A_1440 = tpu.vector_load %arg7[%get3A_1439] {strides = array<i32>} : memref<25600xi32, #tpu.memory_space<vmem>>, vector<16xi32>,
        %get3A_1441 = vector.shape_cast %get3A_1440 : vector<16xi32> to vector<16xi32>
        %dma_start3A_1442 = arith.constant 2 : i32
        %dma_start3A_1443 = arith.constant 384 : i32
        %dma_start3A_1444 = arith.constant 0 : i32
        %dma_start3A_1445 = tpu.memref_slice %arg9[%dma_start3A_1442, %dma_start3A_1443, %dma_start3A_1444] : memref<3x400x64xf32, #tpu.memory_space<vmem>> -> memref<1x16x64xf32, #tpu.memory_space<vmem>>
        %dma_start3A_1446 = tpu.memref_squeeze %dma_start3A_1445 : memref<1x16x64xf32, #tpu.memory_space<vmem>> -> memref<16x64xf32, #tpu.memory_space<vmem>>
        %dma_start3A_1447 = arith.constant 0 : i32
        %dma_start3A_1448 = arith.constant 0 : i32
        %dma_start3A_1449 = tpu.memref_slice %arg2[%dma_start3A_1447, %dma_start3A_1448] : memref<1000000x64xf32, #tpu.memory_space<hbm>> -> memref<1000000x64xf32, #tpu.memory_space<hbm>>
        tpu.enqueue_indirect_dma source(%dma_start3A_1449 : memref<1000000x64xf32, #tpu.memory_space<hbm>>) target(%dma_start3A_1446 : memref<16x64xf32, #tpu.memory_space<vmem>>) offsets(%get3A_1441 : vector<16xi32>) semaphore(%arg12 : memref<!tpu.dma_semaphore, #tpu.memory_space<semaphore_mem>>)
      } else {
      }
      %mul3A_677 = arith.constant 3 : i32
      %mul3A_678 = arith.muli %scan3A_632, %mul3A_677 : i32
      %add3A_679 = arith.constant 1 : i32
      %add3A_680 = arith.addi %mul3A_678, %add3A_679 : i32
      %dma_wait3A_681 = arith.constant 1 : i32
      %dma_wait3A_682 = arith.constant 0 : i32
      %dma_wait3A_683 = arith.constant 0 : i32
      %dma_wait3A_684 = tpu.memref_slice %arg9[%dma_wait3A_681, %dma_wait3A_682, %dma_wait3A_683] : memref<3x400x64xf32, #tpu.memory_space<vmem>> -> memref<1x400x64xf32, #tpu.memory_space<vmem>>
      %dma_wait3A_685 = tpu.memref_squeeze %dma_wait3A_684 : memref<1x400x64xf32, #tpu.memory_space<vmem>> -> memref<400x64xf32, #tpu.memory_space<vmem>>
      %dma_wait3A_686 = arith.constant 0 : i32
      %dma_wait3A_687 = arith.constant 0 : i32
      %dma_wait3A_688 = tpu.memref_slice %arg2[%dma_wait3A_686, %dma_wait3A_687] : memref<1000000x64xf32, #tpu.memory_space<hbm>> -> memref<400x64xf32, #tpu.memory_space<hbm>>
      %dma_wait3A_689 = arith.constant 0 : i32
      %dma_wait3A_690 = arith.constant 0 : i32
      %dma_wait3A_691 = tpu.memref_slice %arg9[%dma_wait3A_681, %dma_wait3A_689, %dma_wait3A_690] : memref<3x400x64xf32, #tpu.memory_space<vmem>> -> memref<1x400x64xf32, #tpu.memory_space<vmem>>
      %dma_wait3A_692 = tpu.memref_squeeze %dma_wait3A_691 : memref<1x400x64xf32, #tpu.memory_space<vmem>> -> memref<400x64xf32, #tpu.memory_space<vmem>>
      %dma_wait3A_693 = arith.constant 0 : i32
      %dma_wait3A_694 = arith.constant 0 : i32
      %dma_wait3A_695 = tpu.memref_slice %arg2[%dma_wait3A_693, %dma_wait3A_694] : memref<1000000x64xf32, #tpu.memory_space<hbm>> -> memref<400x64xf32, #tpu.memory_space<hbm>>
      tpu.wait_dma2 semaphore(%arg11 : memref<!tpu.dma_semaphore, #tpu.memory_space<semaphore_mem>>) src(%dma_wait3A_695 : memref<400x64xf32, #tpu.memory_space<hbm>>) dst(%dma_wait3A_692 : memref<400x64xf32, #tpu.memory_space<vmem>>)
      %parallel_loop3A_696 = arith.constant 0 : i32
      %parallel_loop3A_697 = arith.constant 200 : i32
      %parallel_loop3A_698 = arith.constant 1 : i32
      scf.for %parallel_loop3A_1103 = %parallel_loop3A_696 to %parallel_loop3A_697 step %parallel_loop3A_698  : i32 {
        %parallel_loop3A_1104 = arith.constant 0 : i32
        %parallel_loop3A_1105 = arith.addi %parallel_loop3A_1103, %parallel_loop3A_1104 : i32
        %parallel_loop3A_1106 = arith.constant 1 : i32
        %parallel_loop3A_1107 = arith.index_cast %parallel_loop3A_1106 : i32 to index
        %parallel_loop3A_1108 = arith.index_cast %parallel_loop3A_1105 : i32 to index
        %parallel_loop3A_1109 = arith.constant 0 : index
        %parallel_loop3A_1110 = tpu.vector_load %arg9[%parallel_loop3A_1107, %parallel_loop3A_1108, %parallel_loop3A_1109] {strides = array<i32>} : memref<3x400x64xf32, #tpu.memory_space<vmem>>, vector<1x1x16xf32>,
        %parallel_loop3A_1111 = vector.shape_cast %parallel_loop3A_1110 : vector<1x1x16xf32> to vector<16xf32>
        %parallel_loop3A_1112 = arith.constant 8.000000e+00 : f32
        %parallel_loop3A_1113 = vector.broadcast %parallel_loop3A_1112 : f32 to vector<16xf32>
        %parallel_loop3A_1114 = arith.mulf %parallel_loop3A_1111, %parallel_loop3A_1113 : vector<16xf32>
        %parallel_loop3A_1115 = arith.index_cast %parallel_loop3A_1103 : i32 to index
        %parallel_loop3A_1116 = arith.constant 0 : index
        %parallel_loop3A_1117 = tpu.vector_load %arg8[%parallel_loop3A_1115, %parallel_loop3A_1116] {strides = array<i32>} : memref<200x64xf32, #tpu.memory_space<vmem>>, vector<1x16xf32>,
        %parallel_loop3A_1118 = vector.shape_cast %parallel_loop3A_1117 : vector<1x16xf32> to vector<16xf32>
        %parallel_loop3A_1119 = arith.addf %parallel_loop3A_1114, %parallel_loop3A_1118 : vector<16xf32>
        %parallel_loop3A_1120 = arith.constant 0 : i32
        %parallel_loop3A_1121 = arith.addi %parallel_loop3A_1103, %parallel_loop3A_1120 : i32
        %parallel_loop3A_1122 = arith.constant 1 : i32
        %parallel_loop3A_1123 = arith.index_cast %parallel_loop3A_1122 : i32 to index
        %parallel_loop3A_1124 = arith.index_cast %parallel_loop3A_1121 : i32 to index
        %parallel_loop3A_1125 = arith.constant 0 : index
        %parallel_loop3A_1126 = tpu.vector_load %arg9[%parallel_loop3A_1123, %parallel_loop3A_1124, %parallel_loop3A_1125] {strides = array<i32>} : memref<3x400x64xf32, #tpu.memory_space<vmem>>, vector<1x1x16xf32>,
        %parallel_loop3A_1127 = vector.shape_cast %parallel_loop3A_1126 : vector<1x1x16xf32> to vector<16xf32>
        %parallel_loop3A_1128 = vector.shape_cast %parallel_loop3A_1119 : vector<16xf32> to vector<1x1x16xf32>
        tpu.vector_store %arg9[%parallel_loop3A_1123, %parallel_loop3A_1124, %parallel_loop3A_1125], %parallel_loop3A_1128 {strides = array<i32>} : memref<3x400x64xf32, #tpu.memory_space<vmem>>, vector<1x1x16xf32>,
        %parallel_loop3A_1129 = arith.constant 0 : i32
        %parallel_loop3A_1130 = arith.addi %parallel_loop3A_1103, %parallel_loop3A_1129 : i32
        %parallel_loop3A_1131 = arith.constant 1 : i32
        %parallel_loop3A_1132 = arith.index_cast %parallel_loop3A_1131 : i32 to index
        %parallel_loop3A_1133 = arith.index_cast %parallel_loop3A_1130 : i32 to index
        %parallel_loop3A_1134 = arith.constant 16 : index
        %parallel_loop3A_1135 = tpu.vector_load %arg9[%parallel_loop3A_1132, %parallel_loop3A_1133, %parallel_loop3A_1134] {strides = array<i32>} : memref<3x400x64xf32, #tpu.memory_space<vmem>>, vector<1x1x16xf32>,
        %parallel_loop3A_1136 = vector.shape_cast %parallel_loop3A_1135 : vector<1x1x16xf32> to vector<16xf32>
        %parallel_loop3A_1137 = arith.constant 8.000000e+00 : f32
        %parallel_loop3A_1138 = vector.broadcast %parallel_loop3A_1137 : f32 to vector<16xf32>
        %parallel_loop3A_1139 = arith.mulf %parallel_loop3A_1136, %parallel_loop3A_1138 : vector<16xf32>
        %parallel_loop3A_1140 = arith.index_cast %parallel_loop3A_1103 : i32 to index
        %parallel_loop3A_1141 = arith.constant 16 : index
        %parallel_loop3A_1142 = tpu.vector_load %arg8[%parallel_loop3A_1140, %parallel_loop3A_1141] {strides = array<i32>} : memref<200x64xf32, #tpu.memory_space<vmem>>, vector<1x16xf32>,
        %parallel_loop3A_1143 = vector.shape_cast %parallel_loop3A_1142 : vector<1x16xf32> to vector<16xf32>
        %parallel_loop3A_1144 = arith.addf %parallel_loop3A_1139, %parallel_loop3A_1143 : vector<16xf32>
        %parallel_loop3A_1145 = arith.constant 0 : i32
        %parallel_loop3A_1146 = arith.addi %parallel_loop3A_1103, %parallel_loop3A_1145 : i32
        %parallel_loop3A_1147 = arith.constant 1 : i32
        %parallel_loop3A_1148 = arith.index_cast %parallel_loop3A_1147 : i32 to index
        %parallel_loop3A_1149 = arith.index_cast %parallel_loop3A_1146 : i32 to index
        %parallel_loop3A_1150 = arith.constant 16 : index
        %parallel_loop3A_1151 = tpu.vector_load %arg9[%parallel_loop3A_1148, %parallel_loop3A_1149, %parallel_loop3A_1150] {strides = array<i32>} : memref<3x400x64xf32, #tpu.memory_space<vmem>>, vector<1x1x16xf32>,
        %parallel_loop3A_1152 = vector.shape_cast %parallel_loop3A_1151 : vector<1x1x16xf32> to vector<16xf32>
        %parallel_loop3A_1153 = vector.shape_cast %parallel_loop3A_1144 : vector<16xf32> to vector<1x1x16xf32>
        tpu.vector_store %arg9[%parallel_loop3A_1148, %parallel_loop3A_1149, %parallel_loop3A_1150], %parallel_loop3A_1153 {strides = array<i32>} : memref<3x400x64xf32, #tpu.memory_space<vmem>>, vector<1x1x16xf32>,
        %parallel_loop3A_1154 = arith.constant 0 : i32
        %parallel_loop3A_1155 = arith.addi %parallel_loop3A_1103, %parallel_loop3A_1154 : i32
        %parallel_loop3A_1156 = arith.constant 1 : i32
        %parallel_loop3A_1157 = arith.index_cast %parallel_loop3A_1156 : i32 to index
        %parallel_loop3A_1158 = arith.index_cast %parallel_loop3A_1155 : i32 to index
        %parallel_loop3A_1159 = arith.constant 32 : index
        %parallel_loop3A_1160 = tpu.vector_load %arg9[%parallel_loop3A_1157, %parallel_loop3A_1158, %parallel_loop3A_1159] {strides = array<i32>} : memref<3x400x64xf32, #tpu.memory_space<vmem>>, vector<1x1x16xf32>,
        %parallel_loop3A_1161 = vector.shape_cast %parallel_loop3A_1160 : vector<1x1x16xf32> to vector<16xf32>
        %parallel_loop3A_1162 = arith.constant 8.000000e+00 : f32
        %parallel_loop3A_1163 = vector.broadcast %parallel_loop3A_1162 : f32 to vector<16xf32>
        %parallel_loop3A_1164 = arith.mulf %parallel_loop3A_1161, %parallel_loop3A_1163 : vector<16xf32>
        %parallel_loop3A_1165 = arith.index_cast %parallel_loop3A_1103 : i32 to index
        %parallel_loop3A_1166 = arith.constant 32 : index
        %parallel_loop3A_1167 = tpu.vector_load %arg8[%parallel_loop3A_1165, %parallel_loop3A_1166] {strides = array<i32>} : memref<200x64xf32, #tpu.memory_space<vmem>>, vector<1x16xf32>,
        %parallel_loop3A_1168 = vector.shape_cast %parallel_loop3A_1167 : vector<1x16xf32> to vector<16xf32>
        %parallel_loop3A_1169 = arith.addf %parallel_loop3A_1164, %parallel_loop3A_1168 : vector<16xf32>
        %parallel_loop3A_1170 = arith.constant 0 : i32
        %parallel_loop3A_1171 = arith.addi %parallel_loop3A_1103, %parallel_loop3A_1170 : i32
        %parallel_loop3A_1172 = arith.constant 1 : i32
        %parallel_loop3A_1173 = arith.index_cast %parallel_loop3A_1172 : i32 to index
        %parallel_loop3A_1174 = arith.index_cast %parallel_loop3A_1171 : i32 to index
        %parallel_loop3A_1175 = arith.constant 32 : index
        %parallel_loop3A_1176 = tpu.vector_load %arg9[%parallel_loop3A_1173, %parallel_loop3A_1174, %parallel_loop3A_1175] {strides = array<i32>} : memref<3x400x64xf32, #tpu.memory_space<vmem>>, vector<1x1x16xf32>,
        %parallel_loop3A_1177 = vector.shape_cast %parallel_loop3A_1176 : vector<1x1x16xf32> to vector<16xf32>
        %parallel_loop3A_1178 = vector.shape_cast %parallel_loop3A_1169 : vector<16xf32> to vector<1x1x16xf32>
        tpu.vector_store %arg9[%parallel_loop3A_1173, %parallel_loop3A_1174, %parallel_loop3A_1175], %parallel_loop3A_1178 {strides = array<i32>} : memref<3x400x64xf32, #tpu.memory_space<vmem>>, vector<1x1x16xf32>,
        %parallel_loop3A_1179 = arith.constant 0 : i32
        %parallel_loop3A_1180 = arith.addi %parallel_loop3A_1103, %parallel_loop3A_1179 : i32
        %parallel_loop3A_1181 = arith.constant 1 : i32
        %parallel_loop3A_1182 = arith.index_cast %parallel_loop3A_1181 : i32 to index
        %parallel_loop3A_1183 = arith.index_cast %parallel_loop3A_1180 : i32 to index
        %parallel_loop3A_1184 = arith.constant 48 : index
        %parallel_loop3A_1185 = tpu.vector_load %arg9[%parallel_loop3A_1182, %parallel_loop3A_1183, %parallel_loop3A_1184] {strides = array<i32>} : memref<3x400x64xf32, #tpu.memory_space<vmem>>, vector<1x1x16xf32>,
        %parallel_loop3A_1186 = vector.shape_cast %parallel_loop3A_1185 : vector<1x1x16xf32> to vector<16xf32>
        %parallel_loop3A_1187 = arith.constant 8.000000e+00 : f32
        %parallel_loop3A_1188 = vector.broadcast %parallel_loop3A_1187 : f32 to vector<16xf32>
        %parallel_loop3A_1189 = arith.mulf %parallel_loop3A_1186, %parallel_loop3A_1188 : vector<16xf32>
        %parallel_loop3A_1190 = arith.index_cast %parallel_loop3A_1103 : i32 to index
        %parallel_loop3A_1191 = arith.constant 48 : index
        %parallel_loop3A_1192 = tpu.vector_load %arg8[%parallel_loop3A_1190, %parallel_loop3A_1191] {strides = array<i32>} : memref<200x64xf32, #tpu.memory_space<vmem>>, vector<1x16xf32>,
        %parallel_loop3A_1193 = vector.shape_cast %parallel_loop3A_1192 : vector<1x16xf32> to vector<16xf32>
        %parallel_loop3A_1194 = arith.addf %parallel_loop3A_1189, %parallel_loop3A_1193 : vector<16xf32>
        %parallel_loop3A_1195 = arith.constant 0 : i32
        %parallel_loop3A_1196 = arith.addi %parallel_loop3A_1103, %parallel_loop3A_1195 : i32
        %parallel_loop3A_1197 = arith.constant 1 : i32
        %parallel_loop3A_1198 = arith.index_cast %parallel_loop3A_1197 : i32 to index
        %parallel_loop3A_1199 = arith.index_cast %parallel_loop3A_1196 : i32 to index
        %parallel_loop3A_1200 = arith.constant 48 : index
        %parallel_loop3A_1201 = tpu.vector_load %arg9[%parallel_loop3A_1198, %parallel_loop3A_1199, %parallel_loop3A_1200] {strides = array<i32>} : memref<3x400x64xf32, #tpu.memory_space<vmem>>, vector<1x1x16xf32>,
        %parallel_loop3A_1202 = vector.shape_cast %parallel_loop3A_1201 : vector<1x1x16xf32> to vector<16xf32>
        %parallel_loop3A_1203 = vector.shape_cast %parallel_loop3A_1194 : vector<16xf32> to vector<1x1x16xf32>
        tpu.vector_store %arg9[%parallel_loop3A_1198, %parallel_loop3A_1199, %parallel_loop3A_1200], %parallel_loop3A_1203 {strides = array<i32>} : memref<3x400x64xf32, #tpu.memory_space<vmem>>, vector<1x1x16xf32>,
        %parallel_loop3A_1204 = arith.constant 200 : i32
        %parallel_loop3A_1205 = arith.addi %parallel_loop3A_1103, %parallel_loop3A_1204 : i32
        %parallel_loop3A_1206 = arith.constant 1 : i32
        %parallel_loop3A_1207 = arith.index_cast %parallel_loop3A_1206 : i32 to index
        %parallel_loop3A_1208 = arith.index_cast %parallel_loop3A_1205 : i32 to index
        %parallel_loop3A_1209 = arith.constant 0 : index
        %parallel_loop3A_1210 = tpu.vector_load %arg9[%parallel_loop3A_1207, %parallel_loop3A_1208, %parallel_loop3A_1209] {strides = array<i32>} : memref<3x400x64xf32, #tpu.memory_space<vmem>>, vector<1x1x16xf32>,
        %parallel_loop3A_1211 = vector.shape_cast %parallel_loop3A_1210 : vector<1x1x16xf32> to vector<16xf32>
        %parallel_loop3A_1212 = arith.constant 8.000000e+00 : f32
        %parallel_loop3A_1213 = vector.broadcast %parallel_loop3A_1212 : f32 to vector<16xf32>
        %parallel_loop3A_1214 = arith.mulf %parallel_loop3A_1211, %parallel_loop3A_1213 : vector<16xf32>
        %parallel_loop3A_1215 = arith.index_cast %parallel_loop3A_1103 : i32 to index
        %parallel_loop3A_1216 = arith.constant 0 : index
        %parallel_loop3A_1217 = tpu.vector_load %arg8[%parallel_loop3A_1215, %parallel_loop3A_1216] {strides = array<i32>} : memref<200x64xf32, #tpu.memory_space<vmem>>, vector<1x16xf32>,
        %parallel_loop3A_1218 = vector.shape_cast %parallel_loop3A_1217 : vector<1x16xf32> to vector<16xf32>
        %parallel_loop3A_1219 = arith.addf %parallel_loop3A_1214, %parallel_loop3A_1218 : vector<16xf32>
        %parallel_loop3A_1220 = arith.constant 200 : i32
        %parallel_loop3A_1221 = arith.addi %parallel_loop3A_1103, %parallel_loop3A_1220 : i32
        %parallel_loop3A_1222 = arith.constant 1 : i32
        %parallel_loop3A_1223 = arith.index_cast %parallel_loop3A_1222 : i32 to index
        %parallel_loop3A_1224 = arith.index_cast %parallel_loop3A_1221 : i32 to index
        %parallel_loop3A_1225 = arith.constant 0 : index
        %parallel_loop3A_1226 = tpu.vector_load %arg9[%parallel_loop3A_1223, %parallel_loop3A_1224, %parallel_loop3A_1225] {strides = array<i32>} : memref<3x400x64xf32, #tpu.memory_space<vmem>>, vector<1x1x16xf32>,
        %parallel_loop3A_1227 = vector.shape_cast %parallel_loop3A_1226 : vector<1x1x16xf32> to vector<16xf32>
        %parallel_loop3A_1228 = vector.shape_cast %parallel_loop3A_1219 : vector<16xf32> to vector<1x1x16xf32>
        tpu.vector_store %arg9[%parallel_loop3A_1223, %parallel_loop3A_1224, %parallel_loop3A_1225], %parallel_loop3A_1228 {strides = array<i32>} : memref<3x400x64xf32, #tpu.memory_space<vmem>>, vector<1x1x16xf32>,
        %parallel_loop3A_1229 = arith.constant 200 : i32
        %parallel_loop3A_1230 = arith.addi %parallel_loop3A_1103, %parallel_loop3A_1229 : i32
        %parallel_loop3A_1231 = arith.constant 1 : i32
        %parallel_loop3A_1232 = arith.index_cast %parallel_loop3A_1231 : i32 to index
        %parallel_loop3A_1233 = arith.index_cast %parallel_loop3A_1230 : i32 to index
        %parallel_loop3A_1234 = arith.constant 16 : index
        %parallel_loop3A_1235 = tpu.vector_load %arg9[%parallel_loop3A_1232, %parallel_loop3A_1233, %parallel_loop3A_1234] {strides = array<i32>} : memref<3x400x64xf32, #tpu.memory_space<vmem>>, vector<1x1x16xf32>,
        %parallel_loop3A_1236 = vector.shape_cast %parallel_loop3A_1235 : vector<1x1x16xf32> to vector<16xf32>
        %parallel_loop3A_1237 = arith.constant 8.000000e+00 : f32
        %parallel_loop3A_1238 = vector.broadcast %parallel_loop3A_1237 : f32 to vector<16xf32>
        %parallel_loop3A_1239 = arith.mulf %parallel_loop3A_1236, %parallel_loop3A_1238 : vector<16xf32>
        %parallel_loop3A_1240 = arith.index_cast %parallel_loop3A_1103 : i32 to index
        %parallel_loop3A_1241 = arith.constant 16 : index
        %parallel_loop3A_1242 = tpu.vector_load %arg8[%parallel_loop3A_1240, %parallel_loop3A_1241] {strides = array<i32>} : memref<200x64xf32, #tpu.memory_space<vmem>>, vector<1x16xf32>,
        %parallel_loop3A_1243 = vector.shape_cast %parallel_loop3A_1242 : vector<1x16xf32> to vector<16xf32>
        %parallel_loop3A_1244 = arith.addf %parallel_loop3A_1239, %parallel_loop3A_1243 : vector<16xf32>
        %parallel_loop3A_1245 = arith.constant 200 : i32
        %parallel_loop3A_1246 = arith.addi %parallel_loop3A_1103, %parallel_loop3A_1245 : i32
        %parallel_loop3A_1247 = arith.constant 1 : i32
        %parallel_loop3A_1248 = arith.index_cast %parallel_loop3A_1247 : i32 to index
        %parallel_loop3A_1249 = arith.index_cast %parallel_loop3A_1246 : i32 to index
        %parallel_loop3A_1250 = arith.constant 16 : index
        %parallel_loop3A_1251 = tpu.vector_load %arg9[%parallel_loop3A_1248, %parallel_loop3A_1249, %parallel_loop3A_1250] {strides = array<i32>} : memref<3x400x64xf32, #tpu.memory_space<vmem>>, vector<1x1x16xf32>,
        %parallel_loop3A_1252 = vector.shape_cast %parallel_loop3A_1251 : vector<1x1x16xf32> to vector<16xf32>
        %parallel_loop3A_1253 = vector.shape_cast %parallel_loop3A_1244 : vector<16xf32> to vector<1x1x16xf32>
        tpu.vector_store %arg9[%parallel_loop3A_1248, %parallel_loop3A_1249, %parallel_loop3A_1250], %parallel_loop3A_1253 {strides = array<i32>} : memref<3x400x64xf32, #tpu.memory_space<vmem>>, vector<1x1x16xf32>,
        %parallel_loop3A_1254 = arith.constant 200 : i32
        %parallel_loop3A_1255 = arith.addi %parallel_loop3A_1103, %parallel_loop3A_1254 : i32
        %parallel_loop3A_1256 = arith.constant 1 : i32
        %parallel_loop3A_1257 = arith.index_cast %parallel_loop3A_1256 : i32 to index
        %parallel_loop3A_1258 = arith.index_cast %parallel_loop3A_1255 : i32 to index
        %parallel_loop3A_1259 = arith.constant 32 : index
        %parallel_loop3A_1260 = tpu.vector_load %arg9[%parallel_loop3A_1257, %parallel_loop3A_1258, %parallel_loop3A_1259] {strides = array<i32>} : memref<3x400x64xf32, #tpu.memory_space<vmem>>, vector<1x1x16xf32>,
        %parallel_loop3A_1261 = vector.shape_cast %parallel_loop3A_1260 : vector<1x1x16xf32> to vector<16xf32>
        %parallel_loop3A_1262 = arith.constant 8.000000e+00 : f32
        %parallel_loop3A_1263 = vector.broadcast %parallel_loop3A_1262 : f32 to vector<16xf32>
        %parallel_loop3A_1264 = arith.mulf %parallel_loop3A_1261, %parallel_loop3A_1263 : vector<16xf32>
        %parallel_loop3A_1265 = arith.index_cast %parallel_loop3A_1103 : i32 to index
        %parallel_loop3A_1266 = arith.constant 32 : index
        %parallel_loop3A_1267 = tpu.vector_load %arg8[%parallel_loop3A_1265, %parallel_loop3A_1266] {strides = array<i32>} : memref<200x64xf32, #tpu.memory_space<vmem>>, vector<1x16xf32>,
        %parallel_loop3A_1268 = vector.shape_cast %parallel_loop3A_1267 : vector<1x16xf32> to vector<16xf32>
        %parallel_loop3A_1269 = arith.addf %parallel_loop3A_1264, %parallel_loop3A_1268 : vector<16xf32>
        %parallel_loop3A_1270 = arith.constant 200 : i32
        %parallel_loop3A_1271 = arith.addi %parallel_loop3A_1103, %parallel_loop3A_1270 : i32
        %parallel_loop3A_1272 = arith.constant 1 : i32
        %parallel_loop3A_1273 = arith.index_cast %parallel_loop3A_1272 : i32 to index
        %parallel_loop3A_1274 = arith.index_cast %parallel_loop3A_1271 : i32 to index
        %parallel_loop3A_1275 = arith.constant 32 : index
        %parallel_loop3A_1276 = tpu.vector_load %arg9[%parallel_loop3A_1273, %parallel_loop3A_1274, %parallel_loop3A_1275] {strides = array<i32>} : memref<3x400x64xf32, #tpu.memory_space<vmem>>, vector<1x1x16xf32>,
        %parallel_loop3A_1277 = vector.shape_cast %parallel_loop3A_1276 : vector<1x1x16xf32> to vector<16xf32>
        %parallel_loop3A_1278 = vector.shape_cast %parallel_loop3A_1269 : vector<16xf32> to vector<1x1x16xf32>
        tpu.vector_store %arg9[%parallel_loop3A_1273, %parallel_loop3A_1274, %parallel_loop3A_1275], %parallel_loop3A_1278 {strides = array<i32>} : memref<3x400x64xf32, #tpu.memory_space<vmem>>, vector<1x1x16xf32>,
        %parallel_loop3A_1279 = arith.constant 200 : i32
        %parallel_loop3A_1280 = arith.addi %parallel_loop3A_1103, %parallel_loop3A_1279 : i32
        %parallel_loop3A_1281 = arith.constant 1 : i32
        %parallel_loop3A_1282 = arith.index_cast %parallel_loop3A_1281 : i32 to index
        %parallel_loop3A_1283 = arith.index_cast %parallel_loop3A_1280 : i32 to index
        %parallel_loop3A_1284 = arith.constant 48 : index
        %parallel_loop3A_1285 = tpu.vector_load %arg9[%parallel_loop3A_1282, %parallel_loop3A_1283, %parallel_loop3A_1284] {strides = array<i32>} : memref<3x400x64xf32, #tpu.memory_space<vmem>>, vector<1x1x16xf32>,
        %parallel_loop3A_1286 = vector.shape_cast %parallel_loop3A_1285 : vector<1x1x16xf32> to vector<16xf32>
        %parallel_loop3A_1287 = arith.constant 8.000000e+00 : f32
        %parallel_loop3A_1288 = vector.broadcast %parallel_loop3A_1287 : f32 to vector<16xf32>
        %parallel_loop3A_1289 = arith.mulf %parallel_loop3A_1286, %parallel_loop3A_1288 : vector<16xf32>
        %parallel_loop3A_1290 = arith.index_cast %parallel_loop3A_1103 : i32 to index
        %parallel_loop3A_1291 = arith.constant 48 : index
        %parallel_loop3A_1292 = tpu.vector_load %arg8[%parallel_loop3A_1290, %parallel_loop3A_1291] {strides = array<i32>} : memref<200x64xf32, #tpu.memory_space<vmem>>, vector<1x16xf32>,
        %parallel_loop3A_1293 = vector.shape_cast %parallel_loop3A_1292 : vector<1x16xf32> to vector<16xf32>
        %parallel_loop3A_1294 = arith.addf %parallel_loop3A_1289, %parallel_loop3A_1293 : vector<16xf32>
        %parallel_loop3A_1295 = arith.constant 200 : i32
        %parallel_loop3A_1296 = arith.addi %parallel_loop3A_1103, %parallel_loop3A_1295 : i32
        %parallel_loop3A_1297 = arith.constant 1 : i32
        %parallel_loop3A_1298 = arith.index_cast %parallel_loop3A_1297 : i32 to index
        %parallel_loop3A_1299 = arith.index_cast %parallel_loop3A_1296 : i32 to index
        %parallel_loop3A_1300 = arith.constant 48 : index
        %parallel_loop3A_1301 = tpu.vector_load %arg9[%parallel_loop3A_1298, %parallel_loop3A_1299, %parallel_loop3A_1300] {strides = array<i32>} : memref<3x400x64xf32, #tpu.memory_space<vmem>>, vector<1x1x16xf32>,
        %parallel_loop3A_1302 = vector.shape_cast %parallel_loop3A_1301 : vector<1x1x16xf32> to vector<16xf32>
        %parallel_loop3A_1303 = vector.shape_cast %parallel_loop3A_1294 : vector<16xf32> to vector<1x1x16xf32>
        tpu.vector_store %arg9[%parallel_loop3A_1298, %parallel_loop3A_1299, %parallel_loop3A_1300], %parallel_loop3A_1303 {strides = array<i32>} : memref<3x400x64xf32, #tpu.memory_space<vmem>>, vector<1x1x16xf32>,
      } {sc.loop_unroll_factor = 8 : i64, sc.parallel_access}
      %mul3A_699 = arith.constant 400 : i32
      %mul3A_700 = arith.muli %add3A_680, %mul3A_699 : i32
      %add3A_701 = arith.addi %mul3A_2, %mul3A_700 : i32
      %dma_start3A_702 = arith.constant 1 : i32
      %dma_start3A_703 = arith.constant 0 : i32
      %dma_start3A_704 = arith.constant 0 : i32
      %dma_start3A_705 = tpu.memref_slice %arg9[%dma_start3A_702, %dma_start3A_703, %dma_start3A_704] : memref<3x400x64xf32, #tpu.memory_space<vmem>> -> memref<1x400x64xf32, #tpu.memory_space<vmem>>
      %dma_start3A_706 = tpu.memref_squeeze %dma_start3A_705 : memref<1x400x64xf32, #tpu.memory_space<vmem>> -> memref<400x64xf32, #tpu.memory_space<vmem>>
      %dma_start3A_707 = arith.constant 0 : i32
      %dma_start3A_708 = tpu.memref_slice %arg6[%add3A_701, %dma_start3A_707] : memref<819200x64xf32, #tpu.memory_space<hbm>> -> memref<400x64xf32, #tpu.memory_space<hbm>>
      %dma_start3A_709 = arith.constant 0 : i32
      %dma_start3A_710 = tpu.memref_slice %arg6[%add3A_701, %dma_start3A_709] : memref<819200x64xf32, #tpu.memory_space<hbm>> -> memref<400x64xf32, #tpu.memory_space<hbm>>
      %dma_start3A_711 = arith.constant 0 : i32
      %dma_start3A_712 = arith.constant 0 : i32
      %dma_start3A_713 = tpu.memref_slice %arg9[%dma_start3A_702, %dma_start3A_711, %dma_start3A_712] : memref<3x400x64xf32, #tpu.memory_space<vmem>> -> memref<1x400x64xf32, #tpu.memory_space<vmem>>
      %dma_start3A_714 = tpu.memref_squeeze %dma_start3A_713 : memref<1x400x64xf32, #tpu.memory_space<vmem>> -> memref<400x64xf32, #tpu.memory_space<vmem>>
      tpu.enqueue_dma source(%dma_start3A_714 : memref<400x64xf32, #tpu.memory_space<vmem>>) target(%dma_start3A_710 : memref<400x64xf32, #tpu.memory_space<hbm>>) target_semaphore(%arg14 : memref<!tpu.dma_semaphore, #tpu.memory_space<semaphore_mem>>)
      %sub3A = arith.constant 1 : i32
      %sub3A_715 = arith.subi %add3A_680, %sub3A : i32
      %mul3A_716 = arith.constant 400 : i32
      %mul3A_717 = arith.muli %sub3A_715, %mul3A_716 : i32
      %add3A_718 = arith.addi %mul3A_2, %mul3A_717 : i32
      %dma_wait3A_719 = arith.constant 0 : i32
      %dma_wait3A_720 = arith.constant 0 : i32
      %dma_wait3A_721 = arith.constant 0 : i32
      %dma_wait3A_722 = tpu.memref_slice %arg9[%dma_wait3A_719, %dma_wait3A_720, %dma_wait3A_721] : memref<3x400x64xf32, #tpu.memory_space<vmem>> -> memref<1x400x64xf32, #tpu.memory_space<vmem>>
      %dma_wait3A_723 = tpu.memref_squeeze %dma_wait3A_722 : memref<1x400x64xf32, #tpu.memory_space<vmem>> -> memref<400x64xf32, #tpu.memory_space<vmem>>
      %dma_wait3A_724 = arith.constant 0 : i32
      %dma_wait3A_725 = tpu.memref_slice %arg6[%add3A_718, %dma_wait3A_724] : memref<819200x64xf32, #tpu.memory_space<hbm>> -> memref<400x64xf32, #tpu.memory_space<hbm>>
      %dma_wait3A_726 = arith.constant 0 : i32
      %dma_wait3A_727 = tpu.memref_slice %arg6[%add3A_718, %dma_wait3A_726] : memref<819200x64xf32, #tpu.memory_space<hbm>> -> memref<400x64xf32, #tpu.memory_space<hbm>>
      %dma_wait3A_728 = arith.constant 0 : i32
      %dma_wait3A_729 = arith.constant 0 : i32
      %dma_wait3A_730 = tpu.memref_slice %arg9[%dma_wait3A_719, %dma_wait3A_728, %dma_wait3A_729] : memref<3x400x64xf32, #tpu.memory_space<vmem>> -> memref<1x400x64xf32, #tpu.memory_space<vmem>>
      %dma_wait3A_731 = tpu.memref_squeeze %dma_wait3A_730 : memref<1x400x64xf32, #tpu.memory_space<vmem>> -> memref<400x64xf32, #tpu.memory_space<vmem>>
      tpu.wait_dma2 semaphore(%arg13 : memref<!tpu.dma_semaphore, #tpu.memory_space<semaphore_mem>>) src(%dma_wait3A_731 : memref<400x64xf32, #tpu.memory_space<vmem>>) dst(%dma_wait3A_727 : memref<400x64xf32, #tpu.memory_space<hbm>>)
      %add3A_732 = arith.constant 2 : i32
      %add3A_733 = arith.addi %add3A_680, %add3A_732 : i32
      %mul3A_734 = arith.constant 400 : i32
      %mul3A_735 = arith.muli %add3A_733, %mul3A_734 : i32
      %add3A_736 = arith.constant 0 : i32
      %add3A_737 = arith.addi %mul3A_735, %add3A_736 : i32
      %get3A_738 = arith.index_cast %add3A_737 : i32 to index
      %get3A_739 = tpu.vector_load %arg7[%get3A_738] {strides = array<i32>} : memref<25600xi32, #tpu.memory_space<vmem>>, vector<16xi32>,
      %get3A_740 = vector.shape_cast %get3A_739 : vector<16xi32> to vector<16xi32>
      %dma_start3A_741 = arith.constant 0 : i32
      %dma_start3A_742 = arith.constant 0 : i32
      %dma_start3A_743 = arith.constant 0 : i32
      %dma_start3A_744 = tpu.memref_slice %arg9[%dma_start3A_741, %dma_start3A_742, %dma_start3A_743] : memref<3x400x64xf32, #tpu.memory_space<vmem>> -> memref<1x16x64xf32, #tpu.memory_space<vmem>>
      %dma_start3A_745 = tpu.memref_squeeze %dma_start3A_744 : memref<1x16x64xf32, #tpu.memory_space<vmem>> -> memref<16x64xf32, #tpu.memory_space<vmem>>
      %dma_start3A_746 = arith.constant 0 : i32
      %dma_start3A_747 = arith.constant 0 : i32
      %dma_start3A_748 = tpu.memref_slice %arg2[%dma_start3A_746, %dma_start3A_747] : memref<1000000x64xf32, #tpu.memory_space<hbm>> -> memref<1000000x64xf32, #tpu.memory_space<hbm>>
      tpu.enqueue_indirect_dma source(%dma_start3A_748 : memref<1000000x64xf32, #tpu.memory_space<hbm>>) target(%dma_start3A_745 : memref<16x64xf32, #tpu.memory_space<vmem>>) offsets(%get3A_740 : vector<16xi32>) semaphore(%arg10 : memref<!tpu.dma_semaphore, #tpu.memory_space<semaphore_mem>>)
      %add3A_749 = arith.constant 16 : i32
      %add3A_750 = arith.addi %mul3A_735, %add3A_749 : i32
      %get3A_751 = arith.index_cast %add3A_750 : i32 to index
      %get3A_752 = tpu.vector_load %arg7[%get3A_751] {strides = array<i32>} : memref<25600xi32, #tpu.memory_space<vmem>>, vector<16xi32>,
      %get3A_753 = vector.shape_cast %get3A_752 : vector<16xi32> to vector<16xi32>
      %dma_start3A_754 = arith.constant 0 : i32
      %dma_start3A_755 = arith.constant 16 : i32
      %dma_start3A_756 = arith.constant 0 : i32
      %dma_start3A_757 = tpu.memref_slice %arg9[%dma_start3A_754, %dma_start3A_755, %dma_start3A_756] : memref<3x400x64xf32, #tpu.memory_space<vmem>> -> memref<1x16x64xf32, #tpu.memory_space<vmem>>
      %dma_start3A_758 = tpu.memref_squeeze %dma_start3A_757 : memref<1x16x64xf32, #tpu.memory_space<vmem>> -> memref<16x64xf32, #tpu.memory_space<vmem>>
      %dma_start3A_759 = arith.constant 0 : i32
      %dma_start3A_760 = arith.constant 0 : i32
      %dma_start3A_761 = tpu.memref_slice %arg3[%dma_start3A_759, %dma_start3A_760] : memref<1000000x64xf32, #tpu.memory_space<hbm>> -> memref<1000000x64xf32, #tpu.memory_space<hbm>>
      tpu.enqueue_indirect_dma source(%dma_start3A_761 : memref<1000000x64xf32, #tpu.memory_space<hbm>>) target(%dma_start3A_758 : memref<16x64xf32, #tpu.memory_space<vmem>>) offsets(%get3A_753 : vector<16xi32>) semaphore(%arg10 : memref<!tpu.dma_semaphore, #tpu.memory_space<semaphore_mem>>)
      %add3A_762 = arith.constant 32 : i32
      %add3A_763 = arith.addi %mul3A_735, %add3A_762 : i32
      %get3A_764 = arith.index_cast %add3A_763 : i32 to index
      %get3A_765 = tpu.vector_load %arg7[%get3A_764] {strides = array<i32>} : memref<25600xi32, #tpu.memory_space<vmem>>, vector<16xi32>,
      %get3A_766 = vector.shape_cast %get3A_765 : vector<16xi32> to vector<16xi32>
      %dma_start3A_767 = arith.constant 0 : i32
      %dma_start3A_768 = arith.constant 32 : i32
      %dma_start3A_769 = arith.constant 0 : i32
      %dma_start3A_770 = tpu.memref_slice %arg9[%dma_start3A_767, %dma_start3A_768, %dma_start3A_769] : memref<3x400x64xf32, #tpu.memory_space<vmem>> -> memref<1x16x64xf32, #tpu.memory_space<vmem>>
      %dma_start3A_771 = tpu.memref_squeeze %dma_start3A_770 : memref<1x16x64xf32, #tpu.memory_space<vmem>> -> memref<16x64xf32, #tpu.memory_space<vmem>>
      %dma_start3A_772 = arith.constant 0 : i32
      %dma_start3A_773 = arith.constant 0 : i32
      %dma_start3A_774 = tpu.memref_slice %arg2[%dma_start3A_772, %dma_start3A_773] : memref<1000000x64xf32, #tpu.memory_space<hbm>> -> memref<1000000x64xf32, #tpu.memory_space<hbm>>
      tpu.enqueue_indirect_dma source(%dma_start3A_774 : memref<1000000x64xf32, #tpu.memory_space<hbm>>) target(%dma_start3A_771 : memref<16x64xf32, #tpu.memory_space<vmem>>) offsets(%get3A_766 : vector<16xi32>) semaphore(%arg10 : memref<!tpu.dma_semaphore, #tpu.memory_space<semaphore_mem>>)
      %add3A_775 = arith.constant 48 : i32
      %add3A_776 = arith.addi %mul3A_735, %add3A_775 : i32
      %get3A_777 = arith.index_cast %add3A_776 : i32 to index
      %get3A_778 = tpu.vector_load %arg7[%get3A_777] {strides = array<i32>} : memref<25600xi32, #tpu.memory_space<vmem>>, vector<16xi32>,
      %get3A_779 = vector.shape_cast %get3A_778 : vector<16xi32> to vector<16xi32>
      %dma_start3A_780 = arith.constant 0 : i32
      %dma_start3A_781 = arith.constant 48 : i32
      %dma_start3A_782 = arith.constant 0 : i32
      %dma_start3A_783 = tpu.memref_slice %arg9[%dma_start3A_780, %dma_start3A_781, %dma_start3A_782] : memref<3x400x64xf32, #tpu.memory_space<vmem>> -> memref<1x16x64xf32, #tpu.memory_space<vmem>>
      %dma_start3A_784 = tpu.memref_squeeze %dma_start3A_783 : memref<1x16x64xf32, #tpu.memory_space<vmem>> -> memref<16x64xf32, #tpu.memory_space<vmem>>
      %dma_start3A_785 = arith.constant 0 : i32
      %dma_start3A_786 = arith.constant 0 : i32
      %dma_start3A_787 = tpu.memref_slice %arg3[%dma_start3A_785, %dma_start3A_786] : memref<1000000x64xf32, #tpu.memory_space<hbm>> -> memref<1000000x64xf32, #tpu.memory_space<hbm>>
      tpu.enqueue_indirect_dma source(%dma_start3A_787 : memref<1000000x64xf32, #tpu.memory_space<hbm>>) target(%dma_start3A_784 : memref<16x64xf32, #tpu.memory_space<vmem>>) offsets(%get3A_779 : vector<16xi32>) semaphore(%arg10 : memref<!tpu.dma_semaphore, #tpu.memory_space<semaphore_mem>>)
      %add3A_788 = arith.constant 64 : i32
      %add3A_789 = arith.addi %mul3A_735, %add3A_788 : i32
      %get3A_790 = arith.index_cast %add3A_789 : i32 to index
      %get3A_791 = tpu.vector_load %arg7[%get3A_790] {strides = array<i32>} : memref<25600xi32, #tpu.memory_space<vmem>>, vector<16xi32>,
      %get3A_792 = vector.shape_cast %get3A_791 : vector<16xi32> to vector<16xi32>
      %dma_start3A_793 = arith.constant 0 : i32
      %dma_start3A_794 = arith.constant 64 : i32
      %dma_start3A_795 = arith.constant 0 : i32
      %dma_start3A_796 = tpu.memref_slice %arg9[%dma_start3A_793, %dma_start3A_794, %dma_start3A_795] : memref<3x400x64xf32, #tpu.memory_space<vmem>> -> memref<1x16x64xf32, #tpu.memory_space<vmem>>
      %dma_start3A_797 = tpu.memref_squeeze %dma_start3A_796 : memref<1x16x64xf32, #tpu.memory_space<vmem>> -> memref<16x64xf32, #tpu.memory_space<vmem>>
      %dma_start3A_798 = arith.constant 0 : i32
      %dma_start3A_799 = arith.constant 0 : i32
      %dma_start3A_800 = tpu.memref_slice %arg2[%dma_start3A_798, %dma_start3A_799] : memref<1000000x64xf32, #tpu.memory_space<hbm>> -> memref<1000000x64xf32, #tpu.memory_space<hbm>>
      tpu.enqueue_indirect_dma source(%dma_start3A_800 : memref<1000000x64xf32, #tpu.memory_space<hbm>>) target(%dma_start3A_797 : memref<16x64xf32, #tpu.memory_space<vmem>>) offsets(%get3A_792 : vector<16xi32>) semaphore(%arg10 : memref<!tpu.dma_semaphore, #tpu.memory_space<semaphore_mem>>)
      %add3A_801 = arith.constant 80 : i32
      %add3A_802 = arith.addi %mul3A_735, %add3A_801 : i32
      %get3A_803 = arith.index_cast %add3A_802 : i32 to index
      %get3A_804 = tpu.vector_load %arg7[%get3A_803] {strides = array<i32>} : memref<25600xi32, #tpu.memory_space<vmem>>, vector<16xi32>,
      %get3A_805 = vector.shape_cast %get3A_804 : vector<16xi32> to vector<16xi32>
      %dma_start3A_806 = arith.constant 0 : i32
      %dma_start3A_807 = arith.constant 80 : i32
      %dma_start3A_808 = arith.constant 0 : i32
      %dma_start3A_809 = tpu.memref_slice %arg9[%dma_start3A_806, %dma_start3A_807, %dma_start3A_808] : memref<3x400x64xf32, #tpu.memory_space<vmem>> -> memref<1x16x64xf32, #tpu.memory_space<vmem>>
      %dma_start3A_810 = tpu.memref_squeeze %dma_start3A_809 : memref<1x16x64xf32, #tpu.memory_space<vmem>> -> memref<16x64xf32, #tpu.memory_space<vmem>>
      %dma_start3A_811 = arith.constant 0 : i32
      %dma_start3A_812 = arith.constant 0 : i32
      %dma_start3A_813 = tpu.memref_slice %arg3[%dma_start3A_811, %dma_start3A_812] : memref<1000000x64xf32, #tpu.memory_space<hbm>> -> memref<1000000x64xf32, #tpu.memory_space<hbm>>
      tpu.enqueue_indirect_dma source(%dma_start3A_813 : memref<1000000x64xf32, #tpu.memory_space<hbm>>) target(%dma_start3A_810 : memref<16x64xf32, #tpu.memory_space<vmem>>) offsets(%get3A_805 : vector<16xi32>) semaphore(%arg10 : memref<!tpu.dma_semaphore, #tpu.memory_space<semaphore_mem>>)
      %add3A_814 = arith.constant 96 : i32
      %add3A_815 = arith.addi %mul3A_735, %add3A_814 : i32
      %get3A_816 = arith.index_cast %add3A_815 : i32 to index
      %get3A_817 = tpu.vector_load %arg7[%get3A_816] {strides = array<i32>} : memref<25600xi32, #tpu.memory_space<vmem>>, vector<16xi32>,
      %get3A_818 = vector.shape_cast %get3A_817 : vector<16xi32> to vector<16xi32>
      %dma_start3A_819 = arith.constant 0 : i32
      %dma_start3A_820 = arith.constant 96 : i32
      %dma_start3A_821 = arith.constant 0 : i32
      %dma_start3A_822 = tpu.memref_slice %arg9[%dma_start3A_819, %dma_start3A_820, %dma_start3A_821] : memref<3x400x64xf32, #tpu.memory_space<vmem>> -> memref<1x16x64xf32, #tpu.memory_space<vmem>>
      %dma_start3A_823 = tpu.memref_squeeze %dma_start3A_822 : memref<1x16x64xf32, #tpu.memory_space<vmem>> -> memref<16x64xf32, #tpu.memory_space<vmem>>
      %dma_start3A_824 = arith.constant 0 : i32
      %dma_start3A_825 = arith.constant 0 : i32
      %dma_start3A_826 = tpu.memref_slice %arg2[%dma_start3A_824, %dma_start3A_825] : memref<1000000x64xf32, #tpu.memory_space<hbm>> -> memref<1000000x64xf32, #tpu.memory_space<hbm>>
      tpu.enqueue_indirect_dma source(%dma_start3A_826 : memref<1000000x64xf32, #tpu.memory_space<hbm>>) target(%dma_start3A_823 : memref<16x64xf32, #tpu.memory_space<vmem>>) offsets(%get3A_818 : vector<16xi32>) semaphore(%arg10 : memref<!tpu.dma_semaphore, #tpu.memory_space<semaphore_mem>>)
      %add3A_827 = arith.constant 112 : i32
      %add3A_828 = arith.addi %mul3A_735, %add3A_827 : i32
      %get3A_829 = arith.index_cast %add3A_828 : i32 to index
      %get3A_830 = tpu.vector_load %arg7[%get3A_829] {strides = array<i32>} : memref<25600xi32, #tpu.memory_space<vmem>>, vector<16xi32>,
      %get3A_831 = vector.shape_cast %get3A_830 : vector<16xi32> to vector<16xi32>
      %dma_start3A_832 = arith.constant 0 : i32
      %dma_start3A_833 = arith.constant 112 : i32
      %dma_start3A_834 = arith.constant 0 : i32
      %dma_start3A_835 = tpu.memref_slice %arg9[%dma_start3A_832, %dma_start3A_833, %dma_start3A_834] : memref<3x400x64xf32, #tpu.memory_space<vmem>> -> memref<1x16x64xf32, #tpu.memory_space<vmem>>
      %dma_start3A_836 = tpu.memref_squeeze %dma_start3A_835 : memref<1x16x64xf32, #tpu.memory_space<vmem>> -> memref<16x64xf32, #tpu.memory_space<vmem>>
      %dma_start3A_837 = arith.constant 0 : i32
      %dma_start3A_838 = arith.constant 0 : i32
      %dma_start3A_839 = tpu.memref_slice %arg3[%dma_start3A_837, %dma_start3A_838] : memref<1000000x64xf32, #tpu.memory_space<hbm>> -> memref<1000000x64xf32, #tpu.memory_space<hbm>>
      tpu.enqueue_indirect_dma source(%dma_start3A_839 : memref<1000000x64xf32, #tpu.memory_space<hbm>>) target(%dma_start3A_836 : memref<16x64xf32, #tpu.memory_space<vmem>>) offsets(%get3A_831 : vector<16xi32>) semaphore(%arg10 : memref<!tpu.dma_semaphore, #tpu.memory_space<semaphore_mem>>)
      %add3A_840 = arith.constant 128 : i32
      %add3A_841 = arith.addi %mul3A_735, %add3A_840 : i32
      %get3A_842 = arith.index_cast %add3A_841 : i32 to index
      %get3A_843 = tpu.vector_load %arg7[%get3A_842] {strides = array<i32>} : memref<25600xi32, #tpu.memory_space<vmem>>, vector<16xi32>,
      %get3A_844 = vector.shape_cast %get3A_843 : vector<16xi32> to vector<16xi32>
      %dma_start3A_845 = arith.constant 0 : i32
      %dma_start3A_846 = arith.constant 128 : i32
      %dma_start3A_847 = arith.constant 0 : i32
      %dma_start3A_848 = tpu.memref_slice %arg9[%dma_start3A_845, %dma_start3A_846, %dma_start3A_847] : memref<3x400x64xf32, #tpu.memory_space<vmem>> -> memref<1x16x64xf32, #tpu.memory_space<vmem>>
      %dma_start3A_849 = tpu.memref_squeeze %dma_start3A_848 : memref<1x16x64xf32, #tpu.memory_space<vmem>> -> memref<16x64xf32, #tpu.memory_space<vmem>>
      %dma_start3A_850 = arith.constant 0 : i32
      %dma_start3A_851 = arith.constant 0 : i32
      %dma_start3A_852 = tpu.memref_slice %arg2[%dma_start3A_850, %dma_start3A_851] : memref<1000000x64xf32, #tpu.memory_space<hbm>> -> memref<1000000x64xf32, #tpu.memory_space<hbm>>
      tpu.enqueue_indirect_dma source(%dma_start3A_852 : memref<1000000x64xf32, #tpu.memory_space<hbm>>) target(%dma_start3A_849 : memref<16x64xf32, #tpu.memory_space<vmem>>) offsets(%get3A_844 : vector<16xi32>) semaphore(%arg10 : memref<!tpu.dma_semaphore, #tpu.memory_space<semaphore_mem>>)
      %add3A_853 = arith.constant 144 : i32
      %add3A_854 = arith.addi %mul3A_735, %add3A_853 : i32
      %get3A_855 = arith.index_cast %add3A_854 : i32 to index
      %get3A_856 = tpu.vector_load %arg7[%get3A_855] {strides = array<i32>} : memref<25600xi32, #tpu.memory_space<vmem>>, vector<16xi32>,
      %get3A_857 = vector.shape_cast %get3A_856 : vector<16xi32> to vector<16xi32>
      %dma_start3A_858 = arith.constant 0 : i32
      %dma_start3A_859 = arith.constant 144 : i32
      %dma_start3A_860 = arith.constant 0 : i32
      %dma_start3A_861 = tpu.memref_slice %arg9[%dma_start3A_858, %dma_start3A_859, %dma_start3A_860] : memref<3x400x64xf32, #tpu.memory_space<vmem>> -> memref<1x16x64xf32, #tpu.memory_space<vmem>>
      %dma_start3A_862 = tpu.memref_squeeze %dma_start3A_861 : memref<1x16x64xf32, #tpu.memory_space<vmem>> -> memref<16x64xf32, #tpu.memory_space<vmem>>
      %dma_start3A_863 = arith.constant 0 : i32
      %dma_start3A_864 = arith.constant 0 : i32
      %dma_start3A_865 = tpu.memref_slice %arg3[%dma_start3A_863, %dma_start3A_864] : memref<1000000x64xf32, #tpu.memory_space<hbm>> -> memref<1000000x64xf32, #tpu.memory_space<hbm>>
      tpu.enqueue_indirect_dma source(%dma_start3A_865 : memref<1000000x64xf32, #tpu.memory_space<hbm>>) target(%dma_start3A_862 : memref<16x64xf32, #tpu.memory_space<vmem>>) offsets(%get3A_857 : vector<16xi32>) semaphore(%arg10 : memref<!tpu.dma_semaphore, #tpu.memory_space<semaphore_mem>>)
      %add3A_866 = arith.constant 160 : i32
      %add3A_867 = arith.addi %mul3A_735, %add3A_866 : i32
      %get3A_868 = arith.index_cast %add3A_867 : i32 to index
      %get3A_869 = tpu.vector_load %arg7[%get3A_868] {strides = array<i32>} : memref<25600xi32, #tpu.memory_space<vmem>>, vector<16xi32>,
      %get3A_870 = vector.shape_cast %get3A_869 : vector<16xi32> to vector<16xi32>
      %dma_start3A_871 = arith.constant 0 : i32
      %dma_start3A_872 = arith.constant 160 : i32
      %dma_start3A_873 = arith.constant 0 : i32
      %dma_start3A_874 = tpu.memref_slice %arg9[%dma_start3A_871, %dma_start3A_872, %dma_start3A_873] : memref<3x400x64xf32, #tpu.memory_space<vmem>> -> memref<1x16x64xf32, #tpu.memory_space<vmem>>
      %dma_start3A_875 = tpu.memref_squeeze %dma_start3A_874 : memref<1x16x64xf32, #tpu.memory_space<vmem>> -> memref<16x64xf32, #tpu.memory_space<vmem>>
      %dma_start3A_876 = arith.constant 0 : i32
      %dma_start3A_877 = arith.constant 0 : i32
      %dma_start3A_878 = tpu.memref_slice %arg2[%dma_start3A_876, %dma_start3A_877] : memref<1000000x64xf32, #tpu.memory_space<hbm>> -> memref<1000000x64xf32, #tpu.memory_space<hbm>>
      tpu.enqueue_indirect_dma source(%dma_start3A_878 : memref<1000000x64xf32, #tpu.memory_space<hbm>>) target(%dma_start3A_875 : memref<16x64xf32, #tpu.memory_space<vmem>>) offsets(%get3A_870 : vector<16xi32>) semaphore(%arg10 : memref<!tpu.dma_semaphore, #tpu.memory_space<semaphore_mem>>)
      %add3A_879 = arith.constant 176 : i32
      %add3A_880 = arith.addi %mul3A_735, %add3A_879 : i32
      %get3A_881 = arith.index_cast %add3A_880 : i32 to index
      %get3A_882 = tpu.vector_load %arg7[%get3A_881] {strides = array<i32>} : memref<25600xi32, #tpu.memory_space<vmem>>, vector<16xi32>,
      %get3A_883 = vector.shape_cast %get3A_882 : vector<16xi32> to vector<16xi32>
      %dma_start3A_884 = arith.constant 0 : i32
      %dma_start3A_885 = arith.constant 176 : i32
      %dma_start3A_886 = arith.constant 0 : i32
      %dma_start3A_887 = tpu.memref_slice %arg9[%dma_start3A_884, %dma_start3A_885, %dma_start3A_886] : memref<3x400x64xf32, #tpu.memory_space<vmem>> -> memref<1x16x64xf32, #tpu.memory_space<vmem>>
      %dma_start3A_888 = tpu.memref_squeeze %dma_start3A_887 : memref<1x16x64xf32, #tpu.memory_space<vmem>> -> memref<16x64xf32, #tpu.memory_space<vmem>>
      %dma_start3A_889 = arith.constant 0 : i32
      %dma_start3A_890 = arith.constant 0 : i32
      %dma_start3A_891 = tpu.memref_slice %arg3[%dma_start3A_889, %dma_start3A_890] : memref<1000000x64xf32, #tpu.memory_space<hbm>> -> memref<1000000x64xf32, #tpu.memory_space<hbm>>
      tpu.enqueue_indirect_dma source(%dma_start3A_891 : memref<1000000x64xf32, #tpu.memory_space<hbm>>) target(%dma_start3A_888 : memref<16x64xf32, #tpu.memory_space<vmem>>) offsets(%get3A_883 : vector<16xi32>) semaphore(%arg10 : memref<!tpu.dma_semaphore, #tpu.memory_space<semaphore_mem>>)
      %add3A_892 = arith.constant 192 : i32
      %add3A_893 = arith.addi %mul3A_735, %add3A_892 : i32
      %get3A_894 = arith.index_cast %add3A_893 : i32 to index
      %get3A_895 = tpu.vector_load %arg7[%get3A_894] {strides = array<i32>} : memref<25600xi32, #tpu.memory_space<vmem>>, vector<16xi32>,
      %get3A_896 = vector.shape_cast %get3A_895 : vector<16xi32> to vector<16xi32>
      %dma_start3A_897 = arith.constant 0 : i32
      %dma_start3A_898 = arith.constant 192 : i32
      %dma_start3A_899 = arith.constant 0 : i32
      %dma_start3A_900 = tpu.memref_slice %arg9[%dma_start3A_897, %dma_start3A_898, %dma_start3A_899] : memref<3x400x64xf32, #tpu.memory_space<vmem>> -> memref<1x16x64xf32, #tpu.memory_space<vmem>>
      %dma_start3A_901 = tpu.memref_squeeze %dma_start3A_900 : memref<1x16x64xf32, #tpu.memory_space<vmem>> -> memref<16x64xf32, #tpu.memory_space<vmem>>
      %dma_start3A_902 = arith.constant 0 : i32
      %dma_start3A_903 = arith.constant 0 : i32
      %dma_start3A_904 = tpu.memref_slice %arg2[%dma_start3A_902, %dma_start3A_903] : memref<1000000x64xf32, #tpu.memory_space<hbm>> -> memref<1000000x64xf32, #tpu.memory_space<hbm>>
      tpu.enqueue_indirect_dma source(%dma_start3A_904 : memref<1000000x64xf32, #tpu.memory_space<hbm>>) target(%dma_start3A_901 : memref<16x64xf32, #tpu.memory_space<vmem>>) offsets(%get3A_896 : vector<16xi32>) semaphore(%arg10 : memref<!tpu.dma_semaphore, #tpu.memory_space<semaphore_mem>>)
      %add3A_905 = arith.constant 208 : i32
      %add3A_906 = arith.addi %mul3A_735, %add3A_905 : i32
      %get3A_907 = arith.index_cast %add3A_906 : i32 to index
      %get3A_908 = tpu.vector_load %arg7[%get3A_907] {strides = array<i32>} : memref<25600xi32, #tpu.memory_space<vmem>>, vector<16xi32>,
      %get3A_909 = vector.shape_cast %get3A_908 : vector<16xi32> to vector<16xi32>
      %dma_start3A_910 = arith.constant 0 : i32
      %dma_start3A_911 = arith.constant 208 : i32
      %dma_start3A_912 = arith.constant 0 : i32
      %dma_start3A_913 = tpu.memref_slice %arg9[%dma_start3A_910, %dma_start3A_911, %dma_start3A_912] : memref<3x400x64xf32, #tpu.memory_space<vmem>> -> memref<1x16x64xf32, #tpu.memory_space<vmem>>
      %dma_start3A_914 = tpu.memref_squeeze %dma_start3A_913 : memref<1x16x64xf32, #tpu.memory_space<vmem>> -> memref<16x64xf32, #tpu.memory_space<vmem>>
      %dma_start3A_915 = arith.constant 0 : i32
      %dma_start3A_916 = arith.constant 0 : i32
      %dma_start3A_917 = tpu.memref_slice %arg3[%dma_start3A_915, %dma_start3A_916] : memref<1000000x64xf32, #tpu.memory_space<hbm>> -> memref<1000000x64xf32, #tpu.memory_space<hbm>>
      tpu.enqueue_indirect_dma source(%dma_start3A_917 : memref<1000000x64xf32, #tpu.memory_space<hbm>>) target(%dma_start3A_914 : memref<16x64xf32, #tpu.memory_space<vmem>>) offsets(%get3A_909 : vector<16xi32>) semaphore(%arg10 : memref<!tpu.dma_semaphore, #tpu.memory_space<semaphore_mem>>)
      %add3A_918 = arith.constant 224 : i32
      %add3A_919 = arith.addi %mul3A_735, %add3A_918 : i32
      %get3A_920 = arith.index_cast %add3A_919 : i32 to index
      %get3A_921 = tpu.vector_load %arg7[%get3A_920] {strides = array<i32>} : memref<25600xi32, #tpu.memory_space<vmem>>, vector<16xi32>,
      %get3A_922 = vector.shape_cast %get3A_921 : vector<16xi32> to vector<16xi32>
      %dma_start3A_923 = arith.constant 0 : i32
      %dma_start3A_924 = arith.constant 224 : i32
      %dma_start3A_925 = arith.constant 0 : i32
      %dma_start3A_926 = tpu.memref_slice %arg9[%dma_start3A_923, %dma_start3A_924, %dma_start3A_925] : memref<3x400x64xf32, #tpu.memory_space<vmem>> -> memref<1x16x64xf32, #tpu.memory_space<vmem>>
      %dma_start3A_927 = tpu.memref_squeeze %dma_start3A_926 : memref<1x16x64xf32, #tpu.memory_space<vmem>> -> memref<16x64xf32, #tpu.memory_space<vmem>>
      %dma_start3A_928 = arith.constant 0 : i32
      %dma_start3A_929 = arith.constant 0 : i32
      %dma_start3A_930 = tpu.memref_slice %arg2[%dma_start3A_928, %dma_start3A_929] : memref<1000000x64xf32, #tpu.memory_space<hbm>> -> memref<1000000x64xf32, #tpu.memory_space<hbm>>
      tpu.enqueue_indirect_dma source(%dma_start3A_930 : memref<1000000x64xf32, #tpu.memory_space<hbm>>) target(%dma_start3A_927 : memref<16x64xf32, #tpu.memory_space<vmem>>) offsets(%get3A_922 : vector<16xi32>) semaphore(%arg10 : memref<!tpu.dma_semaphore, #tpu.memory_space<semaphore_mem>>)
      %add3A_931 = arith.constant 240 : i32
      %add3A_932 = arith.addi %mul3A_735, %add3A_931 : i32
      %get3A_933 = arith.index_cast %add3A_932 : i32 to index
      %get3A_934 = tpu.vector_load %arg7[%get3A_933] {strides = array<i32>} : memref<25600xi32, #tpu.memory_space<vmem>>, vector<16xi32>,
      %get3A_935 = vector.shape_cast %get3A_934 : vector<16xi32> to vector<16xi32>
      %dma_start3A_936 = arith.constant 0 : i32
      %dma_start3A_937 = arith.constant 240 : i32
      %dma_start3A_938 = arith.constant 0 : i32
      %dma_start3A_939 = tpu.memref_slice %arg9[%dma_start3A_936, %dma_start3A_937, %dma_start3A_938] : memref<3x400x64xf32, #tpu.memory_space<vmem>> -> memref<1x16x64xf32, #tpu.memory_space<vmem>>
      %dma_start3A_940 = tpu.memref_squeeze %dma_start3A_939 : memref<1x16x64xf32, #tpu.memory_space<vmem>> -> memref<16x64xf32, #tpu.memory_space<vmem>>
      %dma_start3A_941 = arith.constant 0 : i32
      %dma_start3A_942 = arith.constant 0 : i32
      %dma_start3A_943 = tpu.memref_slice %arg3[%dma_start3A_941, %dma_start3A_942] : memref<1000000x64xf32, #tpu.memory_space<hbm>> -> memref<1000000x64xf32, #tpu.memory_space<hbm>>
      tpu.enqueue_indirect_dma source(%dma_start3A_943 : memref<1000000x64xf32, #tpu.memory_space<hbm>>) target(%dma_start3A_940 : memref<16x64xf32, #tpu.memory_space<vmem>>) offsets(%get3A_935 : vector<16xi32>) semaphore(%arg10 : memref<!tpu.dma_semaphore, #tpu.memory_space<semaphore_mem>>)
      %add3A_944 = arith.constant 256 : i32
      %add3A_945 = arith.addi %mul3A_735, %add3A_944 : i32
      %get3A_946 = arith.index_cast %add3A_945 : i32 to index
      %get3A_947 = tpu.vector_load %arg7[%get3A_946] {strides = array<i32>} : memref<25600xi32, #tpu.memory_space<vmem>>, vector<16xi32>,
      %get3A_948 = vector.shape_cast %get3A_947 : vector<16xi32> to vector<16xi32>
      %dma_start3A_949 = arith.constant 0 : i32
      %dma_start3A_950 = arith.constant 256 : i32
      %dma_start3A_951 = arith.constant 0 : i32
      %dma_start3A_952 = tpu.memref_slice %arg9[%dma_start3A_949, %dma_start3A_950, %dma_start3A_951] : memref<3x400x64xf32, #tpu.memory_space<vmem>> -> memref<1x16x64xf32, #tpu.memory_space<vmem>>
      %dma_start3A_953 = tpu.memref_squeeze %dma_start3A_952 : memref<1x16x64xf32, #tpu.memory_space<vmem>> -> memref<16x64xf32, #tpu.memory_space<vmem>>
      %dma_start3A_954 = arith.constant 0 : i32
      %dma_start3A_955 = arith.constant 0 : i32
      %dma_start3A_956 = tpu.memref_slice %arg2[%dma_start3A_954, %dma_start3A_955] : memref<1000000x64xf32, #tpu.memory_space<hbm>> -> memref<1000000x64xf32, #tpu.memory_space<hbm>>
      tpu.enqueue_indirect_dma source(%dma_start3A_956 : memref<1000000x64xf32, #tpu.memory_space<hbm>>) target(%dma_start3A_953 : memref<16x64xf32, #tpu.memory_space<vmem>>) offsets(%get3A_948 : vector<16xi32>) semaphore(%arg10 : memref<!tpu.dma_semaphore, #tpu.memory_space<semaphore_mem>>)
      %add3A_957 = arith.constant 272 : i32
      %add3A_958 = arith.addi %mul3A_735, %add3A_957 : i32
      %get3A_959 = arith.index_cast %add3A_958 : i32 to index
      %get3A_960 = tpu.vector_load %arg7[%get3A_959] {strides = array<i32>} : memref<25600xi32, #tpu.memory_space<vmem>>, vector<16xi32>,
      %get3A_961 = vector.shape_cast %get3A_960 : vector<16xi32> to vector<16xi32>
      %dma_start3A_962 = arith.constant 0 : i32
      %dma_start3A_963 = arith.constant 272 : i32
      %dma_start3A_964 = arith.constant 0 : i32
      %dma_start3A_965 = tpu.memref_slice %arg9[%dma_start3A_962, %dma_start3A_963, %dma_start3A_964] : memref<3x400x64xf32, #tpu.memory_space<vmem>> -> memref<1x16x64xf32, #tpu.memory_space<vmem>>
      %dma_start3A_966 = tpu.memref_squeeze %dma_start3A_965 : memref<1x16x64xf32, #tpu.memory_space<vmem>> -> memref<16x64xf32, #tpu.memory_space<vmem>>
      %dma_start3A_967 = arith.constant 0 : i32
      %dma_start3A_968 = arith.constant 0 : i32
      %dma_start3A_969 = tpu.memref_slice %arg3[%dma_start3A_967, %dma_start3A_968] : memref<1000000x64xf32, #tpu.memory_space<hbm>> -> memref<1000000x64xf32, #tpu.memory_space<hbm>>
      tpu.enqueue_indirect_dma source(%dma_start3A_969 : memref<1000000x64xf32, #tpu.memory_space<hbm>>) target(%dma_start3A_966 : memref<16x64xf32, #tpu.memory_space<vmem>>) offsets(%get3A_961 : vector<16xi32>) semaphore(%arg10 : memref<!tpu.dma_semaphore, #tpu.memory_space<semaphore_mem>>)
      %add3A_970 = arith.constant 288 : i32
      %add3A_971 = arith.addi %mul3A_735, %add3A_970 : i32
      %get3A_972 = arith.index_cast %add3A_971 : i32 to index
      %get3A_973 = tpu.vector_load %arg7[%get3A_972] {strides = array<i32>} : memref<25600xi32, #tpu.memory_space<vmem>>, vector<16xi32>,
      %get3A_974 = vector.shape_cast %get3A_973 : vector<16xi32> to vector<16xi32>
      %dma_start3A_975 = arith.constant 0 : i32
      %dma_start3A_976 = arith.constant 288 : i32
      %dma_start3A_977 = arith.constant 0 : i32
      %dma_start3A_978 = tpu.memref_slice %arg9[%dma_start3A_975, %dma_start3A_976, %dma_start3A_977] : memref<3x400x64xf32, #tpu.memory_space<vmem>> -> memref<1x16x64xf32, #tpu.memory_space<vmem>>
      %dma_start3A_979 = tpu.memref_squeeze %dma_start3A_978 : memref<1x16x64xf32, #tpu.memory_space<vmem>> -> memref<16x64xf32, #tpu.memory_space<vmem>>
      %dma_start3A_980 = arith.constant 0 : i32
      %dma_start3A_981 = arith.constant 0 : i32
      %dma_start3A_982 = tpu.memref_slice %arg2[%dma_start3A_980, %dma_start3A_981] : memref<1000000x64xf32, #tpu.memory_space<hbm>> -> memref<1000000x64xf32, #tpu.memory_space<hbm>>
      tpu.enqueue_indirect_dma source(%dma_start3A_982 : memref<1000000x64xf32, #tpu.memory_space<hbm>>) target(%dma_start3A_979 : memref<16x64xf32, #tpu.memory_space<vmem>>) offsets(%get3A_974 : vector<16xi32>) semaphore(%arg10 : memref<!tpu.dma_semaphore, #tpu.memory_space<semaphore_mem>>)
      %add3A_983 = arith.constant 304 : i32
      %add3A_984 = arith.addi %mul3A_735, %add3A_983 : i32
      %get3A_985 = arith.index_cast %add3A_984 : i32 to index
      %get3A_986 = tpu.vector_load %arg7[%get3A_985] {strides = array<i32>} : memref<25600xi32, #tpu.memory_space<vmem>>, vector<16xi32>,
      %get3A_987 = vector.shape_cast %get3A_986 : vector<16xi32> to vector<16xi32>
      %dma_start3A_988 = arith.constant 0 : i32
      %dma_start3A_989 = arith.constant 304 : i32
      %dma_start3A_990 = arith.constant 0 : i32
      %dma_start3A_991 = tpu.memref_slice %arg9[%dma_start3A_988, %dma_start3A_989, %dma_start3A_990] : memref<3x400x64xf32, #tpu.memory_space<vmem>> -> memref<1x16x64xf32, #tpu.memory_space<vmem>>
      %dma_start3A_992 = tpu.memref_squeeze %dma_start3A_991 : memref<1x16x64xf32, #tpu.memory_space<vmem>> -> memref<16x64xf32, #tpu.memory_space<vmem>>
      %dma_start3A_993 = arith.constant 0 : i32
      %dma_start3A_994 = arith.constant 0 : i32
      %dma_start3A_995 = tpu.memref_slice %arg3[%dma_start3A_993, %dma_start3A_994] : memref<1000000x64xf32, #tpu.memory_space<hbm>> -> memref<1000000x64xf32, #tpu.memory_space<hbm>>
      tpu.enqueue_indirect_dma source(%dma_start3A_995 : memref<1000000x64xf32, #tpu.memory_space<hbm>>) target(%dma_start3A_992 : memref<16x64xf32, #tpu.memory_space<vmem>>) offsets(%get3A_987 : vector<16xi32>) semaphore(%arg10 : memref<!tpu.dma_semaphore, #tpu.memory_space<semaphore_mem>>)
      %add3A_996 = arith.constant 320 : i32
      %add3A_997 = arith.addi %mul3A_735, %add3A_996 : i32
      %get3A_998 = arith.index_cast %add3A_997 : i32 to index
      %get3A_999 = tpu.vector_load %arg7[%get3A_998] {strides = array<i32>} : memref<25600xi32, #tpu.memory_space<vmem>>, vector<16xi32>,
      %get3A_1000 = vector.shape_cast %get3A_999 : vector<16xi32> to vector<16xi32>
      %dma_start3A_1001 = arith.constant 0 : i32
      %dma_start3A_1002 = arith.constant 320 : i32
      %dma_start3A_1003 = arith.constant 0 : i32
      %dma_start3A_1004 = tpu.memref_slice %arg9[%dma_start3A_1001, %dma_start3A_1002, %dma_start3A_1003] : memref<3x400x64xf32, #tpu.memory_space<vmem>> -> memref<1x16x64xf32, #tpu.memory_space<vmem>>
      %dma_start3A_1005 = tpu.memref_squeeze %dma_start3A_1004 : memref<1x16x64xf32, #tpu.memory_space<vmem>> -> memref<16x64xf32, #tpu.memory_space<vmem>>
      %dma_start3A_1006 = arith.constant 0 : i32
      %dma_start3A_1007 = arith.constant 0 : i32
      %dma_start3A_1008 = tpu.memref_slice %arg2[%dma_start3A_1006, %dma_start3A_1007] : memref<1000000x64xf32, #tpu.memory_space<hbm>> -> memref<1000000x64xf32, #tpu.memory_space<hbm>>
      tpu.enqueue_indirect_dma source(%dma_start3A_1008 : memref<1000000x64xf32, #tpu.memory_space<hbm>>) target(%dma_start3A_1005 : memref<16x64xf32, #tpu.memory_space<vmem>>) offsets(%get3A_1000 : vector<16xi32>) semaphore(%arg10 : memref<!tpu.dma_semaphore, #tpu.memory_space<semaphore_mem>>)
      %add3A_1009 = arith.constant 336 : i32
      %add3A_1010 = arith.addi %mul3A_735, %add3A_1009 : i32
      %get3A_1011 = arith.index_cast %add3A_1010 : i32 to index
      %get3A_1012 = tpu.vector_load %arg7[%get3A_1011] {strides = array<i32>} : memref<25600xi32, #tpu.memory_space<vmem>>, vector<16xi32>,
      %get3A_1013 = vector.shape_cast %get3A_1012 : vector<16xi32> to vector<16xi32>
      %dma_start3A_1014 = arith.constant 0 : i32
      %dma_start3A_1015 = arith.constant 336 : i32
      %dma_start3A_1016 = arith.constant 0 : i32
      %dma_start3A_1017 = tpu.memref_slice %arg9[%dma_start3A_1014, %dma_start3A_1015, %dma_start3A_1016] : memref<3x400x64xf32, #tpu.memory_space<vmem>> -> memref<1x16x64xf32, #tpu.memory_space<vmem>>
      %dma_start3A_1018 = tpu.memref_squeeze %dma_start3A_1017 : memref<1x16x64xf32, #tpu.memory_space<vmem>> -> memref<16x64xf32, #tpu.memory_space<vmem>>
      %dma_start3A_1019 = arith.constant 0 : i32
      %dma_start3A_1020 = arith.constant 0 : i32
      %dma_start3A_1021 = tpu.memref_slice %arg3[%dma_start3A_1019, %dma_start3A_1020] : memref<1000000x64xf32, #tpu.memory_space<hbm>> -> memref<1000000x64xf32, #tpu.memory_space<hbm>>
      tpu.enqueue_indirect_dma source(%dma_start3A_1021 : memref<1000000x64xf32, #tpu.memory_space<hbm>>) target(%dma_start3A_1018 : memref<16x64xf32, #tpu.memory_space<vmem>>) offsets(%get3A_1013 : vector<16xi32>) semaphore(%arg10 : memref<!tpu.dma_semaphore, #tpu.memory_space<semaphore_mem>>)
      %add3A_1022 = arith.constant 352 : i32
      %add3A_1023 = arith.addi %mul3A_735, %add3A_1022 : i32
      %get3A_1024 = arith.index_cast %add3A_1023 : i32 to index
      %get3A_1025 = tpu.vector_load %arg7[%get3A_1024] {strides = array<i32>} : memref<25600xi32, #tpu.memory_space<vmem>>, vector<16xi32>,
      %get3A_1026 = vector.shape_cast %get3A_1025 : vector<16xi32> to vector<16xi32>
      %dma_start3A_1027 = arith.constant 0 : i32
      %dma_start3A_1028 = arith.constant 352 : i32
      %dma_start3A_1029 = arith.constant 0 : i32
      %dma_start3A_1030 = tpu.memref_slice %arg9[%dma_start3A_1027, %dma_start3A_1028, %dma_start3A_1029] : memref<3x400x64xf32, #tpu.memory_space<vmem>> -> memref<1x16x64xf32, #tpu.memory_space<vmem>>
      %dma_start3A_1031 = tpu.memref_squeeze %dma_start3A_1030 : memref<1x16x64xf32, #tpu.memory_space<vmem>> -> memref<16x64xf32, #tpu.memory_space<vmem>>
      %dma_start3A_1032 = arith.constant 0 : i32
      %dma_start3A_1033 = arith.constant 0 : i32
      %dma_start3A_1034 = tpu.memref_slice %arg2[%dma_start3A_1032, %dma_start3A_1033] : memref<1000000x64xf32, #tpu.memory_space<hbm>> -> memref<1000000x64xf32, #tpu.memory_space<hbm>>
      tpu.enqueue_indirect_dma source(%dma_start3A_1034 : memref<1000000x64xf32, #tpu.memory_space<hbm>>) target(%dma_start3A_1031 : memref<16x64xf32, #tpu.memory_space<vmem>>) offsets(%get3A_1026 : vector<16xi32>) semaphore(%arg10 : memref<!tpu.dma_semaphore, #tpu.memory_space<semaphore_mem>>)
      %add3A_1035 = arith.constant 368 : i32
      %add3A_1036 = arith.addi %mul3A_735, %add3A_1035 : i32
      %get3A_1037 = arith.index_cast %add3A_1036 : i32 to index
      %get3A_1038 = tpu.vector_load %arg7[%get3A_1037] {strides = array<i32>} : memref<25600xi32, #tpu.memory_space<vmem>>, vector<16xi32>,
      %get3A_1039 = vector.shape_cast %get3A_1038 : vector<16xi32> to vector<16xi32>
      %dma_start3A_1040 = arith.constant 0 : i32
      %dma_start3A_1041 = arith.constant 368 : i32
      %dma_start3A_1042 = arith.constant 0 : i32
      %dma_start3A_1043 = tpu.memref_slice %arg9[%dma_start3A_1040, %dma_start3A_1041, %dma_start3A_1042] : memref<3x400x64xf32, #tpu.memory_space<vmem>> -> memref<1x16x64xf32, #tpu.memory_space<vmem>>
      %dma_start3A_1044 = tpu.memref_squeeze %dma_start3A_1043 : memref<1x16x64xf32, #tpu.memory_space<vmem>> -> memref<16x64xf32, #tpu.memory_space<vmem>>
      %dma_start3A_1045 = arith.constant 0 : i32
      %dma_start3A_1046 = arith.constant 0 : i32
      %dma_start3A_1047 = tpu.memref_slice %arg3[%dma_start3A_1045, %dma_start3A_1046] : memref<1000000x64xf32, #tpu.memory_space<hbm>> -> memref<1000000x64xf32, #tpu.memory_space<hbm>>
      tpu.enqueue_indirect_dma source(%dma_start3A_1047 : memref<1000000x64xf32, #tpu.memory_space<hbm>>) target(%dma_start3A_1044 : memref<16x64xf32, #tpu.memory_space<vmem>>) offsets(%get3A_1039 : vector<16xi32>) semaphore(%arg10 : memref<!tpu.dma_semaphore, #tpu.memory_space<semaphore_mem>>)
      %add3A_1048 = arith.constant 384 : i32
      %add3A_1049 = arith.addi %mul3A_735, %add3A_1048 : i32
      %get3A_1050 = arith.index_cast %add3A_1049 : i32 to index
      %get3A_1051 = tpu.vector_load %arg7[%get3A_1050] {strides = array<i32>} : memref<25600xi32, #tpu.memory_space<vmem>>, vector<16xi32>,
      %get3A_1052 = vector.shape_cast %get3A_1051 : vector<16xi32> to vector<16xi32>
      %dma_start3A_1053 = arith.constant 0 : i32
      %dma_start3A_1054 = arith.constant 384 : i32
      %dma_start3A_1055 = arith.constant 0 : i32
      %dma_start3A_1056 = tpu.memref_slice %arg9[%dma_start3A_1053, %dma_start3A_1054, %dma_start3A_1055] : memref<3x400x64xf32, #tpu.memory_space<vmem>> -> memref<1x16x64xf32, #tpu.memory_space<vmem>>
      %dma_start3A_1057 = tpu.memref_squeeze %dma_start3A_1056 : memref<1x16x64xf32, #tpu.memory_space<vmem>> -> memref<16x64xf32, #tpu.memory_space<vmem>>
      %dma_start3A_1058 = arith.constant 0 : i32
      %dma_start3A_1059 = arith.constant 0 : i32
      %dma_start3A_1060 = tpu.memref_slice %arg2[%dma_start3A_1058, %dma_start3A_1059] : memref<1000000x64xf32, #tpu.memory_space<hbm>> -> memref<1000000x64xf32, #tpu.memory_space<hbm>>
      tpu.enqueue_indirect_dma source(%dma_start3A_1060 : memref<1000000x64xf32, #tpu.memory_space<hbm>>) target(%dma_start3A_1057 : memref<16x64xf32, #tpu.memory_space<vmem>>) offsets(%get3A_1052 : vector<16xi32>) semaphore(%arg10 : memref<!tpu.dma_semaphore, #tpu.memory_space<semaphore_mem>>)
      %mul3A_1061 = arith.constant 3 : i32
      %mul3A_1062 = arith.muli %scan3A_632, %mul3A_1061 : i32
      %add3A_1063 = arith.constant 2 : i32
      %add3A_1064 = arith.addi %mul3A_1062, %add3A_1063 : i32
      %dma_wait3A_1065 = arith.constant 2 : i32
      %dma_wait3A_1066 = arith.constant 0 : i32
      %dma_wait3A_1067 = arith.constant 0 : i32
      %dma_wait3A_1068 = tpu.memref_slice %arg9[%dma_wait3A_1065, %dma_wait3A_1066, %dma_wait3A_1067] : memref<3x400x64xf32, #tpu.memory_space<vmem>> -> memref<1x400x64xf32, #tpu.memory_space<vmem>>
      %dma_wait3A_1069 = tpu.memref_squeeze %dma_wait3A_1068 : memref<1x400x64xf32, #tpu.memory_space<vmem>> -> memref<400x64xf32, #tpu.memory_space<vmem>>
      %dma_wait3A_1070 = arith.constant 0 : i32
      %dma_wait3A_1071 = arith.constant 0 : i32
      %dma_wait3A_1072 = tpu.memref_slice %arg2[%dma_wait3A_1070, %dma_wait3A_1071] : memref<1000000x64xf32, #tpu.memory_space<hbm>> -> memref<400x64xf32, #tpu.memory_space<hbm>>
      %dma_wait3A_1073 = arith.constant 0 : i32
      %dma_wait3A_1074 = arith.constant 0 : i32
      %dma_wait3A_1075 = tpu.memref_slice %arg9[%dma_wait3A_1065, %dma_wait3A_1073, %dma_wait3A_1074] : memref<3x400x64xf32, #tpu.memory_space<vmem>> -> memref<1x400x64xf32, #tpu.memory_space<vmem>>
      %dma_wait3A_1076 = tpu.memref_squeeze %dma_wait3A_1075 : memref<1x400x64xf32, #tpu.memory_space<vmem>> -> memref<400x64xf32, #tpu.memory_space<vmem>>
      %dma_wait3A_1077 = arith.constant 0 : i32
      %dma_wait3A_1078 = arith.constant 0 : i32
      %dma_wait3A_1079 = tpu.memref_slice %arg2[%dma_wait3A_1077, %dma_wait3A_1078] : memref<1000000x64xf32, #tpu.memory_space<hbm>> -> memref<400x64xf32, #tpu.memory_space<hbm>>
      tpu.wait_dma2 semaphore(%arg12 : memref<!tpu.dma_semaphore, #tpu.memory_space<semaphore_mem>>) src(%dma_wait3A_1079 : memref<400x64xf32, #tpu.memory_space<hbm>>) dst(%dma_wait3A_1076 : memref<400x64xf32, #tpu.memory_space<vmem>>)
      %parallel_loop3A_1080 = arith.constant 0 : i32
      %parallel_loop3A_1081 = arith.constant 200 : i32
      %parallel_loop3A_1082 = arith.constant 1 : i32
      scf.for %parallel_loop3A_1103 = %parallel_loop3A_1080 to %parallel_loop3A_1081 step %parallel_loop3A_1082  : i32 {
        %parallel_loop3A_1104 = arith.constant 0 : i32
        %parallel_loop3A_1105 = arith.addi %parallel_loop3A_1103, %parallel_loop3A_1104 : i32
        %parallel_loop3A_1106 = arith.constant 2 : i32
        %parallel_loop3A_1107 = arith.index_cast %parallel_loop3A_1106 : i32 to index
        %parallel_loop3A_1108 = arith.index_cast %parallel_loop3A_1105 : i32 to index
        %parallel_loop3A_1109 = arith.constant 0 : index
        %parallel_loop3A_1110 = tpu.vector_load %arg9[%parallel_loop3A_1107, %parallel_loop3A_1108, %parallel_loop3A_1109] {strides = array<i32>} : memref<3x400x64xf32, #tpu.memory_space<vmem>>, vector<1x1x16xf32>,
        %parallel_loop3A_1111 = vector.shape_cast %parallel_loop3A_1110 : vector<1x1x16xf32> to vector<16xf32>
        %parallel_loop3A_1112 = arith.constant 8.000000e+00 : f32
        %parallel_loop3A_1113 = vector.broadcast %parallel_loop3A_1112 : f32 to vector<16xf32>
        %parallel_loop3A_1114 = arith.mulf %parallel_loop3A_1111, %parallel_loop3A_1113 : vector<16xf32>
        %parallel_loop3A_1115 = arith.index_cast %parallel_loop3A_1103 : i32 to index
        %parallel_loop3A_1116 = arith.constant 0 : index
        %parallel_loop3A_1117 = tpu.vector_load %arg8[%parallel_loop3A_1115, %parallel_loop3A_1116] {strides = array<i32>} : memref<200x64xf32, #tpu.memory_space<vmem>>, vector<1x16xf32>,
        %parallel_loop3A_1118 = vector.shape_cast %parallel_loop3A_1117 : vector<1x16xf32> to vector<16xf32>
        %parallel_loop3A_1119 = arith.addf %parallel_loop3A_1114, %parallel_loop3A_1118 : vector<16xf32>
        %parallel_loop3A_1120 = arith.constant 0 : i32
        %parallel_loop3A_1121 = arith.addi %parallel_loop3A_1103, %parallel_loop3A_1120 : i32
        %parallel_loop3A_1122 = arith.constant 2 : i32
        %parallel_loop3A_1123 = arith.index_cast %parallel_loop3A_1122 : i32 to index
        %parallel_loop3A_1124 = arith.index_cast %parallel_loop3A_1121 : i32 to index
        %parallel_loop3A_1125 = arith.constant 0 : index
        %parallel_loop3A_1126 = tpu.vector_load %arg9[%parallel_loop3A_1123, %parallel_loop3A_1124, %parallel_loop3A_1125] {strides = array<i32>} : memref<3x400x64xf32, #tpu.memory_space<vmem>>, vector<1x1x16xf32>,
        %parallel_loop3A_1127 = vector.shape_cast %parallel_loop3A_1126 : vector<1x1x16xf32> to vector<16xf32>
        %parallel_loop3A_1128 = vector.shape_cast %parallel_loop3A_1119 : vector<16xf32> to vector<1x1x16xf32>
        tpu.vector_store %arg9[%parallel_loop3A_1123, %parallel_loop3A_1124, %parallel_loop3A_1125], %parallel_loop3A_1128 {strides = array<i32>} : memref<3x400x64xf32, #tpu.memory_space<vmem>>, vector<1x1x16xf32>,
        %parallel_loop3A_1129 = arith.constant 0 : i32
        %parallel_loop3A_1130 = arith.addi %parallel_loop3A_1103, %parallel_loop3A_1129 : i32
        %parallel_loop3A_1131 = arith.constant 2 : i32
        %parallel_loop3A_1132 = arith.index_cast %parallel_loop3A_1131 : i32 to index
        %parallel_loop3A_1133 = arith.index_cast %parallel_loop3A_1130 : i32 to index
        %parallel_loop3A_1134 = arith.constant 16 : index
        %parallel_loop3A_1135 = tpu.vector_load %arg9[%parallel_loop3A_1132, %parallel_loop3A_1133, %parallel_loop3A_1134] {strides = array<i32>} : memref<3x400x64xf32, #tpu.memory_space<vmem>>, vector<1x1x16xf32>,
        %parallel_loop3A_1136 = vector.shape_cast %parallel_loop3A_1135 : vector<1x1x16xf32> to vector<16xf32>
        %parallel_loop3A_1137 = arith.constant 8.000000e+00 : f32
        %parallel_loop3A_1138 = vector.broadcast %parallel_loop3A_1137 : f32 to vector<16xf32>
        %parallel_loop3A_1139 = arith.mulf %parallel_loop3A_1136, %parallel_loop3A_1138 : vector<16xf32>
        %parallel_loop3A_1140 = arith.index_cast %parallel_loop3A_1103 : i32 to index
        %parallel_loop3A_1141 = arith.constant 16 : index
        %parallel_loop3A_1142 = tpu.vector_load %arg8[%parallel_loop3A_1140, %parallel_loop3A_1141] {strides = array<i32>} : memref<200x64xf32, #tpu.memory_space<vmem>>, vector<1x16xf32>,
        %parallel_loop3A_1143 = vector.shape_cast %parallel_loop3A_1142 : vector<1x16xf32> to vector<16xf32>
        %parallel_loop3A_1144 = arith.addf %parallel_loop3A_1139, %parallel_loop3A_1143 : vector<16xf32>
        %parallel_loop3A_1145 = arith.constant 0 : i32
        %parallel_loop3A_1146 = arith.addi %parallel_loop3A_1103, %parallel_loop3A_1145 : i32
        %parallel_loop3A_1147 = arith.constant 2 : i32
        %parallel_loop3A_1148 = arith.index_cast %parallel_loop3A_1147 : i32 to index
        %parallel_loop3A_1149 = arith.index_cast %parallel_loop3A_1146 : i32 to index
        %parallel_loop3A_1150 = arith.constant 16 : index
        %parallel_loop3A_1151 = tpu.vector_load %arg9[%parallel_loop3A_1148, %parallel_loop3A_1149, %parallel_loop3A_1150] {strides = array<i32>} : memref<3x400x64xf32, #tpu.memory_space<vmem>>, vector<1x1x16xf32>,
        %parallel_loop3A_1152 = vector.shape_cast %parallel_loop3A_1151 : vector<1x1x16xf32> to vector<16xf32>
        %parallel_loop3A_1153 = vector.shape_cast %parallel_loop3A_1144 : vector<16xf32> to vector<1x1x16xf32>
        tpu.vector_store %arg9[%parallel_loop3A_1148, %parallel_loop3A_1149, %parallel_loop3A_1150], %parallel_loop3A_1153 {strides = array<i32>} : memref<3x400x64xf32, #tpu.memory_space<vmem>>, vector<1x1x16xf32>,
        %parallel_loop3A_1154 = arith.constant 0 : i32
        %parallel_loop3A_1155 = arith.addi %parallel_loop3A_1103, %parallel_loop3A_1154 : i32
        %parallel_loop3A_1156 = arith.constant 2 : i32
        %parallel_loop3A_1157 = arith.index_cast %parallel_loop3A_1156 : i32 to index
        %parallel_loop3A_1158 = arith.index_cast %parallel_loop3A_1155 : i32 to index
        %parallel_loop3A_1159 = arith.constant 32 : index
        %parallel_loop3A_1160 = tpu.vector_load %arg9[%parallel_loop3A_1157, %parallel_loop3A_1158, %parallel_loop3A_1159] {strides = array<i32>} : memref<3x400x64xf32, #tpu.memory_space<vmem>>, vector<1x1x16xf32>,
        %parallel_loop3A_1161 = vector.shape_cast %parallel_loop3A_1160 : vector<1x1x16xf32> to vector<16xf32>
        %parallel_loop3A_1162 = arith.constant 8.000000e+00 : f32
        %parallel_loop3A_1163 = vector.broadcast %parallel_loop3A_1162 : f32 to vector<16xf32>
        %parallel_loop3A_1164 = arith.mulf %parallel_loop3A_1161, %parallel_loop3A_1163 : vector<16xf32>
        %parallel_loop3A_1165 = arith.index_cast %parallel_loop3A_1103 : i32 to index
        %parallel_loop3A_1166 = arith.constant 32 : index
        %parallel_loop3A_1167 = tpu.vector_load %arg8[%parallel_loop3A_1165, %parallel_loop3A_1166] {strides = array<i32>} : memref<200x64xf32, #tpu.memory_space<vmem>>, vector<1x16xf32>,
        %parallel_loop3A_1168 = vector.shape_cast %parallel_loop3A_1167 : vector<1x16xf32> to vector<16xf32>
        %parallel_loop3A_1169 = arith.addf %parallel_loop3A_1164, %parallel_loop3A_1168 : vector<16xf32>
        %parallel_loop3A_1170 = arith.constant 0 : i32
        %parallel_loop3A_1171 = arith.addi %parallel_loop3A_1103, %parallel_loop3A_1170 : i32
        %parallel_loop3A_1172 = arith.constant 2 : i32
        %parallel_loop3A_1173 = arith.index_cast %parallel_loop3A_1172 : i32 to index
        %parallel_loop3A_1174 = arith.index_cast %parallel_loop3A_1171 : i32 to index
        %parallel_loop3A_1175 = arith.constant 32 : index
        %parallel_loop3A_1176 = tpu.vector_load %arg9[%parallel_loop3A_1173, %parallel_loop3A_1174, %parallel_loop3A_1175] {strides = array<i32>} : memref<3x400x64xf32, #tpu.memory_space<vmem>>, vector<1x1x16xf32>,
        %parallel_loop3A_1177 = vector.shape_cast %parallel_loop3A_1176 : vector<1x1x16xf32> to vector<16xf32>
        %parallel_loop3A_1178 = vector.shape_cast %parallel_loop3A_1169 : vector<16xf32> to vector<1x1x16xf32>
        tpu.vector_store %arg9[%parallel_loop3A_1173, %parallel_loop3A_1174, %parallel_loop3A_1175], %parallel_loop3A_1178 {strides = array<i32>} : memref<3x400x64xf32, #tpu.memory_space<vmem>>, vector<1x1x16xf32>,
        %parallel_loop3A_1179 = arith.constant 0 : i32
        %parallel_loop3A_1180 = arith.addi %parallel_loop3A_1103, %parallel_loop3A_1179 : i32
        %parallel_loop3A_1181 = arith.constant 2 : i32
        %parallel_loop3A_1182 = arith.index_cast %parallel_loop3A_1181 : i32 to index
        %parallel_loop3A_1183 = arith.index_cast %parallel_loop3A_1180 : i32 to index
        %parallel_loop3A_1184 = arith.constant 48 : index
        %parallel_loop3A_1185 = tpu.vector_load %arg9[%parallel_loop3A_1182, %parallel_loop3A_1183, %parallel_loop3A_1184] {strides = array<i32>} : memref<3x400x64xf32, #tpu.memory_space<vmem>>, vector<1x1x16xf32>,
        %parallel_loop3A_1186 = vector.shape_cast %parallel_loop3A_1185 : vector<1x1x16xf32> to vector<16xf32>
        %parallel_loop3A_1187 = arith.constant 8.000000e+00 : f32
        %parallel_loop3A_1188 = vector.broadcast %parallel_loop3A_1187 : f32 to vector<16xf32>
        %parallel_loop3A_1189 = arith.mulf %parallel_loop3A_1186, %parallel_loop3A_1188 : vector<16xf32>
        %parallel_loop3A_1190 = arith.index_cast %parallel_loop3A_1103 : i32 to index
        %parallel_loop3A_1191 = arith.constant 48 : index
        %parallel_loop3A_1192 = tpu.vector_load %arg8[%parallel_loop3A_1190, %parallel_loop3A_1191] {strides = array<i32>} : memref<200x64xf32, #tpu.memory_space<vmem>>, vector<1x16xf32>,
        %parallel_loop3A_1193 = vector.shape_cast %parallel_loop3A_1192 : vector<1x16xf32> to vector<16xf32>
        %parallel_loop3A_1194 = arith.addf %parallel_loop3A_1189, %parallel_loop3A_1193 : vector<16xf32>
        %parallel_loop3A_1195 = arith.constant 0 : i32
        %parallel_loop3A_1196 = arith.addi %parallel_loop3A_1103, %parallel_loop3A_1195 : i32
        %parallel_loop3A_1197 = arith.constant 2 : i32
        %parallel_loop3A_1198 = arith.index_cast %parallel_loop3A_1197 : i32 to index
        %parallel_loop3A_1199 = arith.index_cast %parallel_loop3A_1196 : i32 to index
        %parallel_loop3A_1200 = arith.constant 48 : index
        %parallel_loop3A_1201 = tpu.vector_load %arg9[%parallel_loop3A_1198, %parallel_loop3A_1199, %parallel_loop3A_1200] {strides = array<i32>} : memref<3x400x64xf32, #tpu.memory_space<vmem>>, vector<1x1x16xf32>,
        %parallel_loop3A_1202 = vector.shape_cast %parallel_loop3A_1201 : vector<1x1x16xf32> to vector<16xf32>
        %parallel_loop3A_1203 = vector.shape_cast %parallel_loop3A_1194 : vector<16xf32> to vector<1x1x16xf32>
        tpu.vector_store %arg9[%parallel_loop3A_1198, %parallel_loop3A_1199, %parallel_loop3A_1200], %parallel_loop3A_1203 {strides = array<i32>} : memref<3x400x64xf32, #tpu.memory_space<vmem>>, vector<1x1x16xf32>,
        %parallel_loop3A_1204 = arith.constant 200 : i32
        %parallel_loop3A_1205 = arith.addi %parallel_loop3A_1103, %parallel_loop3A_1204 : i32
        %parallel_loop3A_1206 = arith.constant 2 : i32
        %parallel_loop3A_1207 = arith.index_cast %parallel_loop3A_1206 : i32 to index
        %parallel_loop3A_1208 = arith.index_cast %parallel_loop3A_1205 : i32 to index
        %parallel_loop3A_1209 = arith.constant 0 : index
        %parallel_loop3A_1210 = tpu.vector_load %arg9[%parallel_loop3A_1207, %parallel_loop3A_1208, %parallel_loop3A_1209] {strides = array<i32>} : memref<3x400x64xf32, #tpu.memory_space<vmem>>, vector<1x1x16xf32>,
        %parallel_loop3A_1211 = vector.shape_cast %parallel_loop3A_1210 : vector<1x1x16xf32> to vector<16xf32>
        %parallel_loop3A_1212 = arith.constant 8.000000e+00 : f32
        %parallel_loop3A_1213 = vector.broadcast %parallel_loop3A_1212 : f32 to vector<16xf32>
        %parallel_loop3A_1214 = arith.mulf %parallel_loop3A_1211, %parallel_loop3A_1213 : vector<16xf32>
        %parallel_loop3A_1215 = arith.index_cast %parallel_loop3A_1103 : i32 to index
        %parallel_loop3A_1216 = arith.constant 0 : index
        %parallel_loop3A_1217 = tpu.vector_load %arg8[%parallel_loop3A_1215, %parallel_loop3A_1216] {strides = array<i32>} : memref<200x64xf32, #tpu.memory_space<vmem>>, vector<1x16xf32>,
        %parallel_loop3A_1218 = vector.shape_cast %parallel_loop3A_1217 : vector<1x16xf32> to vector<16xf32>
        %parallel_loop3A_1219 = arith.addf %parallel_loop3A_1214, %parallel_loop3A_1218 : vector<16xf32>
        %parallel_loop3A_1220 = arith.constant 200 : i32
        %parallel_loop3A_1221 = arith.addi %parallel_loop3A_1103, %parallel_loop3A_1220 : i32
        %parallel_loop3A_1222 = arith.constant 2 : i32
        %parallel_loop3A_1223 = arith.index_cast %parallel_loop3A_1222 : i32 to index
        %parallel_loop3A_1224 = arith.index_cast %parallel_loop3A_1221 : i32 to index
        %parallel_loop3A_1225 = arith.constant 0 : index
        %parallel_loop3A_1226 = tpu.vector_load %arg9[%parallel_loop3A_1223, %parallel_loop3A_1224, %parallel_loop3A_1225] {strides = array<i32>} : memref<3x400x64xf32, #tpu.memory_space<vmem>>, vector<1x1x16xf32>,
        %parallel_loop3A_1227 = vector.shape_cast %parallel_loop3A_1226 : vector<1x1x16xf32> to vector<16xf32>
        %parallel_loop3A_1228 = vector.shape_cast %parallel_loop3A_1219 : vector<16xf32> to vector<1x1x16xf32>
        tpu.vector_store %arg9[%parallel_loop3A_1223, %parallel_loop3A_1224, %parallel_loop3A_1225], %parallel_loop3A_1228 {strides = array<i32>} : memref<3x400x64xf32, #tpu.memory_space<vmem>>, vector<1x1x16xf32>,
        %parallel_loop3A_1229 = arith.constant 200 : i32
        %parallel_loop3A_1230 = arith.addi %parallel_loop3A_1103, %parallel_loop3A_1229 : i32
        %parallel_loop3A_1231 = arith.constant 2 : i32
        %parallel_loop3A_1232 = arith.index_cast %parallel_loop3A_1231 : i32 to index
        %parallel_loop3A_1233 = arith.index_cast %parallel_loop3A_1230 : i32 to index
        %parallel_loop3A_1234 = arith.constant 16 : index
        %parallel_loop3A_1235 = tpu.vector_load %arg9[%parallel_loop3A_1232, %parallel_loop3A_1233, %parallel_loop3A_1234] {strides = array<i32>} : memref<3x400x64xf32, #tpu.memory_space<vmem>>, vector<1x1x16xf32>,
        %parallel_loop3A_1236 = vector.shape_cast %parallel_loop3A_1235 : vector<1x1x16xf32> to vector<16xf32>
        %parallel_loop3A_1237 = arith.constant 8.000000e+00 : f32
        %parallel_loop3A_1238 = vector.broadcast %parallel_loop3A_1237 : f32 to vector<16xf32>
        %parallel_loop3A_1239 = arith.mulf %parallel_loop3A_1236, %parallel_loop3A_1238 : vector<16xf32>
        %parallel_loop3A_1240 = arith.index_cast %parallel_loop3A_1103 : i32 to index
        %parallel_loop3A_1241 = arith.constant 16 : index
        %parallel_loop3A_1242 = tpu.vector_load %arg8[%parallel_loop3A_1240, %parallel_loop3A_1241] {strides = array<i32>} : memref<200x64xf32, #tpu.memory_space<vmem>>, vector<1x16xf32>,
        %parallel_loop3A_1243 = vector.shape_cast %parallel_loop3A_1242 : vector<1x16xf32> to vector<16xf32>
        %parallel_loop3A_1244 = arith.addf %parallel_loop3A_1239, %parallel_loop3A_1243 : vector<16xf32>
        %parallel_loop3A_1245 = arith.constant 200 : i32
        %parallel_loop3A_1246 = arith.addi %parallel_loop3A_1103, %parallel_loop3A_1245 : i32
        %parallel_loop3A_1247 = arith.constant 2 : i32
        %parallel_loop3A_1248 = arith.index_cast %parallel_loop3A_1247 : i32 to index
        %parallel_loop3A_1249 = arith.index_cast %parallel_loop3A_1246 : i32 to index
        %parallel_loop3A_1250 = arith.constant 16 : index
        %parallel_loop3A_1251 = tpu.vector_load %arg9[%parallel_loop3A_1248, %parallel_loop3A_1249, %parallel_loop3A_1250] {strides = array<i32>} : memref<3x400x64xf32, #tpu.memory_space<vmem>>, vector<1x1x16xf32>,
        %parallel_loop3A_1252 = vector.shape_cast %parallel_loop3A_1251 : vector<1x1x16xf32> to vector<16xf32>
        %parallel_loop3A_1253 = vector.shape_cast %parallel_loop3A_1244 : vector<16xf32> to vector<1x1x16xf32>
        tpu.vector_store %arg9[%parallel_loop3A_1248, %parallel_loop3A_1249, %parallel_loop3A_1250], %parallel_loop3A_1253 {strides = array<i32>} : memref<3x400x64xf32, #tpu.memory_space<vmem>>, vector<1x1x16xf32>,
        %parallel_loop3A_1254 = arith.constant 200 : i32
        %parallel_loop3A_1255 = arith.addi %parallel_loop3A_1103, %parallel_loop3A_1254 : i32
        %parallel_loop3A_1256 = arith.constant 2 : i32
        %parallel_loop3A_1257 = arith.index_cast %parallel_loop3A_1256 : i32 to index
        %parallel_loop3A_1258 = arith.index_cast %parallel_loop3A_1255 : i32 to index
        %parallel_loop3A_1259 = arith.constant 32 : index
        %parallel_loop3A_1260 = tpu.vector_load %arg9[%parallel_loop3A_1257, %parallel_loop3A_1258, %parallel_loop3A_1259] {strides = array<i32>} : memref<3x400x64xf32, #tpu.memory_space<vmem>>, vector<1x1x16xf32>,
        %parallel_loop3A_1261 = vector.shape_cast %parallel_loop3A_1260 : vector<1x1x16xf32> to vector<16xf32>
        %parallel_loop3A_1262 = arith.constant 8.000000e+00 : f32
        %parallel_loop3A_1263 = vector.broadcast %parallel_loop3A_1262 : f32 to vector<16xf32>
        %parallel_loop3A_1264 = arith.mulf %parallel_loop3A_1261, %parallel_loop3A_1263 : vector<16xf32>
        %parallel_loop3A_1265 = arith.index_cast %parallel_loop3A_1103 : i32 to index
        %parallel_loop3A_1266 = arith.constant 32 : index
        %parallel_loop3A_1267 = tpu.vector_load %arg8[%parallel_loop3A_1265, %parallel_loop3A_1266] {strides = array<i32>} : memref<200x64xf32, #tpu.memory_space<vmem>>, vector<1x16xf32>,
        %parallel_loop3A_1268 = vector.shape_cast %parallel_loop3A_1267 : vector<1x16xf32> to vector<16xf32>
        %parallel_loop3A_1269 = arith.addf %parallel_loop3A_1264, %parallel_loop3A_1268 : vector<16xf32>
        %parallel_loop3A_1270 = arith.constant 200 : i32
        %parallel_loop3A_1271 = arith.addi %parallel_loop3A_1103, %parallel_loop3A_1270 : i32
        %parallel_loop3A_1272 = arith.constant 2 : i32
        %parallel_loop3A_1273 = arith.index_cast %parallel_loop3A_1272 : i32 to index
        %parallel_loop3A_1274 = arith.index_cast %parallel_loop3A_1271 : i32 to index
        %parallel_loop3A_1275 = arith.constant 32 : index
        %parallel_loop3A_1276 = tpu.vector_load %arg9[%parallel_loop3A_1273, %parallel_loop3A_1274, %parallel_loop3A_1275] {strides = array<i32>} : memref<3x400x64xf32, #tpu.memory_space<vmem>>, vector<1x1x16xf32>,
        %parallel_loop3A_1277 = vector.shape_cast %parallel_loop3A_1276 : vector<1x1x16xf32> to vector<16xf32>
        %parallel_loop3A_1278 = vector.shape_cast %parallel_loop3A_1269 : vector<16xf32> to vector<1x1x16xf32>
        tpu.vector_store %arg9[%parallel_loop3A_1273, %parallel_loop3A_1274, %parallel_loop3A_1275], %parallel_loop3A_1278 {strides = array<i32>} : memref<3x400x64xf32, #tpu.memory_space<vmem>>, vector<1x1x16xf32>,
        %parallel_loop3A_1279 = arith.constant 200 : i32
        %parallel_loop3A_1280 = arith.addi %parallel_loop3A_1103, %parallel_loop3A_1279 : i32
        %parallel_loop3A_1281 = arith.constant 2 : i32
        %parallel_loop3A_1282 = arith.index_cast %parallel_loop3A_1281 : i32 to index
        %parallel_loop3A_1283 = arith.index_cast %parallel_loop3A_1280 : i32 to index
        %parallel_loop3A_1284 = arith.constant 48 : index
        %parallel_loop3A_1285 = tpu.vector_load %arg9[%parallel_loop3A_1282, %parallel_loop3A_1283, %parallel_loop3A_1284] {strides = array<i32>} : memref<3x400x64xf32, #tpu.memory_space<vmem>>, vector<1x1x16xf32>,
        %parallel_loop3A_1286 = vector.shape_cast %parallel_loop3A_1285 : vector<1x1x16xf32> to vector<16xf32>
        %parallel_loop3A_1287 = arith.constant 8.000000e+00 : f32
        %parallel_loop3A_1288 = vector.broadcast %parallel_loop3A_1287 : f32 to vector<16xf32>
        %parallel_loop3A_1289 = arith.mulf %parallel_loop3A_1286, %parallel_loop3A_1288 : vector<16xf32>
        %parallel_loop3A_1290 = arith.index_cast %parallel_loop3A_1103 : i32 to index
        %parallel_loop3A_1291 = arith.constant 48 : index
        %parallel_loop3A_1292 = tpu.vector_load %arg8[%parallel_loop3A_1290, %parallel_loop3A_1291] {strides = array<i32>} : memref<200x64xf32, #tpu.memory_space<vmem>>, vector<1x16xf32>,
        %parallel_loop3A_1293 = vector.shape_cast %parallel_loop3A_1292 : vector<1x16xf32> to vector<16xf32>
        %parallel_loop3A_1294 = arith.addf %parallel_loop3A_1289, %parallel_loop3A_1293 : vector<16xf32>
        %parallel_loop3A_1295 = arith.constant 200 : i32
        %parallel_loop3A_1296 = arith.addi %parallel_loop3A_1103, %parallel_loop3A_1295 : i32
        %parallel_loop3A_1297 = arith.constant 2 : i32
        %parallel_loop3A_1298 = arith.index_cast %parallel_loop3A_1297 : i32 to index
        %parallel_loop3A_1299 = arith.index_cast %parallel_loop3A_1296 : i32 to index
        %parallel_loop3A_1300 = arith.constant 48 : index
        %parallel_loop3A_1301 = tpu.vector_load %arg9[%parallel_loop3A_1298, %parallel_loop3A_1299, %parallel_loop3A_1300] {strides = array<i32>} : memref<3x400x64xf32, #tpu.memory_space<vmem>>, vector<1x1x16xf32>,
        %parallel_loop3A_1302 = vector.shape_cast %parallel_loop3A_1301 : vector<1x1x16xf32> to vector<16xf32>
        %parallel_loop3A_1303 = vector.shape_cast %parallel_loop3A_1294 : vector<16xf32> to vector<1x1x16xf32>
        tpu.vector_store %arg9[%parallel_loop3A_1298, %parallel_loop3A_1299, %parallel_loop3A_1300], %parallel_loop3A_1303 {strides = array<i32>} : memref<3x400x64xf32, #tpu.memory_space<vmem>>, vector<1x1x16xf32>,
      } {sc.loop_unroll_factor = 8 : i64, sc.parallel_access}
      %mul3A_1083 = arith.constant 400 : i32
      %mul3A_1084 = arith.muli %add3A_1064, %mul3A_1083 : i32
      %add3A_1085 = arith.addi %mul3A_2, %mul3A_1084 : i32
      %dma_start3A_1086 = arith.constant 2 : i32
      %dma_start3A_1087 = arith.constant 0 : i32
      %dma_start3A_1088 = arith.constant 0 : i32
      %dma_start3A_1089 = tpu.memref_slice %arg9[%dma_start3A_1086, %dma_start3A_1087, %dma_start3A_1088] : memref<3x400x64xf32, #tpu.memory_space<vmem>> -> memref<1x400x64xf32, #tpu.memory_space<vmem>>
      %dma_start3A_1090 = tpu.memref_squeeze %dma_start3A_1089 : memref<1x400x64xf32, #tpu.memory_space<vmem>> -> memref<400x64xf32, #tpu.memory_space<vmem>>
      %dma_start3A_1091 = arith.constant 0 : i32
      %dma_start3A_1092 = tpu.memref_slice %arg6[%add3A_1085, %dma_start3A_1091] : memref<819200x64xf32, #tpu.memory_space<hbm>> -> memref<400x64xf32, #tpu.memory_space<hbm>>
      %dma_start3A_1093 = arith.constant 0 : i32
      %dma_start3A_1094 = tpu.memref_slice %arg6[%add3A_1085, %dma_start3A_1093] : memref<819200x64xf32, #tpu.memory_space<hbm>> -> memref<400x64xf32, #tpu.memory_space<hbm>>
      %dma_start3A_1095 = arith.constant 0 : i32
      %dma_start3A_1096 = arith.constant 0 : i32
      %dma_start3A_1097 = tpu.memref_slice %arg9[%dma_start3A_1086, %dma_start3A_1095, %dma_start3A_1096] : memref<3x400x64xf32, #tpu.memory_space<vmem>> -> memref<1x400x64xf32, #tpu.memory_space<vmem>>
      %dma_start3A_1098 = tpu.memref_squeeze %dma_start3A_1097 : memref<1x400x64xf32, #tpu.memory_space<vmem>> -> memref<400x64xf32, #tpu.memory_space<vmem>>
      tpu.enqueue_dma source(%dma_start3A_1098 : memref<400x64xf32, #tpu.memory_space<vmem>>) target(%dma_start3A_1094 : memref<400x64xf32, #tpu.memory_space<hbm>>) target_semaphore(%arg15 : memref<!tpu.dma_semaphore, #tpu.memory_space<semaphore_mem>>)
      %lt3A = arith.constant 20 : i32
      %lt3A_1099 = arith.cmpi slt, %scan3A_632, %lt3A : i32
      %convert_element_type3A_1100 = arith.extui %lt3A_1099 : i1 to i32
      %cond3A_1101 = arith.constant 0 : i32
      %cond3A_1102 = arith.cmpi ne, %convert_element_type3A_1100, %cond3A_1101 : i32
      scf.if %cond3A_1102 {
        %sub3A_1103 = arith.constant 1 : i32
        %sub3A_1104 = arith.subi %add3A_1064, %sub3A_1103 : i32
        %mul3A_1105 = arith.constant 400 : i32
        %mul3A_1106 = arith.muli %sub3A_1104, %mul3A_1105 : i32
        %add3A_1107 = arith.addi %mul3A_2, %mul3A_1106 : i32
        %dma_wait3A_1108 = arith.constant 1 : i32
        %dma_wait3A_1109 = arith.constant 0 : i32
        %dma_wait3A_1110 = arith.constant 0 : i32
        %dma_wait3A_1111 = tpu.memref_slice %arg9[%dma_wait3A_1108, %dma_wait3A_1109, %dma_wait3A_1110] : memref<3x400x64xf32, #tpu.memory_space<vmem>> -> memref<1x400x64xf32, #tpu.memory_space<vmem>>
        %dma_wait3A_1112 = tpu.memref_squeeze %dma_wait3A_1111 : memref<1x400x64xf32, #tpu.memory_space<vmem>> -> memref<400x64xf32, #tpu.memory_space<vmem>>
        %dma_wait3A_1113 = arith.constant 0 : i32
        %dma_wait3A_1114 = tpu.memref_slice %arg6[%add3A_1107, %dma_wait3A_1113] : memref<819200x64xf32, #tpu.memory_space<hbm>> -> memref<400x64xf32, #tpu.memory_space<hbm>>
        %dma_wait3A_1115 = arith.constant 0 : i32
        %dma_wait3A_1116 = tpu.memref_slice %arg6[%add3A_1107, %dma_wait3A_1115] : memref<819200x64xf32, #tpu.memory_space<hbm>> -> memref<400x64xf32, #tpu.memory_space<hbm>>
        %dma_wait3A_1117 = arith.constant 0 : i32
        %dma_wait3A_1118 = arith.constant 0 : i32
        %dma_wait3A_1119 = tpu.memref_slice %arg9[%dma_wait3A_1108, %dma_wait3A_1117, %dma_wait3A_1118] : memref<3x400x64xf32, #tpu.memory_space<vmem>> -> memref<1x400x64xf32, #tpu.memory_space<vmem>>
        %dma_wait3A_1120 = tpu.memref_squeeze %dma_wait3A_1119 : memref<1x400x64xf32, #tpu.memory_space<vmem>> -> memref<400x64xf32, #tpu.memory_space<vmem>>
        tpu.wait_dma2 semaphore(%arg14 : memref<!tpu.dma_semaphore, #tpu.memory_space<semaphore_mem>>) src(%dma_wait3A_1120 : memref<400x64xf32, #tpu.memory_space<vmem>>) dst(%dma_wait3A_1116 : memref<400x64xf32, #tpu.memory_space<hbm>>)
        %add3A_1121 = arith.constant 2 : i32
        %add3A_1122 = arith.addi %add3A_1064, %add3A_1121 : i32
        %mul3A_1123 = arith.constant 400 : i32
        %mul3A_1124 = arith.muli %add3A_1122, %mul3A_1123 : i32
        %add3A_1125 = arith.constant 0 : i32
        %add3A_1126 = arith.addi %mul3A_1124, %add3A_1125 : i32
        %get3A_1127 = arith.index_cast %add3A_1126 : i32 to index
        %get3A_1128 = tpu.vector_load %arg7[%get3A_1127] {strides = array<i32>} : memref<25600xi32, #tpu.memory_space<vmem>>, vector<16xi32>,
        %get3A_1129 = vector.shape_cast %get3A_1128 : vector<16xi32> to vector<16xi32>
        %dma_start3A_1130 = arith.constant 1 : i32
        %dma_start3A_1131 = arith.constant 0 : i32
        %dma_start3A_1132 = arith.constant 0 : i32
        %dma_start3A_1133 = tpu.memref_slice %arg9[%dma_start3A_1130, %dma_start3A_1131, %dma_start3A_1132] : memref<3x400x64xf32, #tpu.memory_space<vmem>> -> memref<1x16x64xf32, #tpu.memory_space<vmem>>
        %dma_start3A_1134 = tpu.memref_squeeze %dma_start3A_1133 : memref<1x16x64xf32, #tpu.memory_space<vmem>> -> memref<16x64xf32, #tpu.memory_space<vmem>>
        %dma_start3A_1135 = arith.constant 0 : i32
        %dma_start3A_1136 = arith.constant 0 : i32
        %dma_start3A_1137 = tpu.memref_slice %arg2[%dma_start3A_1135, %dma_start3A_1136] : memref<1000000x64xf32, #tpu.memory_space<hbm>> -> memref<1000000x64xf32, #tpu.memory_space<hbm>>
        tpu.enqueue_indirect_dma source(%dma_start3A_1137 : memref<1000000x64xf32, #tpu.memory_space<hbm>>) target(%dma_start3A_1134 : memref<16x64xf32, #tpu.memory_space<vmem>>) offsets(%get3A_1129 : vector<16xi32>) semaphore(%arg11 : memref<!tpu.dma_semaphore, #tpu.memory_space<semaphore_mem>>)
        %add3A_1138 = arith.constant 16 : i32
        %add3A_1139 = arith.addi %mul3A_1124, %add3A_1138 : i32
        %get3A_1140 = arith.index_cast %add3A_1139 : i32 to index
        %get3A_1141 = tpu.vector_load %arg7[%get3A_1140] {strides = array<i32>} : memref<25600xi32, #tpu.memory_space<vmem>>, vector<16xi32>,
        %get3A_1142 = vector.shape_cast %get3A_1141 : vector<16xi32> to vector<16xi32>
        %dma_start3A_1143 = arith.constant 1 : i32
        %dma_start3A_1144 = arith.constant 16 : i32
        %dma_start3A_1145 = arith.constant 0 : i32
        %dma_start3A_1146 = tpu.memref_slice %arg9[%dma_start3A_1143, %dma_start3A_1144, %dma_start3A_1145] : memref<3x400x64xf32, #tpu.memory_space<vmem>> -> memref<1x16x64xf32, #tpu.memory_space<vmem>>
        %dma_start3A_1147 = tpu.memref_squeeze %dma_start3A_1146 : memref<1x16x64xf32, #tpu.memory_space<vmem>> -> memref<16x64xf32, #tpu.memory_space<vmem>>
        %dma_start3A_1148 = arith.constant 0 : i32
        %dma_start3A_1149 = arith.constant 0 : i32
        %dma_start3A_1150 = tpu.memref_slice %arg3[%dma_start3A_1148, %dma_start3A_1149] : memref<1000000x64xf32, #tpu.memory_space<hbm>> -> memref<1000000x64xf32, #tpu.memory_space<hbm>>
        tpu.enqueue_indirect_dma source(%dma_start3A_1150 : memref<1000000x64xf32, #tpu.memory_space<hbm>>) target(%dma_start3A_1147 : memref<16x64xf32, #tpu.memory_space<vmem>>) offsets(%get3A_1142 : vector<16xi32>) semaphore(%arg11 : memref<!tpu.dma_semaphore, #tpu.memory_space<semaphore_mem>>)
        %add3A_1151 = arith.constant 32 : i32
        %add3A_1152 = arith.addi %mul3A_1124, %add3A_1151 : i32
        %get3A_1153 = arith.index_cast %add3A_1152 : i32 to index
        %get3A_1154 = tpu.vector_load %arg7[%get3A_1153] {strides = array<i32>} : memref<25600xi32, #tpu.memory_space<vmem>>, vector<16xi32>,
        %get3A_1155 = vector.shape_cast %get3A_1154 : vector<16xi32> to vector<16xi32>
        %dma_start3A_1156 = arith.constant 1 : i32
        %dma_start3A_1157 = arith.constant 32 : i32
        %dma_start3A_1158 = arith.constant 0 : i32
        %dma_start3A_1159 = tpu.memref_slice %arg9[%dma_start3A_1156, %dma_start3A_1157, %dma_start3A_1158] : memref<3x400x64xf32, #tpu.memory_space<vmem>> -> memref<1x16x64xf32, #tpu.memory_space<vmem>>
        %dma_start3A_1160 = tpu.memref_squeeze %dma_start3A_1159 : memref<1x16x64xf32, #tpu.memory_space<vmem>> -> memref<16x64xf32, #tpu.memory_space<vmem>>
        %dma_start3A_1161 = arith.constant 0 : i32
        %dma_start3A_1162 = arith.constant 0 : i32
        %dma_start3A_1163 = tpu.memref_slice %arg2[%dma_start3A_1161, %dma_start3A_1162] : memref<1000000x64xf32, #tpu.memory_space<hbm>> -> memref<1000000x64xf32, #tpu.memory_space<hbm>>
        tpu.enqueue_indirect_dma source(%dma_start3A_1163 : memref<1000000x64xf32, #tpu.memory_space<hbm>>) target(%dma_start3A_1160 : memref<16x64xf32, #tpu.memory_space<vmem>>) offsets(%get3A_1155 : vector<16xi32>) semaphore(%arg11 : memref<!tpu.dma_semaphore, #tpu.memory_space<semaphore_mem>>)
        %add3A_1164 = arith.constant 48 : i32
        %add3A_1165 = arith.addi %mul3A_1124, %add3A_1164 : i32
        %get3A_1166 = arith.index_cast %add3A_1165 : i32 to index
        %get3A_1167 = tpu.vector_load %arg7[%get3A_1166] {strides = array<i32>} : memref<25600xi32, #tpu.memory_space<vmem>>, vector<16xi32>,
        %get3A_1168 = vector.shape_cast %get3A_1167 : vector<16xi32> to vector<16xi32>
        %dma_start3A_1169 = arith.constant 1 : i32
        %dma_start3A_1170 = arith.constant 48 : i32
        %dma_start3A_1171 = arith.constant 0 : i32
        %dma_start3A_1172 = tpu.memref_slice %arg9[%dma_start3A_1169, %dma_start3A_1170, %dma_start3A_1171] : memref<3x400x64xf32, #tpu.memory_space<vmem>> -> memref<1x16x64xf32, #tpu.memory_space<vmem>>
        %dma_start3A_1173 = tpu.memref_squeeze %dma_start3A_1172 : memref<1x16x64xf32, #tpu.memory_space<vmem>> -> memref<16x64xf32, #tpu.memory_space<vmem>>
        %dma_start3A_1174 = arith.constant 0 : i32
        %dma_start3A_1175 = arith.constant 0 : i32
        %dma_start3A_1176 = tpu.memref_slice %arg3[%dma_start3A_1174, %dma_start3A_1175] : memref<1000000x64xf32, #tpu.memory_space<hbm>> -> memref<1000000x64xf32, #tpu.memory_space<hbm>>
        tpu.enqueue_indirect_dma source(%dma_start3A_1176 : memref<1000000x64xf32, #tpu.memory_space<hbm>>) target(%dma_start3A_1173 : memref<16x64xf32, #tpu.memory_space<vmem>>) offsets(%get3A_1168 : vector<16xi32>) semaphore(%arg11 : memref<!tpu.dma_semaphore, #tpu.memory_space<semaphore_mem>>)
        %add3A_1177 = arith.constant 64 : i32
        %add3A_1178 = arith.addi %mul3A_1124, %add3A_1177 : i32
        %get3A_1179 = arith.index_cast %add3A_1178 : i32 to index
        %get3A_1180 = tpu.vector_load %arg7[%get3A_1179] {strides = array<i32>} : memref<25600xi32, #tpu.memory_space<vmem>>, vector<16xi32>,
        %get3A_1181 = vector.shape_cast %get3A_1180 : vector<16xi32> to vector<16xi32>
        %dma_start3A_1182 = arith.constant 1 : i32
        %dma_start3A_1183 = arith.constant 64 : i32
        %dma_start3A_1184 = arith.constant 0 : i32
        %dma_start3A_1185 = tpu.memref_slice %arg9[%dma_start3A_1182, %dma_start3A_1183, %dma_start3A_1184] : memref<3x400x64xf32, #tpu.memory_space<vmem>> -> memref<1x16x64xf32, #tpu.memory_space<vmem>>
        %dma_start3A_1186 = tpu.memref_squeeze %dma_start3A_1185 : memref<1x16x64xf32, #tpu.memory_space<vmem>> -> memref<16x64xf32, #tpu.memory_space<vmem>>
        %dma_start3A_1187 = arith.constant 0 : i32
        %dma_start3A_1188 = arith.constant 0 : i32
        %dma_start3A_1189 = tpu.memref_slice %arg2[%dma_start3A_1187, %dma_start3A_1188] : memref<1000000x64xf32, #tpu.memory_space<hbm>> -> memref<1000000x64xf32, #tpu.memory_space<hbm>>
        tpu.enqueue_indirect_dma source(%dma_start3A_1189 : memref<1000000x64xf32, #tpu.memory_space<hbm>>) target(%dma_start3A_1186 : memref<16x64xf32, #tpu.memory_space<vmem>>) offsets(%get3A_1181 : vector<16xi32>) semaphore(%arg11 : memref<!tpu.dma_semaphore, #tpu.memory_space<semaphore_mem>>)
        %add3A_1190 = arith.constant 80 : i32
        %add3A_1191 = arith.addi %mul3A_1124, %add3A_1190 : i32
        %get3A_1192 = arith.index_cast %add3A_1191 : i32 to index
        %get3A_1193 = tpu.vector_load %arg7[%get3A_1192] {strides = array<i32>} : memref<25600xi32, #tpu.memory_space<vmem>>, vector<16xi32>,
        %get3A_1194 = vector.shape_cast %get3A_1193 : vector<16xi32> to vector<16xi32>
        %dma_start3A_1195 = arith.constant 1 : i32
        %dma_start3A_1196 = arith.constant 80 : i32
        %dma_start3A_1197 = arith.constant 0 : i32
        %dma_start3A_1198 = tpu.memref_slice %arg9[%dma_start3A_1195, %dma_start3A_1196, %dma_start3A_1197] : memref<3x400x64xf32, #tpu.memory_space<vmem>> -> memref<1x16x64xf32, #tpu.memory_space<vmem>>
        %dma_start3A_1199 = tpu.memref_squeeze %dma_start3A_1198 : memref<1x16x64xf32, #tpu.memory_space<vmem>> -> memref<16x64xf32, #tpu.memory_space<vmem>>
        %dma_start3A_1200 = arith.constant 0 : i32
        %dma_start3A_1201 = arith.constant 0 : i32
        %dma_start3A_1202 = tpu.memref_slice %arg3[%dma_start3A_1200, %dma_start3A_1201] : memref<1000000x64xf32, #tpu.memory_space<hbm>> -> memref<1000000x64xf32, #tpu.memory_space<hbm>>
        tpu.enqueue_indirect_dma source(%dma_start3A_1202 : memref<1000000x64xf32, #tpu.memory_space<hbm>>) target(%dma_start3A_1199 : memref<16x64xf32, #tpu.memory_space<vmem>>) offsets(%get3A_1194 : vector<16xi32>) semaphore(%arg11 : memref<!tpu.dma_semaphore, #tpu.memory_space<semaphore_mem>>)
        %add3A_1203 = arith.constant 96 : i32
        %add3A_1204 = arith.addi %mul3A_1124, %add3A_1203 : i32
        %get3A_1205 = arith.index_cast %add3A_1204 : i32 to index
        %get3A_1206 = tpu.vector_load %arg7[%get3A_1205] {strides = array<i32>} : memref<25600xi32, #tpu.memory_space<vmem>>, vector<16xi32>,
        %get3A_1207 = vector.shape_cast %get3A_1206 : vector<16xi32> to vector<16xi32>
        %dma_start3A_1208 = arith.constant 1 : i32
        %dma_start3A_1209 = arith.constant 96 : i32
        %dma_start3A_1210 = arith.constant 0 : i32
        %dma_start3A_1211 = tpu.memref_slice %arg9[%dma_start3A_1208, %dma_start3A_1209, %dma_start3A_1210] : memref<3x400x64xf32, #tpu.memory_space<vmem>> -> memref<1x16x64xf32, #tpu.memory_space<vmem>>
        %dma_start3A_1212 = tpu.memref_squeeze %dma_start3A_1211 : memref<1x16x64xf32, #tpu.memory_space<vmem>> -> memref<16x64xf32, #tpu.memory_space<vmem>>
        %dma_start3A_1213 = arith.constant 0 : i32
        %dma_start3A_1214 = arith.constant 0 : i32
        %dma_start3A_1215 = tpu.memref_slice %arg2[%dma_start3A_1213, %dma_start3A_1214] : memref<1000000x64xf32, #tpu.memory_space<hbm>> -> memref<1000000x64xf32, #tpu.memory_space<hbm>>
        tpu.enqueue_indirect_dma source(%dma_start3A_1215 : memref<1000000x64xf32, #tpu.memory_space<hbm>>) target(%dma_start3A_1212 : memref<16x64xf32, #tpu.memory_space<vmem>>) offsets(%get3A_1207 : vector<16xi32>) semaphore(%arg11 : memref<!tpu.dma_semaphore, #tpu.memory_space<semaphore_mem>>)
        %add3A_1216 = arith.constant 112 : i32
        %add3A_1217 = arith.addi %mul3A_1124, %add3A_1216 : i32
        %get3A_1218 = arith.index_cast %add3A_1217 : i32 to index
        %get3A_1219 = tpu.vector_load %arg7[%get3A_1218] {strides = array<i32>} : memref<25600xi32, #tpu.memory_space<vmem>>, vector<16xi32>,
        %get3A_1220 = vector.shape_cast %get3A_1219 : vector<16xi32> to vector<16xi32>
        %dma_start3A_1221 = arith.constant 1 : i32
        %dma_start3A_1222 = arith.constant 112 : i32
        %dma_start3A_1223 = arith.constant 0 : i32
        %dma_start3A_1224 = tpu.memref_slice %arg9[%dma_start3A_1221, %dma_start3A_1222, %dma_start3A_1223] : memref<3x400x64xf32, #tpu.memory_space<vmem>> -> memref<1x16x64xf32, #tpu.memory_space<vmem>>
        %dma_start3A_1225 = tpu.memref_squeeze %dma_start3A_1224 : memref<1x16x64xf32, #tpu.memory_space<vmem>> -> memref<16x64xf32, #tpu.memory_space<vmem>>
        %dma_start3A_1226 = arith.constant 0 : i32
        %dma_start3A_1227 = arith.constant 0 : i32
        %dma_start3A_1228 = tpu.memref_slice %arg3[%dma_start3A_1226, %dma_start3A_1227] : memref<1000000x64xf32, #tpu.memory_space<hbm>> -> memref<1000000x64xf32, #tpu.memory_space<hbm>>
        tpu.enqueue_indirect_dma source(%dma_start3A_1228 : memref<1000000x64xf32, #tpu.memory_space<hbm>>) target(%dma_start3A_1225 : memref<16x64xf32, #tpu.memory_space<vmem>>) offsets(%get3A_1220 : vector<16xi32>) semaphore(%arg11 : memref<!tpu.dma_semaphore, #tpu.memory_space<semaphore_mem>>)
        %add3A_1229 = arith.constant 128 : i32
        %add3A_1230 = arith.addi %mul3A_1124, %add3A_1229 : i32
        %get3A_1231 = arith.index_cast %add3A_1230 : i32 to index
        %get3A_1232 = tpu.vector_load %arg7[%get3A_1231] {strides = array<i32>} : memref<25600xi32, #tpu.memory_space<vmem>>, vector<16xi32>,
        %get3A_1233 = vector.shape_cast %get3A_1232 : vector<16xi32> to vector<16xi32>
        %dma_start3A_1234 = arith.constant 1 : i32
        %dma_start3A_1235 = arith.constant 128 : i32
        %dma_start3A_1236 = arith.constant 0 : i32
        %dma_start3A_1237 = tpu.memref_slice %arg9[%dma_start3A_1234, %dma_start3A_1235, %dma_start3A_1236] : memref<3x400x64xf32, #tpu.memory_space<vmem>> -> memref<1x16x64xf32, #tpu.memory_space<vmem>>
        %dma_start3A_1238 = tpu.memref_squeeze %dma_start3A_1237 : memref<1x16x64xf32, #tpu.memory_space<vmem>> -> memref<16x64xf32, #tpu.memory_space<vmem>>
        %dma_start3A_1239 = arith.constant 0 : i32
        %dma_start3A_1240 = arith.constant 0 : i32
        %dma_start3A_1241 = tpu.memref_slice %arg2[%dma_start3A_1239, %dma_start3A_1240] : memref<1000000x64xf32, #tpu.memory_space<hbm>> -> memref<1000000x64xf32, #tpu.memory_space<hbm>>
        tpu.enqueue_indirect_dma source(%dma_start3A_1241 : memref<1000000x64xf32, #tpu.memory_space<hbm>>) target(%dma_start3A_1238 : memref<16x64xf32, #tpu.memory_space<vmem>>) offsets(%get3A_1233 : vector<16xi32>) semaphore(%arg11 : memref<!tpu.dma_semaphore, #tpu.memory_space<semaphore_mem>>)
        %add3A_1242 = arith.constant 144 : i32
        %add3A_1243 = arith.addi %mul3A_1124, %add3A_1242 : i32
        %get3A_1244 = arith.index_cast %add3A_1243 : i32 to index
        %get3A_1245 = tpu.vector_load %arg7[%get3A_1244] {strides = array<i32>} : memref<25600xi32, #tpu.memory_space<vmem>>, vector<16xi32>,
        %get3A_1246 = vector.shape_cast %get3A_1245 : vector<16xi32> to vector<16xi32>
        %dma_start3A_1247 = arith.constant 1 : i32
        %dma_start3A_1248 = arith.constant 144 : i32
        %dma_start3A_1249 = arith.constant 0 : i32
        %dma_start3A_1250 = tpu.memref_slice %arg9[%dma_start3A_1247, %dma_start3A_1248, %dma_start3A_1249] : memref<3x400x64xf32, #tpu.memory_space<vmem>> -> memref<1x16x64xf32, #tpu.memory_space<vmem>>
        %dma_start3A_1251 = tpu.memref_squeeze %dma_start3A_1250 : memref<1x16x64xf32, #tpu.memory_space<vmem>> -> memref<16x64xf32, #tpu.memory_space<vmem>>
        %dma_start3A_1252 = arith.constant 0 : i32
        %dma_start3A_1253 = arith.constant 0 : i32
        %dma_start3A_1254 = tpu.memref_slice %arg3[%dma_start3A_1252, %dma_start3A_1253] : memref<1000000x64xf32, #tpu.memory_space<hbm>> -> memref<1000000x64xf32, #tpu.memory_space<hbm>>
        tpu.enqueue_indirect_dma source(%dma_start3A_1254 : memref<1000000x64xf32, #tpu.memory_space<hbm>>) target(%dma_start3A_1251 : memref<16x64xf32, #tpu.memory_space<vmem>>) offsets(%get3A_1246 : vector<16xi32>) semaphore(%arg11 : memref<!tpu.dma_semaphore, #tpu.memory_space<semaphore_mem>>)
        %add3A_1255 = arith.constant 160 : i32
        %add3A_1256 = arith.addi %mul3A_1124, %add3A_1255 : i32
        %get3A_1257 = arith.index_cast %add3A_1256 : i32 to index
        %get3A_1258 = tpu.vector_load %arg7[%get3A_1257] {strides = array<i32>} : memref<25600xi32, #tpu.memory_space<vmem>>, vector<16xi32>,
        %get3A_1259 = vector.shape_cast %get3A_1258 : vector<16xi32> to vector<16xi32>
        %dma_start3A_1260 = arith.constant 1 : i32
        %dma_start3A_1261 = arith.constant 160 : i32
        %dma_start3A_1262 = arith.constant 0 : i32
        %dma_start3A_1263 = tpu.memref_slice %arg9[%dma_start3A_1260, %dma_start3A_1261, %dma_start3A_1262] : memref<3x400x64xf32, #tpu.memory_space<vmem>> -> memref<1x16x64xf32, #tpu.memory_space<vmem>>
        %dma_start3A_1264 = tpu.memref_squeeze %dma_start3A_1263 : memref<1x16x64xf32, #tpu.memory_space<vmem>> -> memref<16x64xf32, #tpu.memory_space<vmem>>
        %dma_start3A_1265 = arith.constant 0 : i32
        %dma_start3A_1266 = arith.constant 0 : i32
        %dma_start3A_1267 = tpu.memref_slice %arg2[%dma_start3A_1265, %dma_start3A_1266] : memref<1000000x64xf32, #tpu.memory_space<hbm>> -> memref<1000000x64xf32, #tpu.memory_space<hbm>>
        tpu.enqueue_indirect_dma source(%dma_start3A_1267 : memref<1000000x64xf32, #tpu.memory_space<hbm>>) target(%dma_start3A_1264 : memref<16x64xf32, #tpu.memory_space<vmem>>) offsets(%get3A_1259 : vector<16xi32>) semaphore(%arg11 : memref<!tpu.dma_semaphore, #tpu.memory_space<semaphore_mem>>)
        %add3A_1268 = arith.constant 176 : i32
        %add3A_1269 = arith.addi %mul3A_1124, %add3A_1268 : i32
        %get3A_1270 = arith.index_cast %add3A_1269 : i32 to index
        %get3A_1271 = tpu.vector_load %arg7[%get3A_1270] {strides = array<i32>} : memref<25600xi32, #tpu.memory_space<vmem>>, vector<16xi32>,
        %get3A_1272 = vector.shape_cast %get3A_1271 : vector<16xi32> to vector<16xi32>
        %dma_start3A_1273 = arith.constant 1 : i32
        %dma_start3A_1274 = arith.constant 176 : i32
        %dma_start3A_1275 = arith.constant 0 : i32
        %dma_start3A_1276 = tpu.memref_slice %arg9[%dma_start3A_1273, %dma_start3A_1274, %dma_start3A_1275] : memref<3x400x64xf32, #tpu.memory_space<vmem>> -> memref<1x16x64xf32, #tpu.memory_space<vmem>>
        %dma_start3A_1277 = tpu.memref_squeeze %dma_start3A_1276 : memref<1x16x64xf32, #tpu.memory_space<vmem>> -> memref<16x64xf32, #tpu.memory_space<vmem>>
        %dma_start3A_1278 = arith.constant 0 : i32
        %dma_start3A_1279 = arith.constant 0 : i32
        %dma_start3A_1280 = tpu.memref_slice %arg3[%dma_start3A_1278, %dma_start3A_1279] : memref<1000000x64xf32, #tpu.memory_space<hbm>> -> memref<1000000x64xf32, #tpu.memory_space<hbm>>
        tpu.enqueue_indirect_dma source(%dma_start3A_1280 : memref<1000000x64xf32, #tpu.memory_space<hbm>>) target(%dma_start3A_1277 : memref<16x64xf32, #tpu.memory_space<vmem>>) offsets(%get3A_1272 : vector<16xi32>) semaphore(%arg11 : memref<!tpu.dma_semaphore, #tpu.memory_space<semaphore_mem>>)
        %add3A_1281 = arith.constant 192 : i32
        %add3A_1282 = arith.addi %mul3A_1124, %add3A_1281 : i32
        %get3A_1283 = arith.index_cast %add3A_1282 : i32 to index
        %get3A_1284 = tpu.vector_load %arg7[%get3A_1283] {strides = array<i32>} : memref<25600xi32, #tpu.memory_space<vmem>>, vector<16xi32>,
        %get3A_1285 = vector.shape_cast %get3A_1284 : vector<16xi32> to vector<16xi32>
        %dma_start3A_1286 = arith.constant 1 : i32
        %dma_start3A_1287 = arith.constant 192 : i32
        %dma_start3A_1288 = arith.constant 0 : i32
        %dma_start3A_1289 = tpu.memref_slice %arg9[%dma_start3A_1286, %dma_start3A_1287, %dma_start3A_1288] : memref<3x400x64xf32, #tpu.memory_space<vmem>> -> memref<1x16x64xf32, #tpu.memory_space<vmem>>
        %dma_start3A_1290 = tpu.memref_squeeze %dma_start3A_1289 : memref<1x16x64xf32, #tpu.memory_space<vmem>> -> memref<16x64xf32, #tpu.memory_space<vmem>>
        %dma_start3A_1291 = arith.constant 0 : i32
        %dma_start3A_1292 = arith.constant 0 : i32
        %dma_start3A_1293 = tpu.memref_slice %arg2[%dma_start3A_1291, %dma_start3A_1292] : memref<1000000x64xf32, #tpu.memory_space<hbm>> -> memref<1000000x64xf32, #tpu.memory_space<hbm>>
        tpu.enqueue_indirect_dma source(%dma_start3A_1293 : memref<1000000x64xf32, #tpu.memory_space<hbm>>) target(%dma_start3A_1290 : memref<16x64xf32, #tpu.memory_space<vmem>>) offsets(%get3A_1285 : vector<16xi32>) semaphore(%arg11 : memref<!tpu.dma_semaphore, #tpu.memory_space<semaphore_mem>>)
        %add3A_1294 = arith.constant 208 : i32
        %add3A_1295 = arith.addi %mul3A_1124, %add3A_1294 : i32
        %get3A_1296 = arith.index_cast %add3A_1295 : i32 to index
        %get3A_1297 = tpu.vector_load %arg7[%get3A_1296] {strides = array<i32>} : memref<25600xi32, #tpu.memory_space<vmem>>, vector<16xi32>,
        %get3A_1298 = vector.shape_cast %get3A_1297 : vector<16xi32> to vector<16xi32>
        %dma_start3A_1299 = arith.constant 1 : i32
        %dma_start3A_1300 = arith.constant 208 : i32
        %dma_start3A_1301 = arith.constant 0 : i32
        %dma_start3A_1302 = tpu.memref_slice %arg9[%dma_start3A_1299, %dma_start3A_1300, %dma_start3A_1301] : memref<3x400x64xf32, #tpu.memory_space<vmem>> -> memref<1x16x64xf32, #tpu.memory_space<vmem>>
        %dma_start3A_1303 = tpu.memref_squeeze %dma_start3A_1302 : memref<1x16x64xf32, #tpu.memory_space<vmem>> -> memref<16x64xf32, #tpu.memory_space<vmem>>
        %dma_start3A_1304 = arith.constant 0 : i32
        %dma_start3A_1305 = arith.constant 0 : i32
        %dma_start3A_1306 = tpu.memref_slice %arg3[%dma_start3A_1304, %dma_start3A_1305] : memref<1000000x64xf32, #tpu.memory_space<hbm>> -> memref<1000000x64xf32, #tpu.memory_space<hbm>>
        tpu.enqueue_indirect_dma source(%dma_start3A_1306 : memref<1000000x64xf32, #tpu.memory_space<hbm>>) target(%dma_start3A_1303 : memref<16x64xf32, #tpu.memory_space<vmem>>) offsets(%get3A_1298 : vector<16xi32>) semaphore(%arg11 : memref<!tpu.dma_semaphore, #tpu.memory_space<semaphore_mem>>)
        %add3A_1307 = arith.constant 224 : i32
        %add3A_1308 = arith.addi %mul3A_1124, %add3A_1307 : i32
        %get3A_1309 = arith.index_cast %add3A_1308 : i32 to index
        %get3A_1310 = tpu.vector_load %arg7[%get3A_1309] {strides = array<i32>} : memref<25600xi32, #tpu.memory_space<vmem>>, vector<16xi32>,
        %get3A_1311 = vector.shape_cast %get3A_1310 : vector<16xi32> to vector<16xi32>
        %dma_start3A_1312 = arith.constant 1 : i32
        %dma_start3A_1313 = arith.constant 224 : i32
        %dma_start3A_1314 = arith.constant 0 : i32
        %dma_start3A_1315 = tpu.memref_slice %arg9[%dma_start3A_1312, %dma_start3A_1313, %dma_start3A_1314] : memref<3x400x64xf32, #tpu.memory_space<vmem>> -> memref<1x16x64xf32, #tpu.memory_space<vmem>>
        %dma_start3A_1316 = tpu.memref_squeeze %dma_start3A_1315 : memref<1x16x64xf32, #tpu.memory_space<vmem>> -> memref<16x64xf32, #tpu.memory_space<vmem>>
        %dma_start3A_1317 = arith.constant 0 : i32
        %dma_start3A_1318 = arith.constant 0 : i32
        %dma_start3A_1319 = tpu.memref_slice %arg2[%dma_start3A_1317, %dma_start3A_1318] : memref<1000000x64xf32, #tpu.memory_space<hbm>> -> memref<1000000x64xf32, #tpu.memory_space<hbm>>
        tpu.enqueue_indirect_dma source(%dma_start3A_1319 : memref<1000000x64xf32, #tpu.memory_space<hbm>>) target(%dma_start3A_1316 : memref<16x64xf32, #tpu.memory_space<vmem>>) offsets(%get3A_1311 : vector<16xi32>) semaphore(%arg11 : memref<!tpu.dma_semaphore, #tpu.memory_space<semaphore_mem>>)
        %add3A_1320 = arith.constant 240 : i32
        %add3A_1321 = arith.addi %mul3A_1124, %add3A_1320 : i32
        %get3A_1322 = arith.index_cast %add3A_1321 : i32 to index
        %get3A_1323 = tpu.vector_load %arg7[%get3A_1322] {strides = array<i32>} : memref<25600xi32, #tpu.memory_space<vmem>>, vector<16xi32>,
        %get3A_1324 = vector.shape_cast %get3A_1323 : vector<16xi32> to vector<16xi32>
        %dma_start3A_1325 = arith.constant 1 : i32
        %dma_start3A_1326 = arith.constant 240 : i32
        %dma_start3A_1327 = arith.constant 0 : i32
        %dma_start3A_1328 = tpu.memref_slice %arg9[%dma_start3A_1325, %dma_start3A_1326, %dma_start3A_1327] : memref<3x400x64xf32, #tpu.memory_space<vmem>> -> memref<1x16x64xf32, #tpu.memory_space<vmem>>
        %dma_start3A_1329 = tpu.memref_squeeze %dma_start3A_1328 : memref<1x16x64xf32, #tpu.memory_space<vmem>> -> memref<16x64xf32, #tpu.memory_space<vmem>>
        %dma_start3A_1330 = arith.constant 0 : i32
        %dma_start3A_1331 = arith.constant 0 : i32
        %dma_start3A_1332 = tpu.memref_slice %arg3[%dma_start3A_1330, %dma_start3A_1331] : memref<1000000x64xf32, #tpu.memory_space<hbm>> -> memref<1000000x64xf32, #tpu.memory_space<hbm>>
        tpu.enqueue_indirect_dma source(%dma_start3A_1332 : memref<1000000x64xf32, #tpu.memory_space<hbm>>) target(%dma_start3A_1329 : memref<16x64xf32, #tpu.memory_space<vmem>>) offsets(%get3A_1324 : vector<16xi32>) semaphore(%arg11 : memref<!tpu.dma_semaphore, #tpu.memory_space<semaphore_mem>>)
        %add3A_1333 = arith.constant 256 : i32
        %add3A_1334 = arith.addi %mul3A_1124, %add3A_1333 : i32
        %get3A_1335 = arith.index_cast %add3A_1334 : i32 to index
        %get3A_1336 = tpu.vector_load %arg7[%get3A_1335] {strides = array<i32>} : memref<25600xi32, #tpu.memory_space<vmem>>, vector<16xi32>,
        %get3A_1337 = vector.shape_cast %get3A_1336 : vector<16xi32> to vector<16xi32>
        %dma_start3A_1338 = arith.constant 1 : i32
        %dma_start3A_1339 = arith.constant 256 : i32
        %dma_start3A_1340 = arith.constant 0 : i32
        %dma_start3A_1341 = tpu.memref_slice %arg9[%dma_start3A_1338, %dma_start3A_1339, %dma_start3A_1340] : memref<3x400x64xf32, #tpu.memory_space<vmem>> -> memref<1x16x64xf32, #tpu.memory_space<vmem>>
        %dma_start3A_1342 = tpu.memref_squeeze %dma_start3A_1341 : memref<1x16x64xf32, #tpu.memory_space<vmem>> -> memref<16x64xf32, #tpu.memory_space<vmem>>
        %dma_start3A_1343 = arith.constant 0 : i32
        %dma_start3A_1344 = arith.constant 0 : i32
        %dma_start3A_1345 = tpu.memref_slice %arg2[%dma_start3A_1343, %dma_start3A_1344] : memref<1000000x64xf32, #tpu.memory_space<hbm>> -> memref<1000000x64xf32, #tpu.memory_space<hbm>>
        tpu.enqueue_indirect_dma source(%dma_start3A_1345 : memref<1000000x64xf32, #tpu.memory_space<hbm>>) target(%dma_start3A_1342 : memref<16x64xf32, #tpu.memory_space<vmem>>) offsets(%get3A_1337 : vector<16xi32>) semaphore(%arg11 : memref<!tpu.dma_semaphore, #tpu.memory_space<semaphore_mem>>)
        %add3A_1346 = arith.constant 272 : i32
        %add3A_1347 = arith.addi %mul3A_1124, %add3A_1346 : i32
        %get3A_1348 = arith.index_cast %add3A_1347 : i32 to index
        %get3A_1349 = tpu.vector_load %arg7[%get3A_1348] {strides = array<i32>} : memref<25600xi32, #tpu.memory_space<vmem>>, vector<16xi32>,
        %get3A_1350 = vector.shape_cast %get3A_1349 : vector<16xi32> to vector<16xi32>
        %dma_start3A_1351 = arith.constant 1 : i32
        %dma_start3A_1352 = arith.constant 272 : i32
        %dma_start3A_1353 = arith.constant 0 : i32
        %dma_start3A_1354 = tpu.memref_slice %arg9[%dma_start3A_1351, %dma_start3A_1352, %dma_start3A_1353] : memref<3x400x64xf32, #tpu.memory_space<vmem>> -> memref<1x16x64xf32, #tpu.memory_space<vmem>>
        %dma_start3A_1355 = tpu.memref_squeeze %dma_start3A_1354 : memref<1x16x64xf32, #tpu.memory_space<vmem>> -> memref<16x64xf32, #tpu.memory_space<vmem>>
        %dma_start3A_1356 = arith.constant 0 : i32
        %dma_start3A_1357 = arith.constant 0 : i32
        %dma_start3A_1358 = tpu.memref_slice %arg3[%dma_start3A_1356, %dma_start3A_1357] : memref<1000000x64xf32, #tpu.memory_space<hbm>> -> memref<1000000x64xf32, #tpu.memory_space<hbm>>
        tpu.enqueue_indirect_dma source(%dma_start3A_1358 : memref<1000000x64xf32, #tpu.memory_space<hbm>>) target(%dma_start3A_1355 : memref<16x64xf32, #tpu.memory_space<vmem>>) offsets(%get3A_1350 : vector<16xi32>) semaphore(%arg11 : memref<!tpu.dma_semaphore, #tpu.memory_space<semaphore_mem>>)
        %add3A_1359 = arith.constant 288 : i32
        %add3A_1360 = arith.addi %mul3A_1124, %add3A_1359 : i32
        %get3A_1361 = arith.index_cast %add3A_1360 : i32 to index
        %get3A_1362 = tpu.vector_load %arg7[%get3A_1361] {strides = array<i32>} : memref<25600xi32, #tpu.memory_space<vmem>>, vector<16xi32>,
        %get3A_1363 = vector.shape_cast %get3A_1362 : vector<16xi32> to vector<16xi32>
        %dma_start3A_1364 = arith.constant 1 : i32
        %dma_start3A_1365 = arith.constant 288 : i32
        %dma_start3A_1366 = arith.constant 0 : i32
        %dma_start3A_1367 = tpu.memref_slice %arg9[%dma_start3A_1364, %dma_start3A_1365, %dma_start3A_1366] : memref<3x400x64xf32, #tpu.memory_space<vmem>> -> memref<1x16x64xf32, #tpu.memory_space<vmem>>
        %dma_start3A_1368 = tpu.memref_squeeze %dma_start3A_1367 : memref<1x16x64xf32, #tpu.memory_space<vmem>> -> memref<16x64xf32, #tpu.memory_space<vmem>>
        %dma_start3A_1369 = arith.constant 0 : i32
        %dma_start3A_1370 = arith.constant 0 : i32
        %dma_start3A_1371 = tpu.memref_slice %arg2[%dma_start3A_1369, %dma_start3A_1370] : memref<1000000x64xf32, #tpu.memory_space<hbm>> -> memref<1000000x64xf32, #tpu.memory_space<hbm>>
        tpu.enqueue_indirect_dma source(%dma_start3A_1371 : memref<1000000x64xf32, #tpu.memory_space<hbm>>) target(%dma_start3A_1368 : memref<16x64xf32, #tpu.memory_space<vmem>>) offsets(%get3A_1363 : vector<16xi32>) semaphore(%arg11 : memref<!tpu.dma_semaphore, #tpu.memory_space<semaphore_mem>>)
        %add3A_1372 = arith.constant 304 : i32
        %add3A_1373 = arith.addi %mul3A_1124, %add3A_1372 : i32
        %get3A_1374 = arith.index_cast %add3A_1373 : i32 to index
        %get3A_1375 = tpu.vector_load %arg7[%get3A_1374] {strides = array<i32>} : memref<25600xi32, #tpu.memory_space<vmem>>, vector<16xi32>,
        %get3A_1376 = vector.shape_cast %get3A_1375 : vector<16xi32> to vector<16xi32>
        %dma_start3A_1377 = arith.constant 1 : i32
        %dma_start3A_1378 = arith.constant 304 : i32
        %dma_start3A_1379 = arith.constant 0 : i32
        %dma_start3A_1380 = tpu.memref_slice %arg9[%dma_start3A_1377, %dma_start3A_1378, %dma_start3A_1379] : memref<3x400x64xf32, #tpu.memory_space<vmem>> -> memref<1x16x64xf32, #tpu.memory_space<vmem>>
        %dma_start3A_1381 = tpu.memref_squeeze %dma_start3A_1380 : memref<1x16x64xf32, #tpu.memory_space<vmem>> -> memref<16x64xf32, #tpu.memory_space<vmem>>
        %dma_start3A_1382 = arith.constant 0 : i32
        %dma_start3A_1383 = arith.constant 0 : i32
        %dma_start3A_1384 = tpu.memref_slice %arg3[%dma_start3A_1382, %dma_start3A_1383] : memref<1000000x64xf32, #tpu.memory_space<hbm>> -> memref<1000000x64xf32, #tpu.memory_space<hbm>>
        tpu.enqueue_indirect_dma source(%dma_start3A_1384 : memref<1000000x64xf32, #tpu.memory_space<hbm>>) target(%dma_start3A_1381 : memref<16x64xf32, #tpu.memory_space<vmem>>) offsets(%get3A_1376 : vector<16xi32>) semaphore(%arg11 : memref<!tpu.dma_semaphore, #tpu.memory_space<semaphore_mem>>)
        %add3A_1385 = arith.constant 320 : i32
        %add3A_1386 = arith.addi %mul3A_1124, %add3A_1385 : i32
        %get3A_1387 = arith.index_cast %add3A_1386 : i32 to index
        %get3A_1388 = tpu.vector_load %arg7[%get3A_1387] {strides = array<i32>} : memref<25600xi32, #tpu.memory_space<vmem>>, vector<16xi32>,
        %get3A_1389 = vector.shape_cast %get3A_1388 : vector<16xi32> to vector<16xi32>
        %dma_start3A_1390 = arith.constant 1 : i32
        %dma_start3A_1391 = arith.constant 320 : i32
        %dma_start3A_1392 = arith.constant 0 : i32
        %dma_start3A_1393 = tpu.memref_slice %arg9[%dma_start3A_1390, %dma_start3A_1391, %dma_start3A_1392] : memref<3x400x64xf32, #tpu.memory_space<vmem>> -> memref<1x16x64xf32, #tpu.memory_space<vmem>>
        %dma_start3A_1394 = tpu.memref_squeeze %dma_start3A_1393 : memref<1x16x64xf32, #tpu.memory_space<vmem>> -> memref<16x64xf32, #tpu.memory_space<vmem>>
        %dma_start3A_1395 = arith.constant 0 : i32
        %dma_start3A_1396 = arith.constant 0 : i32
        %dma_start3A_1397 = tpu.memref_slice %arg2[%dma_start3A_1395, %dma_start3A_1396] : memref<1000000x64xf32, #tpu.memory_space<hbm>> -> memref<1000000x64xf32, #tpu.memory_space<hbm>>
        tpu.enqueue_indirect_dma source(%dma_start3A_1397 : memref<1000000x64xf32, #tpu.memory_space<hbm>>) target(%dma_start3A_1394 : memref<16x64xf32, #tpu.memory_space<vmem>>) offsets(%get3A_1389 : vector<16xi32>) semaphore(%arg11 : memref<!tpu.dma_semaphore, #tpu.memory_space<semaphore_mem>>)
        %add3A_1398 = arith.constant 336 : i32
        %add3A_1399 = arith.addi %mul3A_1124, %add3A_1398 : i32
        %get3A_1400 = arith.index_cast %add3A_1399 : i32 to index
        %get3A_1401 = tpu.vector_load %arg7[%get3A_1400] {strides = array<i32>} : memref<25600xi32, #tpu.memory_space<vmem>>, vector<16xi32>,
        %get3A_1402 = vector.shape_cast %get3A_1401 : vector<16xi32> to vector<16xi32>
        %dma_start3A_1403 = arith.constant 1 : i32
        %dma_start3A_1404 = arith.constant 336 : i32
        %dma_start3A_1405 = arith.constant 0 : i32
        %dma_start3A_1406 = tpu.memref_slice %arg9[%dma_start3A_1403, %dma_start3A_1404, %dma_start3A_1405] : memref<3x400x64xf32, #tpu.memory_space<vmem>> -> memref<1x16x64xf32, #tpu.memory_space<vmem>>
        %dma_start3A_1407 = tpu.memref_squeeze %dma_start3A_1406 : memref<1x16x64xf32, #tpu.memory_space<vmem>> -> memref<16x64xf32, #tpu.memory_space<vmem>>
        %dma_start3A_1408 = arith.constant 0 : i32
        %dma_start3A_1409 = arith.constant 0 : i32
        %dma_start3A_1410 = tpu.memref_slice %arg3[%dma_start3A_1408, %dma_start3A_1409] : memref<1000000x64xf32, #tpu.memory_space<hbm>> -> memref<1000000x64xf32, #tpu.memory_space<hbm>>
        tpu.enqueue_indirect_dma source(%dma_start3A_1410 : memref<1000000x64xf32, #tpu.memory_space<hbm>>) target(%dma_start3A_1407 : memref<16x64xf32, #tpu.memory_space<vmem>>) offsets(%get3A_1402 : vector<16xi32>) semaphore(%arg11 : memref<!tpu.dma_semaphore, #tpu.memory_space<semaphore_mem>>)
        %add3A_1411 = arith.constant 352 : i32
        %add3A_1412 = arith.addi %mul3A_1124, %add3A_1411 : i32
        %get3A_1413 = arith.index_cast %add3A_1412 : i32 to index
        %get3A_1414 = tpu.vector_load %arg7[%get3A_1413] {strides = array<i32>} : memref<25600xi32, #tpu.memory_space<vmem>>, vector<16xi32>,
        %get3A_1415 = vector.shape_cast %get3A_1414 : vector<16xi32> to vector<16xi32>
        %dma_start3A_1416 = arith.constant 1 : i32
        %dma_start3A_1417 = arith.constant 352 : i32
        %dma_start3A_1418 = arith.constant 0 : i32
        %dma_start3A_1419 = tpu.memref_slice %arg9[%dma_start3A_1416, %dma_start3A_1417, %dma_start3A_1418] : memref<3x400x64xf32, #tpu.memory_space<vmem>> -> memref<1x16x64xf32, #tpu.memory_space<vmem>>
        %dma_start3A_1420 = tpu.memref_squeeze %dma_start3A_1419 : memref<1x16x64xf32, #tpu.memory_space<vmem>> -> memref<16x64xf32, #tpu.memory_space<vmem>>
        %dma_start3A_1421 = arith.constant 0 : i32
        %dma_start3A_1422 = arith.constant 0 : i32
        %dma_start3A_1423 = tpu.memref_slice %arg2[%dma_start3A_1421, %dma_start3A_1422] : memref<1000000x64xf32, #tpu.memory_space<hbm>> -> memref<1000000x64xf32, #tpu.memory_space<hbm>>
        tpu.enqueue_indirect_dma source(%dma_start3A_1423 : memref<1000000x64xf32, #tpu.memory_space<hbm>>) target(%dma_start3A_1420 : memref<16x64xf32, #tpu.memory_space<vmem>>) offsets(%get3A_1415 : vector<16xi32>) semaphore(%arg11 : memref<!tpu.dma_semaphore, #tpu.memory_space<semaphore_mem>>)
        %add3A_1424 = arith.constant 368 : i32
        %add3A_1425 = arith.addi %mul3A_1124, %add3A_1424 : i32
        %get3A_1426 = arith.index_cast %add3A_1425 : i32 to index
        %get3A_1427 = tpu.vector_load %arg7[%get3A_1426] {strides = array<i32>} : memref<25600xi32, #tpu.memory_space<vmem>>, vector<16xi32>,
        %get3A_1428 = vector.shape_cast %get3A_1427 : vector<16xi32> to vector<16xi32>
        %dma_start3A_1429 = arith.constant 1 : i32
        %dma_start3A_1430 = arith.constant 368 : i32
        %dma_start3A_1431 = arith.constant 0 : i32
        %dma_start3A_1432 = tpu.memref_slice %arg9[%dma_start3A_1429, %dma_start3A_1430, %dma_start3A_1431] : memref<3x400x64xf32, #tpu.memory_space<vmem>> -> memref<1x16x64xf32, #tpu.memory_space<vmem>>
        %dma_start3A_1433 = tpu.memref_squeeze %dma_start3A_1432 : memref<1x16x64xf32, #tpu.memory_space<vmem>> -> memref<16x64xf32, #tpu.memory_space<vmem>>
        %dma_start3A_1434 = arith.constant 0 : i32
        %dma_start3A_1435 = arith.constant 0 : i32
        %dma_start3A_1436 = tpu.memref_slice %arg3[%dma_start3A_1434, %dma_start3A_1435] : memref<1000000x64xf32, #tpu.memory_space<hbm>> -> memref<1000000x64xf32, #tpu.memory_space<hbm>>
        tpu.enqueue_indirect_dma source(%dma_start3A_1436 : memref<1000000x64xf32, #tpu.memory_space<hbm>>) target(%dma_start3A_1433 : memref<16x64xf32, #tpu.memory_space<vmem>>) offsets(%get3A_1428 : vector<16xi32>) semaphore(%arg11 : memref<!tpu.dma_semaphore, #tpu.memory_space<semaphore_mem>>)
        %add3A_1437 = arith.constant 384 : i32
        %add3A_1438 = arith.addi %mul3A_1124, %add3A_1437 : i32
        %get3A_1439 = arith.index_cast %add3A_1438 : i32 to index
        %get3A_1440 = tpu.vector_load %arg7[%get3A_1439] {strides = array<i32>} : memref<25600xi32, #tpu.memory_space<vmem>>, vector<16xi32>,
        %get3A_1441 = vector.shape_cast %get3A_1440 : vector<16xi32> to vector<16xi32>
        %dma_start3A_1442 = arith.constant 1 : i32
        %dma_start3A_1443 = arith.constant 384 : i32
        %dma_start3A_1444 = arith.constant 0 : i32
        %dma_start3A_1445 = tpu.memref_slice %arg9[%dma_start3A_1442, %dma_start3A_1443, %dma_start3A_1444] : memref<3x400x64xf32, #tpu.memory_space<vmem>> -> memref<1x16x64xf32, #tpu.memory_space<vmem>>
        %dma_start3A_1446 = tpu.memref_squeeze %dma_start3A_1445 : memref<1x16x64xf32, #tpu.memory_space<vmem>> -> memref<16x64xf32, #tpu.memory_space<vmem>>
        %dma_start3A_1447 = arith.constant 0 : i32
        %dma_start3A_1448 = arith.constant 0 : i32
        %dma_start3A_1449 = tpu.memref_slice %arg2[%dma_start3A_1447, %dma_start3A_1448] : memref<1000000x64xf32, #tpu.memory_space<hbm>> -> memref<1000000x64xf32, #tpu.memory_space<hbm>>
        tpu.enqueue_indirect_dma source(%dma_start3A_1449 : memref<1000000x64xf32, #tpu.memory_space<hbm>>) target(%dma_start3A_1446 : memref<16x64xf32, #tpu.memory_space<vmem>>) offsets(%get3A_1441 : vector<16xi32>) semaphore(%arg11 : memref<!tpu.dma_semaphore, #tpu.memory_space<semaphore_mem>>)
      } else {
      }
    }
    %scan3A_555 = arith.constant 21 : i32
    %dma_wait3A = arith.constant 0 : i32
    %dma_wait3A_556 = arith.constant 0 : i32
    %dma_wait3A_557 = arith.constant 0 : i32
    %dma_wait3A_558 = tpu.memref_slice %arg9[%dma_wait3A, %dma_wait3A_556, %dma_wait3A_557] : memref<3x400x64xf32, #tpu.memory_space<vmem>> -> memref<1x400x64xf32, #tpu.memory_space<vmem>>
    %dma_wait3A_559 = tpu.memref_squeeze %dma_wait3A_558 : memref<1x400x64xf32, #tpu.memory_space<vmem>> -> memref<400x64xf32, #tpu.memory_space<vmem>>
    %dma_wait3A_560 = arith.constant 0 : i32
    %dma_wait3A_561 = arith.constant 0 : i32
    %dma_wait3A_562 = tpu.memref_slice %arg2[%dma_wait3A_560, %dma_wait3A_561] : memref<1000000x64xf32, #tpu.memory_space<hbm>> -> memref<400x64xf32, #tpu.memory_space<hbm>>
    %dma_wait3A_563 = arith.constant 0 : i32
    %dma_wait3A_564 = arith.constant 0 : i32
    %dma_wait3A_565 = tpu.memref_slice %arg9[%dma_wait3A, %dma_wait3A_563, %dma_wait3A_564] : memref<3x400x64xf32, #tpu.memory_space<vmem>> -> memref<1x400x64xf32, #tpu.memory_space<vmem>>
    %dma_wait3A_566 = tpu.memref_squeeze %dma_wait3A_565 : memref<1x400x64xf32, #tpu.memory_space<vmem>> -> memref<400x64xf32, #tpu.memory_space<vmem>>
    %dma_wait3A_567 = arith.constant 0 : i32
    %dma_wait3A_568 = arith.constant 0 : i32
    %dma_wait3A_569 = tpu.memref_slice %arg2[%dma_wait3A_567, %dma_wait3A_568] : memref<1000000x64xf32, #tpu.memory_space<hbm>> -> memref<400x64xf32, #tpu.memory_space<hbm>>
    tpu.wait_dma2 semaphore(%arg10 : memref<!tpu.dma_semaphore, #tpu.memory_space<semaphore_mem>>) src(%dma_wait3A_569 : memref<400x64xf32, #tpu.memory_space<hbm>>) dst(%dma_wait3A_566 : memref<400x64xf32, #tpu.memory_space<vmem>>)
    %parallel_loop3A = arith.constant 0 : i32
    %parallel_loop3A_570 = arith.constant 200 : i32
    %parallel_loop3A_571 = arith.constant 1 : i32
    scf.for %parallel_loop3A_632 = %parallel_loop3A to %parallel_loop3A_570 step %parallel_loop3A_571  : i32 {
      %parallel_loop3A_633 = arith.constant 0 : i32
      %parallel_loop3A_634 = arith.addi %parallel_loop3A_632, %parallel_loop3A_633 : i32
      %parallel_loop3A_635 = arith.constant 0 : i32
      %parallel_loop3A_636 = arith.index_cast %parallel_loop3A_635 : i32 to index
      %parallel_loop3A_637 = arith.index_cast %parallel_loop3A_634 : i32 to index
      %parallel_loop3A_638 = arith.constant 0 : index
      %parallel_loop3A_639 = tpu.vector_load %arg9[%parallel_loop3A_636, %parallel_loop3A_637, %parallel_loop3A_638] {strides = array<i32>} : memref<3x400x64xf32, #tpu.memory_space<vmem>>, vector<1x1x16xf32>,
      %parallel_loop3A_640 = vector.shape_cast %parallel_loop3A_639 : vector<1x1x16xf32> to vector<16xf32>
      %parallel_loop3A_641 = arith.constant 8.000000e+00 : f32
      %parallel_loop3A_642 = vector.broadcast %parallel_loop3A_641 : f32 to vector<16xf32>
      %parallel_loop3A_643 = arith.mulf %parallel_loop3A_640, %parallel_loop3A_642 : vector<16xf32>
      %parallel_loop3A_644 = arith.index_cast %parallel_loop3A_632 : i32 to index
      %parallel_loop3A_645 = arith.constant 0 : index
      %parallel_loop3A_646 = tpu.vector_load %arg8[%parallel_loop3A_644, %parallel_loop3A_645] {strides = array<i32>} : memref<200x64xf32, #tpu.memory_space<vmem>>, vector<1x16xf32>,
      %parallel_loop3A_647 = vector.shape_cast %parallel_loop3A_646 : vector<1x16xf32> to vector<16xf32>
      %parallel_loop3A_648 = arith.addf %parallel_loop3A_643, %parallel_loop3A_647 : vector<16xf32>
      %parallel_loop3A_649 = arith.constant 0 : i32
      %parallel_loop3A_650 = arith.addi %parallel_loop3A_632, %parallel_loop3A_649 : i32
      %parallel_loop3A_651 = arith.constant 0 : i32
      %parallel_loop3A_652 = arith.index_cast %parallel_loop3A_651 : i32 to index
      %parallel_loop3A_653 = arith.index_cast %parallel_loop3A_650 : i32 to index
      %parallel_loop3A_654 = arith.constant 0 : index
      %parallel_loop3A_655 = tpu.vector_load %arg9[%parallel_loop3A_652, %parallel_loop3A_653, %parallel_loop3A_654] {strides = array<i32>} : memref<3x400x64xf32, #tpu.memory_space<vmem>>, vector<1x1x16xf32>,
      %parallel_loop3A_656 = vector.shape_cast %parallel_loop3A_655 : vector<1x1x16xf32> to vector<16xf32>
      %parallel_loop3A_657 = vector.shape_cast %parallel_loop3A_648 : vector<16xf32> to vector<1x1x16xf32>
      tpu.vector_store %arg9[%parallel_loop3A_652, %parallel_loop3A_653, %parallel_loop3A_654], %parallel_loop3A_657 {strides = array<i32>} : memref<3x400x64xf32, #tpu.memory_space<vmem>>, vector<1x1x16xf32>,
      %parallel_loop3A_658 = arith.constant 0 : i32
      %parallel_loop3A_659 = arith.addi %parallel_loop3A_632, %parallel_loop3A_658 : i32
      %parallel_loop3A_660 = arith.constant 0 : i32
      %parallel_loop3A_661 = arith.index_cast %parallel_loop3A_660 : i32 to index
      %parallel_loop3A_662 = arith.index_cast %parallel_loop3A_659 : i32 to index
      %parallel_loop3A_663 = arith.constant 16 : index
      %parallel_loop3A_664 = tpu.vector_load %arg9[%parallel_loop3A_661, %parallel_loop3A_662, %parallel_loop3A_663] {strides = array<i32>} : memref<3x400x64xf32, #tpu.memory_space<vmem>>, vector<1x1x16xf32>,
      %parallel_loop3A_665 = vector.shape_cast %parallel_loop3A_664 : vector<1x1x16xf32> to vector<16xf32>
      %parallel_loop3A_666 = arith.constant 8.000000e+00 : f32
      %parallel_loop3A_667 = vector.broadcast %parallel_loop3A_666 : f32 to vector<16xf32>
      %parallel_loop3A_668 = arith.mulf %parallel_loop3A_665, %parallel_loop3A_667 : vector<16xf32>
      %parallel_loop3A_669 = arith.index_cast %parallel_loop3A_632 : i32 to index
      %parallel_loop3A_670 = arith.constant 16 : index
      %parallel_loop3A_671 = tpu.vector_load %arg8[%parallel_loop3A_669, %parallel_loop3A_670] {strides = array<i32>} : memref<200x64xf32, #tpu.memory_space<vmem>>, vector<1x16xf32>,
      %parallel_loop3A_672 = vector.shape_cast %parallel_loop3A_671 : vector<1x16xf32> to vector<16xf32>
      %parallel_loop3A_673 = arith.addf %parallel_loop3A_668, %parallel_loop3A_672 : vector<16xf32>
      %parallel_loop3A_674 = arith.constant 0 : i32
      %parallel_loop3A_675 = arith.addi %parallel_loop3A_632, %parallel_loop3A_674 : i32
      %parallel_loop3A_676 = arith.constant 0 : i32
      %parallel_loop3A_677 = arith.index_cast %parallel_loop3A_676 : i32 to index
      %parallel_loop3A_678 = arith.index_cast %parallel_loop3A_675 : i32 to index
      %parallel_loop3A_679 = arith.constant 16 : index
      %parallel_loop3A_680 = tpu.vector_load %arg9[%parallel_loop3A_677, %parallel_loop3A_678, %parallel_loop3A_679] {strides = array<i32>} : memref<3x400x64xf32, #tpu.memory_space<vmem>>, vector<1x1x16xf32>,
      %parallel_loop3A_681 = vector.shape_cast %parallel_loop3A_680 : vector<1x1x16xf32> to vector<16xf32>
      %parallel_loop3A_682 = vector.shape_cast %parallel_loop3A_673 : vector<16xf32> to vector<1x1x16xf32>
      tpu.vector_store %arg9[%parallel_loop3A_677, %parallel_loop3A_678, %parallel_loop3A_679], %parallel_loop3A_682 {strides = array<i32>} : memref<3x400x64xf32, #tpu.memory_space<vmem>>, vector<1x1x16xf32>,
      %parallel_loop3A_683 = arith.constant 0 : i32
      %parallel_loop3A_684 = arith.addi %parallel_loop3A_632, %parallel_loop3A_683 : i32
      %parallel_loop3A_685 = arith.constant 0 : i32
      %parallel_loop3A_686 = arith.index_cast %parallel_loop3A_685 : i32 to index
      %parallel_loop3A_687 = arith.index_cast %parallel_loop3A_684 : i32 to index
      %parallel_loop3A_688 = arith.constant 32 : index
      %parallel_loop3A_689 = tpu.vector_load %arg9[%parallel_loop3A_686, %parallel_loop3A_687, %parallel_loop3A_688] {strides = array<i32>} : memref<3x400x64xf32, #tpu.memory_space<vmem>>, vector<1x1x16xf32>,
      %parallel_loop3A_690 = vector.shape_cast %parallel_loop3A_689 : vector<1x1x16xf32> to vector<16xf32>
      %parallel_loop3A_691 = arith.constant 8.000000e+00 : f32
      %parallel_loop3A_692 = vector.broadcast %parallel_loop3A_691 : f32 to vector<16xf32>
      %parallel_loop3A_693 = arith.mulf %parallel_loop3A_690, %parallel_loop3A_692 : vector<16xf32>
      %parallel_loop3A_694 = arith.index_cast %parallel_loop3A_632 : i32 to index
      %parallel_loop3A_695 = arith.constant 32 : index
      %parallel_loop3A_696 = tpu.vector_load %arg8[%parallel_loop3A_694, %parallel_loop3A_695] {strides = array<i32>} : memref<200x64xf32, #tpu.memory_space<vmem>>, vector<1x16xf32>,
      %parallel_loop3A_697 = vector.shape_cast %parallel_loop3A_696 : vector<1x16xf32> to vector<16xf32>
      %parallel_loop3A_698 = arith.addf %parallel_loop3A_693, %parallel_loop3A_697 : vector<16xf32>
      %parallel_loop3A_699 = arith.constant 0 : i32
      %parallel_loop3A_700 = arith.addi %parallel_loop3A_632, %parallel_loop3A_699 : i32
      %parallel_loop3A_701 = arith.constant 0 : i32
      %parallel_loop3A_702 = arith.index_cast %parallel_loop3A_701 : i32 to index
      %parallel_loop3A_703 = arith.index_cast %parallel_loop3A_700 : i32 to index
      %parallel_loop3A_704 = arith.constant 32 : index
      %parallel_loop3A_705 = tpu.vector_load %arg9[%parallel_loop3A_702, %parallel_loop3A_703, %parallel_loop3A_704] {strides = array<i32>} : memref<3x400x64xf32, #tpu.memory_space<vmem>>, vector<1x1x16xf32>,
      %parallel_loop3A_706 = vector.shape_cast %parallel_loop3A_705 : vector<1x1x16xf32> to vector<16xf32>
      %parallel_loop3A_707 = vector.shape_cast %parallel_loop3A_698 : vector<16xf32> to vector<1x1x16xf32>
      tpu.vector_store %arg9[%parallel_loop3A_702, %parallel_loop3A_703, %parallel_loop3A_704], %parallel_loop3A_707 {strides = array<i32>} : memref<3x400x64xf32, #tpu.memory_space<vmem>>, vector<1x1x16xf32>,
      %parallel_loop3A_708 = arith.constant 0 : i32
      %parallel_loop3A_709 = arith.addi %parallel_loop3A_632, %parallel_loop3A_708 : i32
      %parallel_loop3A_710 = arith.constant 0 : i32
      %parallel_loop3A_711 = arith.index_cast %parallel_loop3A_710 : i32 to index
      %parallel_loop3A_712 = arith.index_cast %parallel_loop3A_709 : i32 to index
      %parallel_loop3A_713 = arith.constant 48 : index
      %parallel_loop3A_714 = tpu.vector_load %arg9[%parallel_loop3A_711, %parallel_loop3A_712, %parallel_loop3A_713] {strides = array<i32>} : memref<3x400x64xf32, #tpu.memory_space<vmem>>, vector<1x1x16xf32>,
      %parallel_loop3A_715 = vector.shape_cast %parallel_loop3A_714 : vector<1x1x16xf32> to vector<16xf32>
      %parallel_loop3A_716 = arith.constant 8.000000e+00 : f32
      %parallel_loop3A_717 = vector.broadcast %parallel_loop3A_716 : f32 to vector<16xf32>
      %parallel_loop3A_718 = arith.mulf %parallel_loop3A_715, %parallel_loop3A_717 : vector<16xf32>
      %parallel_loop3A_719 = arith.index_cast %parallel_loop3A_632 : i32 to index
      %parallel_loop3A_720 = arith.constant 48 : index
      %parallel_loop3A_721 = tpu.vector_load %arg8[%parallel_loop3A_719, %parallel_loop3A_720] {strides = array<i32>} : memref<200x64xf32, #tpu.memory_space<vmem>>, vector<1x16xf32>,
      %parallel_loop3A_722 = vector.shape_cast %parallel_loop3A_721 : vector<1x16xf32> to vector<16xf32>
      %parallel_loop3A_723 = arith.addf %parallel_loop3A_718, %parallel_loop3A_722 : vector<16xf32>
      %parallel_loop3A_724 = arith.constant 0 : i32
      %parallel_loop3A_725 = arith.addi %parallel_loop3A_632, %parallel_loop3A_724 : i32
      %parallel_loop3A_726 = arith.constant 0 : i32
      %parallel_loop3A_727 = arith.index_cast %parallel_loop3A_726 : i32 to index
      %parallel_loop3A_728 = arith.index_cast %parallel_loop3A_725 : i32 to index
      %parallel_loop3A_729 = arith.constant 48 : index
      %parallel_loop3A_730 = tpu.vector_load %arg9[%parallel_loop3A_727, %parallel_loop3A_728, %parallel_loop3A_729] {strides = array<i32>} : memref<3x400x64xf32, #tpu.memory_space<vmem>>, vector<1x1x16xf32>,
      %parallel_loop3A_731 = vector.shape_cast %parallel_loop3A_730 : vector<1x1x16xf32> to vector<16xf32>
      %parallel_loop3A_732 = vector.shape_cast %parallel_loop3A_723 : vector<16xf32> to vector<1x1x16xf32>
      tpu.vector_store %arg9[%parallel_loop3A_727, %parallel_loop3A_728, %parallel_loop3A_729], %parallel_loop3A_732 {strides = array<i32>} : memref<3x400x64xf32, #tpu.memory_space<vmem>>, vector<1x1x16xf32>,
      %parallel_loop3A_733 = arith.constant 200 : i32
      %parallel_loop3A_734 = arith.addi %parallel_loop3A_632, %parallel_loop3A_733 : i32
      %parallel_loop3A_735 = arith.constant 0 : i32
      %parallel_loop3A_736 = arith.index_cast %parallel_loop3A_735 : i32 to index
      %parallel_loop3A_737 = arith.index_cast %parallel_loop3A_734 : i32 to index
      %parallel_loop3A_738 = arith.constant 0 : index
      %parallel_loop3A_739 = tpu.vector_load %arg9[%parallel_loop3A_736, %parallel_loop3A_737, %parallel_loop3A_738] {strides = array<i32>} : memref<3x400x64xf32, #tpu.memory_space<vmem>>, vector<1x1x16xf32>,
      %parallel_loop3A_740 = vector.shape_cast %parallel_loop3A_739 : vector<1x1x16xf32> to vector<16xf32>
      %parallel_loop3A_741 = arith.constant 8.000000e+00 : f32
      %parallel_loop3A_742 = vector.broadcast %parallel_loop3A_741 : f32 to vector<16xf32>
      %parallel_loop3A_743 = arith.mulf %parallel_loop3A_740, %parallel_loop3A_742 : vector<16xf32>
      %parallel_loop3A_744 = arith.index_cast %parallel_loop3A_632 : i32 to index
      %parallel_loop3A_745 = arith.constant 0 : index
      %parallel_loop3A_746 = tpu.vector_load %arg8[%parallel_loop3A_744, %parallel_loop3A_745] {strides = array<i32>} : memref<200x64xf32, #tpu.memory_space<vmem>>, vector<1x16xf32>,
      %parallel_loop3A_747 = vector.shape_cast %parallel_loop3A_746 : vector<1x16xf32> to vector<16xf32>
      %parallel_loop3A_748 = arith.addf %parallel_loop3A_743, %parallel_loop3A_747 : vector<16xf32>
      %parallel_loop3A_749 = arith.constant 200 : i32
      %parallel_loop3A_750 = arith.addi %parallel_loop3A_632, %parallel_loop3A_749 : i32
      %parallel_loop3A_751 = arith.constant 0 : i32
      %parallel_loop3A_752 = arith.index_cast %parallel_loop3A_751 : i32 to index
      %parallel_loop3A_753 = arith.index_cast %parallel_loop3A_750 : i32 to index
      %parallel_loop3A_754 = arith.constant 0 : index
      %parallel_loop3A_755 = tpu.vector_load %arg9[%parallel_loop3A_752, %parallel_loop3A_753, %parallel_loop3A_754] {strides = array<i32>} : memref<3x400x64xf32, #tpu.memory_space<vmem>>, vector<1x1x16xf32>,
      %parallel_loop3A_756 = vector.shape_cast %parallel_loop3A_755 : vector<1x1x16xf32> to vector<16xf32>
      %parallel_loop3A_757 = vector.shape_cast %parallel_loop3A_748 : vector<16xf32> to vector<1x1x16xf32>
      tpu.vector_store %arg9[%parallel_loop3A_752, %parallel_loop3A_753, %parallel_loop3A_754], %parallel_loop3A_757 {strides = array<i32>} : memref<3x400x64xf32, #tpu.memory_space<vmem>>, vector<1x1x16xf32>,
      %parallel_loop3A_758 = arith.constant 200 : i32
      %parallel_loop3A_759 = arith.addi %parallel_loop3A_632, %parallel_loop3A_758 : i32
      %parallel_loop3A_760 = arith.constant 0 : i32
      %parallel_loop3A_761 = arith.index_cast %parallel_loop3A_760 : i32 to index
      %parallel_loop3A_762 = arith.index_cast %parallel_loop3A_759 : i32 to index
      %parallel_loop3A_763 = arith.constant 16 : index
      %parallel_loop3A_764 = tpu.vector_load %arg9[%parallel_loop3A_761, %parallel_loop3A_762, %parallel_loop3A_763] {strides = array<i32>} : memref<3x400x64xf32, #tpu.memory_space<vmem>>, vector<1x1x16xf32>,
      %parallel_loop3A_765 = vector.shape_cast %parallel_loop3A_764 : vector<1x1x16xf32> to vector<16xf32>
      %parallel_loop3A_766 = arith.constant 8.000000e+00 : f32
      %parallel_loop3A_767 = vector.broadcast %parallel_loop3A_766 : f32 to vector<16xf32>
      %parallel_loop3A_768 = arith.mulf %parallel_loop3A_765, %parallel_loop3A_767 : vector<16xf32>
      %parallel_loop3A_769 = arith.index_cast %parallel_loop3A_632 : i32 to index
      %parallel_loop3A_770 = arith.constant 16 : index
      %parallel_loop3A_771 = tpu.vector_load %arg8[%parallel_loop3A_769, %parallel_loop3A_770] {strides = array<i32>} : memref<200x64xf32, #tpu.memory_space<vmem>>, vector<1x16xf32>,
      %parallel_loop3A_772 = vector.shape_cast %parallel_loop3A_771 : vector<1x16xf32> to vector<16xf32>
      %parallel_loop3A_773 = arith.addf %parallel_loop3A_768, %parallel_loop3A_772 : vector<16xf32>
      %parallel_loop3A_774 = arith.constant 200 : i32
      %parallel_loop3A_775 = arith.addi %parallel_loop3A_632, %parallel_loop3A_774 : i32
      %parallel_loop3A_776 = arith.constant 0 : i32
      %parallel_loop3A_777 = arith.index_cast %parallel_loop3A_776 : i32 to index
      %parallel_loop3A_778 = arith.index_cast %parallel_loop3A_775 : i32 to index
      %parallel_loop3A_779 = arith.constant 16 : index
      %parallel_loop3A_780 = tpu.vector_load %arg9[%parallel_loop3A_777, %parallel_loop3A_778, %parallel_loop3A_779] {strides = array<i32>} : memref<3x400x64xf32, #tpu.memory_space<vmem>>, vector<1x1x16xf32>,
      %parallel_loop3A_781 = vector.shape_cast %parallel_loop3A_780 : vector<1x1x16xf32> to vector<16xf32>
      %parallel_loop3A_782 = vector.shape_cast %parallel_loop3A_773 : vector<16xf32> to vector<1x1x16xf32>
      tpu.vector_store %arg9[%parallel_loop3A_777, %parallel_loop3A_778, %parallel_loop3A_779], %parallel_loop3A_782 {strides = array<i32>} : memref<3x400x64xf32, #tpu.memory_space<vmem>>, vector<1x1x16xf32>,
      %parallel_loop3A_783 = arith.constant 200 : i32
      %parallel_loop3A_784 = arith.addi %parallel_loop3A_632, %parallel_loop3A_783 : i32
      %parallel_loop3A_785 = arith.constant 0 : i32
      %parallel_loop3A_786 = arith.index_cast %parallel_loop3A_785 : i32 to index
      %parallel_loop3A_787 = arith.index_cast %parallel_loop3A_784 : i32 to index
      %parallel_loop3A_788 = arith.constant 32 : index
      %parallel_loop3A_789 = tpu.vector_load %arg9[%parallel_loop3A_786, %parallel_loop3A_787, %parallel_loop3A_788] {strides = array<i32>} : memref<3x400x64xf32, #tpu.memory_space<vmem>>, vector<1x1x16xf32>,
      %parallel_loop3A_790 = vector.shape_cast %parallel_loop3A_789 : vector<1x1x16xf32> to vector<16xf32>
      %parallel_loop3A_791 = arith.constant 8.000000e+00 : f32
      %parallel_loop3A_792 = vector.broadcast %parallel_loop3A_791 : f32 to vector<16xf32>
      %parallel_loop3A_793 = arith.mulf %parallel_loop3A_790, %parallel_loop3A_792 : vector<16xf32>
      %parallel_loop3A_794 = arith.index_cast %parallel_loop3A_632 : i32 to index
      %parallel_loop3A_795 = arith.constant 32 : index
      %parallel_loop3A_796 = tpu.vector_load %arg8[%parallel_loop3A_794, %parallel_loop3A_795] {strides = array<i32>} : memref<200x64xf32, #tpu.memory_space<vmem>>, vector<1x16xf32>,
      %parallel_loop3A_797 = vector.shape_cast %parallel_loop3A_796 : vector<1x16xf32> to vector<16xf32>
      %parallel_loop3A_798 = arith.addf %parallel_loop3A_793, %parallel_loop3A_797 : vector<16xf32>
      %parallel_loop3A_799 = arith.constant 200 : i32
      %parallel_loop3A_800 = arith.addi %parallel_loop3A_632, %parallel_loop3A_799 : i32
      %parallel_loop3A_801 = arith.constant 0 : i32
      %parallel_loop3A_802 = arith.index_cast %parallel_loop3A_801 : i32 to index
      %parallel_loop3A_803 = arith.index_cast %parallel_loop3A_800 : i32 to index
      %parallel_loop3A_804 = arith.constant 32 : index
      %parallel_loop3A_805 = tpu.vector_load %arg9[%parallel_loop3A_802, %parallel_loop3A_803, %parallel_loop3A_804] {strides = array<i32>} : memref<3x400x64xf32, #tpu.memory_space<vmem>>, vector<1x1x16xf32>,
      %parallel_loop3A_806 = vector.shape_cast %parallel_loop3A_805 : vector<1x1x16xf32> to vector<16xf32>
      %parallel_loop3A_807 = vector.shape_cast %parallel_loop3A_798 : vector<16xf32> to vector<1x1x16xf32>
      tpu.vector_store %arg9[%parallel_loop3A_802, %parallel_loop3A_803, %parallel_loop3A_804], %parallel_loop3A_807 {strides = array<i32>} : memref<3x400x64xf32, #tpu.memory_space<vmem>>, vector<1x1x16xf32>,
      %parallel_loop3A_808 = arith.constant 200 : i32
      %parallel_loop3A_809 = arith.addi %parallel_loop3A_632, %parallel_loop3A_808 : i32
      %parallel_loop3A_810 = arith.constant 0 : i32
      %parallel_loop3A_811 = arith.index_cast %parallel_loop3A_810 : i32 to index
      %parallel_loop3A_812 = arith.index_cast %parallel_loop3A_809 : i32 to index
      %parallel_loop3A_813 = arith.constant 48 : index
      %parallel_loop3A_814 = tpu.vector_load %arg9[%parallel_loop3A_811, %parallel_loop3A_812, %parallel_loop3A_813] {strides = array<i32>} : memref<3x400x64xf32, #tpu.memory_space<vmem>>, vector<1x1x16xf32>,
      %parallel_loop3A_815 = vector.shape_cast %parallel_loop3A_814 : vector<1x1x16xf32> to vector<16xf32>
      %parallel_loop3A_816 = arith.constant 8.000000e+00 : f32
      %parallel_loop3A_817 = vector.broadcast %parallel_loop3A_816 : f32 to vector<16xf32>
      %parallel_loop3A_818 = arith.mulf %parallel_loop3A_815, %parallel_loop3A_817 : vector<16xf32>
      %parallel_loop3A_819 = arith.index_cast %parallel_loop3A_632 : i32 to index
      %parallel_loop3A_820 = arith.constant 48 : index
      %parallel_loop3A_821 = tpu.vector_load %arg8[%parallel_loop3A_819, %parallel_loop3A_820] {strides = array<i32>} : memref<200x64xf32, #tpu.memory_space<vmem>>, vector<1x16xf32>,
      %parallel_loop3A_822 = vector.shape_cast %parallel_loop3A_821 : vector<1x16xf32> to vector<16xf32>
      %parallel_loop3A_823 = arith.addf %parallel_loop3A_818, %parallel_loop3A_822 : vector<16xf32>
      %parallel_loop3A_824 = arith.constant 200 : i32
      %parallel_loop3A_825 = arith.addi %parallel_loop3A_632, %parallel_loop3A_824 : i32
      %parallel_loop3A_826 = arith.constant 0 : i32
      %parallel_loop3A_827 = arith.index_cast %parallel_loop3A_826 : i32 to index
      %parallel_loop3A_828 = arith.index_cast %parallel_loop3A_825 : i32 to index
      %parallel_loop3A_829 = arith.constant 48 : index
      %parallel_loop3A_830 = tpu.vector_load %arg9[%parallel_loop3A_827, %parallel_loop3A_828, %parallel_loop3A_829] {strides = array<i32>} : memref<3x400x64xf32, #tpu.memory_space<vmem>>, vector<1x1x16xf32>,
      %parallel_loop3A_831 = vector.shape_cast %parallel_loop3A_830 : vector<1x1x16xf32> to vector<16xf32>
      %parallel_loop3A_832 = vector.shape_cast %parallel_loop3A_823 : vector<16xf32> to vector<1x1x16xf32>
      tpu.vector_store %arg9[%parallel_loop3A_827, %parallel_loop3A_828, %parallel_loop3A_829], %parallel_loop3A_832 {strides = array<i32>} : memref<3x400x64xf32, #tpu.memory_space<vmem>>, vector<1x1x16xf32>,
    } {sc.loop_unroll_factor = 8 : i64, sc.parallel_access}
    %add3A_572 = arith.constant 25200 : i32
    %add3A_573 = arith.addi %mul3A_2, %add3A_572 : i32
    %dma_start3A_574 = arith.constant 0 : i32
    %dma_start3A_575 = arith.constant 0 : i32
    %dma_start3A_576 = arith.constant 0 : i32
    %dma_start3A_577 = tpu.memref_slice %arg9[%dma_start3A_574, %dma_start3A_575, %dma_start3A_576] : memref<3x400x64xf32, #tpu.memory_space<vmem>> -> memref<1x400x64xf32, #tpu.memory_space<vmem>>
    %dma_start3A_578 = tpu.memref_squeeze %dma_start3A_577 : memref<1x400x64xf32, #tpu.memory_space<vmem>> -> memref<400x64xf32, #tpu.memory_space<vmem>>
    %dma_start3A_579 = arith.constant 0 : i32
    %dma_start3A_580 = tpu.memref_slice %arg6[%add3A_573, %dma_start3A_579] : memref<819200x64xf32, #tpu.memory_space<hbm>> -> memref<400x64xf32, #tpu.memory_space<hbm>>
    %dma_start3A_581 = arith.constant 0 : i32
    %dma_start3A_582 = tpu.memref_slice %arg6[%add3A_573, %dma_start3A_581] : memref<819200x64xf32, #tpu.memory_space<hbm>> -> memref<400x64xf32, #tpu.memory_space<hbm>>
    %dma_start3A_583 = arith.constant 0 : i32
    %dma_start3A_584 = arith.constant 0 : i32
    %dma_start3A_585 = tpu.memref_slice %arg9[%dma_start3A_574, %dma_start3A_583, %dma_start3A_584] : memref<3x400x64xf32, #tpu.memory_space<vmem>> -> memref<1x400x64xf32, #tpu.memory_space<vmem>>
    %dma_start3A_586 = tpu.memref_squeeze %dma_start3A_585 : memref<1x400x64xf32, #tpu.memory_space<vmem>> -> memref<400x64xf32, #tpu.memory_space<vmem>>
    tpu.enqueue_dma source(%dma_start3A_586 : memref<400x64xf32, #tpu.memory_space<vmem>>) target(%dma_start3A_582 : memref<400x64xf32, #tpu.memory_space<hbm>>) target_semaphore(%arg13 : memref<!tpu.dma_semaphore, #tpu.memory_space<semaphore_mem>>)
    %add3A_587 = arith.constant 24400 : i32
    %add3A_588 = arith.addi %mul3A_2, %add3A_587 : i32
    %dma_wait3A_589 = arith.constant 1 : i32
    %dma_wait3A_590 = arith.constant 0 : i32
    %dma_wait3A_591 = arith.constant 0 : i32
    %dma_wait3A_592 = tpu.memref_slice %arg9[%dma_wait3A_589, %dma_wait3A_590, %dma_wait3A_591] : memref<3x400x64xf32, #tpu.memory_space<vmem>> -> memref<1x400x64xf32, #tpu.memory_space<vmem>>
    %dma_wait3A_593 = tpu.memref_squeeze %dma_wait3A_592 : memref<1x400x64xf32, #tpu.memory_space<vmem>> -> memref<400x64xf32, #tpu.memory_space<vmem>>
    %dma_wait3A_594 = arith.constant 0 : i32
    %dma_wait3A_595 = tpu.memref_slice %arg6[%add3A_588, %dma_wait3A_594] : memref<819200x64xf32, #tpu.memory_space<hbm>> -> memref<400x64xf32, #tpu.memory_space<hbm>>
    %dma_wait3A_596 = arith.constant 0 : i32
    %dma_wait3A_597 = tpu.memref_slice %arg6[%add3A_588, %dma_wait3A_596] : memref<819200x64xf32, #tpu.memory_space<hbm>> -> memref<400x64xf32, #tpu.memory_space<hbm>>
    %dma_wait3A_598 = arith.constant 0 : i32
    %dma_wait3A_599 = arith.constant 0 : i32
    %dma_wait3A_600 = tpu.memref_slice %arg9[%dma_wait3A_589, %dma_wait3A_598, %dma_wait3A_599] : memref<3x400x64xf32, #tpu.memory_space<vmem>> -> memref<1x400x64xf32, #tpu.memory_space<vmem>>
    %dma_wait3A_601 = tpu.memref_squeeze %dma_wait3A_600 : memref<1x400x64xf32, #tpu.memory_space<vmem>> -> memref<400x64xf32, #tpu.memory_space<vmem>>
    tpu.wait_dma2 semaphore(%arg14 : memref<!tpu.dma_semaphore, #tpu.memory_space<semaphore_mem>>) src(%dma_wait3A_601 : memref<400x64xf32, #tpu.memory_space<vmem>>) dst(%dma_wait3A_597 : memref<400x64xf32, #tpu.memory_space<hbm>>)
    %add3A_602 = arith.constant 24800 : i32
    %add3A_603 = arith.addi %mul3A_2, %add3A_602 : i32
    %dma_wait3A_604 = arith.constant 2 : i32
    %dma_wait3A_605 = arith.constant 0 : i32
    %dma_wait3A_606 = arith.constant 0 : i32
    %dma_wait3A_607 = tpu.memref_slice %arg9[%dma_wait3A_604, %dma_wait3A_605, %dma_wait3A_606] : memref<3x400x64xf32, #tpu.memory_space<vmem>> -> memref<1x400x64xf32, #tpu.memory_space<vmem>>
    %dma_wait3A_608 = tpu.memref_squeeze %dma_wait3A_607 : memref<1x400x64xf32, #tpu.memory_space<vmem>> -> memref<400x64xf32, #tpu.memory_space<vmem>>
    %dma_wait3A_609 = arith.constant 0 : i32
    %dma_wait3A_610 = tpu.memref_slice %arg6[%add3A_603, %dma_wait3A_609] : memref<819200x64xf32, #tpu.memory_space<hbm>> -> memref<400x64xf32, #tpu.memory_space<hbm>>
    %dma_wait3A_611 = arith.constant 0 : i32
    %dma_wait3A_612 = tpu.memref_slice %arg6[%add3A_603, %dma_wait3A_611] : memref<819200x64xf32, #tpu.memory_space<hbm>> -> memref<400x64xf32, #tpu.memory_space<hbm>>
    %dma_wait3A_613 = arith.constant 0 : i32
    %dma_wait3A_614 = arith.constant 0 : i32
    %dma_wait3A_615 = tpu.memref_slice %arg9[%dma_wait3A_604, %dma_wait3A_613, %dma_wait3A_614] : memref<3x400x64xf32, #tpu.memory_space<vmem>> -> memref<1x400x64xf32, #tpu.memory_space<vmem>>
    %dma_wait3A_616 = tpu.memref_squeeze %dma_wait3A_615 : memref<1x400x64xf32, #tpu.memory_space<vmem>> -> memref<400x64xf32, #tpu.memory_space<vmem>>
    tpu.wait_dma2 semaphore(%arg15 : memref<!tpu.dma_semaphore, #tpu.memory_space<semaphore_mem>>) src(%dma_wait3A_616 : memref<400x64xf32, #tpu.memory_space<vmem>>) dst(%dma_wait3A_612 : memref<400x64xf32, #tpu.memory_space<hbm>>)
    %add3A_617 = arith.constant 25200 : i32
    %add3A_618 = arith.addi %mul3A_2, %add3A_617 : i32
    %dma_wait3A_619 = arith.constant 0 : i32
    %dma_wait3A_620 = arith.constant 0 : i32
    %dma_wait3A_621 = arith.constant 0 : i32
    %dma_wait3A_622 = tpu.memref_slice %arg9[%dma_wait3A_619, %dma_wait3A_620, %dma_wait3A_621] : memref<3x400x64xf32, #tpu.memory_space<vmem>> -> memref<1x400x64xf32, #tpu.memory_space<vmem>>
    %dma_wait3A_623 = tpu.memref_squeeze %dma_wait3A_622 : memref<1x400x64xf32, #tpu.memory_space<vmem>> -> memref<400x64xf32, #tpu.memory_space<vmem>>
    %dma_wait3A_624 = arith.constant 0 : i32
    %dma_wait3A_625 = tpu.memref_slice %arg6[%add3A_618, %dma_wait3A_624] : memref<819200x64xf32, #tpu.memory_space<hbm>> -> memref<400x64xf32, #tpu.memory_space<hbm>>
    %dma_wait3A_626 = arith.constant 0 : i32
    %dma_wait3A_627 = tpu.memref_slice %arg6[%add3A_618, %dma_wait3A_626] : memref<819200x64xf32, #tpu.memory_space<hbm>> -> memref<400x64xf32, #tpu.memory_space<hbm>>
    %dma_wait3A_628 = arith.constant 0 : i32
    %dma_wait3A_629 = arith.constant 0 : i32
    %dma_wait3A_630 = tpu.memref_slice %arg9[%dma_wait3A_619, %dma_wait3A_628, %dma_wait3A_629] : memref<3x400x64xf32, #tpu.memory_space<vmem>> -> memref<1x400x64xf32, #tpu.memory_space<vmem>>
    %dma_wait3A_631 = tpu.memref_squeeze %dma_wait3A_630 : memref<1x400x64xf32, #tpu.memory_space<vmem>> -> memref<400x64xf32, #tpu.memory_space<vmem>>
    tpu.wait_dma2 semaphore(%arg13 : memref<!tpu.dma_semaphore, #tpu.memory_space<semaphore_mem>>) src(%dma_wait3A_631 : memref<400x64xf32, #tpu.memory_space<vmem>>) dst(%dma_wait3A_627 : memref<400x64xf32, #tpu.memory_space<hbm>>)
    return
  }
}

</mosaic_0001>

<sc_bundles>
// kernel: kernel.3.cloned.1.call-start
scs
__scs_entry_jumppad:
0x0: {  	(pc) =	sbr.rel $0x88, $3  }
0x1: {  	(tag) =	ssettag $0x0;
	lr =	simm.s32 $0x1  }
0x2: {  	[smem:$0x3F9F] =	sst lr;
	_ =	strace $0xD0000000  }
0x3: {  	_ = 	snop  }
0x4: {  	_ = 	snop  }
0x5: {  	_ = 	snop  }
0x6: {  	_ = 	snop  }
0x7: {  	_ = 	snop  }
__scs_overlays_trampoline_lowered:
0x8: {  	[smem:$0x3FAE] =	sst s0  }
0x9: {  	[smem:$0x3FAF] =	sst s1  }
0xa: {  	[smem:$0x3FB0] =	sst s2  }
0xb: {  	[smem:$0x3FB1] =	sst s3  }
0xc: {  	[smem:$0x3FB2] =	sst s4  }
0xd: {  	[smem:$0x3FB3] =	sst s5  }
0xe: {  	[smem:$0x3FB4] =	sst s6  }
0xf: {  	[smem:$0x3FB5] =	sst s7  }
0x10: {  	[smem:$0x3FB6] =	sst s8  }
0x11: {  	[smem:$0x3FB7] =	sst s9;
	s0 =	simm.s32 @!p0 $0x0  }
0x12: {  	s1 =	sld [smem:$0x3F9D];
	s0 =	simm.s32 @p0 $0x1  }
0x13: {  	[smem:$0x3FB8] =	sst s0;
	s0 =	simm.s32 @!p1 $0x0  }
0x14: {  	s2 =	sld [smem:$0x3F9C];
	s0 =	simm.s32 @p1 $0x1  }
0x15: {  	[smem:$0x3FB9] =	sst s0;
	s0 =	simm.s32 @!p2 $0x0  }
0x16: {  	s3 =	sld [smem:$0x3FDB];
	s0 =	simm.s32 @p2 $0x1  }
0x17: {  	s4 =	simm.s32 $0x1BF5;
	[smem:$0x3FBB] =	sst s0  }
0x18: {  	s0 =	sld [smem:$0x3F9E];
	_ =	swait.ge [sflag:s4], $0x0  }
0x19: {  	s7 =	sld [smem:$0x3F9F]  }
0x1a: {  	s8 =	sadd.s32 $0xFFFFE003, lr  }
0x1b: {  	s9 =	sadd.s32 $0xFFFFFEF7, lr;
	s5 =	simm.s32 $0xFFFFFFFF;
	p2 =	slt.u32 s8, $0xFFFFF086  }
0x1c: {  	p1 =	slt.u32 s9, $0xF7A;
	s5 =	simm.s32 @!p2 $0x0  }
0x1d: {  	s5 =	simm.s32 @p1 $0x1;
	p0 =	seq.s32 s7, s2  }
0x1e: {  	s7 =	smul.u32 @!p0 $0xF7A, s2;
	p2 =	seq.s32 @!p0 s5, $0x0  }
0x1f: {  	s9 =	smul.u32 $0xF7A, s1;
	s8 =	simm.s32 @!p0 $0x1BF5;
	p2 =	por !p2, p0  }
0x20: {  	[sflag:s8] =	ssyncset.s32 @!p0 $0xFFFFF086;
	s6 =	sadd.s32 @!p0 s3, s7;
	s7 =	simm.s32 @!p0 $0x108  }
0x21: {  	s3 =	sadd.s32 s3, s9;
	s6 =	sadd.s32 @!p0 $0x88, s6;
	s7 =	simm.s32 @p2 $0x1082  }
0x22: {  	[simem:s7], [sflag:s8] =	dma.local @!p0 [hbm:s6], $0xF7A  }
0x23: {  	s9 =	sor.u32 $0xD0000000, s2;
	s6 =	simm.s32 $0x108;
	_ =	swait.ge @!p0 [sflag:s8], $0x0  }
0x24: {  	s3 =	sadd.s32 $0x88, s3;
	s6 =	simm.s32 @!p1 $0x1082;
	[sflag:s4] =	ssyncset.s32 $0xFFFFF086  }
0x25: {  	[simem:s6], [sflag:s4] =	dma.local [hbm:s3], $0xF7A  }
0x26: {  	[smem:$0x3F9F] =	sst s1;
	(tag) =	ssettag s2;
	_ =	strace s9  }
0x27: {  	s1 =	sld [smem:$0x3FAF]  }
0x28: {  	s2 =	sld [smem:$0x3FB0]  }
0x29: {  	s4 =	sld [smem:$0x3FB2]  }
0x2a: {  	p0 =	seq.s32 s5, $0x0;
	s5 =	sld [smem:$0x3FB3]  }
0x2b: {  	s6 =	sld [smem:$0x3FB4]  }
0x2c: {  	s7 =	sld [smem:$0x3FB5]  }
0x2d: {  	s3 =	simm.s32 $0x108;
	s8 =	sld [smem:$0x3FB6]  }
0x2e: {  	s3 =	simm.s32 @!p0 $0x1082;
	s9 =	sld [smem:$0x3FB7]  }
0x2f: {  	lr =	sadd.s32 s0, s3;
	s0 =	sld [smem:$0x3FAE]  }
0x30: {  	s3 =	sld [smem:$0x3FB1]  }
0x31: {  	[smem:$0x3FBA] =	sst s10  }
0x32: {  	s10 =	sld [smem:$0x3FB8];
	_ =	sdelay $0x3  }
0x33: {  	p0 =	seq.s32 s10, $0x1;
	s10 =	sld [smem:$0x3FBA];
	_ =	sdelay $0x3  }
0x34: {  	[smem:$0x3FBA] =	sst s10  }
0x35: {  	s10 =	sld [smem:$0x3FB9];
	_ =	sdelay $0x3  }
0x36: {  	p1 =	seq.s32 s10, $0x1;
	s10 =	sld [smem:$0x3FBA];
	_ =	sdelay $0x3  }
0x37: {  	[smem:$0x3FBA] =	sst s10  }
0x38: {  	s10 =	sld [smem:$0x3FBB]  }
0x39: {  	_ = 	snop;
	(pc) =	sbr.ind lr, $3  }
0x3a: {  	_ = 	snop  }
0x3b: {  	_ = 	snop  }
0x3c: {  	p2 =	seq.s32 s10, $0x1;
	s10 =	sld [smem:$0x3FBA]  }
0x3d: {  	_ =	shalt  }
0x3e: {  	_ =	shalt  }
0x3f: {  	_ =	shalt  }
0x40: {  	_ =	shalt  }
0x41: {  	_ =	shalt  }
0x42: {  	_ =	shalt  }
0x43: {  	_ =	shalt  }
0x44: {  	_ =	shalt  }
0x45: {  	_ =	shalt  }
0x46: {  	_ =	shalt  }
0x47: {  	_ =	shalt  }
0x48: {  	_ =	shalt  }
0x49: {  	_ =	shalt  }
0x4a: {  	_ =	shalt  }
0x4b: {  	_ =	shalt  }
0x4c: {  	_ =	shalt  }
0x4d: {  	_ =	shalt  }
0x4e: {  	_ =	shalt  }
0x4f: {  	_ =	shalt  }
0x50: {  	_ =	shalt  }
0x51: {  	_ =	shalt  }
0x52: {  	_ =	shalt  }
0x53: {  	_ =	shalt  }
0x54: {  	_ =	shalt  }
0x55: {  	_ =	shalt  }
0x56: {  	_ =	shalt  }
0x57: {  	_ =	shalt  }
0x58: {  	_ =	shalt  }
0x59: {  	_ =	shalt  }
0x5a: {  	_ =	shalt  }
0x5b: {  	_ =	shalt  }
0x5c: {  	_ =	shalt  }
0x5d: {  	_ =	shalt  }
0x5e: {  	_ =	shalt  }
0x5f: {  	_ =	shalt  }
0x60: {  	_ =	shalt  }
0x61: {  	_ =	shalt  }
0x62: {  	_ =	shalt  }
0x63: {  	_ =	shalt  }
0x64: {  	_ =	shalt  }
0x65: {  	_ =	shalt  }
0x66: {  	_ =	shalt  }
0x67: {  	_ =	shalt  }
0x68: {  	_ =	shalt  }
0x69: {  	_ =	shalt  }
0x6a: {  	_ =	shalt  }
0x6b: {  	_ =	shalt  }
0x6c: {  	_ =	shalt  }
0x6d: {  	_ =	shalt  }
0x6e: {  	_ =	shalt  }
0x6f: {  	_ =	shalt  }
0x70: {  	_ =	shalt  }
0x71: {  	_ =	shalt  }
0x72: {  	_ =	shalt  }
0x73: {  	_ =	shalt  }
0x74: {  	_ =	shalt  }
0x75: {  	_ =	shalt  }
0x76: {  	_ =	shalt  }
0x77: {  	_ =	shalt  }
0x78: {  	_ =	shalt  }
0x79: {  	_ =	shalt  }
0x7a: {  	_ =	shalt  }
0x7b: {  	_ =	shalt  }
0x7c: {  	_ =	shalt  }
0x7d: {  	_ =	shalt  }
0x7e: {  	_ =	shalt  }
0x7f: {  	_ =	shalt  }
0x80: {  	_ =	shalt  }
0x81: {  	_ =	shalt  }
0x82: {  	_ =	shalt  }
0x83: {  	_ =	shalt  }
0x84: {  	_ =	shalt  }
0x85: {  	_ =	shalt  }
0x86: {  	_ =	shalt  }
0x87: {  	_ =	shalt  }
.Lfunc_end0:
.L_simem_size_0:
called_computation.1_lowered:
.L_overlay_start_0:
0x88: {  	s2 =	sld [smem:$0x3FD9]  }
0x89: {  	s3 =	sld [smem:$0x3FFE];
	_ =	sdelay $0x1  }
0x8a: {  	s1 =	srdreg.scid  }
0x8b: {  	s0 =	sand.u32 $0x1, s1  }
0x8c: {  	s17 =	sshll.u32 s0, $0xA;
	s2 =	sadd.s32 s3, s2  }
0x8d: {  	s2 =	sadd.s32 s2, s17  }
0x8e: {  	[smem:$0x3FC6] =	sst s2  }
0x8f: {  	_ = 	snop  }
0x90: {  	s2 =	sld [smem:$0x3FD0];
	(tm) =	ssettm $0x1  }
0x91: {  	s18 =	sld [smem:$0x3FFB];
	_ =	sdelay $0x3  }
0x92: {  	_ =	strace s18  }
0x93: {  	s3 =	sld [smem:$0x3FFC];
	_ =	sdelay $0x3  }
0x94: {  	_ =	strace s3  }
0x95: {  	s3 =	sld [smem:$0x3FFD];
	_ =	sdelay $0x3  }
0x96: {  	_ =	strace s3  }
0x97: {  	_ =	strace $0x8FFFFFFF  }
0x98: {  	s19 =	sld [smem:$0x3FDB];
	_ =	sdelay $0x1  }
0x99: {  	s4 =	simm.s32 $_scs_section_size  }
0x9a: {  	s5 =	simm.s32 $_size__tile_overlayer_lowered;
	s6 =	simm.s32 $_tile_overlayer_lowered  }
0x9b: {  	s22 =	simm.s32 $0x1BFF;
	s21 =	sshll.u32 s6, $0x1;
	s3 =	sadd.s32 s4, s19  }
0x9c: {  	s7 =	simm.s32 $0x0;
	s20 =	sshll.u32 s5, $0x1;
	s5 =	sadd.s32 s21, s3  }
0x9d: {  	[timem:s7], [sflag:s22] =	dma.local [hbm:s5], s20  }
0x9e: {  	_ =	swait.ge [sflag:s22], s20  }
0x9f: {  	s4 =	ssub.s32 $0x0, s20;
	[sflag:s22] =	ssyncset.done $0x0  }
0xa0: {  	[sflag:s22] =	ssyncadd.s32 s4;
	_ =	sdelay $0x1  }
0xa1: {  	s23 =	simm.s32 $0x1B8B  }
0xa2: {  	_ =	swait.ge [sflag:s23], $0x1  }
0xa3: {  	[sflag:s23] =	ssyncset.done $0x0  }
0xa4: {  	s25 =	simm.s32 $0x1B8E;
	s24 =	sld [smem:$0x3FFE];
	[sflag:s23] =	ssyncadd.s32 $0xFFFFFFFF  }
0xa5: {  	s26 =	simm.s32 $execute0_lowered;
	[smem:$0x3FD2] =	sst s25  }
0xa6: {  	s5 =	sshll.u32 s26, $0x1;
	_ =	strace $0x80000046;
	[dreg:$0x1] =	wrdreg $0xFFFFFFFF  }
0xa7: {  	s28 =	simm.s32 $_size_execute0_lowered;
	s3 =	sadd.s32 s3, s5;
	[dreg:$0x0] =	wrdreg $0x0  }
0xa8: {  	s5 =	sshll.u32 s28, $0x1;
	[dreg:$0x2] =	wrdreg s3  }
0xa9: {  	[dreg:$0x3] =	wrdreg s5  }
0xaa: {  	[dreg:$0x4] =	wrdreg $0xC0  }
0xab: {  	_ =	task [dreg:s7], $0x5FFFF  }
0xac: {  	[dreg:$0x1] =	wrdreg $0xFFFFFFFF  }
0xad: {  	[dreg:$0x0] =	wrdreg $0x60  }
0xae: {  	[dreg:$0x2] =	wrdreg s24  }
0xaf: {  	[dreg:$0x3] =	wrdreg s2  }
0xb0: {  	[dreg:$0x4] =	wrdreg $0x9  }
0xb1: {  	_ =	task.clear_ibuf [dreg:s7], $0x5FFFF;
	_ =	strace $0x90000046  }
0xb2: {  	s29 =	simm.s32 $0x9;
	_ =	strace $0x80000048  }
0xb3: {  	_ =	swait.ge [sflag:s29], $0x1  }
0xb4: {  	[sflag:s29] =	ssyncadd.s32 $0xFFFFFFFF  }
0xb5: {  	_ =	strace $0x90000048  }
0xb6: {  	_ =	sfence  }
0xb7: {  	s30 =	sld [smem:$0x0];
	_ =	sdelay $0x2  }
0xb8: {  	s31 =	sshll.u32 s1, $0xD;
	s1 =	sshrl.u32 s1, $0x2  }
0xb9: {  	s3 =	sand.u32 $0x4000, s31;
	s1 =	sadd.s32 s1, s30  }
0xba: {  	s0 =	sor.u32 s3, s0;
	s1 =	sshll.u32 s1, $0x11  }
0xbb: {  	s0 =	sor.u32 s1, s0  }
0xbc: {  	s0 =	sadd.s32 $0x8F2B, s0  }
0xbd: {  	[sflag:s0] =	ssyncadd.remote.s32 $0x1  }
0xbe: {  	_ =	sfence.sel $0xFFFF  }
0xbf: {  	[dreg:$0x0] =	wrdreg $0xFFFFFFFF;
	(pc) =	sbr.abs _section_cstart, $3  }
0xc0: {  	[dreg:$0x1] =	wrdreg $0xFFFFFFFF  }
0xc1: {  	_ =	task.clear_ibuf [dreg:s7], $0x2FFFF;
	_ =	strace $0x9FFFFFFF  }
0xc2: {  	(tm) =	ssettm $0x7FFFFFFF  }
0xc3: {  	_ =	shalt  }
tec
execute0_lowered:
.L_overlay_start_1:
0x0: {  	(tag) =	ssettag $0x1  }
0x1: {  	s0 =	rddreg [dreg:$0x0];
	s1 =	srdreg.scid  }
0x2: {  	s3 =	stileid.u32;
	s2 =	rddreg [dreg:$0x1];
	s14 =	simm.s32 $0x9600  }
0x3: {  	s30 =	simm.s32 $0xD200;
	s31 =	simm.s32 $0xD600;
	s13 =	simm.s32 $0xE200  }
0x4: {  	s10 =	simm.s32 $0xEE00;
	s11 =	simm.s32 $0xF200;
	s12 =	simm.s32 $0xF600  }
0x5: {  	s15 =	simm.s32 $0xFA00;
	s16 =	simm.s32 $0x1;
	s17 =	simm.s32 $0x15E00  }
0x6: {  	s18 =	simm.s32 $0x2;
	s19 =	simm.s32 $0x4;
	s20 =	simm.s32 $0x3  }
0x7: {  	s21 =	simm.s32 $0x5;
	s1 =	sand.u32 $0x1, s1;
	s4 =	sshll.u32 s3, $0x1  }
0x8: {  	s22 =	simm.s32 $0x6;
	s3 =	simm.s32 $0x0;
	s5 =	sor.u32 s1, s4  }
0x9: {  	[smem:$0x7FF] =	sst s3;
	s1 =	ssub.s32 $0x2, s1;
	s4 =	smul.u32 $0x6400, s5  }
0xa: {  	_ =	strace $0x80000047;
	s7 =	smul.u32 $0x190000, s5;
	s8 =	sshrl.u32 s1, $0x1  }
0xb: {  	s5 =	sadd.s32 $0xF42E00, s0;
	s28 =	ssub.s32 s1, s8;
	s6 =	sshrl.u32 s4, $0x3  }
0xc: {  	s29 =	sshrl.u32 s7, $0x3;
	s6 =	sadd.s32 s6, s0;
	s0 =	sadd.s32 $0x19A00, s0  }
0xd: {  	s1 =	sadd.s32 s2, s29;
	[dreg:$0x3] =	wrdreg s0;
	s6 =	sadd.s32 $0xA00, s6  }
0xe: {  	s24 =	simm.s32 $0x0;
	s1 =	sadd.s32 $0x31380, s1;
	[dreg:$0x4] =	wrdreg s6  }
0xf: {  	s8 =	sor.u32 $0x190, s4;
	s0 =	smax.u32 s28, $0x1;
	[dreg:$0x5] =	wrdreg s1  }
0x10: {  	s9 =	sor.u32 $0x320, s4;
	s7 =	simm.s32 $0xEA00;
	[dreg:$0x6] =	wrdreg s0  }
0x11: {  	vm0 =	vmmov $0xffff;
	s1 =	simm.s32 $0xDA00;
	s0 =	simm.s32 $0xDE00;
	s6 =	simm.s32 $0xE600  }
.LBB2_1:
0x12: {  	[dreg:$0x7] =	wrdreg s24  }
0x13: {  	s23 =	rddreg [dreg:$0x4];
	s28 =	simm.s32 $0x7  }
0x14: {  	[tilespmem:s3], [sflag:$0x7] =	stream.linear.gather [hbm4b:s23+s3], $0x6400, $0x38;
	[tilespmem:$0x1C200] =	vst v63  }
0x15: {  	_ =	swait.ge [sflag:s28], $0x6400  }
0x16: {  	[sflag:s28] =	ssyncset.done $0x0  }
0x17: {  	s25 =	simm.s32 $0x6400;
	s29 =	rddreg [dreg:$0x3];
	[sflag:s28] =	ssyncadd.s32 $0xFFFF9C00  }
0x18: {  	[tilespmem:s25], [sflag:$0x7] =	stream.linear.gather [hbm4b:s29+s3], $0x3200, $0x38;
	[tilespmem:$0x1C200] =	vst v63  }
0x19: {  	_ =	swait.ge [sflag:s28], $0x3200  }
0x1a: {  	[sflag:s28] =	ssyncset.done $0x0  }
0x1b: {  	[sflag:s28] =	ssyncadd.s32 $0xFFFFCE00  }
0x1c: {  	v0 =	vld [tilespmem:$0x0];
	_ =	sdelay $0x7  }
0x1d: {  	[tilespmem:s14], [sflag:$0x1] =	stream.indirect_vreg.gather [hbm4b:s5+s3], $0x40, v0, vm0, $0xb8;
	[tilespmem:$0x1C200] =	vst v63  }
0x1e: {  	v0 =	vld [tilespmem:$0x10];
	_ =	sdelay $0x6  }
0x1f: {  	s26 =	simm.s32 $0x9A00  }
0x20: {  	[tilespmem:s26], [sflag:$0x1] =	stream.indirect_vreg.gather [hbm4b:s5+s3], $0x40, v0, vm0, $0xb8;
	[tilespmem:$0x1C200] =	vst v63  }
0x21: {  	v0 =	vld [tilespmem:$0x20];
	_ =	sdelay $0x6  }
0x22: {  	s28 =	simm.s32 $0x9E00  }
0x23: {  	[tilespmem:s28], [sflag:$0x1] =	stream.indirect_vreg.gather [hbm4b:s5+s3], $0x40, v0, vm0, $0xb8;
	[tilespmem:$0x1C200] =	vst v63  }
0x24: {  	v0 =	vld [tilespmem:$0x30];
	_ =	sdelay $0x6  }
0x25: {  	s29 =	simm.s32 $0xA200  }
0x26: {  	[tilespmem:s29], [sflag:$0x1] =	stream.indirect_vreg.gather [hbm4b:s5+s3], $0x40, v0, vm0, $0xb8;
	[tilespmem:$0x1C200] =	vst v63  }
0x27: {  	v0 =	vld [tilespmem:$0x40];
	_ =	sdelay $0x6  }
0x28: {  	s24 =	simm.s32 $0xA600  }
0x29: {  	[tilespmem:s24], [sflag:$0x1] =	stream.indirect_vreg.gather [hbm4b:s5+s3], $0x40, v0, vm0, $0xb8;
	[tilespmem:$0x1C200] =	vst v63  }
0x2a: {  	v0 =	vld [tilespmem:$0x50];
	_ =	sdelay $0x6  }
0x2b: {  	s25 =	simm.s32 $0xAA00  }
0x2c: {  	[tilespmem:s25], [sflag:$0x1] =	stream.indirect_vreg.gather [hbm4b:s5+s3], $0x40, v0, vm0, $0xb8;
	[tilespmem:$0x1C200] =	vst v63  }
0x2d: {  	v0 =	vld [tilespmem:$0x60];
	_ =	sdelay $0x6  }
0x2e: {  	s26 =	simm.s32 $0xAE00  }
0x2f: {  	[tilespmem:s26], [sflag:$0x1] =	stream.indirect_vreg.gather [hbm4b:s5+s3], $0x40, v0, vm0, $0xb8;
	[tilespmem:$0x1C200] =	vst v63  }
0x30: {  	v0 =	vld [tilespmem:$0x70];
	_ =	sdelay $0x6  }
0x31: {  	s28 =	simm.s32 $0xB200  }
0x32: {  	[tilespmem:s28], [sflag:$0x1] =	stream.indirect_vreg.gather [hbm4b:s5+s3], $0x40, v0, vm0, $0xb8;
	[tilespmem:$0x1C200] =	vst v63  }
0x33: {  	v0 =	vld [tilespmem:$0x80];
	_ =	sdelay $0x6  }
0x34: {  	s29 =	simm.s32 $0xB600  }
0x35: {  	[tilespmem:s29], [sflag:$0x1] =	stream.indirect_vreg.gather [hbm4b:s5+s3], $0x40, v0, vm0, $0xb8;
	[tilespmem:$0x1C200] =	vst v63  }
0x36: {  	v0 =	vld [tilespmem:$0x90];
	_ =	sdelay $0x6  }
0x37: {  	s24 =	simm.s32 $0xBA00  }
0x38: {  	[tilespmem:s24], [sflag:$0x1] =	stream.indirect_vreg.gather [hbm4b:s5+s3], $0x40, v0, vm0, $0xb8;
	[tilespmem:$0x1C200] =	vst v63  }
0x39: {  	v0 =	vld [tilespmem:$0xA0];
	_ =	sdelay $0x6  }
0x3a: {  	s25 =	simm.s32 $0xBE00  }
0x3b: {  	[tilespmem:s25], [sflag:$0x1] =	stream.indirect_vreg.gather [hbm4b:s5+s3], $0x40, v0, vm0, $0xb8;
	[tilespmem:$0x1C200] =	vst v63  }
0x3c: {  	v0 =	vld [tilespmem:$0xB0];
	_ =	sdelay $0x6  }
0x3d: {  	s26 =	simm.s32 $0xC200  }
0x3e: {  	[tilespmem:s26], [sflag:$0x1] =	stream.indirect_vreg.gather [hbm4b:s5+s3], $0x40, v0, vm0, $0xb8;
	[tilespmem:$0x1C200] =	vst v63  }
0x3f: {  	v0 =	vld [tilespmem:$0xC0];
	_ =	sdelay $0x6  }
0x40: {  	s28 =	simm.s32 $0xC600  }
0x41: {  	[tilespmem:s28], [sflag:$0x1] =	stream.indirect_vreg.gather [hbm4b:s5+s3], $0x40, v0, vm0, $0xb8;
	[tilespmem:$0x1C200] =	vst v63  }
0x42: {  	v0 =	vld [tilespmem:$0xD0];
	_ =	sdelay $0x6  }
0x43: {  	s29 =	simm.s32 $0xCA00  }
0x44: {  	[tilespmem:s29], [sflag:$0x1] =	stream.indirect_vreg.gather [hbm4b:s5+s3], $0x40, v0, vm0, $0xb8;
	[tilespmem:$0x1C200] =	vst v63  }
0x45: {  	v0 =	vld [tilespmem:$0xE0];
	_ =	sdelay $0x6  }
0x46: {  	s24 =	simm.s32 $0xCE00  }
0x47: {  	[tilespmem:s24], [sflag:$0x1] =	stream.indirect_vreg.gather [hbm4b:s5+s3], $0x40, v0, vm0, $0xb8;
	[tilespmem:$0x1C200] =	vst v63  }
0x48: {  	v0 =	vld [tilespmem:$0xF0];
	_ =	sdelay $0x7  }
0x49: {  	[tilespmem:s30], [sflag:$0x1] =	stream.indirect_vreg.gather [hbm4b:s5+s3], $0x40, v0, vm0, $0xb8;
	[tilespmem:$0x1C200] =	vst v63  }
0x4a: {  	v0 =	vld [tilespmem:$0x100];
	_ =	sdelay $0x7  }
0x4b: {  	[tilespmem:s31], [sflag:$0x1] =	stream.indirect_vreg.gather [hbm4b:s5+s3], $0x40, v0, vm0, $0xb8;
	[tilespmem:$0x1C200] =	vst v63  }
0x4c: {  	v0 =	vld [tilespmem:$0x110];
	_ =	sdelay $0x7  }
0x4d: {  	[tilespmem:s1], [sflag:$0x1] =	stream.indirect_vreg.gather [hbm4b:s5+s3], $0x40, v0, vm0, $0xb8;
	[tilespmem:$0x1C200] =	vst v63  }
0x4e: {  	v0 =	vld [tilespmem:$0x120];
	_ =	sdelay $0x7  }
0x4f: {  	[tilespmem:s0], [sflag:$0x1] =	stream.indirect_vreg.gather [hbm4b:s5+s3], $0x40, v0, vm0, $0xb8;
	[tilespmem:$0x1C200] =	vst v63  }
0x50: {  	v0 =	vld [tilespmem:$0x130];
	_ =	sdelay $0x7  }
0x51: {  	[tilespmem:s13], [sflag:$0x1] =	stream.indirect_vreg.gather [hbm4b:s5+s3], $0x40, v0, vm0, $0xb8;
	[tilespmem:$0x1C200] =	vst v63  }
0x52: {  	v0 =	vld [tilespmem:$0x140];
	_ =	sdelay $0x7  }
0x53: {  	[tilespmem:s6], [sflag:$0x1] =	stream.indirect_vreg.gather [hbm4b:s5+s3], $0x40, v0, vm0, $0xb8;
	[tilespmem:$0x1C200] =	vst v63  }
0x54: {  	v0 =	vld [tilespmem:$0x150];
	_ =	sdelay $0x7  }
0x55: {  	[tilespmem:s7], [sflag:$0x1] =	stream.indirect_vreg.gather [hbm4b:s5+s3], $0x40, v0, vm0, $0xb8;
	[tilespmem:$0x1C200] =	vst v63  }
0x56: {  	v0 =	vld [tilespmem:$0x160];
	_ =	sdelay $0x7  }
0x57: {  	[tilespmem:s10], [sflag:$0x1] =	stream.indirect_vreg.gather [hbm4b:s5+s3], $0x40, v0, vm0, $0xb8;
	[tilespmem:$0x1C200] =	vst v63  }
0x58: {  	v0 =	vld [tilespmem:$0x170];
	_ =	sdelay $0x7  }
0x59: {  	[tilespmem:s11], [sflag:$0x1] =	stream.indirect_vreg.gather [hbm4b:s5+s3], $0x40, v0, vm0, $0xb8;
	[tilespmem:$0x1C200] =	vst v63  }
0x5a: {  	v0 =	vld [tilespmem:$0x180];
	_ =	sdelay $0x7  }
0x5b: {  	[tilespmem:s12], [sflag:$0x1] =	stream.indirect_vreg.gather [hbm4b:s5+s3], $0x40, v0, vm0, $0xb8;
	[tilespmem:$0x1C200] =	vst v63  }
0x5c: {  	v0 =	vld [tilespmem:$0x190];
	_ =	sdelay $0x7  }
0x5d: {  	[tilespmem:s15], [sflag:$0x2] =	stream.indirect_vreg.gather [hbm4b:s5+s3], $0x40, v0, vm0, $0xb8;
	[tilespmem:$0x1C200] =	vst v63  }
0x5e: {  	v0 =	vld [tilespmem:$0x1A0];
	_ =	sdelay $0x6  }
0x5f: {  	s25 =	simm.s32 $0xFE00  }
0x60: {  	[tilespmem:s25], [sflag:$0x2] =	stream.indirect_vreg.gather [hbm4b:s5+s3], $0x40, v0, vm0, $0xb8;
	[tilespmem:$0x1C200] =	vst v63  }
0x61: {  	v0 =	vld [tilespmem:$0x1B0];
	_ =	sdelay $0x6  }
0x62: {  	s26 =	simm.s32 $0x10200  }
0x63: {  	[tilespmem:s26], [sflag:$0x2] =	stream.indirect_vreg.gather [hbm4b:s5+s3], $0x40, v0, vm0, $0xb8;
	[tilespmem:$0x1C200] =	vst v63  }
0x64: {  	v0 =	vld [tilespmem:$0x1C0];
	_ =	sdelay $0x6  }
0x65: {  	s28 =	simm.s32 $0x10600  }
0x66: {  	[tilespmem:s28], [sflag:$0x2] =	stream.indirect_vreg.gather [hbm4b:s5+s3], $0x40, v0, vm0, $0xb8;
	[tilespmem:$0x1C200] =	vst v63  }
0x67: {  	v0 =	vld [tilespmem:$0x1D0];
	_ =	sdelay $0x6  }
0x68: {  	s29 =	simm.s32 $0x10A00  }
0x69: {  	[tilespmem:s29], [sflag:$0x2] =	stream.indirect_vreg.gather [hbm4b:s5+s3], $0x40, v0, vm0, $0xb8;
	[tilespmem:$0x1C200] =	vst v63  }
0x6a: {  	v0 =	vld [tilespmem:$0x1E0];
	_ =	sdelay $0x6  }
0x6b: {  	s24 =	simm.s32 $0x10E00  }
0x6c: {  	[tilespmem:s24], [sflag:$0x2] =	stream.indirect_vreg.gather [hbm4b:s5+s3], $0x40, v0, vm0, $0xb8;
	[tilespmem:$0x1C200] =	vst v63  }
0x6d: {  	v0 =	vld [tilespmem:$0x1F0];
	_ =	sdelay $0x6  }
0x6e: {  	s25 =	simm.s32 $0x11200  }
0x6f: {  	[tilespmem:s25], [sflag:$0x2] =	stream.indirect_vreg.gather [hbm4b:s5+s3], $0x40, v0, vm0, $0xb8;
	[tilespmem:$0x1C200] =	vst v63  }
0x70: {  	v0 =	vld [tilespmem:$0x200];
	_ =	sdelay $0x6  }
0x71: {  	s26 =	simm.s32 $0x11600  }
0x72: {  	[tilespmem:s26], [sflag:$0x2] =	stream.indirect_vreg.gather [hbm4b:s5+s3], $0x40, v0, vm0, $0xb8;
	[tilespmem:$0x1C200] =	vst v63  }
0x73: {  	v0 =	vld [tilespmem:$0x210];
	_ =	sdelay $0x6  }
0x74: {  	s28 =	simm.s32 $0x11A00  }
0x75: {  	[tilespmem:s28], [sflag:$0x2] =	stream.indirect_vreg.gather [hbm4b:s5+s3], $0x40, v0, vm0, $0xb8;
	[tilespmem:$0x1C200] =	vst v63  }
0x76: {  	v0 =	vld [tilespmem:$0x220];
	_ =	sdelay $0x6  }
0x77: {  	s29 =	simm.s32 $0x11E00  }
0x78: {  	[tilespmem:s29], [sflag:$0x2] =	stream.indirect_vreg.gather [hbm4b:s5+s3], $0x40, v0, vm0, $0xb8;
	[tilespmem:$0x1C200] =	vst v63  }
0x79: {  	v0 =	vld [tilespmem:$0x230];
	_ =	sdelay $0x6  }
0x7a: {  	s24 =	simm.s32 $0x12200  }
0x7b: {  	[tilespmem:s24], [sflag:$0x2] =	stream.indirect_vreg.gather [hbm4b:s5+s3], $0x40, v0, vm0, $0xb8;
	[tilespmem:$0x1C200] =	vst v63  }
0x7c: {  	v0 =	vld [tilespmem:$0x240];
	_ =	sdelay $0x6  }
0x7d: {  	s25 =	simm.s32 $0x12600  }
0x7e: {  	[tilespmem:s25], [sflag:$0x2] =	stream.indirect_vreg.gather [hbm4b:s5+s3], $0x40, v0, vm0, $0xb8;
	[tilespmem:$0x1C200] =	vst v63  }
0x7f: {  	v0 =	vld [tilespmem:$0x250];
	_ =	sdelay $0x6  }
0x80: {  	s26 =	simm.s32 $0x12A00  }
0x81: {  	[tilespmem:s26], [sflag:$0x2] =	stream.indirect_vreg.gather [hbm4b:s5+s3], $0x40, v0, vm0, $0xb8;
	[tilespmem:$0x1C200] =	vst v63  }
0x82: {  	v0 =	vld [tilespmem:$0x260];
	_ =	sdelay $0x6  }
0x83: {  	s28 =	simm.s32 $0x12E00  }
0x84: {  	[tilespmem:s28], [sflag:$0x2] =	stream.indirect_vreg.gather [hbm4b:s5+s3], $0x40, v0, vm0, $0xb8;
	[tilespmem:$0x1C200] =	vst v63  }
0x85: {  	v0 =	vld [tilespmem:$0x270];
	_ =	sdelay $0x6  }
0x86: {  	s29 =	simm.s32 $0x13200  }
0x87: {  	[tilespmem:s29], [sflag:$0x2] =	stream.indirect_vreg.gather [hbm4b:s5+s3], $0x40, v0, vm0, $0xb8;
	[tilespmem:$0x1C200] =	vst v63  }
0x88: {  	v0 =	vld [tilespmem:$0x280];
	_ =	sdelay $0x6  }
0x89: {  	s24 =	simm.s32 $0x13600  }
0x8a: {  	[tilespmem:s24], [sflag:$0x2] =	stream.indirect_vreg.gather [hbm4b:s5+s3], $0x40, v0, vm0, $0xb8;
	[tilespmem:$0x1C200] =	vst v63  }
0x8b: {  	v0 =	vld [tilespmem:$0x290];
	_ =	sdelay $0x6  }
0x8c: {  	s25 =	simm.s32 $0x13A00  }
0x8d: {  	[tilespmem:s25], [sflag:$0x2] =	stream.indirect_vreg.gather [hbm4b:s5+s3], $0x40, v0, vm0, $0xb8;
	[tilespmem:$0x1C200] =	vst v63  }
0x8e: {  	v0 =	vld [tilespmem:$0x2A0];
	_ =	sdelay $0x6  }
0x8f: {  	s26 =	simm.s32 $0x13E00  }
0x90: {  	[tilespmem:s26], [sflag:$0x2] =	stream.indirect_vreg.gather [hbm4b:s5+s3], $0x40, v0, vm0, $0xb8;
	[tilespmem:$0x1C200] =	vst v63  }
0x91: {  	v0 =	vld [tilespmem:$0x2B0];
	_ =	sdelay $0x6  }
0x92: {  	s28 =	simm.s32 $0x14200  }
0x93: {  	[tilespmem:s28], [sflag:$0x2] =	stream.indirect_vreg.gather [hbm4b:s5+s3], $0x40, v0, vm0, $0xb8;
	[tilespmem:$0x1C200] =	vst v63  }
0x94: {  	v0 =	vld [tilespmem:$0x2C0];
	_ =	sdelay $0x6  }
0x95: {  	s29 =	simm.s32 $0x14600  }
0x96: {  	[tilespmem:s29], [sflag:$0x2] =	stream.indirect_vreg.gather [hbm4b:s5+s3], $0x40, v0, vm0, $0xb8;
	[tilespmem:$0x1C200] =	vst v63  }
0x97: {  	v0 =	vld [tilespmem:$0x2D0];
	_ =	sdelay $0x6  }
0x98: {  	s24 =	simm.s32 $0x14A00  }
0x99: {  	[tilespmem:s24], [sflag:$0x2] =	stream.indirect_vreg.gather [hbm4b:s5+s3], $0x40, v0, vm0, $0xb8;
	[tilespmem:$0x1C200] =	vst v63  }
0x9a: {  	v0 =	vld [tilespmem:$0x2E0];
	_ =	sdelay $0x6  }
0x9b: {  	s25 =	simm.s32 $0x14E00  }
0x9c: {  	[tilespmem:s25], [sflag:$0x2] =	stream.indirect_vreg.gather [hbm4b:s5+s3], $0x40, v0, vm0, $0xb8;
	[tilespmem:$0x1C200] =	vst v63  }
0x9d: {  	v0 =	vld [tilespmem:$0x2F0];
	_ =	sdelay $0x6  }
0x9e: {  	s26 =	simm.s32 $0x15200  }
0x9f: {  	[tilespmem:s26], [sflag:$0x2] =	stream.indirect_vreg.gather [hbm4b:s5+s3], $0x40, v0, vm0, $0xb8;
	[tilespmem:$0x1C200] =	vst v63  }
0xa0: {  	v0 =	vld [tilespmem:$0x300];
	_ =	sdelay $0x6  }
0xa1: {  	s28 =	simm.s32 $0x15600  }
0xa2: {  	[tilespmem:s28], [sflag:$0x2] =	stream.indirect_vreg.gather [hbm4b:s5+s3], $0x40, v0, vm0, $0xb8;
	[tilespmem:$0x1C200] =	vst v63  }
0xa3: {  	v0 =	vld [tilespmem:$0x310];
	_ =	sdelay $0x6  }
0xa4: {  	s23 =	simm.s32 $0x0;
	s29 =	simm.s32 $0x15A00  }
0xa5: {  	[tilespmem:s29], [sflag:$0x2] =	stream.indirect_vreg.gather [hbm4b:s5+s3], $0x40, v0, vm0, $0xb8;
	[tilespmem:$0x1C200] =	vst v63  }
.LBB2_2:
0xa6: {  	_ =	swait.ge [sflag:s16], $0x6400  }
0xa7: {  	[sflag:s16] =	ssyncset.done $0x0  }
0xa8: {  	s25 =	simm.s32 $0xC9F0;
	[sflag:s16] =	ssyncadd.s32 $0xFFFF9C00  }
0xa9: {  	v0 =	vld [tilespmem:s25+$0xFFFFCDD0]  }
0xaa: {  	s24 =	simm.s32 $0x6500;
	v1 =	vld [tilespmem:s25+$0xFFFFCC50]  }
0xab: {  	v2 =	vld [tilespmem:s24+$0xC0]  }
0xac: {  	v3 =	vld [tilespmem:s25+$0xFFFFCC90]  }
0xad: {  	v4 =	vld [tilespmem:s25+$0xFFFFCCD0]  }
0xae: {  	v5 =	vld [tilespmem:s25+$0xFFFFCD10]  }
0xaf: {  	v6 =	vld [tilespmem:s25+$0xFFFFCD50]  }
0xb0: {  	v7 =	vld [tilespmem:s25+$0xFFFFCD90]  }
0xb1: {  	v8 =	vld [tilespmem:s25+$0xFFFFCC10]  }
0xb2: {  	v9 =	vld [tilespmem:s24+$0xFFFFFF00];
	v0 =	vmul.f32 $8.000000000e+00, v0  }
0xb3: {  	v10 =	vld [tilespmem:s24+$0xFFFFFF40]  }
0xb4: {  	v11 =	vld [tilespmem:s24+$0xFFFFFF80];
	v0 =	vadd.f32 v2, v0  }
0xb5: {  	v2 =	vld [tilespmem:s25+$0xFFFFCDE0]  }
0xb6: {  	v12 =	vld [tilespmem:s24+$0xFFFFFFC0];
	[tilespmem:s25+$0xFFFFCDD0] =	vst v0  }
0xb7: {  	v0 =	vld [tilespmem:s24+$0xD0]  }
0xb8: {  	v13 =	vld [tilespmem:s24+$0x0];
	v8 =	vmul.f32 $8.000000000e+00, v8  }
0xb9: {  	v62 =	vld [tilespmem:s25+$0xFFFFFE40];
	v1 =	vmul.f32 $8.000000000e+00, v1  }
0xba: {  	v8 =	vadd.f32 v9, v8;
	v9 =	vld [tilespmem:s24+$0x40];
	v2 =	vmul.f32 $8.000000000e+00, v2  }
0xbb: {  	v1 =	vadd.f32 v10, v1;
	v10 =	vld [tilespmem:s25+$0xFFFFCCE0]  }
0xbc: {  	v3 =	vmul.f32 $8.000000000e+00, v3;
	[tilespmem:s25+$0xFFFFCC10] =	vst v8;
	v8 =	vld [tilespmem:s24+$0x80];
	v0 =	vadd.f32 v0, v2  }
0xbd: {  	v5 =	vmul.f32 $8.000000000e+00, v5;
	[tilespmem:s25+$0xFFFFCC50] =	vst v1;
	v2 =	vld [tilespmem:s25+$0xFFFFCDF0]  }
0xbe: {  	v3 =	vadd.f32 v11, v3;
	v1 =	vld [tilespmem:s25+$0xFFFFCC20];
	[tilespmem:s25+$0xFFFFCDE0] =	vst v0  }
0xbf: {  	v5 =	vadd.f32 v13, v5;
	v0 =	vmul.f32 $8.000000000e+00, v4;
	v4 =	vld [tilespmem:s24+$0xE0]  }
0xc0: {  	[tilespmem:s25+$0xFFFFCC90] =	vst v3;
	v3 =	vld [tilespmem:s25+$0xFFFFCC60]  }
0xc1: {  	[tilespmem:s25+$0xFFFFCD10] =	vst v5;
	v5 =	vld [tilespmem:s25+$0xFFFFCE00];
	v0 =	vadd.f32 v12, v0  }
0xc2: {  	v11 =	vld [tilespmem:s24+$0xFFFFFF90];
	v2 =	vmul.f32 $8.000000000e+00, v2  }
0xc3: {  	v6 =	vmul.f32 $8.000000000e+00, v6;
	v7 =	vmul.f32 $8.000000000e+00, v7;
	[tilespmem:s25+$0xFFFFCCD0] =	vst v0;
	v0 =	vld [tilespmem:s25+$0xFFFFCCA0]  }
0xc4: {  	v51 =	vld [tilespmem:s24+$0xFFFFFFD0];
	v2 =	vadd.f32 v4, v2  }
0xc5: {  	v4 =	vadd.f32 v9, v6;
	v6 =	vadd.f32 v8, v7;
	v7 =	vld [tilespmem:s25+$0xFFFFCD20]  }
0xc6: {  	v8 =	vld [tilespmem:s24+$0xFFFFFF10]  }
0xc7: {  	v9 =	vld [tilespmem:s24+$0xFFFFFF50];
	[tilespmem:s25+$0xFFFFCDF0] =	vst v2  }
0xc8: {  	v10 =	vmul.f32 $8.000000000e+00, v10;
	[tilespmem:s25+$0xFFFFCD50] =	vst v4;
	v4 =	vld [tilespmem:s25+$0xFFFFCD60]  }
0xc9: {  	v1 =	vmul.f32 $8.000000000e+00, v1;
	[tilespmem:s25+$0xFFFFCD90] =	vst v6;
	v6 =	vld [tilespmem:s25+$0xFFFFCDA0]  }
0xca: {  	v2 =	vld [tilespmem:s24+$0xF0];
	v0 =	vmul.f32 $8.000000000e+00, v0;
	v10 =	vadd.f32 v51, v10  }
0xcb: {  	v1 =	vadd.f32 v8, v1;
	v8 =	vld [tilespmem:s24+$0x10]  }
0xcc: {  	v0 =	vadd.f32 v11, v0;
	v11 =	vld [tilespmem:s25+$0xFFFFCC70];
	[tilespmem:s25+$0xFFFFCCE0] =	vst v10  }
0xcd: {  	v5 =	vmul.f32 $8.000000000e+00, v5;
	[tilespmem:s25+$0xFFFFCC20] =	vst v1;
	v1 =	vld [tilespmem:s24+$0x90]  }
0xce: {  	v53 =	vld [tilespmem:s24+$0xFFFFFFE0]  }
0xcf: {  	v7 =	vmul.f32 $8.000000000e+00, v7;
	[tilespmem:s25+$0xFFFFCCA0] =	vst v0;
	v2 =	vadd.f32 v2, v5;
	v5 =	vld [tilespmem:s25+$0xFFFFFFD0]  }
0xd0: {  	v52 =	vld [tilespmem:s24+$0xFFFFFFA0]  }
0xd1: {  	v0 =	vadd.f32 v8, v7;
	v7 =	vld [tilespmem:s25+$0xFFFFFFE0]  }
0xd2: {  	[tilespmem:s25+$0xFFFFCE00] =	vst v2;
	v2 =	vmul.f32 $8.000000000e+00, v3;
	v8 =	vld [tilespmem:s25+$0xFFFFCCB0]  }
0xd3: {  	v6 =	vmul.f32 $8.000000000e+00, v6;
	v3 =	vld [tilespmem:s24+$0xC0]  }
0xd4: {  	v2 =	vadd.f32 v9, v2;
	v9 =	vld [tilespmem:s24+$0x50]  }
0xd5: {  	[tilespmem:s25+$0xFFFFCD20] =	vst v0;
	v0 =	vadd.f32 v1, v6;
	v1 =	vld [tilespmem:s25+$0xFFFFCCF0]  }
0xd6: {  	v6 =	vld [tilespmem:s25+$0xFFFFCDB0]  }
0xd7: {  	[tilespmem:s25+$0xFFFFCC60] =	vst v2;
	v2 =	vld [tilespmem:s25+$0xFFFFCC30]  }
0xd8: {  	v4 =	vmul.f32 $8.000000000e+00, v4;
	v5 =	vmul.f32 $8.000000000e+00, v5;
	v10 =	vld [tilespmem:s24+$0xFFFFFF60]  }
0xd9: {  	[tilespmem:s25+$0xFFFFCDA0] =	vst v0;
	v0 =	vld [tilespmem:s25+$0xFFFFCD70]  }
0xda: {  	v3 =	vadd.f32 v3, v5;
	v5 =	vmul.f32 $8.000000000e+00, v11;
	v11 =	vld [tilespmem:s24+$0x20];
	v4 =	vadd.f32 v9, v4  }
0xdb: {  	v9 =	vld [tilespmem:s24+$0xFFFFFF20];
	v1 =	vmul.f32 $8.000000000e+00, v1  }
0xdc: {  	[tilespmem:s25+$0xFFFFCD60] =	vst v4;
	v4 =	vld [tilespmem:s25+$0xFFFFCD30]  }
0xdd: {  	[tilespmem:s25+$0xFFFFFFD0] =	vst v3;
	v1 =	vadd.f32 v53, v1;
	v3 =	vadd.f32 v10, v5;
	v5 =	vld [tilespmem:s24+$0xA0]  }
0xde: {  	v2 =	vmul.f32 $8.000000000e+00, v2;
	v10 =	vld [tilespmem:s24+$0xD0]  }
0xdf: {  	[tilespmem:s25+$0xFFFFCCF0] =	vst v1;
	v1 =	vld [tilespmem:s25+$0xFFFFCCC0]  }
0xe0: {  	v8 =	vmul.f32 $8.000000000e+00, v8;
	v2 =	vadd.f32 v9, v2;
	v9 =	vld [tilespmem:s24+$0x60]  }
0xe1: {  	[tilespmem:s25+$0xFFFFCC70] =	vst v3;
	v3 =	vld [tilespmem:s25+$0xFFFFCC40]  }
0xe2: {  	v54 =	vld [tilespmem:s24+$0xFFFFFFF0];
	v4 =	vmul.f32 $8.000000000e+00, v4;
	[tilespmem:s25+$0xFFFFCC30] =	vst v2;
	v2 =	vadd.f32 v52, v8  }
0xe3: {  	v0 =	vmul.f32 $8.000000000e+00, v0;
	v8 =	vld [tilespmem:s24+$0xFFFFFF30]  }
0xe4: {  	[tilespmem:s25+$0xFFFFCCB0] =	vst v2;
	v2 =	vadd.f32 v11, v4;
	v4 =	vld [tilespmem:s25+$0xFFFFCC80]  }
0xe5: {  	v6 =	vmul.f32 $8.000000000e+00, v6;
	v0 =	vadd.f32 v9, v0;
	v9 =	vld [tilespmem:s24+$0xFFFFFF70]  }
0xe6: {  	v11 =	vld [tilespmem:s24+$0xFFFFFFB0]  }
0xe7: {  	[tilespmem:s25+$0xFFFFCD30] =	vst v2;
	v2 =	vadd.f32 v5, v6;
	v5 =	vld [tilespmem:s25+$0xFFFFCD00]  }
0xe8: {  	v6 =	vld [tilespmem:s25+$0xFFFFCDC0]  }
0xe9: {  	v3 =	vmul.f32 $8.000000000e+00, v3;
	[tilespmem:s25+$0xFFFFCD70] =	vst v0;
	v0 =	vld [tilespmem:s25+$0xFFFFCD40]  }
0xea: {  	v55 =	vld [tilespmem:s24+$0x30]  }
0xeb: {  	[tilespmem:s25+$0xFFFFCDB0] =	vst v2;
	v2 =	vld [tilespmem:s25+$0xFFFFCD80];
	v3 =	vadd.f32 v8, v3  }
0xec: {  	v1 =	vmul.f32 $8.000000000e+00, v1;
	v8 =	vld [tilespmem:s24+$0x70]  }
0xed: {  	v4 =	vmul.f32 $8.000000000e+00, v4;
	[tilespmem:s25+$0xFFFFCC40] =	vst v3;
	v3 =	vld [tilespmem:s25+$0xFFFFFFF0]  }
0xee: {  	v1 =	vadd.f32 v11, v1;
	v11 =	vld [tilespmem:s25+$0xFFFFFE10]  }
0xef: {  	v5 =	vmul.f32 $8.000000000e+00, v5;
	v4 =	vadd.f32 v9, v4;
	v9 =	vld [tilespmem:s24+$0xB0]  }
0xf0: {  	[tilespmem:s25+$0xFFFFCCC0] =	vst v1;
	v1 =	vld [tilespmem:s25+$0xFFFFFE90]  }
0xf1: {  	v0 =	vmul.f32 $8.000000000e+00, v0;
	[tilespmem:s25+$0xFFFFCC80] =	vst v4;
	v4 =	vadd.f32 v54, v5;
	v5 =	vmul.f32 $8.000000000e+00, v6;
	v6 =	vld [tilespmem:s25+$0xFFFFFE50]  }
0xf2: {  	v2 =	vmul.f32 $8.000000000e+00, v2;
	v56 =	vld [tilespmem:s24+$0xFFFFFF80]  }
0xf3: {  	v0 =	vadd.f32 v55, v0;
	[tilespmem:s25+$0xFFFFCD00] =	vst v4;
	v4 =	vld [tilespmem:s25+$0xFFFFFED0]  }
0xf4: {  	v2 =	vadd.f32 v8, v2;
	v8 =	vld [tilespmem:s24+$0xFFFFFF00]  }
0xf5: {  	[tilespmem:s25+$0xFFFFCD40] =	vst v0;
	v0 =	vadd.f32 v9, v5;
	v5 =	vld [tilespmem:s25+$0xFFFFFF10]  }
0xf6: {  	v9 =	vld [tilespmem:s24+$0xFFFFFF40]  }
0xf7: {  	v7 =	vmul.f32 $8.000000000e+00, v7;
	v57 =	vld [tilespmem:s24+$0xFFFFFFC0]  }
0xf8: {  	[tilespmem:s25+$0xFFFFCD80] =	vst v2;
	v2 =	vld [tilespmem:s25+$0xFFFFFF50]  }
0xf9: {  	v7 =	vadd.f32 v10, v7;
	v10 =	vld [tilespmem:s24+$0x0]  }
0xfa: {  	v11 =	vmul.f32 $8.000000000e+00, v11;
	[tilespmem:s25+$0xFFFFCDC0] =	vst v0;
	v0 =	vld [tilespmem:s25+$0xFFFFFF90]  }
0xfb: {  	[tilespmem:s25+$0xFFFFFFE0] =	vst v7;
	v6 =	vmul.f32 $8.000000000e+00, v6;
	v7 =	vld [tilespmem:s24+$0x80]  }
0xfc: {  	v1 =	vmul.f32 $8.000000000e+00, v1;
	v8 =	vadd.f32 v8, v11;
	v11 =	vld [tilespmem:s24+$0x40]  }
0xfd: {  	v4 =	vmul.f32 $8.000000000e+00, v4;
	v6 =	vadd.f32 v9, v6;
	v9 =	vld [tilespmem:s24+$0xE0]  }
0xfe: {  	v1 =	vadd.f32 v56, v1;
	v5 =	vmul.f32 $8.000000000e+00, v5;
	[tilespmem:s25+$0xFFFFFE10] =	vst v8;
	v8 =	vld [tilespmem:s25+$0xFFFFFE20]  }
0xff: {  	v4 =	vadd.f32 v57, v4;
	[tilespmem:s25+$0xFFFFFE50] =	vst v6;
	v6 =	vld [tilespmem:s25+$0xFFFFFE60]  }
0x100: {  	[tilespmem:s25+$0xFFFFFE90] =	vst v1;
	v1 =	vadd.f32 v10, v5;
	v5 =	vld [tilespmem:s25+$0xFFFFFEA0]  }
0x101: {  	[tilespmem:s25+$0xFFFFFED0] =	vst v4;
	v4 =	vld [tilespmem:s25+$0xFFFFFEE0]  }
0x102: {  	v0 =	vmul.f32 $8.000000000e+00, v0;
	v10 =	vld [tilespmem:s24+$0xFFFFFF50]  }
0x103: {  	v2 =	vmul.f32 $8.000000000e+00, v2;
	[tilespmem:s25+$0xFFFFFF10] =	vst v1;
	v1 =	vld [tilespmem:s25+$0xFFFFFF20]  }
0x104: {  	v0 =	vadd.f32 v7, v0;
	v7 =	vld [tilespmem:s24+$0xFFFFFF10]  }
0x105: {  	v2 =	vadd.f32 v11, v2;
	v11 =	vld [tilespmem:s24+$0xFFFFFF90]  }
0x106: {  	v58 =	vld [tilespmem:s24+$0xFFFFFFD0]  }
0x107: {  	v59 =	vld [tilespmem:s24+$0x10]  }
0x108: {  	[tilespmem:s25+$0xFFFFFF50] =	vst v2;
	v2 =	vld [tilespmem:s25+$0xFFFFFF60];
	v8 =	vmul.f32 $8.000000000e+00, v8  }
0x109: {  	[tilespmem:s25+$0xFFFFFF90] =	vst v0;
	v0 =	vld [tilespmem:s25+$0xFFFFFFA0];
	v6 =	vmul.f32 $8.000000000e+00, v6  }
0x10a: {  	v5 =	vmul.f32 $8.000000000e+00, v5;
	v7 =	vadd.f32 v7, v8;
	v8 =	vld [tilespmem:s24+$0x50]  }
0x10b: {  	v6 =	vadd.f32 v10, v6;
	v10 =	vld [tilespmem:s24+$0x90]  }
0x10c: {  	v4 =	vmul.f32 $8.000000000e+00, v4;
	v5 =	vadd.f32 v11, v5;
	v11 =	vld [tilespmem:s25+$0xFFFFFE30]  }
0x10d: {  	[tilespmem:s25+$0xFFFFFE20] =	vst v7;
	v7 =	vld [tilespmem:s25+$0x0]  }
0x10e: {  	v1 =	vmul.f32 $8.000000000e+00, v1;
	v4 =	vadd.f32 v58, v4;
	[tilespmem:s25+$0xFFFFFE60] =	vst v6;
	v6 =	vld [tilespmem:s25+$0xFFFFFE70]  }
0x10f: {  	[tilespmem:s25+$0xFFFFFEA0] =	vst v5;
	v5 =	vld [tilespmem:s25+$0xFFFFFEB0]  }
0x110: {  	v1 =	vadd.f32 v59, v1;
	[tilespmem:s25+$0xFFFFFEE0] =	vst v4;
	v4 =	vld [tilespmem:s25+$0xFFFFFEF0]  }
0x111: {  	v60 =	vld [tilespmem:s24+$0xFFFFFFA0]  }
0x112: {  	v2 =	vmul.f32 $8.000000000e+00, v2;
	[tilespmem:s25+$0xFFFFFF20] =	vst v1;
	v1 =	vld [tilespmem:s25+$0xFFFFFF30]  }
0x113: {  	v0 =	vmul.f32 $8.000000000e+00, v0;
	v61 =	vld [tilespmem:s24+$0xFFFFFFE0]  }
0x114: {  	v3 =	vmul.f32 $8.000000000e+00, v3;
	v2 =	vadd.f32 v8, v2;
	v8 =	vld [tilespmem:s24+$0xFFFFFF20]  }
0x115: {  	v0 =	vadd.f32 v10, v0;
	v10 =	vld [tilespmem:s24+$0xFFFFFF60]  }
0x116: {  	v3 =	vadd.f32 v9, v3;
	v9 =	vld [tilespmem:s24+$0x20]  }
0x117: {  	v11 =	vmul.f32 $8.000000000e+00, v11;
	[tilespmem:s25+$0xFFFFFF60] =	vst v2;
	v2 =	vld [tilespmem:s25+$0xFFFFFF70]  }
0x118: {  	[tilespmem:s25+$0xFFFFFFA0] =	vst v0;
	v0 =	vld [tilespmem:s25+$0xFFFFFFB0];
	v6 =	vmul.f32 $8.000000000e+00, v6;
	v5 =	vmul.f32 $8.000000000e+00, v5  }
0x119: {  	v8 =	vadd.f32 v8, v11;
	v11 =	vld [tilespmem:s24+$0x60]  }
0x11a: {  	[tilespmem:s25+$0xFFFFFFF0] =	vst v3;
	v3 =	vmul.f32 $8.000000000e+00, v4;
	v5 =	vadd.f32 v60, v5;
	v4 =	vadd.f32 v10, v6;
	v6 =	vld [tilespmem:s24+$0xA0]  }
0x11b: {  	v1 =	vmul.f32 $8.000000000e+00, v1;
	v10 =	vld [tilespmem:s24+$0xF0]  }
0x11c: {  	[tilespmem:s25+$0xFFFFFEB0] =	vst v5;
	v5 =	vld [tilespmem:s25+$0xFFFFFEC0]  }
0x11d: {  	v3 =	vadd.f32 v61, v3;
	v1 =	vadd.f32 v9, v1;
	v9 =	vld [tilespmem:s25+$0xFFFFFFC0]  }
0x11e: {  	[tilespmem:s25+$0xFFFFFE70] =	vst v4;
	v4 =	vld [tilespmem:s25+$0xFFFFFE80]  }
0x11f: {  	v0 =	vmul.f32 $8.000000000e+00, v0;
	[tilespmem:s25+$0xFFFFFEF0] =	vst v3;
	v3 =	vld [tilespmem:s25+$0xFFFFFF00]  }
0x120: {  	v2 =	vmul.f32 $8.000000000e+00, v2;
	[tilespmem:s25+$0xFFFFFF30] =	vst v1;
	v1 =	vld [tilespmem:s25+$0xFFFFFF40]  }
0x121: {  	[tilespmem:s25+$0xFFFFFE30] =	vst v8;
	v0 =	vadd.f32 v6, v0;
	v6 =	vld [tilespmem:s25+$0xFFFFFF80]  }
0x122: {  	v2 =	vadd.f32 v11, v2;
	v11 =	vld [tilespmem:s24+$0xFFFFFF30]  }
0x123: {  	v63 =	vld [tilespmem:s24+$0xFFFFFF70]  }
0x124: {  	v8 =	vld [tilespmem:s24+$0xFFFFFFB0];
	[tilespmem:s25+$0xFFFFFFB0] =	vst v0;
	v0 =	vmul.f32 $8.000000000e+00, v7  }
0x125: {  	v12 =	vmul.f32 $8.000000000e+00, v62;
	v14 =	vmul.f32 $8.000000000e+00, v4;
	v4 =	vld [tilespmem:s24+$0xFFFFFFF0]  }
0x126: {  	[tilespmem:s25+$0xFFFFFF70] =	vst v2;
	v7 =	vmul.f32 $8.000000000e+00, v5;
	v5 =	vld [tilespmem:s24+$0x30];
	v10 =	vadd.f32 v10, v0  }
0x127: {  	v3 =	vmul.f32 $8.000000000e+00, v3;
	v0 =	vmul.f32 $8.000000000e+00, v6;
	v6 =	vld [tilespmem:s24+$0x70];
	v11 =	vadd.f32 v11, v12  }
0x128: {  	s26 =	simm.s32 $0x0;
	s28 =	simm.s32 $0xCBF0;
	v2 =	vmul.f32 $8.000000000e+00, v1;
	v1 =	vmul.f32 $8.000000000e+00, v9;
	v9 =	vld [tilespmem:s24+$0xB0];
	[tilespmem:s25+$0x0] =	vst v10;
	v10 =	vadd.f32 v63, v14  }
.LBB2_3:
0x129: {  	v12 =	vld [tilespmem:s28+$0xFFFFCDD0];
	s26 =	sadd.s32 $0x8, s26;
	[tilespmem:s25+$0xFFFFFE40] =	vst v11;
	v7 =	vadd.f32 v8, v7  }
0x12a: {  	s24 =	sadd.s32 $0x200, s24;
	v8 =	vld [tilespmem:s28+$0xFFFFCC50];
	p0 =	slt.u32 s26, $0xC0;
	[tilespmem:s25+$0xFFFFFE80] =	vst v10;
	v3 =	vadd.f32 v4, v3  }
0x12b: {  	v4 =	vld [tilespmem:s24+$0xC0];
	[tilespmem:s25+$0xFFFFFEC0] =	vst v7;
	v2 =	vadd.f32 v5, v2  }
0x12c: {  	v5 =	vld [tilespmem:s28+$0xFFFFCC90];
	[tilespmem:s25+$0xFFFFFF00] =	vst v3;
	v0 =	vadd.f32 v6, v0  }
0x12d: {  	v3 =	vld [tilespmem:s28+$0xFFFFCCD0];
	[tilespmem:s25+$0xFFFFFF40] =	vst v2;
	v1 =	vadd.f32 v9, v1  }
0x12e: {  	v2 =	vld [tilespmem:s28+$0xFFFFCD10];
	v6 =	vmul.f32 $8.000000000e+00, v12;
	[tilespmem:s25+$0xFFFFFF80] =	vst v0  }
0x12f: {  	v0 =	vmul.f32 $8.000000000e+00, v8;
	v7 =	vld [tilespmem:s28+$0xFFFFCD50];
	[tilespmem:s25+$0xFFFFFFC0] =	vst v1;
	s25 =	smov.u32 s28  }
0x130: {  	v1 =	vld [tilespmem:s28+$0xFFFFCD90];
	v4 =	vadd.f32 v4, v6  }
0x131: {  	v5 =	vmul.f32 $8.000000000e+00, v5;
	v6 =	vld [tilespmem:s28+$0xFFFFCDE0]  }
0x132: {  	v8 =	vld [tilespmem:s28+$0xFFFFCC10];
	v3 =	vmul.f32 $8.000000000e+00, v3;
	[tilespmem:s28+$0xFFFFCDD0] =	vst v4  }
0x133: {  	v2 =	vmul.f32 $8.000000000e+00, v2;
	v4 =	vld [tilespmem:s24+$0xD0]  }
0x134: {  	v9 =	vld [tilespmem:s24+$0xFFFFFF00];
	v7 =	vmul.f32 $8.000000000e+00, v7  }
0x135: {  	v10 =	vld [tilespmem:s24+$0xFFFFFF40];
	v1 =	vmul.f32 $8.000000000e+00, v1  }
0x136: {  	v11 =	vld [tilespmem:s24+$0xFFFFFF80];
	v6 =	vmul.f32 $8.000000000e+00, v6  }
0x137: {  	v8 =	vmul.f32 $8.000000000e+00, v8;
	v12 =	vld [tilespmem:s24+$0xFFFFFFC0]  }
0x138: {  	v13 =	vld [tilespmem:s24+$0x0];
	v4 =	vadd.f32 v4, v6  }
0x139: {  	v6 =	vadd.f32 v9, v8;
	v8 =	vld [tilespmem:s28+$0xFFFFCDF0]  }
0x13a: {  	v0 =	vadd.f32 v10, v0;
	v9 =	vld [tilespmem:s24+$0x40];
	[tilespmem:s28+$0xFFFFCDE0] =	vst v4  }
0x13b: {  	[tilespmem:s28+$0xFFFFCC10] =	vst v6;
	v4 =	vadd.f32 v11, v5;
	v5 =	vld [tilespmem:s24+$0xE0]  }
0x13c: {  	[tilespmem:s28+$0xFFFFCC50] =	vst v0;
	v0 =	vadd.f32 v12, v3;
	v3 =	vld [tilespmem:s24+$0x80]  }
0x13d: {  	v6 =	vld [tilespmem:s28+$0xFFFFCC20];
	[tilespmem:s28+$0xFFFFCC90] =	vst v4;
	v2 =	vadd.f32 v13, v2  }
0x13e: {  	v4 =	vld [tilespmem:s28+$0xFFFFCC60];
	[tilespmem:s28+$0xFFFFCCD0] =	vst v0;
	v0 =	vmul.f32 $8.000000000e+00, v8  }
0x13f: {  	v8 =	vld [tilespmem:s28+$0xFFFFCCA0];
	[tilespmem:s28+$0xFFFFCD10] =	vst v2;
	v2 =	vadd.f32 v9, v7  }
0x140: {  	v7 =	vld [tilespmem:s28+$0xFFFFCCE0];
	v0 =	vadd.f32 v5, v0  }
0x141: {  	[tilespmem:s28+$0xFFFFCD50] =	vst v2;
	v1 =	vadd.f32 v3, v1;
	v2 =	vld [tilespmem:s28+$0xFFFFCE00]  }
0x142: {  	v3 =	vmul.f32 $8.000000000e+00, v6;
	v5 =	vld [tilespmem:s28+$0xFFFFCD20];
	[tilespmem:s28+$0xFFFFCDF0] =	vst v0  }
0x143: {  	v0 =	vmul.f32 $8.000000000e+00, v4;
	[tilespmem:s28+$0xFFFFCD90] =	vst v1;
	v1 =	vld [tilespmem:s24+$0xF0]  }
0x144: {  	v4 =	vmul.f32 $8.000000000e+00, v8;
	v6 =	vld [tilespmem:s28+$0xFFFFCD60]  }
0x145: {  	v7 =	vmul.f32 $8.000000000e+00, v7;
	v8 =	vld [tilespmem:s28+$0xFFFFCDA0]  }
0x146: {  	v9 =	vld [tilespmem:s24+$0xFFFFFF10];
	v2 =	vmul.f32 $8.000000000e+00, v2  }
0x147: {  	v10 =	vld [tilespmem:s24+$0xFFFFFF50];
	v5 =	vmul.f32 $8.000000000e+00, v5  }
0x148: {  	v11 =	vld [tilespmem:s24+$0xFFFFFF90];
	v1 =	vadd.f32 v1, v2  }
0x149: {  	v2 =	vmul.f32 $8.000000000e+00, v6;
	v6 =	vld [tilespmem:s28+$0xFFFFFFD0]  }
0x14a: {  	v12 =	vld [tilespmem:s24+$0xFFFFFFD0];
	v8 =	vmul.f32 $8.000000000e+00, v8;
	[tilespmem:s28+$0xFFFFCE00] =	vst v1  }
0x14b: {  	v1 =	vadd.f32 v9, v3;
	v3 =	vld [tilespmem:s24+$0xC0]  }
0x14c: {  	v0 =	vadd.f32 v10, v0;
	v9 =	vld [tilespmem:s24+$0x10]  }
0x14d: {  	[tilespmem:s28+$0xFFFFCC20] =	vst v1;
	v1 =	vadd.f32 v11, v4;
	v4 =	vld [tilespmem:s24+$0x50]  }
0x14e: {  	[tilespmem:s28+$0xFFFFCC60] =	vst v0;
	v0 =	vld [tilespmem:s24+$0x90];
	v6 =	vmul.f32 $8.000000000e+00, v6  }
0x14f: {  	v10 =	vld [tilespmem:s28+$0xFFFFCC30];
	[tilespmem:s28+$0xFFFFCCA0] =	vst v1;
	v1 =	vadd.f32 v12, v7  }
0x150: {  	v7 =	vld [tilespmem:s28+$0xFFFFCC70];
	v3 =	vadd.f32 v3, v6  }
0x151: {  	[tilespmem:s28+$0xFFFFCCE0] =	vst v1;
	v1 =	vadd.f32 v9, v5;
	v5 =	vld [tilespmem:s28+$0xFFFFFFE0]  }
0x152: {  	v6 =	vld [tilespmem:s28+$0xFFFFCCB0];
	v2 =	vadd.f32 v4, v2;
	[tilespmem:s28+$0xFFFFFFD0] =	vst v3  }
0x153: {  	[tilespmem:s28+$0xFFFFCD20] =	vst v1;
	v0 =	vadd.f32 v0, v8;
	v1 =	vld [tilespmem:s24+$0xD0]  }
0x154: {  	v3 =	vmul.f32 $8.000000000e+00, v10;
	v4 =	vld [tilespmem:s28+$0xFFFFCCF0];
	[tilespmem:s28+$0xFFFFCD60] =	vst v2  }
0x155: {  	v2 =	vmul.f32 $8.000000000e+00, v7;
	v7 =	vld [tilespmem:s28+$0xFFFFCD30];
	[tilespmem:s28+$0xFFFFCDA0] =	vst v0  }
0x156: {  	v0 =	vld [tilespmem:s28+$0xFFFFCD70];
	v5 =	vmul.f32 $8.000000000e+00, v5  }
0x157: {  	v6 =	vmul.f32 $8.000000000e+00, v6;
	v8 =	vld [tilespmem:s28+$0xFFFFCDB0]  }
0x158: {  	v9 =	vld [tilespmem:s24+$0xFFFFFF20];
	v1 =	vadd.f32 v1, v5  }
0x159: {  	v4 =	vmul.f32 $8.000000000e+00, v4;
	v5 =	vld [tilespmem:s28+$0xFFFFFFF0]  }
0x15a: {  	v10 =	vld [tilespmem:s24+$0xFFFFFF60];
	v7 =	vmul.f32 $8.000000000e+00, v7;
	[tilespmem:s28+$0xFFFFFFE0] =	vst v1  }
0x15b: {  	v0 =	vmul.f32 $8.000000000e+00, v0;
	v1 =	vld [tilespmem:s24+$0xE0]  }
0x15c: {  	v11 =	vld [tilespmem:s24+$0xFFFFFFA0];
	v8 =	vmul.f32 $8.000000000e+00, v8  }
0x15d: {  	v3 =	vadd.f32 v9, v3;
	v9 =	vld [tilespmem:s24+$0xFFFFFFE0]  }
0x15e: {  	v12 =	vld [tilespmem:s24+$0x20];
	v5 =	vmul.f32 $8.000000000e+00, v5  }
0x15f: {  	[tilespmem:s28+$0xFFFFCC30] =	vst v3;
	v2 =	vadd.f32 v10, v2;
	v3 =	vld [tilespmem:s24+$0x60]  }
0x160: {  	v10 =	vld [tilespmem:s24+$0xA0];
	v1 =	vadd.f32 v1, v5  }
0x161: {  	[tilespmem:s28+$0xFFFFCC70] =	vst v2;
	v2 =	vadd.f32 v11, v6;
	v5 =	vld [tilespmem:s28+$0x0]  }
0x162: {  	v6 =	vld [tilespmem:s28+$0xFFFFCC40];
	v4 =	vadd.f32 v9, v4;
	[tilespmem:s28+$0xFFFFFFF0] =	vst v1  }
0x163: {  	[tilespmem:s28+$0xFFFFCCB0] =	vst v2;
	v1 =	vadd.f32 v12, v7;
	v2 =	vld [tilespmem:s24+$0xF0]  }
0x164: {  	v7 =	vld [tilespmem:s28+$0xFFFFCC80];
	[tilespmem:s28+$0xFFFFCCF0] =	vst v4;
	v0 =	vadd.f32 v3, v0  }
0x165: {  	v3 =	vld [tilespmem:s28+$0xFFFFCCC0];
	[tilespmem:s28+$0xFFFFCD30] =	vst v1;
	v1 =	vadd.f32 v10, v8  }
0x166: {  	v4 =	vld [tilespmem:s28+$0xFFFFCD00];
	[tilespmem:s28+$0xFFFFCD70] =	vst v0;
	v0 =	vmul.f32 $8.000000000e+00, v5  }
0x167: {  	v5 =	vmul.f32 $8.000000000e+00, v6;
	v6 =	vld [tilespmem:s28+$0xFFFFCD40];
	[tilespmem:s28+$0xFFFFCDB0] =	vst v1  }
0x168: {  	v1 =	vld [tilespmem:s28+$0xFFFFCD80];
	v0 =	vadd.f32 v2, v0  }
0x169: {  	v2 =	vmul.f32 $8.000000000e+00, v7;
	v7 =	vld [tilespmem:s28+$0xFFFFCDC0]  }
0x16a: {  	v8 =	vld [tilespmem:s24+$0xFFFFFF30];
	v3 =	vmul.f32 $8.000000000e+00, v3;
	[tilespmem:s28+$0x0] =	vst v0  }
0x16b: {  	v0 =	vld [tilespmem:s24+$0xFFFFFF70];
	v4 =	vmul.f32 $8.000000000e+00, v4  }
0x16c: {  	v9 =	vld [tilespmem:s24+$0xFFFFFFB0];
	v6 =	vmul.f32 $8.000000000e+00, v6  }
0x16d: {  	v10 =	vld [tilespmem:s24+$0xFFFFFFF0];
	v1 =	vmul.f32 $8.000000000e+00, v1  }
0x16e: {  	v11 =	vld [tilespmem:s24+$0x30];
	v7 =	vmul.f32 $8.000000000e+00, v7  }
0x16f: {  	v5 =	vadd.f32 v8, v5;
	v8 =	vld [tilespmem:s24+$0x70]  }
0x170: {  	v0 =	vadd.f32 v0, v2;
	v2 =	vld [tilespmem:s24+$0xB0]  }
0x171: {  	[tilespmem:s28+$0xFFFFCC40] =	vst v5;
	v5 =	vld [tilespmem:s28+$0xFFFFFE10];
	v3 =	vadd.f32 v9, v3  }
0x172: {  	[tilespmem:s28+$0xFFFFCC80] =	vst v0;
	v0 =	vld [tilespmem:s28+$0xFFFFFE50];
	v4 =	vadd.f32 v10, v4  }
0x173: {  	[tilespmem:s28+$0xFFFFCCC0] =	vst v3;
	v3 =	vld [tilespmem:s28+$0xFFFFFE90];
	v6 =	vadd.f32 v11, v6  }
0x174: {  	[tilespmem:s28+$0xFFFFCD00] =	vst v4;
	v4 =	vld [tilespmem:s28+$0xFFFFFED0];
	v1 =	vadd.f32 v8, v1  }
0x175: {  	[tilespmem:s28+$0xFFFFCD40] =	vst v6;
	v6 =	vld [tilespmem:s28+$0xFFFFFF10];
	v2 =	vadd.f32 v2, v7  }
0x176: {  	v5 =	vmul.f32 $8.000000000e+00, v5;
	[tilespmem:s28+$0xFFFFCD80] =	vst v1;
	v1 =	vld [tilespmem:s28+$0xFFFFFF50]  }
0x177: {  	v0 =	vmul.f32 $8.000000000e+00, v0;
	[tilespmem:s28+$0xFFFFCDC0] =	vst v2;
	v2 =	vld [tilespmem:s28+$0xFFFFFF90]  }
0x178: {  	v7 =	vld [tilespmem:s24+$0xFFFFFF00];
	v3 =	vmul.f32 $8.000000000e+00, v3  }
0x179: {  	v8 =	vld [tilespmem:s24+$0xFFFFFF40];
	v4 =	vmul.f32 $8.000000000e+00, v4  }
0x17a: {  	v9 =	vld [tilespmem:s24+$0xFFFFFF80];
	v6 =	vmul.f32 $8.000000000e+00, v6  }
0x17b: {  	v10 =	vld [tilespmem:s24+$0xFFFFFFC0];
	v1 =	vmul.f32 $8.000000000e+00, v1  }
0x17c: {  	v11 =	vld [tilespmem:s24+$0x0];
	v2 =	vmul.f32 $8.000000000e+00, v2  }
0x17d: {  	v5 =	vadd.f32 v7, v5;
	v7 =	vld [tilespmem:s24+$0x40]  }
0x17e: {  	v0 =	vadd.f32 v8, v0;
	v8 =	vld [tilespmem:s24+$0x80]  }
0x17f: {  	[tilespmem:s28+$0xFFFFFE10] =	vst v5;
	v5 =	vld [tilespmem:s28+$0xFFFFFE20];
	v3 =	vadd.f32 v9, v3  }
0x180: {  	[tilespmem:s28+$0xFFFFFE50] =	vst v0;
	v0 =	vld [tilespmem:s28+$0xFFFFFE60];
	v4 =	vadd.f32 v10, v4  }
0x181: {  	[tilespmem:s28+$0xFFFFFE90] =	vst v3;
	v3 =	vld [tilespmem:s28+$0xFFFFFEA0];
	v6 =	vadd.f32 v11, v6  }
0x182: {  	[tilespmem:s28+$0xFFFFFED0] =	vst v4;
	v4 =	vld [tilespmem:s28+$0xFFFFFEE0];
	v1 =	vadd.f32 v7, v1  }
0x183: {  	[tilespmem:s28+$0xFFFFFF10] =	vst v6;
	v6 =	vld [tilespmem:s28+$0xFFFFFF20];
	v2 =	vadd.f32 v8, v2  }
0x184: {  	v5 =	vmul.f32 $8.000000000e+00, v5;
	[tilespmem:s28+$0xFFFFFF50] =	vst v1;
	v1 =	vld [tilespmem:s28+$0xFFFFFF60]  }
0x185: {  	v0 =	vmul.f32 $8.000000000e+00, v0;
	[tilespmem:s28+$0xFFFFFF90] =	vst v2;
	v2 =	vld [tilespmem:s28+$0xFFFFFFA0]  }
0x186: {  	v7 =	vld [tilespmem:s24+$0xFFFFFF10];
	v3 =	vmul.f32 $8.000000000e+00, v3  }
0x187: {  	v8 =	vld [tilespmem:s24+$0xFFFFFF50];
	v4 =	vmul.f32 $8.000000000e+00, v4  }
0x188: {  	v9 =	vld [tilespmem:s24+$0xFFFFFF90];
	v6 =	vmul.f32 $8.000000000e+00, v6  }
0x189: {  	v10 =	vld [tilespmem:s24+$0xFFFFFFD0];
	v1 =	vmul.f32 $8.000000000e+00, v1  }
0x18a: {  	v11 =	vld [tilespmem:s24+$0x10];
	v2 =	vmul.f32 $8.000000000e+00, v2  }
0x18b: {  	v5 =	vadd.f32 v7, v5;
	v7 =	vld [tilespmem:s24+$0x50]  }
0x18c: {  	v0 =	vadd.f32 v8, v0;
	v8 =	vld [tilespmem:s24+$0x90]  }
0x18d: {  	[tilespmem:s28+$0xFFFFFE20] =	vst v5;
	v5 =	vld [tilespmem:s28+$0xFFFFFE30];
	v3 =	vadd.f32 v9, v3  }
0x18e: {  	[tilespmem:s28+$0xFFFFFE60] =	vst v0;
	v0 =	vld [tilespmem:s28+$0xFFFFFE70];
	v4 =	vadd.f32 v10, v4  }
0x18f: {  	[tilespmem:s28+$0xFFFFFEA0] =	vst v3;
	v3 =	vld [tilespmem:s28+$0xFFFFFEB0];
	v6 =	vadd.f32 v11, v6  }
0x190: {  	[tilespmem:s28+$0xFFFFFEE0] =	vst v4;
	v4 =	vld [tilespmem:s28+$0xFFFFFEF0];
	v1 =	vadd.f32 v7, v1  }
0x191: {  	[tilespmem:s28+$0xFFFFFF20] =	vst v6;
	v6 =	vld [tilespmem:s28+$0xFFFFFF30];
	v2 =	vadd.f32 v8, v2  }
0x192: {  	v5 =	vmul.f32 $8.000000000e+00, v5;
	[tilespmem:s28+$0xFFFFFF60] =	vst v1;
	v1 =	vld [tilespmem:s28+$0xFFFFFF70]  }
0x193: {  	v0 =	vmul.f32 $8.000000000e+00, v0;
	[tilespmem:s28+$0xFFFFFFA0] =	vst v2;
	v2 =	vld [tilespmem:s28+$0xFFFFFFB0]  }
0x194: {  	v7 =	vld [tilespmem:s24+$0xFFFFFF20];
	v3 =	vmul.f32 $8.000000000e+00, v3  }
0x195: {  	v8 =	vld [tilespmem:s24+$0xFFFFFF60];
	v4 =	vmul.f32 $8.000000000e+00, v4  }
0x196: {  	v9 =	vld [tilespmem:s24+$0xFFFFFFA0];
	v6 =	vmul.f32 $8.000000000e+00, v6  }
0x197: {  	v10 =	vld [tilespmem:s24+$0xFFFFFFE0];
	v1 =	vmul.f32 $8.000000000e+00, v1  }
0x198: {  	v11 =	vld [tilespmem:s24+$0x20];
	v2 =	vmul.f32 $8.000000000e+00, v2  }
0x199: {  	v5 =	vadd.f32 v7, v5;
	v7 =	vld [tilespmem:s24+$0x60]  }
0x19a: {  	v0 =	vadd.f32 v8, v0;
	v8 =	vld [tilespmem:s24+$0xA0]  }
0x19b: {  	[tilespmem:s28+$0xFFFFFE30] =	vst v5;
	v5 =	vld [tilespmem:s28+$0xFFFFFE40];
	v3 =	vadd.f32 v9, v3  }
0x19c: {  	[tilespmem:s28+$0xFFFFFE70] =	vst v0;
	v0 =	vld [tilespmem:s28+$0xFFFFFE80];
	v4 =	vadd.f32 v10, v4  }
0x19d: {  	[tilespmem:s28+$0xFFFFFEB0] =	vst v3;
	v3 =	vld [tilespmem:s28+$0xFFFFFEC0];
	v6 =	vadd.f32 v11, v6  }
0x19e: {  	[tilespmem:s28+$0xFFFFFEF0] =	vst v4;
	v4 =	vld [tilespmem:s28+$0xFFFFFF00];
	v1 =	vadd.f32 v7, v1  }
0x19f: {  	[tilespmem:s28+$0xFFFFFF30] =	vst v6;
	v6 =	vld [tilespmem:s28+$0xFFFFFF40];
	v2 =	vadd.f32 v8, v2  }
0x1a0: {  	v9 =	vmul.f32 $8.000000000e+00, v5;
	[tilespmem:s28+$0xFFFFFF70] =	vst v1;
	v1 =	vld [tilespmem:s28+$0xFFFFFF80]  }
0x1a1: {  	v10 =	vmul.f32 $8.000000000e+00, v0;
	[tilespmem:s28+$0xFFFFFFB0] =	vst v2;
	v11 =	vld [tilespmem:s28+$0xFFFFFFC0]  }
0x1a2: {  	v12 =	vld [tilespmem:s24+$0xFFFFFF30];
	v7 =	vmul.f32 $8.000000000e+00, v3  }
0x1a3: {  	v13 =	vld [tilespmem:s24+$0xFFFFFF70];
	v3 =	vmul.f32 $8.000000000e+00, v4  }
.Ltmp0:
0x1a4: {  	v8 =	vld [tilespmem:s24+$0xFFFFFFB0];
	v2 =	vmul.f32 $8.000000000e+00, v6;
	(pc) =	sbr.rel @p0 .LBB2_3-.Ltmp0, $4  }
0x1a5: {  	v4 =	vld [tilespmem:s24+$0xFFFFFFF0];
	v0 =	vmul.f32 $8.000000000e+00, v1  }
0x1a6: {  	v5 =	vld [tilespmem:s24+$0x30];
	v1 =	vmul.f32 $8.000000000e+00, v11  }
0x1a7: {  	v11 =	vadd.f32 v12, v9;
	v6 =	vld [tilespmem:s24+$0x70]  }
0x1a8: {  	s28 =	sadd.s32 $0x200, s28;
	v10 =	vadd.f32 v13, v10;
	v9 =	vld [tilespmem:s24+$0xB0]  }
0x1a9: {  	[tilespmem:s25+$0xFFFFFE40] =	vst v11;
	v7 =	vadd.f32 v8, v7  }
0x1aa: {  	[tilespmem:s25+$0xFFFFFE80] =	vst v10;
	v3 =	vadd.f32 v4, v3  }
0x1ab: {  	s24 =	smul.u32 $0x4B0, s23;
	p0 =	sne.s32 s23, $0x0;
	[tilespmem:s25+$0xFFFFFEC0] =	vst v7;
	v2 =	vadd.f32 v5, v2  }
.Ltmp1:
0x1ac: {  	[tilespmem:s25+$0xFFFFFF00] =	vst v3;
	v0 =	vadd.f32 v6, v0;
	(pc) =	sbr.rel @!p0 .LBB2_5-.Ltmp1, $4  }
0x1ad: {  	s26 =	sadd.s32 s4, s24;
	[tilespmem:s25+$0xFFFFFF40] =	vst v2;
	v1 =	vadd.f32 v9, v1  }
0x1ae: {  	s26 =	sshll.u32 s26, $0x3;
	[tilespmem:s25+$0xFFFFFF80] =	vst v0  }
0x1af: {  	s29 =	sadd.s32 s2, s26;
	[tilespmem:s25+$0xFFFFFFC0] =	vst v1  }
0x1b0: {  	[hbm4b:s29+s3] =	stream.linear.scatter [tilespmem:s14], [sflag:$0x4], $0x6400, $0x38;
	[tilespmem:$0x1C200] =	vst v63  }
0x1b1: {  	_ =	swait.ge [sflag:s22], $0x6400  }
0x1b2: {  	[sflag:s22] =	ssyncset.done $0x0  }
0x1b3: {  	[sflag:s22] =	ssyncadd.s32 $0xFFFF9C00  }
0x1b4: {  	v0 =	vld [tilespmem:s24+$0x320];
	_ =	sdelay $0x7  }
0x1b5: {  	[tilespmem:s17], [sflag:$0x3] =	stream.indirect_vreg.gather [hbm4b:s5+s3], $0x40, v0, vm0, $0xb8;
	[tilespmem:$0x1C200] =	vst v63  }
0x1b6: {  	v0 =	vld [tilespmem:s24+$0x330];
	_ =	sdelay $0x6  }
0x1b7: {  	s25 =	simm.s32 $0x16200  }
0x1b8: {  	[tilespmem:s25], [sflag:$0x3] =	stream.indirect_vreg.gather [hbm4b:s5+s3], $0x40, v0, vm0, $0xb8;
	[tilespmem:$0x1C200] =	vst v63  }
0x1b9: {  	v0 =	vld [tilespmem:s24+$0x340];
	_ =	sdelay $0x6  }
0x1ba: {  	s26 =	simm.s32 $0x16600  }
0x1bb: {  	[tilespmem:s26], [sflag:$0x3] =	stream.indirect_vreg.gather [hbm4b:s5+s3], $0x40, v0, vm0, $0xb8;
	[tilespmem:$0x1C200] =	vst v63  }
0x1bc: {  	v0 =	vld [tilespmem:s24+$0x350];
	_ =	sdelay $0x6  }
0x1bd: {  	s28 =	simm.s32 $0x16A00  }
0x1be: {  	[tilespmem:s28], [sflag:$0x3] =	stream.indirect_vreg.gather [hbm4b:s5+s3], $0x40, v0, vm0, $0xb8;
	[tilespmem:$0x1C200] =	vst v63  }
0x1bf: {  	v0 =	vld [tilespmem:s24+$0x360];
	_ =	sdelay $0x6  }
0x1c0: {  	s29 =	simm.s32 $0x16E00  }
0x1c1: {  	[tilespmem:s29], [sflag:$0x3] =	stream.indirect_vreg.gather [hbm4b:s5+s3], $0x40, v0, vm0, $0xb8;
	[tilespmem:$0x1C200] =	vst v63  }
0x1c2: {  	v0 =	vld [tilespmem:s24+$0x370];
	_ =	sdelay $0x6  }
0x1c3: {  	s26 =	simm.s32 $0x17200  }
0x1c4: {  	[tilespmem:s26], [sflag:$0x3] =	stream.indirect_vreg.gather [hbm4b:s5+s3], $0x40, v0, vm0, $0xb8;
	[tilespmem:$0x1C200] =	vst v63  }
0x1c5: {  	v0 =	vld [tilespmem:s24+$0x380];
	_ =	sdelay $0x6  }
0x1c6: {  	s28 =	simm.s32 $0x17600  }
0x1c7: {  	[tilespmem:s28], [sflag:$0x3] =	stream.indirect_vreg.gather [hbm4b:s5+s3], $0x40, v0, vm0, $0xb8;
	[tilespmem:$0x1C200] =	vst v63  }
0x1c8: {  	v0 =	vld [tilespmem:s24+$0x390];
	_ =	sdelay $0x6  }
0x1c9: {  	s29 =	simm.s32 $0x17A00  }
0x1ca: {  	[tilespmem:s29], [sflag:$0x3] =	stream.indirect_vreg.gather [hbm4b:s5+s3], $0x40, v0, vm0, $0xb8;
	[tilespmem:$0x1C200] =	vst v63  }
0x1cb: {  	v0 =	vld [tilespmem:s24+$0x3A0];
	_ =	sdelay $0x6  }
0x1cc: {  	s26 =	simm.s32 $0x17E00  }
0x1cd: {  	[tilespmem:s26], [sflag:$0x3] =	stream.indirect_vreg.gather [hbm4b:s5+s3], $0x40, v0, vm0, $0xb8;
	[tilespmem:$0x1C200] =	vst v63  }
0x1ce: {  	v0 =	vld [tilespmem:s24+$0x3B0];
	_ =	sdelay $0x6  }
0x1cf: {  	s28 =	simm.s32 $0x18200  }
0x1d0: {  	[tilespmem:s28], [sflag:$0x3] =	stream.indirect_vreg.gather [hbm4b:s5+s3], $0x40, v0, vm0, $0xb8;
	[tilespmem:$0x1C200] =	vst v63  }
0x1d1: {  	v0 =	vld [tilespmem:s24+$0x3C0];
	_ =	sdelay $0x6  }
0x1d2: {  	s29 =	simm.s32 $0x18600  }
0x1d3: {  	[tilespmem:s29], [sflag:$0x3] =	stream.indirect_vreg.gather [hbm4b:s5+s3], $0x40, v0, vm0, $0xb8;
	[tilespmem:$0x1C200] =	vst v63  }
0x1d4: {  	v0 =	vld [tilespmem:s24+$0x3D0];
	_ =	sdelay $0x6  }
0x1d5: {  	s26 =	simm.s32 $0x18A00  }
0x1d6: {  	[tilespmem:s26], [sflag:$0x3] =	stream.indirect_vreg.gather [hbm4b:s5+s3], $0x40, v0, vm0, $0xb8;
	[tilespmem:$0x1C200] =	vst v63  }
0x1d7: {  	v0 =	vld [tilespmem:s24+$0x3E0];
	_ =	sdelay $0x6  }
0x1d8: {  	s28 =	simm.s32 $0x18E00  }
0x1d9: {  	[tilespmem:s28], [sflag:$0x3] =	stream.indirect_vreg.gather [hbm4b:s5+s3], $0x40, v0, vm0, $0xb8;
	[tilespmem:$0x1C200] =	vst v63  }
0x1da: {  	v0 =	vld [tilespmem:s24+$0x3F0];
	_ =	sdelay $0x6  }
0x1db: {  	s29 =	simm.s32 $0x19200  }
0x1dc: {  	[tilespmem:s29], [sflag:$0x3] =	stream.indirect_vreg.gather [hbm4b:s5+s3], $0x40, v0, vm0, $0xb8;
	[tilespmem:$0x1C200] =	vst v63  }
0x1dd: {  	v0 =	vld [tilespmem:s24+$0x400];
	_ =	sdelay $0x6  }
0x1de: {  	s26 =	simm.s32 $0x19600  }
0x1df: {  	[tilespmem:s26], [sflag:$0x3] =	stream.indirect_vreg.gather [hbm4b:s5+s3], $0x40, v0, vm0, $0xb8;
	[tilespmem:$0x1C200] =	vst v63  }
0x1e0: {  	v0 =	vld [tilespmem:s24+$0x410];
	_ =	sdelay $0x6  }
0x1e1: {  	s28 =	simm.s32 $0x19A00  }
0x1e2: {  	[tilespmem:s28], [sflag:$0x3] =	stream.indirect_vreg.gather [hbm4b:s5+s3], $0x40, v0, vm0, $0xb8;
	[tilespmem:$0x1C200] =	vst v63  }
0x1e3: {  	v0 =	vld [tilespmem:s24+$0x420];
	_ =	sdelay $0x6  }
0x1e4: {  	s29 =	simm.s32 $0x19E00  }
0x1e5: {  	[tilespmem:s29], [sflag:$0x3] =	stream.indirect_vreg.gather [hbm4b:s5+s3], $0x40, v0, vm0, $0xb8;
	[tilespmem:$0x1C200] =	vst v63  }
0x1e6: {  	v0 =	vld [tilespmem:s24+$0x430];
	_ =	sdelay $0x6  }
0x1e7: {  	s26 =	simm.s32 $0x1A200  }
0x1e8: {  	[tilespmem:s26], [sflag:$0x3] =	stream.indirect_vreg.gather [hbm4b:s5+s3], $0x40, v0, vm0, $0xb8;
	[tilespmem:$0x1C200] =	vst v63  }
0x1e9: {  	v0 =	vld [tilespmem:s24+$0x440];
	_ =	sdelay $0x6  }
0x1ea: {  	s28 =	simm.s32 $0x1A600  }
0x1eb: {  	[tilespmem:s28], [sflag:$0x3] =	stream.indirect_vreg.gather [hbm4b:s5+s3], $0x40, v0, vm0, $0xb8;
	[tilespmem:$0x1C200] =	vst v63  }
0x1ec: {  	v0 =	vld [tilespmem:s24+$0x450];
	_ =	sdelay $0x6  }
0x1ed: {  	s29 =	simm.s32 $0x1AA00  }
0x1ee: {  	[tilespmem:s29], [sflag:$0x3] =	stream.indirect_vreg.gather [hbm4b:s5+s3], $0x40, v0, vm0, $0xb8;
	[tilespmem:$0x1C200] =	vst v63  }
0x1ef: {  	v0 =	vld [tilespmem:s24+$0x460];
	_ =	sdelay $0x6  }
0x1f0: {  	s26 =	simm.s32 $0x1AE00  }
0x1f1: {  	[tilespmem:s26], [sflag:$0x3] =	stream.indirect_vreg.gather [hbm4b:s5+s3], $0x40, v0, vm0, $0xb8;
	[tilespmem:$0x1C200] =	vst v63  }
0x1f2: {  	v0 =	vld [tilespmem:s24+$0x470];
	_ =	sdelay $0x6  }
0x1f3: {  	s28 =	simm.s32 $0x1B200  }
0x1f4: {  	[tilespmem:s28], [sflag:$0x3] =	stream.indirect_vreg.gather [hbm4b:s5+s3], $0x40, v0, vm0, $0xb8;
	[tilespmem:$0x1C200] =	vst v63  }
0x1f5: {  	v0 =	vld [tilespmem:s24+$0x480];
	_ =	sdelay $0x3  }
.Ltmp2:
0x1f6: {  	_ = 	snop;
	(pc) =	sbr.rel .LBB2_7-.Ltmp2, $3  }
0x1f7: {  	_ =	sdelay $0x1  }
0x1f8: {  	s25 =	smov.u32 s24;
	s29 =	simm.s32 $0x1B600  }
0x1f9: {  	[tilespmem:s29], [sflag:$0x3] =	stream.indirect_vreg.gather [hbm4b:s5+s3], $0x40, v0, vm0, $0xb8;
	[tilespmem:$0x1C200] =	vst v63  }
.LBB2_5:
0x1fa: {  	v0 =	vld [tilespmem:$0x320];
	_ =	sdelay $0x6  }
0x1fb: {  	s25 =	simm.s32 $0x0  }
0x1fc: {  	[tilespmem:s17], [sflag:$0x3] =	stream.indirect_vreg.gather [hbm4b:s5+s25], $0x40, v0, vm0, $0xb8;
	[tilespmem:$0x1C200] =	vst v63  }
0x1fd: {  	v0 =	vld [tilespmem:$0x330];
	_ =	sdelay $0x6  }
0x1fe: {  	s26 =	simm.s32 $0x16200  }
0x1ff: {  	[tilespmem:s26], [sflag:$0x3] =	stream.indirect_vreg.gather [hbm4b:s5+s25], $0x40, v0, vm0, $0xb8;
	[tilespmem:$0x1C200] =	vst v63  }
0x200: {  	v0 =	vld [tilespmem:$0x340];
	_ =	sdelay $0x6  }
0x201: {  	s29 =	simm.s32 $0x16600  }
0x202: {  	[tilespmem:s29], [sflag:$0x3] =	stream.indirect_vreg.gather [hbm4b:s5+s25], $0x40, v0, vm0, $0xb8;
	[tilespmem:$0x1C200] =	vst v63  }
0x203: {  	v0 =	vld [tilespmem:$0x350];
	_ =	sdelay $0x6  }
0x204: {  	s28 =	simm.s32 $0x16A00  }
0x205: {  	[tilespmem:s28], [sflag:$0x3] =	stream.indirect_vreg.gather [hbm4b:s5+s25], $0x40, v0, vm0, $0xb8;
	[tilespmem:$0x1C200] =	vst v63  }
0x206: {  	v0 =	vld [tilespmem:$0x360];
	_ =	sdelay $0x6  }
0x207: {  	s29 =	simm.s32 $0x16E00  }
0x208: {  	[tilespmem:s29], [sflag:$0x3] =	stream.indirect_vreg.gather [hbm4b:s5+s25], $0x40, v0, vm0, $0xb8;
	[tilespmem:$0x1C200] =	vst v63  }
0x209: {  	v0 =	vld [tilespmem:$0x370];
	_ =	sdelay $0x6  }
0x20a: {  	s28 =	simm.s32 $0x17200  }
0x20b: {  	[tilespmem:s28], [sflag:$0x3] =	stream.indirect_vreg.gather [hbm4b:s5+s25], $0x40, v0, vm0, $0xb8;
	[tilespmem:$0x1C200] =	vst v63  }
0x20c: {  	v0 =	vld [tilespmem:$0x380];
	_ =	sdelay $0x6  }
0x20d: {  	s29 =	simm.s32 $0x17600  }
0x20e: {  	[tilespmem:s29], [sflag:$0x3] =	stream.indirect_vreg.gather [hbm4b:s5+s25], $0x40, v0, vm0, $0xb8;
	[tilespmem:$0x1C200] =	vst v63  }
0x20f: {  	v0 =	vld [tilespmem:$0x390];
	_ =	sdelay $0x6  }
0x210: {  	s28 =	simm.s32 $0x17A00  }
0x211: {  	[tilespmem:s28], [sflag:$0x3] =	stream.indirect_vreg.gather [hbm4b:s5+s25], $0x40, v0, vm0, $0xb8;
	[tilespmem:$0x1C200] =	vst v63  }
0x212: {  	v0 =	vld [tilespmem:$0x3A0];
	_ =	sdelay $0x6  }
0x213: {  	s29 =	simm.s32 $0x17E00  }
0x214: {  	[tilespmem:s29], [sflag:$0x3] =	stream.indirect_vreg.gather [hbm4b:s5+s25], $0x40, v0, vm0, $0xb8;
	[tilespmem:$0x1C200] =	vst v63  }
0x215: {  	v0 =	vld [tilespmem:$0x3B0];
	_ =	sdelay $0x6  }
0x216: {  	s28 =	simm.s32 $0x18200  }
0x217: {  	[tilespmem:s28], [sflag:$0x3] =	stream.indirect_vreg.gather [hbm4b:s5+s25], $0x40, v0, vm0, $0xb8;
	[tilespmem:$0x1C200] =	vst v63  }
0x218: {  	v0 =	vld [tilespmem:$0x3C0];
	_ =	sdelay $0x6  }
0x219: {  	s29 =	simm.s32 $0x18600  }
0x21a: {  	[tilespmem:s29], [sflag:$0x3] =	stream.indirect_vreg.gather [hbm4b:s5+s25], $0x40, v0, vm0, $0xb8;
	[tilespmem:$0x1C200] =	vst v63  }
0x21b: {  	v0 =	vld [tilespmem:$0x3D0];
	_ =	sdelay $0x6  }
0x21c: {  	s28 =	simm.s32 $0x18A00  }
0x21d: {  	[tilespmem:s28], [sflag:$0x3] =	stream.indirect_vreg.gather [hbm4b:s5+s25], $0x40, v0, vm0, $0xb8;
	[tilespmem:$0x1C200] =	vst v63  }
0x21e: {  	v0 =	vld [tilespmem:$0x3E0];
	_ =	sdelay $0x6  }
0x21f: {  	s29 =	simm.s32 $0x18E00  }
0x220: {  	[tilespmem:s29], [sflag:$0x3] =	stream.indirect_vreg.gather [hbm4b:s5+s25], $0x40, v0, vm0, $0xb8;
	[tilespmem:$0x1C200] =	vst v63  }
0x221: {  	v0 =	vld [tilespmem:$0x3F0];
	_ =	sdelay $0x6  }
0x222: {  	s28 =	simm.s32 $0x19200  }
0x223: {  	[tilespmem:s28], [sflag:$0x3] =	stream.indirect_vreg.gather [hbm4b:s5+s25], $0x40, v0, vm0, $0xb8;
	[tilespmem:$0x1C200] =	vst v63  }
0x224: {  	v0 =	vld [tilespmem:$0x400];
	_ =	sdelay $0x6  }
0x225: {  	s29 =	simm.s32 $0x19600  }
0x226: {  	[tilespmem:s29], [sflag:$0x3] =	stream.indirect_vreg.gather [hbm4b:s5+s25], $0x40, v0, vm0, $0xb8;
	[tilespmem:$0x1C200] =	vst v63  }
0x227: {  	v0 =	vld [tilespmem:$0x410];
	_ =	sdelay $0x6  }
0x228: {  	s28 =	simm.s32 $0x19A00  }
0x229: {  	[tilespmem:s28], [sflag:$0x3] =	stream.indirect_vreg.gather [hbm4b:s5+s25], $0x40, v0, vm0, $0xb8;
	[tilespmem:$0x1C200] =	vst v63  }
0x22a: {  	v0 =	vld [tilespmem:$0x420];
	_ =	sdelay $0x6  }
0x22b: {  	s29 =	simm.s32 $0x19E00  }
0x22c: {  	[tilespmem:s29], [sflag:$0x3] =	stream.indirect_vreg.gather [hbm4b:s5+s25], $0x40, v0, vm0, $0xb8;
	[tilespmem:$0x1C200] =	vst v63  }
0x22d: {  	v0 =	vld [tilespmem:$0x430];
	_ =	sdelay $0x6  }
0x22e: {  	s28 =	simm.s32 $0x1A200  }
0x22f: {  	[tilespmem:s28], [sflag:$0x3] =	stream.indirect_vreg.gather [hbm4b:s5+s25], $0x40, v0, vm0, $0xb8;
	[tilespmem:$0x1C200] =	vst v63  }
0x230: {  	v0 =	vld [tilespmem:$0x440];
	_ =	sdelay $0x6  }
0x231: {  	s29 =	simm.s32 $0x1A600  }
0x232: {  	[tilespmem:s29], [sflag:$0x3] =	stream.indirect_vreg.gather [hbm4b:s5+s25], $0x40, v0, vm0, $0xb8;
	[tilespmem:$0x1C200] =	vst v63  }
0x233: {  	v0 =	vld [tilespmem:$0x450];
	_ =	sdelay $0x6  }
0x234: {  	s28 =	simm.s32 $0x1AA00  }
0x235: {  	[tilespmem:s28], [sflag:$0x3] =	stream.indirect_vreg.gather [hbm4b:s5+s25], $0x40, v0, vm0, $0xb8;
	[tilespmem:$0x1C200] =	vst v63  }
0x236: {  	v0 =	vld [tilespmem:$0x460];
	_ =	sdelay $0x6  }
0x237: {  	s29 =	simm.s32 $0x1AE00  }
0x238: {  	[tilespmem:s29], [sflag:$0x3] =	stream.indirect_vreg.gather [hbm4b:s5+s25], $0x40, v0, vm0, $0xb8;
	[tilespmem:$0x1C200] =	vst v63  }
0x239: {  	v0 =	vld [tilespmem:$0x470];
	_ =	sdelay $0x6  }
0x23a: {  	s28 =	simm.s32 $0x1B200  }
0x23b: {  	[tilespmem:s28], [sflag:$0x3] =	stream.indirect_vreg.gather [hbm4b:s5+s25], $0x40, v0, vm0, $0xb8;
	[tilespmem:$0x1C200] =	vst v63  }
0x23c: {  	v0 =	vld [tilespmem:$0x480];
	_ =	sdelay $0x6  }
0x23d: {  	s29 =	simm.s32 $0x1B600  }
0x23e: {  	[tilespmem:s29], [sflag:$0x3] =	stream.indirect_vreg.gather [hbm4b:s5+s25], $0x40, v0, vm0, $0xb8;
	[tilespmem:$0x1C200] =	vst v63  }
.LBB2_7:
0x23f: {  	v0 =	vld [tilespmem:s25+$0x490];
	_ =	sdelay $0x6  }
0x240: {  	s26 =	simm.s32 $0x0;
	s28 =	simm.s32 $0x1BA00  }
0x241: {  	[tilespmem:s28], [sflag:$0x3] =	stream.indirect_vreg.gather [hbm4b:s5+s26], $0x40, v0, vm0, $0xb8;
	[tilespmem:$0x1C200] =	vst v63  }
0x242: {  	v0 =	vld [tilespmem:s25+$0x4A0];
	_ =	sdelay $0x6  }
0x243: {  	s29 =	simm.s32 $0x1BE00  }
0x244: {  	[tilespmem:s29], [sflag:$0x3] =	stream.indirect_vreg.gather [hbm4b:s5+s26], $0x40, v0, vm0, $0xb8;
	[tilespmem:$0x1C200] =	vst v63  }
0x245: {  	_ =	swait.ge [sflag:s18], $0x6400  }
0x246: {  	[sflag:s18] =	ssyncset.done $0x0  }
0x247: {  	s25 =	simm.s32 $0x0;
	[sflag:s18] =	ssyncadd.s32 $0xFFFF9C00  }
0x248: {  	v0 =	vld [tilespmem:s25+$0x12DF0]  }
0x249: {  	v41 =	vld [tilespmem:s25+$0xFA00]  }
0x24a: {  	v1 =	vld [tilespmem:s25+$0x65F0]  }
0x24b: {  	v42 =	vld [tilespmem:s25+$0xFA10]  }
0x24c: {  	v43 =	vld [tilespmem:s25+$0xFA20]  }
0x24d: {  	v44 =	vld [tilespmem:s25+$0xFA30]  }
0x24e: {  	v45 =	vld [tilespmem:s25+$0x12C00]  }
0x24f: {  	v46 =	vld [tilespmem:s25+$0x12C10]  }
0x250: {  	v47 =	vld [tilespmem:s25+$0x12C20]  }
0x251: {  	v48 =	vld [tilespmem:s25+$0x12C30]  }
0x252: {  	v49 =	vld [tilespmem:s25+$0xFA40]  }
0x253: {  	v50 =	vld [tilespmem:s25+$0xFA50]  }
0x254: {  	v51 =	vld [tilespmem:s25+$0xFA60]  }
0x255: {  	v52 =	vld [tilespmem:s25+$0xFA70]  }
0x256: {  	v53 =	vld [tilespmem:s25+$0x12C40]  }
0x257: {  	v54 =	vld [tilespmem:s25+$0x12C50]  }
0x258: {  	v55 =	vld [tilespmem:s25+$0x12C60]  }
0x259: {  	v56 =	vld [tilespmem:s25+$0x12C70]  }
0x25a: {  	v57 =	vld [tilespmem:s25+$0xFA80]  }
0x25b: {  	v58 =	vld [tilespmem:s25+$0xFA90]  }
0x25c: {  	v59 =	vld [tilespmem:s25+$0xFAA0]  }
0x25d: {  	v60 =	vld [tilespmem:s25+$0xFAB0]  }
0x25e: {  	v61 =	vld [tilespmem:s25+$0x12C80]  }
0x25f: {  	v62 =	vld [tilespmem:s25+$0x12C90]  }
0x260: {  	v40 =	vld [tilespmem:s25+$0x12CA0]  }
0x261: {  	v39 =	vld [tilespmem:s25+$0x12CB0]  }
0x262: {  	v38 =	vld [tilespmem:s25+$0xFAC0]  }
0x263: {  	v37 =	vld [tilespmem:s25+$0xFAD0]  }
0x264: {  	v36 =	vld [tilespmem:s25+$0xFAE0]  }
0x265: {  	v35 =	vld [tilespmem:s25+$0xFAF0]  }
0x266: {  	v34 =	vld [tilespmem:s25+$0x12CC0]  }
0x267: {  	v33 =	vld [tilespmem:s25+$0x12CD0]  }
0x268: {  	v32 =	vld [tilespmem:s25+$0x12CE0]  }
0x269: {  	v31 =	vld [tilespmem:s25+$0x12CF0]  }
0x26a: {  	v30 =	vld [tilespmem:s25+$0xFB00]  }
0x26b: {  	v29 =	vld [tilespmem:s25+$0xFB10]  }
0x26c: {  	v28 =	vld [tilespmem:s25+$0xFB20]  }
0x26d: {  	v27 =	vld [tilespmem:s25+$0xFB30]  }
0x26e: {  	v26 =	vld [tilespmem:s25+$0x12D00]  }
0x26f: {  	v25 =	vld [tilespmem:s25+$0x12D10]  }
0x270: {  	v24 =	vld [tilespmem:s25+$0x12D20]  }
0x271: {  	v23 =	vld [tilespmem:s25+$0x12D30]  }
0x272: {  	v22 =	vld [tilespmem:s25+$0xFB40]  }
0x273: {  	v21 =	vld [tilespmem:s25+$0xFB50]  }
0x274: {  	v20 =	vld [tilespmem:s25+$0xFB60]  }
0x275: {  	v19 =	vld [tilespmem:s25+$0xFB70]  }
0x276: {  	v18 =	vld [tilespmem:s25+$0x12D40]  }
0x277: {  	v16 =	vld [tilespmem:s25+$0x12D50]  }
0x278: {  	v17 =	vld [tilespmem:s25+$0x12D60]  }
0x279: {  	v15 =	vld [tilespmem:s25+$0x12D70]  }
0x27a: {  	v14 =	vld [tilespmem:s25+$0xFB80];
	v0 =	vmul.f32 $8.000000000e+00, v0  }
0x27b: {  	v12 =	vld [tilespmem:s25+$0xFB90]  }
0x27c: {  	v13 =	vld [tilespmem:s25+$0xFBA0];
	v0 =	vadd.f32 v1, v0  }
0x27d: {  	v10 =	vld [tilespmem:s25+$0xFBB0]  }
0x27e: {  	[tilespmem:s25+$0x12DF0] =	vst v0;
	v0 =	vld [tilespmem:s25+$0xFBD0]  }
0x27f: {  	v11 =	vld [tilespmem:s25+$0x12D80]  }
0x280: {  	v9 =	vld [tilespmem:s25+$0x12D90]  }
0x281: {  	v8 =	vld [tilespmem:s25+$0x12DA0]  }
0x282: {  	v6 =	vld [tilespmem:s25+$0x12DB0]  }
0x283: {  	v7 =	vld [tilespmem:s25+$0xFBC0];
	[tilespmem:$0x1FFA0] =	vst v0  }
0x284: {  	v0 =	vld [tilespmem:s25+$0xFBE0];
	_ =	sdelay $0x4  }
0x285: {  	[tilespmem:$0x1FFB0] =	vst v0  }
0x286: {  	v0 =	vld [tilespmem:s25+$0xFBF0];
	_ =	sdelay $0x4  }
0x287: {  	[tilespmem:$0x1FFC0] =	vst v0  }
0x288: {  	v0 =	vld [tilespmem:s25+$0x12DC0];
	_ =	sdelay $0x4  }
0x289: {  	[tilespmem:$0x1FFD0] =	vst v0  }
0x28a: {  	v0 =	vld [tilespmem:s25+$0x12DD0];
	_ =	sdelay $0x4  }
0x28b: {  	[tilespmem:$0x1FFE0] =	vst v0  }
0x28c: {  	v0 =	vld [tilespmem:s25+$0x12DE0];
	_ =	sdelay $0x4  }
0x28d: {  	[tilespmem:$0x1FFF0] =	vst v0  }
0x28e: {  	v63 =	vld [tilespmem:s25+$0x6400]  }
0x28f: {  	v0 =	vld [tilespmem:s25+$0x6410]  }
0x290: {  	v1 =	vld [tilespmem:s25+$0x6420]  }
0x291: {  	v41 =	vmul.f32 $8.000000000e+00, v41;
	v2 =	vld [tilespmem:s25+$0x6430]  }
0x292: {  	v42 =	vmul.f32 $8.000000000e+00, v42  }
0x293: {  	v43 =	vmul.f32 $8.000000000e+00, v43;
	v41 =	vadd.f32 v63, v41  }
0x294: {  	v44 =	vmul.f32 $8.000000000e+00, v44;
	v42 =	vadd.f32 v0, v42  }
0x295: {  	v3 =	vld [tilespmem:s25+$0x6430];
	v43 =	vadd.f32 v1, v43;
	[tilespmem:s25+$0xFA00] =	vst v41;
	v41 =	vmul.f32 $8.000000000e+00, v45  }
0x296: {  	v4 =	vld [tilespmem:s25+$0x6440];
	v2 =	vadd.f32 v2, v44;
	[tilespmem:s25+$0xFA10] =	vst v42;
	v42 =	vmul.f32 $8.000000000e+00, v46  }
0x297: {  	v45 =	vld [tilespmem:s25+$0x6460];
	[tilespmem:s25+$0xFA20] =	vst v43;
	v43 =	vmul.f32 $8.000000000e+00, v47;
	v41 =	vadd.f32 v63, v41  }
0x298: {  	v46 =	vld [tilespmem:s25+$0x6440];
	[tilespmem:s25+$0xFA30] =	vst v2;
	v2 =	vmul.f32 $8.000000000e+00, v48;
	v0 =	vadd.f32 v0, v42  }
0x299: {  	v48 =	vmul.f32 $8.000000000e+00, v49;
	v49 =	vld [tilespmem:s25+$0x6460];
	v1 =	vadd.f32 v1, v43;
	[tilespmem:s25+$0x12C00] =	vst v41  }
0x29a: {  	v51 =	vmul.f32 $8.000000000e+00, v51;
	v5 =	vld [tilespmem:s25+$0x6450];
	v2 =	vadd.f32 v3, v2;
	[tilespmem:s25+$0x12C10] =	vst v0  }
0x29b: {  	v53 =	vmul.f32 $8.000000000e+00, v53;
	v63 =	vld [tilespmem:s25+$0x6450];
	v4 =	vadd.f32 v4, v48;
	[tilespmem:s25+$0x12C20] =	vst v1  }
0x29c: {  	v55 =	vmul.f32 $8.000000000e+00, v55;
	v3 =	vld [tilespmem:s25+$0x6470];
	[tilespmem:s25+$0x12C30] =	vst v2;
	v41 =	vadd.f32 v45, v51  }
0x29d: {  	v48 =	vld [tilespmem:s25+$0x64A0];
	v0 =	vmul.f32 $8.000000000e+00, v50;
	[tilespmem:s25+$0xFA40] =	vst v4;
	v45 =	vadd.f32 v46, v53  }
0x29e: {  	v54 =	vmul.f32 $8.000000000e+00, v54;
	v44 =	vld [tilespmem:s25+$0x6470];
	v43 =	vadd.f32 v49, v55;
	[tilespmem:s25+$0xFA60] =	vst v41  }
0x29f: {  	v56 =	vmul.f32 $8.000000000e+00, v56;
	v1 =	vld [tilespmem:s25+$0x6480];
	v0 =	vadd.f32 v5, v0;
	[tilespmem:s25+$0x12C40] =	vst v45  }
0x2a0: {  	v40 =	vmul.f32 $8.000000000e+00, v40;
	v2 =	vld [tilespmem:s25+$0x6490];
	v42 =	vadd.f32 v63, v54;
	[tilespmem:s25+$0x12C60] =	vst v43  }
0x2a1: {  	v4 =	vld [tilespmem:s25+$0x64A0];
	v5 =	vmul.f32 $8.000000000e+00, v52;
	v3 =	vadd.f32 v3, v56;
	[tilespmem:s25+$0xFA50] =	vst v0  }
0x2a2: {  	v50 =	vld [tilespmem:s25+$0x64B0];
	v63 =	vmul.f32 $8.000000000e+00, v57;
	v40 =	vadd.f32 v48, v40;
	[tilespmem:s25+$0x12C50] =	vst v42  }
0x2a3: {  	v49 =	vmul.f32 $8.000000000e+00, v58;
	v58 =	vld [tilespmem:s25+$0x6510];
	v5 =	vadd.f32 v44, v5;
	[tilespmem:s25+$0x12C70] =	vst v3  }
0x2a4: {  	v51 =	vmul.f32 $8.000000000e+00, v59;
	v59 =	vld [tilespmem:s25+$0x6520];
	v1 =	vadd.f32 v1, v63;
	[tilespmem:s25+$0x12CA0] =	vst v40  }
0x2a5: {  	v39 =	vmul.f32 $8.000000000e+00, v39;
	v53 =	vmul.f32 $8.000000000e+00, v60;
	v60 =	vld [tilespmem:s25+$0x6540];
	v2 =	vadd.f32 v2, v49;
	[tilespmem:s25+$0xFA70] =	vst v5  }
0x2a6: {  	v29 =	vmul.f32 $8.000000000e+00, v29;
	v55 =	vmul.f32 $8.000000000e+00, v62;
	v62 =	vld [tilespmem:s25+$0x6570];
	v4 =	vadd.f32 v4, v51;
	[tilespmem:s25+$0xFA80] =	vst v1  }
0x2a7: {  	v28 =	vmul.f32 $8.000000000e+00, v28;
	v52 =	vld [tilespmem:s25+$0x64C0];
	v39 =	vadd.f32 v50, v39;
	[tilespmem:s25+$0xFA90] =	vst v2  }
0x2a8: {  	v22 =	vmul.f32 $8.000000000e+00, v22;
	v41 =	vld [tilespmem:s25+$0x6480];
	v29 =	vadd.f32 v58, v29;
	[tilespmem:s25+$0xFAA0] =	vst v4  }
0x2a9: {  	v19 =	vmul.f32 $8.000000000e+00, v19;
	v56 =	vld [tilespmem:s25+$0x64E0];
	v28 =	vadd.f32 v59, v28;
	[tilespmem:s25+$0x12CB0] =	vst v39  }
0x2aa: {  	v38 =	vmul.f32 $8.000000000e+00, v38;
	v0 =	vld [tilespmem:s25+$0x64B0];
	v22 =	vadd.f32 v60, v22;
	[tilespmem:s25+$0xFB10] =	vst v29  }
0x2ab: {  	v54 =	vmul.f32 $8.000000000e+00, v61;
	v57 =	vld [tilespmem:s25+$0x6500];
	v19 =	vadd.f32 v62, v19;
	[tilespmem:s25+$0xFB20] =	vst v28  }
0x2ac: {  	v32 =	vmul.f32 $8.000000000e+00, v32;
	v3 =	vld [tilespmem:s25+$0x64D0];
	v38 =	vadd.f32 v52, v38;
	[tilespmem:s25+$0xFB40] =	vst v22  }
0x2ad: {  	v5 =	vld [tilespmem:s25+$0x6490];
	v41 =	vadd.f32 v41, v54;
	[tilespmem:s25+$0xFB70] =	vst v19  }
0x2ae: {  	v30 =	vmul.f32 $8.000000000e+00, v30;
	v1 =	vld [tilespmem:s25+$0x64E0];
	v32 =	vadd.f32 v56, v32;
	[tilespmem:s25+$0xFAC0] =	vst v38  }
0x2af: {  	v37 =	vmul.f32 $8.000000000e+00, v37;
	v2 =	vld [tilespmem:s25+$0x64F0];
	v0 =	vadd.f32 v0, v53;
	[tilespmem:s25+$0x12C80] =	vst v41  }
0x2b0: {  	v4 =	vld [tilespmem:s25+$0x64C0];
	v30 =	vadd.f32 v57, v30;
	[tilespmem:s25+$0x12CE0] =	vst v32  }
0x2b1: {  	v36 =	vmul.f32 $8.000000000e+00, v36;
	v3 =	vadd.f32 v3, v37;
	[tilespmem:s25+$0xFAB0] =	vst v0;
	v0 =	vld [tilespmem:s25+$0x64D0]  }
0x2b2: {  	v35 =	vmul.f32 $8.000000000e+00, v35;
	v61 =	vld [tilespmem:s25+$0x6560];
	[tilespmem:s25+$0xFB00] =	vst v30;
	v5 =	vadd.f32 v5, v55  }
0x2b3: {  	v34 =	vmul.f32 $8.000000000e+00, v34;
	v1 =	vadd.f32 v1, v36;
	[tilespmem:s25+$0xFAD0] =	vst v3;
	v3 =	vld [tilespmem:s25+$0x6530]  }
0x2b4: {  	v33 =	vmul.f32 $8.000000000e+00, v33;
	v2 =	vadd.f32 v2, v35;
	[tilespmem:s25+$0x12C90] =	vst v5;
	v5 =	vld [tilespmem:s25+$0x64F0]  }
0x2b5: {  	v20 =	vmul.f32 $8.000000000e+00, v20;
	v4 =	vadd.f32 v4, v34;
	[tilespmem:s25+$0xFAE0] =	vst v1;
	v1 =	vld [tilespmem:s25+$0x6500]  }
0x2b6: {  	v27 =	vmul.f32 $8.000000000e+00, v27;
	[tilespmem:s25+$0xFAF0] =	vst v2;
	v2 =	vld [tilespmem:s25+$0x6510];
	v0 =	vadd.f32 v0, v33  }
0x2b7: {  	v31 =	vmul.f32 $8.000000000e+00, v31;
	v20 =	vadd.f32 v61, v20;
	[tilespmem:s25+$0x12CC0] =	vst v4;
	v4 =	vld [tilespmem:s25+$0x6520]  }
0x2b8: {  	v26 =	vmul.f32 $8.000000000e+00, v26;
	v3 =	vadd.f32 v3, v27;
	[tilespmem:s25+$0x12CD0] =	vst v0;
	v0 =	vld [tilespmem:s25+$0x6530]  }
0x2b9: {  	v25 =	vmul.f32 $8.000000000e+00, v25;
	v63 =	vld [tilespmem:s25+$0x6540];
	[tilespmem:s25+$0xFB60] =	vst v20;
	v5 =	vadd.f32 v5, v31  }
0x2ba: {  	v24 =	vmul.f32 $8.000000000e+00, v24;
	v1 =	vadd.f32 v1, v26;
	[tilespmem:s25+$0xFB30] =	vst v3;
	v3 =	vld [tilespmem:s25+$0x6550]  }
0x2bb: {  	v23 =	vmul.f32 $8.000000000e+00, v23;
	v2 =	vadd.f32 v2, v25;
	[tilespmem:s25+$0x12CF0] =	vst v5;
	v5 =	vld [tilespmem:s25+$0x6550]  }
0x2bc: {  	v18 =	vmul.f32 $8.000000000e+00, v18;
	v4 =	vadd.f32 v4, v24;
	[tilespmem:s25+$0x12D00] =	vst v1;
	v1 =	vld [tilespmem:s25+$0x6560]  }
0x2bd: {  	v16 =	vmul.f32 $8.000000000e+00, v16;
	[tilespmem:s25+$0x12D10] =	vst v2;
	v2 =	vld [tilespmem:s25+$0x6570];
	v0 =	vadd.f32 v0, v23  }
0x2be: {  	v21 =	vmul.f32 $8.000000000e+00, v21;
	v18 =	vadd.f32 v63, v18;
	[tilespmem:s25+$0x12D20] =	vst v4;
	v4 =	vld [tilespmem:s25+$0x6580]  }
0x2bf: {  	v17 =	vmul.f32 $8.000000000e+00, v17;
	v3 =	vadd.f32 v3, v16;
	[tilespmem:s25+$0x12D30] =	vst v0;
	v0 =	vld [tilespmem:s25+$0x6590]  }
0x2c0: {  	v15 =	vmul.f32 $8.000000000e+00, v15;
	[tilespmem:s25+$0x12D40] =	vst v18;
	v5 =	vadd.f32 v5, v21  }
0x2c1: {  	v14 =	vmul.f32 $8.000000000e+00, v14;
	v1 =	vadd.f32 v1, v17;
	[tilespmem:s25+$0x12D50] =	vst v3  }
0x2c2: {  	v12 =	vmul.f32 $8.000000000e+00, v12;
	v2 =	vadd.f32 v2, v15;
	[tilespmem:s25+$0xFB50] =	vst v5  }
0x2c3: {  	v4 =	vadd.f32 v4, v14;
	[tilespmem:s25+$0x12D60] =	vst v1  }
0x2c4: {  	[tilespmem:s25+$0x12D70] =	vst v2;
	v0 =	vadd.f32 v0, v12  }
0x2c5: {  	[tilespmem:s25+$0xFB80] =	vst v4  }
0x2c6: {  	v5 =	vld [tilespmem:s25+$0x65B0];
	[tilespmem:s25+$0xFB90] =	vst v0  }
0x2c7: {  	v0 =	vld [tilespmem:$0x1FFA0];
	_ =	sdelay $0x1  }
0x2c8: {  	v21 =	vld [tilespmem:s25+$0x65A0]  }
0x2c9: {  	v10 =	vmul.f32 $8.000000000e+00, v10;
	_ =	sdelay $0x1  }
0x2ca: {  	v13 =	vmul.f32 $8.000000000e+00, v13;
	v17 =	vadd.f32 v5, v10;
	v5 =	vmul.f32 $8.000000000e+00, v0;
	v0 =	vld [tilespmem:$0x1FFB0];
	_ =	sdelay $0x1  }
0x2cb: {  	v3 =	vadd.f32 v21, v13;
	_ =	sdelay $0x1  }
0x2cc: {  	[tilespmem:s25+$0xFBA0] =	vst v3  }
0x2cd: {  	v18 =	vmul.f32 $8.000000000e+00, v0;
	v0 =	vld [tilespmem:$0x1FFC0];
	_ =	sdelay $0x4  }
0x2ce: {  	v3 =	vmul.f32 $8.000000000e+00, v0;
	v0 =	vld [tilespmem:$0x1FFD0];
	_ =	sdelay $0x3  }
0x2cf: {  	v14 =	vld [tilespmem:s25+$0x65B0];
	[tilespmem:s25+$0xFBB0] =	vst v17  }
0x2d0: {  	v63 =	vmul.f32 $8.000000000e+00, v0;
	v0 =	vld [tilespmem:$0x1FFE0]  }
0x2d1: {  	v20 =	vld [tilespmem:s25+$0x6580]  }
0x2d2: {  	v16 =	vld [tilespmem:s25+$0x6590]  }
0x2d3: {  	v15 =	vld [tilespmem:s25+$0x65A0];
	v4 =	vmul.f32 $8.000000000e+00, v6  }
0x2d4: {  	v21 =	vld [tilespmem:s25+$0x65C0]  }
0x2d5: {  	v14 =	vadd.f32 v14, v4;
	v4 =	vmul.f32 $8.000000000e+00, v0;
	v0 =	vld [tilespmem:$0x1FFF0]  }
0x2d6: {  	v11 =	vmul.f32 $8.000000000e+00, v11;
	v1 =	vmul.f32 $8.000000000e+00, v8;
	v8 =	vld [tilespmem:s25+$0x65F0]  }
0x2d7: {  	v9 =	vmul.f32 $8.000000000e+00, v9;
	v6 =	vmul.f32 $8.000000000e+00, v7;
	v7 =	vld [tilespmem:s25+$0x65C0]  }
0x2d8: {  	v10 =	vld [tilespmem:s25+$0x65D0]  }
0x2d9: {  	v11 =	vadd.f32 v20, v11;
	v12 =	vadd.f32 v16, v9;
	v9 =	vld [tilespmem:s25+$0x65E0]  }
0x2da: {  	s28 =	simm.s32 $0x800;
	s26 =	simm.s32 $0x0;
	v13 =	vadd.f32 v15, v1;
	v15 =	vadd.f32 v21, v6;
	v6 =	vld [tilespmem:s25+$0x65D0];
	v20 =	vmul.f32 $8.000000000e+00, v0  }
.LBB2_8:
0x2db: {  	s29 =	sshra.s32 s28, $0x2  }
0x2dc: {  	[tilespmem:s25+$0x12D80] =	vst v11;
	v11 =	vld [tilespmem:s29+$0x12DF0]  }
0x2dd: {  	[tilespmem:s25+$0x12D90] =	vst v12;
	v5 =	vadd.f32 v10, v5;
	v10 =	vld [tilespmem:s25+$0x65E0]  }
0x2de: {  	[tilespmem:s25+$0x12DA0] =	vst v13  }
0x2df: {  	[tilespmem:s25+$0x12DB0] =	vst v14;
	v3 =	vadd.f32 v8, v3;
	v8 =	vld [tilespmem:s29+$0x65F0]  }
0x2e0: {  	v2 =	vadd.f32 v9, v18;
	[tilespmem:s25+$0xFBC0] =	vst v15  }
0x2e1: {  	v9 =	vld [tilespmem:s29+$0xFA00];
	[tilespmem:s25+$0xFBD0] =	vst v5  }
0x2e2: {  	v1 =	vadd.f32 v7, v63;
	v7 =	vld [tilespmem:s29+$0xFA10];
	[tilespmem:s25+$0xFBE0] =	vst v2;
	v0 =	vadd.f32 v10, v20;
	v10 =	vmul.f32 $8.000000000e+00, v11  }
0x2e3: {  	v4 =	vadd.f32 v6, v4;
	v6 =	vld [tilespmem:s29+$0xFA20];
	[tilespmem:s25+$0xFBF0] =	vst v3  }
0x2e4: {  	v5 =	vld [tilespmem:s29+$0xFA30];
	[tilespmem:s25+$0x12DC0] =	vst v1;
	v8 =	vadd.f32 v8, v10  }
0x2e5: {  	v2 =	vld [tilespmem:s29+$0x12C00];
	[tilespmem:s25+$0x12DD0] =	vst v4  }
0x2e6: {  	v1 =	vld [tilespmem:s29+$0x12C20];
	[tilespmem:s29+$0x12DF0] =	vst v8  }
0x2e7: {  	v3 =	vld [tilespmem:s29+$0x12C10];
	[tilespmem:s25+$0x12DE0] =	vst v0;
	s25 =	smov.u32 s29  }
0x2e8: {  	v0 =	vld [tilespmem:s25+$0xFA50]  }
0x2e9: {  	v4 =	vld [tilespmem:s29+$0x12C30]  }
0x2ea: {  	v62 =	vmul.f32 $8.000000000e+00, v2;
	v2 =	vld [tilespmem:s25+$0xFA60]  }
0x2eb: {  	v60 =	vmul.f32 $8.000000000e+00, v1;
	v1 =	vld [tilespmem:s25+$0xFA70]  }
0x2ec: {  	v61 =	vmul.f32 $8.000000000e+00, v3;
	v3 =	vld [tilespmem:s25+$0x12C40]  }
0x2ed: {  	v57 =	vmul.f32 $8.000000000e+00, v0;
	v0 =	vld [tilespmem:s25+$0x12C60]  }
0x2ee: {  	v59 =	vmul.f32 $8.000000000e+00, v4;
	v4 =	vld [tilespmem:s25+$0x12C50]  }
0x2ef: {  	v56 =	vmul.f32 $8.000000000e+00, v2;
	v2 =	vld [tilespmem:s25+$0x12C70]  }
0x2f0: {  	v55 =	vmul.f32 $8.000000000e+00, v1;
	v1 =	vld [tilespmem:s25+$0xFA80]  }
0x2f1: {  	v54 =	vmul.f32 $8.000000000e+00, v3;
	v3 =	vld [tilespmem:s25+$0xFA90]  }
0x2f2: {  	v52 =	vmul.f32 $8.000000000e+00, v0;
	v0 =	vld [tilespmem:s25+$0xFAB0]  }
0x2f3: {  	v53 =	vmul.f32 $8.000000000e+00, v4;
	v4 =	vld [tilespmem:s25+$0xFAA0]  }
0x2f4: {  	v51 =	vmul.f32 $8.000000000e+00, v2;
	v2 =	vld [tilespmem:s25+$0x12C80]  }
0x2f5: {  	v49 =	vmul.f32 $8.000000000e+00, v1;
	v1 =	vld [tilespmem:s25+$0x12C90]  }
0x2f6: {  	v47 =	vmul.f32 $8.000000000e+00, v3;
	v3 =	vld [tilespmem:s25+$0x12CA0]  }
0x2f7: {  	v44 =	vmul.f32 $8.000000000e+00, v0;
	v0 =	vld [tilespmem:s25+$0xFAC0]  }
0x2f8: {  	v45 =	vmul.f32 $8.000000000e+00, v4;
	v4 =	vld [tilespmem:s25+$0x12CB0]  }
0x2f9: {  	v42 =	vmul.f32 $8.000000000e+00, v2;
	v2 =	vld [tilespmem:s25+$0xFAD0]  }
0x2fa: {  	v41 =	vmul.f32 $8.000000000e+00, v1;
	v1 =	vld [tilespmem:s25+$0xFAE0]  }
0x2fb: {  	v40 =	vmul.f32 $8.000000000e+00, v3;
	v3 =	vld [tilespmem:s25+$0xFAF0]  }
0x2fc: {  	v38 =	vmul.f32 $8.000000000e+00, v0;
	v0 =	vld [tilespmem:s25+$0x12CD0]  }
0x2fd: {  	v39 =	vmul.f32 $8.000000000e+00, v4;
	v4 =	vld [tilespmem:s25+$0x12CC0]  }
0x2fe: {  	v37 =	vmul.f32 $8.000000000e+00, v2;
	v2 =	vld [tilespmem:s25+$0x12CE0]  }
0x2ff: {  	v36 =	vmul.f32 $8.000000000e+00, v1;
	v1 =	vld [tilespmem:s25+$0x12CF0]  }
0x300: {  	v35 =	vmul.f32 $8.000000000e+00, v3;
	v3 =	vld [tilespmem:s25+$0xFB00]  }
0x301: {  	v33 =	vmul.f32 $8.000000000e+00, v0;
	v0 =	vld [tilespmem:s25+$0xFB20]  }
0x302: {  	v34 =	vmul.f32 $8.000000000e+00, v4;
	v4 =	vld [tilespmem:s25+$0xFB10]  }
0x303: {  	v32 =	vmul.f32 $8.000000000e+00, v2;
	v2 =	vld [tilespmem:s25+$0xFB30]  }
0x304: {  	v31 =	vmul.f32 $8.000000000e+00, v1;
	v1 =	vld [tilespmem:s25+$0x12D00]  }
0x305: {  	v30 =	vmul.f32 $8.000000000e+00, v3;
	v3 =	vld [tilespmem:s25+$0x12D10]  }
0x306: {  	v28 =	vmul.f32 $8.000000000e+00, v0;
	v0 =	vld [tilespmem:s25+$0x12D30]  }
0x307: {  	v29 =	vmul.f32 $8.000000000e+00, v4;
	v4 =	vld [tilespmem:s25+$0x12D20]  }
0x308: {  	v27 =	vmul.f32 $8.000000000e+00, v2;
	v2 =	vld [tilespmem:s25+$0xFB40]  }
0x309: {  	v26 =	vmul.f32 $8.000000000e+00, v1;
	v1 =	vld [tilespmem:s25+$0xFB50]  }
0x30a: {  	v25 =	vmul.f32 $8.000000000e+00, v3;
	v3 =	vld [tilespmem:s25+$0xFB60]  }
0x30b: {  	v23 =	vmul.f32 $8.000000000e+00, v0;
	v0 =	vld [tilespmem:s25+$0x12D40]  }
0x30c: {  	v24 =	vmul.f32 $8.000000000e+00, v4;
	v4 =	vld [tilespmem:s25+$0xFB70]  }
0x30d: {  	v22 =	vmul.f32 $8.000000000e+00, v2;
	v2 =	vld [tilespmem:s25+$0x12D50]  }
0x30e: {  	v21 =	vmul.f32 $8.000000000e+00, v1;
	v1 =	vld [tilespmem:s25+$0x12D60]  }
0x30f: {  	v48 =	vmul.f32 $8.000000000e+00, v6;
	v6 =	vmul.f32 $8.000000000e+00, v3;
	v3 =	vld [tilespmem:s25+$0x12D70]  }
0x310: {  	v8 =	vmul.f32 $8.000000000e+00, v0;
	v0 =	vld [tilespmem:s25+$0xFB90]  }
0x311: {  	v50 =	vmul.f32 $8.000000000e+00, v7;
	v7 =	vmul.f32 $8.000000000e+00, v4;
	v4 =	vld [tilespmem:s25+$0xFB80]  }
0x312: {  	v43 =	vmul.f32 $8.000000000e+00, v9;
	v9 =	vmul.f32 $8.000000000e+00, v2;
	v2 =	vld [tilespmem:s25+$0xFBA0]  }
0x313: {  	v10 =	vmul.f32 $8.000000000e+00, v1;
	v1 =	vld [tilespmem:s25+$0xFBB0]  }
0x314: {  	v15 =	vmul.f32 $8.000000000e+00, v3;
	v3 =	vld [tilespmem:s25+$0x12D80]  }
0x315: {  	v13 =	vmul.f32 $8.000000000e+00, v0;
	v0 =	vld [tilespmem:s25+$0x12DA0];
	_ =	sdelay $0x1  }
0x316: {  	v14 =	vmul.f32 $8.000000000e+00, v4;
	v4 =	vld [tilespmem:s25+$0x12D90]  }
0x317: {  	v12 =	vmul.f32 $8.000000000e+00, v2;
	v2 =	vld [tilespmem:s25+$0x12DB0]  }
0x318: {  	v11 =	vmul.f32 $8.000000000e+00, v1;
	v1 =	vld [tilespmem:s25+$0xFBC0];
	v3 =	vmul.f32 $8.000000000e+00, v3  }
0x319: {  	v46 =	vmul.f32 $8.000000000e+00, v5;
	v5 =	vld [tilespmem:s29+$0xFA40];
	v0 =	vmul.f32 $8.000000000e+00, v0  }
0x31a: {  	[tilespmem:$0x1FF50] =	vst v3;
	v3 =	vld [tilespmem:s25+$0xFBD0]  }
0x31b: {  	v4 =	vmul.f32 $8.000000000e+00, v4;
	[tilespmem:$0x1FF70] =	vst v0;
	v0 =	vld [tilespmem:s25+$0xFBF0]  }
0x31c: {  	v16 =	vld [tilespmem:s25+$0x6400];
	v2 =	vmul.f32 $8.000000000e+00, v2  }
0x31d: {  	[tilespmem:$0x1FF60] =	vst v4;
	v4 =	vld [tilespmem:s25+$0xFBE0];
	v1 =	vmul.f32 $8.000000000e+00, v1  }
0x31e: {  	[tilespmem:$0x1FF80] =	vst v2;
	v2 =	vld [tilespmem:s25+$0x12DE0]  }
0x31f: {  	v58 =	vmul.f32 $8.000000000e+00, v5;
	[tilespmem:$0x1FF90] =	vst v1;
	v1 =	vld [tilespmem:s25+$0x12DD0]  }
0x320: {  	v5 =	vmul.f32 $8.000000000e+00, v3;
	v3 =	vmul.f32 $8.000000000e+00, v0;
	v0 =	vld [tilespmem:s25+$0x6420];
	_ =	sdelay $0x2  }
0x321: {  	v20 =	vmul.f32 $8.000000000e+00, v2;
	v2 =	vadd.f32 v16, v43;
	_ =	sdelay $0x1  }
0x322: {  	v18 =	vmul.f32 $8.000000000e+00, v4;
	v4 =	vmul.f32 $8.000000000e+00, v1;
	v1 =	vld [tilespmem:s25+$0x6430];
	[tilespmem:s25+$0xFA00] =	vst v2;
	v2 =	vadd.f32 v0, v48  }
0x323: {  	v17 =	vld [tilespmem:s25+$0x6410]  }
0x324: {  	[tilespmem:s25+$0xFA20] =	vst v2;
	v2 =	vld [tilespmem:s25+$0x6440]  }
0x325: {  	v19 =	vld [tilespmem:s25+$0x6430];
	_ =	sdelay $0x1  }
0x326: {  	v1 =	vadd.f32 v1, v59  }
0x327: {  	v50 =	vadd.f32 v17, v50;
	v17 =	vadd.f32 v17, v61;
	v61 =	vld [tilespmem:s25+$0x6450]  }
0x328: {  	[tilespmem:s25+$0x12C30] =	vst v1;
	v1 =	vadd.f32 v2, v54;
	v2 =	vld [tilespmem:s25+$0x6490]  }
0x329: {  	v19 =	vadd.f32 v19, v46;
	v46 =	vld [tilespmem:s25+$0x6470]  }
0x32a: {  	[tilespmem:s25+$0xFA10] =	vst v50;
	v50 =	vld [tilespmem:s25+$0x64C0]  }
0x32b: {  	v43 =	vld [tilespmem:s25+$0x6440]  }
0x32c: {  	v16 =	vadd.f32 v16, v62;
	v62 =	vld [tilespmem:s25+$0x6460]  }
0x32d: {  	[tilespmem:s25+$0x12C40] =	vst v1;
	v1 =	vadd.f32 v2, v47;
	v2 =	vld [tilespmem:s25+$0x64A0]  }
0x32e: {  	[tilespmem:s25+$0x12C00] =	vst v16;
	v16 =	vadd.f32 v61, v57;
	v61 =	vld [tilespmem:s25+$0x6460]  }
0x32f: {  	[tilespmem:s25+$0xFA30] =	vst v19;
	v57 =	vld [tilespmem:s25+$0x64A0]  }
0x330: {  	[tilespmem:s25+$0x12C10] =	vst v17;
	v0 =	vadd.f32 v0, v60;
	v60 =	vld [tilespmem:s25+$0x6450]  }
0x331: {  	[tilespmem:s25+$0xFA50] =	vst v16;
	v17 =	vadd.f32 v62, v56;
	v62 =	vld [tilespmem:s25+$0x6470]  }
0x332: {  	v19 =	vadd.f32 v43, v58;
	[tilespmem:s25+$0xFA90] =	vst v1;
	v1 =	vadd.f32 v2, v40;
	v2 =	vld [tilespmem:s25+$0x64F0]  }
0x333: {  	v56 =	vld [tilespmem:s25+$0x6480];
	[tilespmem:s25+$0x12C20] =	vst v0  }
0x334: {  	v58 =	vld [tilespmem:s25+$0x64B0];
	v0 =	vadd.f32 v46, v55;
	[tilespmem:s25+$0xFA40] =	vst v19  }
0x335: {  	v59 =	vld [tilespmem:s25+$0x6480];
	[tilespmem:s25+$0xFA60] =	vst v17  }
0x336: {  	v16 =	vadd.f32 v61, v52;
	[tilespmem:s25+$0xFA70] =	vst v0;
	v19 =	vadd.f32 v60, v53;
	v60 =	vld [tilespmem:s25+$0x6490]  }
0x337: {  	[tilespmem:s25+$0x12CA0] =	vst v1;
	v1 =	vadd.f32 v2, v35;
	v2 =	vld [tilespmem:s25+$0x6500]  }
0x338: {  	v48 =	vld [tilespmem:s25+$0x64D0];
	[tilespmem:s25+$0x12C60] =	vst v16;
	v17 =	vadd.f32 v62, v51  }
0x339: {  	v0 =	vadd.f32 v56, v49;
	v49 =	vld [tilespmem:s25+$0x64E0];
	[tilespmem:s25+$0x12C50] =	vst v19  }
0x33a: {  	v61 =	vld [tilespmem:s25+$0x64B0];
	[tilespmem:s25+$0x12C70] =	vst v17  }
0x33b: {  	v16 =	vadd.f32 v58, v44;
	v53 =	vld [tilespmem:s25+$0x64F0];
	[tilespmem:s25+$0xFA80] =	vst v0  }
0x33c: {  	v0 =	vadd.f32 v60, v41;
	[tilespmem:s25+$0xFAF0] =	vst v1;
	v1 =	vadd.f32 v2, v30;
	v2 =	vld [tilespmem:s25+$0x6510]  }
0x33d: {  	v52 =	vld [tilespmem:s25+$0x64E0];
	v19 =	vadd.f32 v57, v45;
	[tilespmem:s25+$0xFAB0] =	vst v16  }
0x33e: {  	v57 =	vld [tilespmem:s25+$0x6500];
	[tilespmem:s25+$0x12C90] =	vst v0;
	v0 =	vadd.f32 v49, v36  }
0x33f: {  	v62 =	vld [tilespmem:s25+$0x64C0];
	[tilespmem:s25+$0xFAA0] =	vst v19  }
0x340: {  	v17 =	vadd.f32 v59, v42;
	v19 =	vadd.f32 v61, v39;
	v61 =	vld [tilespmem:s25+$0x6550];
	[tilespmem:s25+$0xFAE0] =	vst v0  }
0x341: {  	v0 =	vadd.f32 v53, v31;
	[tilespmem:s25+$0xFB00] =	vst v1;
	v1 =	vadd.f32 v2, v25;
	v2 =	vld [tilespmem:s25+$0x6560]  }
0x342: {  	v51 =	vld [tilespmem:s25+$0x64D0];
	[tilespmem:s25+$0x12C80] =	vst v17;
	v17 =	vadd.f32 v48, v37  }
0x343: {  	v56 =	vld [tilespmem:s25+$0x6530];
	[tilespmem:s25+$0x12CF0] =	vst v0;
	v0 =	vadd.f32 v57, v26  }
0x344: {  	v16 =	vadd.f32 v62, v38;
	v62 =	vld [tilespmem:s25+$0x6570];
	[tilespmem:s25+$0xFAD0] =	vst v17  }
0x345: {  	[tilespmem:s25+$0x12D00] =	vst v0;
	v0 =	vadd.f32 v61, v21;
	v21 =	vld [tilespmem:s25+$0x6560]  }
0x346: {  	v17 =	vadd.f32 v52, v32;
	[tilespmem:s25+$0x12D10] =	vst v1;
	v1 =	vadd.f32 v2, v6;
	v2 =	vld [tilespmem:s25+$0x6570]  }
0x347: {  	v55 =	vld [tilespmem:s25+$0x6520];
	[tilespmem:s25+$0xFAC0] =	vst v16;
	v16 =	vadd.f32 v51, v33  }
0x348: {  	v60 =	vld [tilespmem:s25+$0x6540];
	[tilespmem:s25+$0x12CE0] =	vst v17  }
0x349: {  	v59 =	vld [tilespmem:s25+$0x6530];
	[tilespmem:s25+$0x12CD0] =	vst v16  }
0x34a: {  	v17 =	vadd.f32 v56, v27;
	[tilespmem:s25+$0xFB50] =	vst v0;
	v0 =	vadd.f32 v21, v10;
	v10 =	vld [tilespmem:s25+$0x65B0]  }
0x34b: {  	v6 =	vadd.f32 v62, v7;
	v7 =	vld [tilespmem:s25+$0x6580];
	[tilespmem:s25+$0xFB60] =	vst v1;
	v1 =	vadd.f32 v2, v15  }
0x34c: {  	v16 =	vadd.f32 v55, v28;
	[tilespmem:s25+$0xFB30] =	vst v17;
	v2 =	vld [tilespmem:s25+$0x6580]  }
0x34d: {  	v17 =	vadd.f32 v60, v22;
	[tilespmem:s25+$0x12D70] =	vst v1;
	v1 =	vld [tilespmem:$0x1FF50]  }
0x34e: {  	[tilespmem:s25+$0xFB20] =	vst v16;
	v16 =	vadd.f32 v59, v23;
	v23 =	vld [tilespmem:s25+$0x6540]  }
0x34f: {  	[tilespmem:s25+$0xFB40] =	vst v17;
	v17 =	vld [tilespmem:s25+$0x65A0]  }
0x350: {  	[tilespmem:s25+$0x12D30] =	vst v16;
	v16 =	vld [tilespmem:s25+$0x6590]  }
0x351: {  	[tilespmem:s25+$0xFB70] =	vst v6;
	v6 =	vadd.f32 v7, v14;
	v7 =	vld [tilespmem:s25+$0x6590]  }
0x352: {  	[tilespmem:s25+$0x12D60] =	vst v0;
	v0 =	vadd.f32 v10, v11;
	v11 =	vadd.f32 v2, v1;
	v1 =	vld [tilespmem:$0x1FF60]  }
0x353: {  	v63 =	vld [tilespmem:s25+$0x12DC0]  }
0x354: {  	v54 =	vld [tilespmem:s25+$0x6510];
	v8 =	vadd.f32 v23, v8  }
0x355: {  	[tilespmem:s25+$0x12CB0] =	vst v19;
	v22 =	vld [tilespmem:s25+$0x6550]  }
0x356: {  	v19 =	vadd.f32 v50, v34;
	[tilespmem:s25+$0x12D40] =	vst v8;
	v8 =	vadd.f32 v16, v13;
	v13 =	vld [tilespmem:s25+$0x65A0]  }
0x357: {  	v14 =	vadd.f32 v17, v12;
	v12 =	vadd.f32 v7, v1;
	v1 =	vld [tilespmem:$0x1FF70]  }
0x358: {  	v58 =	vld [tilespmem:s25+$0x6520]  }
0x359: {  	[tilespmem:s25+$0x12CC0] =	vst v19;
	v16 =	vld [tilespmem:s25+$0x65C0]  }
0x35a: {  	v19 =	vadd.f32 v54, v29;
	[tilespmem:s25+$0xFBB0] =	vst v0;
	v0 =	vld [tilespmem:$0x1FF90]  }
0x35b: {  	s26 =	sadd.s32 $0x8, s26;
	v9 =	vadd.f32 v22, v9;
	v15 =	vld [tilespmem:s25+$0x65B0]  }
0x35c: {  	p0 =	slt.u32 s26, $0xC0;
	[tilespmem:s25+$0xFB10] =	vst v19;
	v13 =	vadd.f32 v13, v1;
	v1 =	vld [tilespmem:$0x1FF80]  }
.Ltmp3:
0x35d: {  	v19 =	vadd.f32 v58, v24;
	[tilespmem:s25+$0x12D50] =	vst v9;
	v9 =	vld [tilespmem:s25+$0x65E0];
	(pc) =	sbr.rel @p0 .LBB2_8-.Ltmp3, $4  }
0x35e: {  	[tilespmem:s25+$0xFB90] =	vst v8;
	v8 =	vld [tilespmem:s25+$0x65F0]  }
0x35f: {  	[tilespmem:s25+$0x12D20] =	vst v19;
	v10 =	vld [tilespmem:s25+$0x65D0]  }
0x360: {  	[tilespmem:s25+$0xFB80] =	vst v6;
	v6 =	vld [tilespmem:s25+$0x65D0]  }
0x361: {  	s28 =	sadd.s32 $0x800, s28;
	v63 =	vmul.f32 $8.000000000e+00, v63;
	[tilespmem:s25+$0xFBA0] =	vst v14;
	v7 =	vld [tilespmem:s25+$0x65C0];
	v14 =	vadd.f32 v15, v1;
	v15 =	vadd.f32 v16, v0  }
0x362: {  	[tilespmem:s25+$0x12D80] =	vst v11  }
0x363: {  	[tilespmem:s25+$0x12D90] =	vst v12  }
0x364: {  	[tilespmem:s25+$0x12DA0] =	vst v13  }
0x365: {  	v1 =	vld [tilespmem:s25+$0x65E0];
	v2 =	vadd.f32 v9, v18;
	[tilespmem:s25+$0x12DB0] =	vst v14  }
0x366: {  	[tilespmem:s25+$0xFBC0] =	vst v15;
	v3 =	vadd.f32 v8, v3  }
0x367: {  	v0 =	vadd.f32 v10, v5;
	[tilespmem:s25+$0xFBE0] =	vst v2  }
0x368: {  	v2 =	vadd.f32 v6, v4;
	[tilespmem:s25+$0xFBF0] =	vst v3  }
0x369: {  	s26 =	sadd.s32 s24, s8;
	[tilespmem:s25+$0xFBD0] =	vst v0;
	v0 =	vadd.f32 v7, v63  }
0x36a: {  	s26 =	sshll.u32 s26, $0x3;
	v1 =	vadd.f32 v1, v20;
	[tilespmem:s25+$0x12DD0] =	vst v2  }
0x36b: {  	s26 =	sand.u32 $0x1FFFFF80, s26;
	[tilespmem:s25+$0x12DC0] =	vst v0  }
0x36c: {  	s29 =	sadd.s32 s2, s26;
	s26 =	simm.s32 $0x0;
	[tilespmem:s25+$0x12DE0] =	vst v1  }
0x36d: {  	[hbm4b:s29+s26] =	stream.linear.scatter [tilespmem:s15], [sflag:$0x5], $0x6400, $0x38;
	[tilespmem:$0x1C200] =	vst v63  }
0x36e: {  	_ =	swait.ge [sflag:s19], $0x6400  }
0x36f: {  	[sflag:s19] =	ssyncset.done $0x0  }
0x370: {  	[sflag:s19] =	ssyncadd.s32 $0xFFFF9C00  }
0x371: {  	v0 =	vld [tilespmem:s24+$0x4B0];
	_ =	sdelay $0x7  }
0x372: {  	[tilespmem:s14], [sflag:$0x1] =	stream.indirect_vreg.gather [hbm4b:s5+s26], $0x40, v0, vm0, $0xb8;
	[tilespmem:$0x1C200] =	vst v63  }
0x373: {  	v0 =	vld [tilespmem:s24+$0x4C0];
	_ =	sdelay $0x6  }
0x374: {  	s29 =	simm.s32 $0x9A00  }
0x375: {  	[tilespmem:s29], [sflag:$0x1] =	stream.indirect_vreg.gather [hbm4b:s5+s26], $0x40, v0, vm0, $0xb8;
	[tilespmem:$0x1C200] =	vst v63  }
0x376: {  	v0 =	vld [tilespmem:s24+$0x4D0];
	_ =	sdelay $0x6  }
0x377: {  	s29 =	simm.s32 $0x9E00  }
0x378: {  	[tilespmem:s29], [sflag:$0x1] =	stream.indirect_vreg.gather [hbm4b:s5+s26], $0x40, v0, vm0, $0xb8;
	[tilespmem:$0x1C200] =	vst v63  }
0x379: {  	v0 =	vld [tilespmem:s24+$0x4E0];
	_ =	sdelay $0x6  }
0x37a: {  	s29 =	simm.s32 $0xA200  }
0x37b: {  	[tilespmem:s29], [sflag:$0x1] =	stream.indirect_vreg.gather [hbm4b:s5+s26], $0x40, v0, vm0, $0xb8;
	[tilespmem:$0x1C200] =	vst v63  }
0x37c: {  	v0 =	vld [tilespmem:s24+$0x4F0];
	_ =	sdelay $0x6  }
0x37d: {  	s29 =	simm.s32 $0xA600  }
0x37e: {  	[tilespmem:s29], [sflag:$0x1] =	stream.indirect_vreg.gather [hbm4b:s5+s26], $0x40, v0, vm0, $0xb8;
	[tilespmem:$0x1C200] =	vst v63  }
0x37f: {  	v0 =	vld [tilespmem:s24+$0x500];
	_ =	sdelay $0x6  }
0x380: {  	s29 =	simm.s32 $0xAA00  }
0x381: {  	[tilespmem:s29], [sflag:$0x1] =	stream.indirect_vreg.gather [hbm4b:s5+s26], $0x40, v0, vm0, $0xb8;
	[tilespmem:$0x1C200] =	vst v63  }
0x382: {  	v0 =	vld [tilespmem:s24+$0x510];
	_ =	sdelay $0x6  }
0x383: {  	s29 =	simm.s32 $0xAE00  }
0x384: {  	[tilespmem:s29], [sflag:$0x1] =	stream.indirect_vreg.gather [hbm4b:s5+s26], $0x40, v0, vm0, $0xb8;
	[tilespmem:$0x1C200] =	vst v63  }
0x385: {  	v0 =	vld [tilespmem:s24+$0x520];
	_ =	sdelay $0x6  }
0x386: {  	s29 =	simm.s32 $0xB200  }
0x387: {  	[tilespmem:s29], [sflag:$0x1] =	stream.indirect_vreg.gather [hbm4b:s5+s26], $0x40, v0, vm0, $0xb8;
	[tilespmem:$0x1C200] =	vst v63  }
0x388: {  	v0 =	vld [tilespmem:s24+$0x530];
	_ =	sdelay $0x6  }
0x389: {  	s29 =	simm.s32 $0xB600  }
0x38a: {  	[tilespmem:s29], [sflag:$0x1] =	stream.indirect_vreg.gather [hbm4b:s5+s26], $0x40, v0, vm0, $0xb8;
	[tilespmem:$0x1C200] =	vst v63  }
0x38b: {  	v0 =	vld [tilespmem:s24+$0x540];
	_ =	sdelay $0x6  }
0x38c: {  	s29 =	simm.s32 $0xBA00  }
0x38d: {  	[tilespmem:s29], [sflag:$0x1] =	stream.indirect_vreg.gather [hbm4b:s5+s26], $0x40, v0, vm0, $0xb8;
	[tilespmem:$0x1C200] =	vst v63  }
0x38e: {  	v0 =	vld [tilespmem:s24+$0x550];
	_ =	sdelay $0x6  }
0x38f: {  	s29 =	simm.s32 $0xBE00  }
0x390: {  	[tilespmem:s29], [sflag:$0x1] =	stream.indirect_vreg.gather [hbm4b:s5+s26], $0x40, v0, vm0, $0xb8;
	[tilespmem:$0x1C200] =	vst v63  }
0x391: {  	v0 =	vld [tilespmem:s24+$0x560];
	_ =	sdelay $0x6  }
0x392: {  	s29 =	simm.s32 $0xC200  }
0x393: {  	[tilespmem:s29], [sflag:$0x1] =	stream.indirect_vreg.gather [hbm4b:s5+s26], $0x40, v0, vm0, $0xb8;
	[tilespmem:$0x1C200] =	vst v63  }
0x394: {  	v0 =	vld [tilespmem:s24+$0x570];
	_ =	sdelay $0x6  }
0x395: {  	s29 =	simm.s32 $0xC600  }
0x396: {  	[tilespmem:s29], [sflag:$0x1] =	stream.indirect_vreg.gather [hbm4b:s5+s26], $0x40, v0, vm0, $0xb8;
	[tilespmem:$0x1C200] =	vst v63  }
0x397: {  	v0 =	vld [tilespmem:s24+$0x580];
	_ =	sdelay $0x6  }
0x398: {  	s29 =	simm.s32 $0xCA00  }
0x399: {  	[tilespmem:s29], [sflag:$0x1] =	stream.indirect_vreg.gather [hbm4b:s5+s26], $0x40, v0, vm0, $0xb8;
	[tilespmem:$0x1C200] =	vst v63  }
0x39a: {  	v0 =	vld [tilespmem:s24+$0x590];
	_ =	sdelay $0x6  }
0x39b: {  	s29 =	simm.s32 $0xCE00  }
0x39c: {  	[tilespmem:s29], [sflag:$0x1] =	stream.indirect_vreg.gather [hbm4b:s5+s26], $0x40, v0, vm0, $0xb8;
	[tilespmem:$0x1C200] =	vst v63  }
0x39d: {  	v0 =	vld [tilespmem:s24+$0x5A0];
	_ =	sdelay $0x7  }
0x39e: {  	[tilespmem:s30], [sflag:$0x1] =	stream.indirect_vreg.gather [hbm4b:s5+s26], $0x40, v0, vm0, $0xb8;
	[tilespmem:$0x1C200] =	vst v63  }
0x39f: {  	v0 =	vld [tilespmem:s24+$0x5B0];
	_ =	sdelay $0x7  }
0x3a0: {  	[tilespmem:s31], [sflag:$0x1] =	stream.indirect_vreg.gather [hbm4b:s5+s26], $0x40, v0, vm0, $0xb8;
	[tilespmem:$0x1C200] =	vst v63  }
0x3a1: {  	v0 =	vld [tilespmem:s24+$0x5C0];
	_ =	sdelay $0x7  }
0x3a2: {  	[tilespmem:s1], [sflag:$0x1] =	stream.indirect_vreg.gather [hbm4b:s5+s26], $0x40, v0, vm0, $0xb8;
	[tilespmem:$0x1C200] =	vst v63  }
0x3a3: {  	v0 =	vld [tilespmem:s24+$0x5D0];
	_ =	sdelay $0x7  }
0x3a4: {  	[tilespmem:s0], [sflag:$0x1] =	stream.indirect_vreg.gather [hbm4b:s5+s26], $0x40, v0, vm0, $0xb8;
	[tilespmem:$0x1C200] =	vst v63  }
0x3a5: {  	v0 =	vld [tilespmem:s24+$0x5E0];
	_ =	sdelay $0x7  }
0x3a6: {  	[tilespmem:s13], [sflag:$0x1] =	stream.indirect_vreg.gather [hbm4b:s5+s26], $0x40, v0, vm0, $0xb8;
	[tilespmem:$0x1C200] =	vst v63  }
0x3a7: {  	v0 =	vld [tilespmem:s24+$0x5F0];
	_ =	sdelay $0x7  }
0x3a8: {  	[tilespmem:s6], [sflag:$0x1] =	stream.indirect_vreg.gather [hbm4b:s5+s26], $0x40, v0, vm0, $0xb8;
	[tilespmem:$0x1C200] =	vst v63  }
0x3a9: {  	v0 =	vld [tilespmem:s24+$0x600];
	_ =	sdelay $0x7  }
0x3aa: {  	[tilespmem:s7], [sflag:$0x1] =	stream.indirect_vreg.gather [hbm4b:s5+s26], $0x40, v0, vm0, $0xb8;
	[tilespmem:$0x1C200] =	vst v63  }
0x3ab: {  	v0 =	vld [tilespmem:s24+$0x610];
	_ =	sdelay $0x7  }
0x3ac: {  	[tilespmem:s10], [sflag:$0x1] =	stream.indirect_vreg.gather [hbm4b:s5+s26], $0x40, v0, vm0, $0xb8;
	[tilespmem:$0x1C200] =	vst v63  }
0x3ad: {  	v0 =	vld [tilespmem:s24+$0x620];
	_ =	sdelay $0x7  }
0x3ae: {  	[tilespmem:s11], [sflag:$0x1] =	stream.indirect_vreg.gather [hbm4b:s5+s26], $0x40, v0, vm0, $0xb8;
	[tilespmem:$0x1C200] =	vst v63  }
0x3af: {  	v0 =	vld [tilespmem:s24+$0x630];
	_ =	sdelay $0x7  }
0x3b0: {  	[tilespmem:s12], [sflag:$0x1] =	stream.indirect_vreg.gather [hbm4b:s5+s26], $0x40, v0, vm0, $0xb8;
	[tilespmem:$0x1C200] =	vst v63  }
0x3b1: {  	_ =	swait.ge [sflag:s20], $0x6400  }
0x3b2: {  	[sflag:s20] =	ssyncset.done $0x0  }
0x3b3: {  	s25 =	simm.s32 $0x0;
	[sflag:s20] =	ssyncadd.s32 $0xFFFF9C00  }
0x3b4: {  	v0 =	vld [tilespmem:s25+$0x191F0]  }
0x3b5: {  	v41 =	vld [tilespmem:s25+$0x15E00]  }
0x3b6: {  	v1 =	vld [tilespmem:s25+$0x65F0]  }
0x3b7: {  	v42 =	vld [tilespmem:s25+$0x15E10]  }
0x3b8: {  	v43 =	vld [tilespmem:s25+$0x15E20]  }
0x3b9: {  	v44 =	vld [tilespmem:s25+$0x15E30]  }
0x3ba: {  	v45 =	vld [tilespmem:s25+$0x19000]  }
0x3bb: {  	v46 =	vld [tilespmem:s25+$0x19010]  }
0x3bc: {  	v47 =	vld [tilespmem:s25+$0x19020]  }
0x3bd: {  	v48 =	vld [tilespmem:s25+$0x19030]  }
0x3be: {  	v49 =	vld [tilespmem:s25+$0x15E40]  }
0x3bf: {  	v50 =	vld [tilespmem:s25+$0x15E50]  }
0x3c0: {  	v51 =	vld [tilespmem:s25+$0x15E60]  }
0x3c1: {  	v52 =	vld [tilespmem:s25+$0x15E70]  }
0x3c2: {  	v53 =	vld [tilespmem:s25+$0x19040]  }
0x3c3: {  	v54 =	vld [tilespmem:s25+$0x19050]  }
0x3c4: {  	v55 =	vld [tilespmem:s25+$0x19060]  }
0x3c5: {  	v56 =	vld [tilespmem:s25+$0x19070]  }
0x3c6: {  	v57 =	vld [tilespmem:s25+$0x15E80]  }
0x3c7: {  	v58 =	vld [tilespmem:s25+$0x15E90]  }
0x3c8: {  	v59 =	vld [tilespmem:s25+$0x15EA0]  }
0x3c9: {  	v60 =	vld [tilespmem:s25+$0x15EB0]  }
0x3ca: {  	v61 =	vld [tilespmem:s25+$0x19080]  }
0x3cb: {  	v62 =	vld [tilespmem:s25+$0x19090]  }
0x3cc: {  	v40 =	vld [tilespmem:s25+$0x190A0]  }
0x3cd: {  	v39 =	vld [tilespmem:s25+$0x190B0]  }
0x3ce: {  	v38 =	vld [tilespmem:s25+$0x15EC0]  }
0x3cf: {  	v37 =	vld [tilespmem:s25+$0x15ED0]  }
0x3d0: {  	v36 =	vld [tilespmem:s25+$0x15EE0]  }
0x3d1: {  	v35 =	vld [tilespmem:s25+$0x15EF0]  }
0x3d2: {  	v34 =	vld [tilespmem:s25+$0x190C0]  }
0x3d3: {  	v33 =	vld [tilespmem:s25+$0x190D0]  }
0x3d4: {  	v32 =	vld [tilespmem:s25+$0x190E0]  }
0x3d5: {  	v31 =	vld [tilespmem:s25+$0x190F0]  }
0x3d6: {  	v30 =	vld [tilespmem:s25+$0x15F00]  }
0x3d7: {  	v29 =	vld [tilespmem:s25+$0x15F10]  }
0x3d8: {  	v28 =	vld [tilespmem:s25+$0x15F20]  }
0x3d9: {  	v27 =	vld [tilespmem:s25+$0x15F30]  }
0x3da: {  	v26 =	vld [tilespmem:s25+$0x19100]  }
0x3db: {  	v25 =	vld [tilespmem:s25+$0x19110]  }
0x3dc: {  	v24 =	vld [tilespmem:s25+$0x19120]  }
0x3dd: {  	v23 =	vld [tilespmem:s25+$0x19130]  }
0x3de: {  	v22 =	vld [tilespmem:s25+$0x15F40]  }
0x3df: {  	v21 =	vld [tilespmem:s25+$0x15F50]  }
0x3e0: {  	v20 =	vld [tilespmem:s25+$0x15F60]  }
0x3e1: {  	v19 =	vld [tilespmem:s25+$0x15F70]  }
0x3e2: {  	v18 =	vld [tilespmem:s25+$0x19140]  }
0x3e3: {  	v16 =	vld [tilespmem:s25+$0x19150]  }
0x3e4: {  	v17 =	vld [tilespmem:s25+$0x19160]  }
0x3e5: {  	v15 =	vld [tilespmem:s25+$0x19170]  }
0x3e6: {  	v14 =	vld [tilespmem:s25+$0x15F80];
	v0 =	vmul.f32 $8.000000000e+00, v0  }
0x3e7: {  	v12 =	vld [tilespmem:s25+$0x15F90]  }
0x3e8: {  	v13 =	vld [tilespmem:s25+$0x15FA0];
	v0 =	vadd.f32 v1, v0  }
0x3e9: {  	v10 =	vld [tilespmem:s25+$0x15FB0]  }
0x3ea: {  	[tilespmem:s25+$0x191F0] =	vst v0;
	v0 =	vld [tilespmem:s25+$0x15FD0]  }
0x3eb: {  	v11 =	vld [tilespmem:s25+$0x19180]  }
0x3ec: {  	v9 =	vld [tilespmem:s25+$0x19190]  }
0x3ed: {  	v8 =	vld [tilespmem:s25+$0x191A0]  }
0x3ee: {  	v6 =	vld [tilespmem:s25+$0x191B0]  }
0x3ef: {  	v7 =	vld [tilespmem:s25+$0x15FC0];
	[tilespmem:$0x1FEF0] =	vst v0  }
0x3f0: {  	v0 =	vld [tilespmem:s25+$0x15FE0];
	_ =	sdelay $0x4  }
0x3f1: {  	[tilespmem:$0x1FF00] =	vst v0  }
0x3f2: {  	v0 =	vld [tilespmem:s25+$0x15FF0];
	_ =	sdelay $0x4  }
0x3f3: {  	[tilespmem:$0x1FF10] =	vst v0  }
0x3f4: {  	v0 =	vld [tilespmem:s25+$0x191C0];
	_ =	sdelay $0x4  }
0x3f5: {  	[tilespmem:$0x1FF20] =	vst v0  }
0x3f6: {  	v0 =	vld [tilespmem:s25+$0x191D0];
	_ =	sdelay $0x4  }
0x3f7: {  	[tilespmem:$0x1FF30] =	vst v0  }
0x3f8: {  	v0 =	vld [tilespmem:s25+$0x191E0];
	_ =	sdelay $0x4  }
0x3f9: {  	[tilespmem:$0x1FF40] =	vst v0  }
0x3fa: {  	v63 =	vld [tilespmem:s25+$0x6400]  }
0x3fb: {  	v0 =	vld [tilespmem:s25+$0x6410]  }
0x3fc: {  	v1 =	vld [tilespmem:s25+$0x6420]  }
0x3fd: {  	v41 =	vmul.f32 $8.000000000e+00, v41;
	v2 =	vld [tilespmem:s25+$0x6430]  }
0x3fe: {  	v42 =	vmul.f32 $8.000000000e+00, v42  }
0x3ff: {  	v43 =	vmul.f32 $8.000000000e+00, v43;
	v41 =	vadd.f32 v63, v41  }
0x400: {  	v44 =	vmul.f32 $8.000000000e+00, v44;
	v42 =	vadd.f32 v0, v42  }
0x401: {  	v3 =	vld [tilespmem:s25+$0x6430];
	v43 =	vadd.f32 v1, v43;
	[tilespmem:s25+$0x15E00] =	vst v41;
	v41 =	vmul.f32 $8.000000000e+00, v45  }
0x402: {  	v4 =	vld [tilespmem:s25+$0x6440];
	v2 =	vadd.f32 v2, v44;
	[tilespmem:s25+$0x15E10] =	vst v42;
	v42 =	vmul.f32 $8.000000000e+00, v46  }
0x403: {  	v45 =	vld [tilespmem:s25+$0x6460];
	[tilespmem:s25+$0x15E20] =	vst v43;
	v43 =	vmul.f32 $8.000000000e+00, v47;
	v41 =	vadd.f32 v63, v41  }
0x404: {  	v46 =	vld [tilespmem:s25+$0x6440];
	[tilespmem:s25+$0x15E30] =	vst v2;
	v2 =	vmul.f32 $8.000000000e+00, v48;
	v0 =	vadd.f32 v0, v42  }
0x405: {  	v48 =	vmul.f32 $8.000000000e+00, v49;
	v49 =	vld [tilespmem:s25+$0x6460];
	v1 =	vadd.f32 v1, v43;
	[tilespmem:s25+$0x19000] =	vst v41  }
0x406: {  	v51 =	vmul.f32 $8.000000000e+00, v51;
	v5 =	vld [tilespmem:s25+$0x6450];
	v2 =	vadd.f32 v3, v2;
	[tilespmem:s25+$0x19010] =	vst v0  }
0x407: {  	v53 =	vmul.f32 $8.000000000e+00, v53;
	v63 =	vld [tilespmem:s25+$0x6450];
	v4 =	vadd.f32 v4, v48;
	[tilespmem:s25+$0x19020] =	vst v1  }
0x408: {  	v55 =	vmul.f32 $8.000000000e+00, v55;
	v3 =	vld [tilespmem:s25+$0x6470];
	[tilespmem:s25+$0x19030] =	vst v2;
	v41 =	vadd.f32 v45, v51  }
0x409: {  	v48 =	vld [tilespmem:s25+$0x64A0];
	v0 =	vmul.f32 $8.000000000e+00, v50;
	[tilespmem:s25+$0x15E40] =	vst v4;
	v45 =	vadd.f32 v46, v53  }
0x40a: {  	v54 =	vmul.f32 $8.000000000e+00, v54;
	v44 =	vld [tilespmem:s25+$0x6470];
	v43 =	vadd.f32 v49, v55;
	[tilespmem:s25+$0x15E60] =	vst v41  }
0x40b: {  	v56 =	vmul.f32 $8.000000000e+00, v56;
	v1 =	vld [tilespmem:s25+$0x6480];
	v0 =	vadd.f32 v5, v0;
	[tilespmem:s25+$0x19040] =	vst v45  }
0x40c: {  	v40 =	vmul.f32 $8.000000000e+00, v40;
	v2 =	vld [tilespmem:s25+$0x6490];
	v42 =	vadd.f32 v63, v54;
	[tilespmem:s25+$0x19060] =	vst v43  }
0x40d: {  	v4 =	vld [tilespmem:s25+$0x64A0];
	v5 =	vmul.f32 $8.000000000e+00, v52;
	v3 =	vadd.f32 v3, v56;
	[tilespmem:s25+$0x15E50] =	vst v0  }
0x40e: {  	v50 =	vld [tilespmem:s25+$0x64B0];
	v63 =	vmul.f32 $8.000000000e+00, v57;
	v40 =	vadd.f32 v48, v40;
	[tilespmem:s25+$0x19050] =	vst v42  }
0x40f: {  	v49 =	vmul.f32 $8.000000000e+00, v58;
	v58 =	vld [tilespmem:s25+$0x6510];
	v5 =	vadd.f32 v44, v5;
	[tilespmem:s25+$0x19070] =	vst v3  }
0x410: {  	v51 =	vmul.f32 $8.000000000e+00, v59;
	v59 =	vld [tilespmem:s25+$0x6520];
	v1 =	vadd.f32 v1, v63;
	[tilespmem:s25+$0x190A0] =	vst v40  }
0x411: {  	v39 =	vmul.f32 $8.000000000e+00, v39;
	v53 =	vmul.f32 $8.000000000e+00, v60;
	v60 =	vld [tilespmem:s25+$0x6540];
	v2 =	vadd.f32 v2, v49;
	[tilespmem:s25+$0x15E70] =	vst v5  }
0x412: {  	v29 =	vmul.f32 $8.000000000e+00, v29;
	v55 =	vmul.f32 $8.000000000e+00, v62;
	v62 =	vld [tilespmem:s25+$0x6570];
	v4 =	vadd.f32 v4, v51;
	[tilespmem:s25+$0x15E80] =	vst v1  }
0x413: {  	v28 =	vmul.f32 $8.000000000e+00, v28;
	v52 =	vld [tilespmem:s25+$0x64C0];
	v39 =	vadd.f32 v50, v39;
	[tilespmem:s25+$0x15E90] =	vst v2  }
0x414: {  	v22 =	vmul.f32 $8.000000000e+00, v22;
	v41 =	vld [tilespmem:s25+$0x6480];
	v29 =	vadd.f32 v58, v29;
	[tilespmem:s25+$0x15EA0] =	vst v4  }
0x415: {  	v19 =	vmul.f32 $8.000000000e+00, v19;
	v56 =	vld [tilespmem:s25+$0x64E0];
	v28 =	vadd.f32 v59, v28;
	[tilespmem:s25+$0x190B0] =	vst v39  }
0x416: {  	v38 =	vmul.f32 $8.000000000e+00, v38;
	v0 =	vld [tilespmem:s25+$0x64B0];
	v22 =	vadd.f32 v60, v22;
	[tilespmem:s25+$0x15F10] =	vst v29  }
0x417: {  	v54 =	vmul.f32 $8.000000000e+00, v61;
	v57 =	vld [tilespmem:s25+$0x6500];
	v19 =	vadd.f32 v62, v19;
	[tilespmem:s25+$0x15F20] =	vst v28  }
0x418: {  	v32 =	vmul.f32 $8.000000000e+00, v32;
	v3 =	vld [tilespmem:s25+$0x64D0];
	v38 =	vadd.f32 v52, v38;
	[tilespmem:s25+$0x15F40] =	vst v22  }
0x419: {  	v5 =	vld [tilespmem:s25+$0x6490];
	v41 =	vadd.f32 v41, v54;
	[tilespmem:s25+$0x15F70] =	vst v19  }
0x41a: {  	v30 =	vmul.f32 $8.000000000e+00, v30;
	v1 =	vld [tilespmem:s25+$0x64E0];
	v32 =	vadd.f32 v56, v32;
	[tilespmem:s25+$0x15EC0] =	vst v38  }
0x41b: {  	v37 =	vmul.f32 $8.000000000e+00, v37;
	v2 =	vld [tilespmem:s25+$0x64F0];
	v0 =	vadd.f32 v0, v53;
	[tilespmem:s25+$0x19080] =	vst v41  }
0x41c: {  	v4 =	vld [tilespmem:s25+$0x64C0];
	v30 =	vadd.f32 v57, v30;
	[tilespmem:s25+$0x190E0] =	vst v32  }
0x41d: {  	v36 =	vmul.f32 $8.000000000e+00, v36;
	v3 =	vadd.f32 v3, v37;
	[tilespmem:s25+$0x15EB0] =	vst v0;
	v0 =	vld [tilespmem:s25+$0x64D0]  }
0x41e: {  	v35 =	vmul.f32 $8.000000000e+00, v35;
	v61 =	vld [tilespmem:s25+$0x6560];
	[tilespmem:s25+$0x15F00] =	vst v30;
	v5 =	vadd.f32 v5, v55  }
0x41f: {  	v34 =	vmul.f32 $8.000000000e+00, v34;
	v1 =	vadd.f32 v1, v36;
	[tilespmem:s25+$0x15ED0] =	vst v3;
	v3 =	vld [tilespmem:s25+$0x6530]  }
0x420: {  	v33 =	vmul.f32 $8.000000000e+00, v33;
	v2 =	vadd.f32 v2, v35;
	[tilespmem:s25+$0x19090] =	vst v5;
	v5 =	vld [tilespmem:s25+$0x64F0]  }
0x421: {  	v20 =	vmul.f32 $8.000000000e+00, v20;
	v4 =	vadd.f32 v4, v34;
	[tilespmem:s25+$0x15EE0] =	vst v1;
	v1 =	vld [tilespmem:s25+$0x6500]  }
0x422: {  	v27 =	vmul.f32 $8.000000000e+00, v27;
	[tilespmem:s25+$0x15EF0] =	vst v2;
	v2 =	vld [tilespmem:s25+$0x6510];
	v0 =	vadd.f32 v0, v33  }
0x423: {  	v31 =	vmul.f32 $8.000000000e+00, v31;
	v20 =	vadd.f32 v61, v20;
	[tilespmem:s25+$0x190C0] =	vst v4;
	v4 =	vld [tilespmem:s25+$0x6520]  }
0x424: {  	v26 =	vmul.f32 $8.000000000e+00, v26;
	v3 =	vadd.f32 v3, v27;
	[tilespmem:s25+$0x190D0] =	vst v0;
	v0 =	vld [tilespmem:s25+$0x6530]  }
0x425: {  	v25 =	vmul.f32 $8.000000000e+00, v25;
	v63 =	vld [tilespmem:s25+$0x6540];
	[tilespmem:s25+$0x15F60] =	vst v20;
	v5 =	vadd.f32 v5, v31  }
0x426: {  	v24 =	vmul.f32 $8.000000000e+00, v24;
	v1 =	vadd.f32 v1, v26;
	[tilespmem:s25+$0x15F30] =	vst v3;
	v3 =	vld [tilespmem:s25+$0x6550]  }
0x427: {  	v23 =	vmul.f32 $8.000000000e+00, v23;
	v2 =	vadd.f32 v2, v25;
	[tilespmem:s25+$0x190F0] =	vst v5;
	v5 =	vld [tilespmem:s25+$0x6550]  }
0x428: {  	v18 =	vmul.f32 $8.000000000e+00, v18;
	v4 =	vadd.f32 v4, v24;
	[tilespmem:s25+$0x19100] =	vst v1;
	v1 =	vld [tilespmem:s25+$0x6560]  }
0x429: {  	v16 =	vmul.f32 $8.000000000e+00, v16;
	[tilespmem:s25+$0x19110] =	vst v2;
	v2 =	vld [tilespmem:s25+$0x6570];
	v0 =	vadd.f32 v0, v23  }
0x42a: {  	v21 =	vmul.f32 $8.000000000e+00, v21;
	v18 =	vadd.f32 v63, v18;
	[tilespmem:s25+$0x19120] =	vst v4;
	v4 =	vld [tilespmem:s25+$0x6580]  }
0x42b: {  	v17 =	vmul.f32 $8.000000000e+00, v17;
	v3 =	vadd.f32 v3, v16;
	[tilespmem:s25+$0x19130] =	vst v0;
	v0 =	vld [tilespmem:s25+$0x6590]  }
0x42c: {  	v15 =	vmul.f32 $8.000000000e+00, v15;
	[tilespmem:s25+$0x19140] =	vst v18;
	v5 =	vadd.f32 v5, v21  }
0x42d: {  	v14 =	vmul.f32 $8.000000000e+00, v14;
	v1 =	vadd.f32 v1, v17;
	[tilespmem:s25+$0x19150] =	vst v3  }
0x42e: {  	v12 =	vmul.f32 $8.000000000e+00, v12;
	v2 =	vadd.f32 v2, v15;
	[tilespmem:s25+$0x15F50] =	vst v5  }
0x42f: {  	v4 =	vadd.f32 v4, v14;
	[tilespmem:s25+$0x19160] =	vst v1  }
0x430: {  	[tilespmem:s25+$0x19170] =	vst v2;
	v0 =	vadd.f32 v0, v12  }
0x431: {  	[tilespmem:s25+$0x15F80] =	vst v4  }
0x432: {  	v5 =	vld [tilespmem:s25+$0x65B0];
	[tilespmem:s25+$0x15F90] =	vst v0  }
0x433: {  	v0 =	vld [tilespmem:$0x1FEF0];
	_ =	sdelay $0x1  }
0x434: {  	v21 =	vld [tilespmem:s25+$0x65A0]  }
0x435: {  	v10 =	vmul.f32 $8.000000000e+00, v10;
	_ =	sdelay $0x1  }
0x436: {  	v13 =	vmul.f32 $8.000000000e+00, v13;
	v17 =	vadd.f32 v5, v10;
	v5 =	vmul.f32 $8.000000000e+00, v0;
	v0 =	vld [tilespmem:$0x1FF00];
	_ =	sdelay $0x1  }
0x437: {  	v3 =	vadd.f32 v21, v13;
	_ =	sdelay $0x1  }
0x438: {  	[tilespmem:s25+$0x15FA0] =	vst v3  }
0x439: {  	v18 =	vmul.f32 $8.000000000e+00, v0;
	v0 =	vld [tilespmem:$0x1FF10];
	_ =	sdelay $0x4  }
0x43a: {  	v3 =	vmul.f32 $8.000000000e+00, v0;
	v0 =	vld [tilespmem:$0x1FF20];
	_ =	sdelay $0x3  }
0x43b: {  	v14 =	vld [tilespmem:s25+$0x65B0];
	[tilespmem:s25+$0x15FB0] =	vst v17  }
0x43c: {  	v63 =	vmul.f32 $8.000000000e+00, v0;
	v0 =	vld [tilespmem:$0x1FF30]  }
0x43d: {  	v20 =	vld [tilespmem:s25+$0x6580]  }
0x43e: {  	v16 =	vld [tilespmem:s25+$0x6590]  }
0x43f: {  	v15 =	vld [tilespmem:s25+$0x65A0];
	v4 =	vmul.f32 $8.000000000e+00, v6  }
0x440: {  	v21 =	vld [tilespmem:s25+$0x65C0]  }
0x441: {  	v14 =	vadd.f32 v14, v4;
	v4 =	vmul.f32 $8.000000000e+00, v0;
	v0 =	vld [tilespmem:$0x1FF40]  }
0x442: {  	v11 =	vmul.f32 $8.000000000e+00, v11;
	v1 =	vmul.f32 $8.000000000e+00, v8;
	v8 =	vld [tilespmem:s25+$0x65F0]  }
0x443: {  	v9 =	vmul.f32 $8.000000000e+00, v9;
	v6 =	vmul.f32 $8.000000000e+00, v7;
	v7 =	vld [tilespmem:s25+$0x65C0]  }
0x444: {  	v10 =	vld [tilespmem:s25+$0x65D0]  }
0x445: {  	v11 =	vadd.f32 v20, v11;
	v12 =	vadd.f32 v16, v9;
	v9 =	vld [tilespmem:s25+$0x65E0]  }
0x446: {  	s28 =	simm.s32 $0x800;
	s26 =	simm.s32 $0x0;
	v13 =	vadd.f32 v15, v1;
	v15 =	vadd.f32 v21, v6;
	v6 =	vld [tilespmem:s25+$0x65D0];
	v20 =	vmul.f32 $8.000000000e+00, v0  }
.LBB2_10:
0x447: {  	s29 =	sshra.s32 s28, $0x2  }
0x448: {  	[tilespmem:s25+$0x19180] =	vst v11;
	v11 =	vld [tilespmem:s29+$0x191F0]  }
0x449: {  	[tilespmem:s25+$0x19190] =	vst v12;
	v5 =	vadd.f32 v10, v5;
	v10 =	vld [tilespmem:s25+$0x65E0]  }
0x44a: {  	[tilespmem:s25+$0x191A0] =	vst v13  }
0x44b: {  	[tilespmem:s25+$0x191B0] =	vst v14;
	v3 =	vadd.f32 v8, v3;
	v8 =	vld [tilespmem:s29+$0x65F0]  }
0x44c: {  	v2 =	vadd.f32 v9, v18;
	[tilespmem:s25+$0x15FC0] =	vst v15  }
0x44d: {  	v9 =	vld [tilespmem:s29+$0x15E00];
	[tilespmem:s25+$0x15FD0] =	vst v5  }
0x44e: {  	v1 =	vadd.f32 v7, v63;
	v7 =	vld [tilespmem:s29+$0x15E10];
	[tilespmem:s25+$0x15FE0] =	vst v2;
	v0 =	vadd.f32 v10, v20;
	v10 =	vmul.f32 $8.000000000e+00, v11  }
0x44f: {  	v4 =	vadd.f32 v6, v4;
	v6 =	vld [tilespmem:s29+$0x15E20];
	[tilespmem:s25+$0x15FF0] =	vst v3  }
0x450: {  	v5 =	vld [tilespmem:s29+$0x15E30];
	[tilespmem:s25+$0x191C0] =	vst v1;
	v8 =	vadd.f32 v8, v10  }
0x451: {  	v2 =	vld [tilespmem:s29+$0x19000];
	[tilespmem:s25+$0x191D0] =	vst v4  }
0x452: {  	v1 =	vld [tilespmem:s29+$0x19020];
	[tilespmem:s29+$0x191F0] =	vst v8  }
0x453: {  	v3 =	vld [tilespmem:s29+$0x19010];
	[tilespmem:s25+$0x191E0] =	vst v0;
	s25 =	smov.u32 s29  }
0x454: {  	v0 =	vld [tilespmem:s25+$0x15E50]  }
0x455: {  	v4 =	vld [tilespmem:s29+$0x19030]  }
0x456: {  	v62 =	vmul.f32 $8.000000000e+00, v2;
	v2 =	vld [tilespmem:s25+$0x15E60]  }
0x457: {  	v60 =	vmul.f32 $8.000000000e+00, v1;
	v1 =	vld [tilespmem:s25+$0x15E70]  }
0x458: {  	v61 =	vmul.f32 $8.000000000e+00, v3;
	v3 =	vld [tilespmem:s25+$0x19040]  }
0x459: {  	v57 =	vmul.f32 $8.000000000e+00, v0;
	v0 =	vld [tilespmem:s25+$0x19060]  }
0x45a: {  	v59 =	vmul.f32 $8.000000000e+00, v4;
	v4 =	vld [tilespmem:s25+$0x19050]  }
0x45b: {  	v56 =	vmul.f32 $8.000000000e+00, v2;
	v2 =	vld [tilespmem:s25+$0x19070]  }
0x45c: {  	v55 =	vmul.f32 $8.000000000e+00, v1;
	v1 =	vld [tilespmem:s25+$0x15E80]  }
0x45d: {  	v54 =	vmul.f32 $8.000000000e+00, v3;
	v3 =	vld [tilespmem:s25+$0x15E90]  }
0x45e: {  	v52 =	vmul.f32 $8.000000000e+00, v0;
	v0 =	vld [tilespmem:s25+$0x15EB0]  }
0x45f: {  	v53 =	vmul.f32 $8.000000000e+00, v4;
	v4 =	vld [tilespmem:s25+$0x15EA0]  }
0x460: {  	v51 =	vmul.f32 $8.000000000e+00, v2;
	v2 =	vld [tilespmem:s25+$0x19080]  }
0x461: {  	v49 =	vmul.f32 $8.000000000e+00, v1;
	v1 =	vld [tilespmem:s25+$0x19090]  }
0x462: {  	v47 =	vmul.f32 $8.000000000e+00, v3;
	v3 =	vld [tilespmem:s25+$0x190A0]  }
0x463: {  	v44 =	vmul.f32 $8.000000000e+00, v0;
	v0 =	vld [tilespmem:s25+$0x15EC0]  }
0x464: {  	v45 =	vmul.f32 $8.000000000e+00, v4;
	v4 =	vld [tilespmem:s25+$0x190B0]  }
0x465: {  	v42 =	vmul.f32 $8.000000000e+00, v2;
	v2 =	vld [tilespmem:s25+$0x15ED0]  }
0x466: {  	v41 =	vmul.f32 $8.000000000e+00, v1;
	v1 =	vld [tilespmem:s25+$0x15EE0]  }
0x467: {  	v40 =	vmul.f32 $8.000000000e+00, v3;
	v3 =	vld [tilespmem:s25+$0x15EF0]  }
0x468: {  	v38 =	vmul.f32 $8.000000000e+00, v0;
	v0 =	vld [tilespmem:s25+$0x190D0]  }
0x469: {  	v39 =	vmul.f32 $8.000000000e+00, v4;
	v4 =	vld [tilespmem:s25+$0x190C0]  }
0x46a: {  	v37 =	vmul.f32 $8.000000000e+00, v2;
	v2 =	vld [tilespmem:s25+$0x190E0]  }
0x46b: {  	v36 =	vmul.f32 $8.000000000e+00, v1;
	v1 =	vld [tilespmem:s25+$0x190F0]  }
0x46c: {  	v35 =	vmul.f32 $8.000000000e+00, v3;
	v3 =	vld [tilespmem:s25+$0x15F00]  }
0x46d: {  	v33 =	vmul.f32 $8.000000000e+00, v0;
	v0 =	vld [tilespmem:s25+$0x15F20]  }
0x46e: {  	v34 =	vmul.f32 $8.000000000e+00, v4;
	v4 =	vld [tilespmem:s25+$0x15F10]  }
0x46f: {  	v32 =	vmul.f32 $8.000000000e+00, v2;
	v2 =	vld [tilespmem:s25+$0x15F30]  }
0x470: {  	v31 =	vmul.f32 $8.000000000e+00, v1;
	v1 =	vld [tilespmem:s25+$0x19100]  }
0x471: {  	v30 =	vmul.f32 $8.000000000e+00, v3;
	v3 =	vld [tilespmem:s25+$0x19110]  }
0x472: {  	v28 =	vmul.f32 $8.000000000e+00, v0;
	v0 =	vld [tilespmem:s25+$0x19130]  }
0x473: {  	v29 =	vmul.f32 $8.000000000e+00, v4;
	v4 =	vld [tilespmem:s25+$0x19120]  }
0x474: {  	v27 =	vmul.f32 $8.000000000e+00, v2;
	v2 =	vld [tilespmem:s25+$0x15F40]  }
0x475: {  	v26 =	vmul.f32 $8.000000000e+00, v1;
	v1 =	vld [tilespmem:s25+$0x15F50]  }
0x476: {  	v25 =	vmul.f32 $8.000000000e+00, v3;
	v3 =	vld [tilespmem:s25+$0x15F60]  }
0x477: {  	v23 =	vmul.f32 $8.000000000e+00, v0;
	v0 =	vld [tilespmem:s25+$0x19140]  }
0x478: {  	v24 =	vmul.f32 $8.000000000e+00, v4;
	v4 =	vld [tilespmem:s25+$0x15F70]  }
0x479: {  	v22 =	vmul.f32 $8.000000000e+00, v2;
	v2 =	vld [tilespmem:s25+$0x19150]  }
0x47a: {  	v21 =	vmul.f32 $8.000000000e+00, v1;
	v1 =	vld [tilespmem:s25+$0x19160]  }
0x47b: {  	v48 =	vmul.f32 $8.000000000e+00, v6;
	v6 =	vmul.f32 $8.000000000e+00, v3;
	v3 =	vld [tilespmem:s25+$0x19170]  }
0x47c: {  	v8 =	vmul.f32 $8.000000000e+00, v0;
	v0 =	vld [tilespmem:s25+$0x15F90]  }
0x47d: {  	v50 =	vmul.f32 $8.000000000e+00, v7;
	v7 =	vmul.f32 $8.000000000e+00, v4;
	v4 =	vld [tilespmem:s25+$0x15F80]  }
0x47e: {  	v43 =	vmul.f32 $8.000000000e+00, v9;
	v9 =	vmul.f32 $8.000000000e+00, v2;
	v2 =	vld [tilespmem:s25+$0x15FA0]  }
0x47f: {  	v10 =	vmul.f32 $8.000000000e+00, v1;
	v1 =	vld [tilespmem:s25+$0x15FB0]  }
0x480: {  	v15 =	vmul.f32 $8.000000000e+00, v3;
	v3 =	vld [tilespmem:s25+$0x19180]  }
0x481: {  	v13 =	vmul.f32 $8.000000000e+00, v0;
	v0 =	vld [tilespmem:s25+$0x191A0];
	_ =	sdelay $0x1  }
0x482: {  	v14 =	vmul.f32 $8.000000000e+00, v4;
	v4 =	vld [tilespmem:s25+$0x19190]  }
0x483: {  	v12 =	vmul.f32 $8.000000000e+00, v2;
	v2 =	vld [tilespmem:s25+$0x191B0]  }
0x484: {  	v11 =	vmul.f32 $8.000000000e+00, v1;
	v1 =	vld [tilespmem:s25+$0x15FC0];
	v3 =	vmul.f32 $8.000000000e+00, v3  }
0x485: {  	v46 =	vmul.f32 $8.000000000e+00, v5;
	v5 =	vld [tilespmem:s29+$0x15E40];
	v0 =	vmul.f32 $8.000000000e+00, v0  }
0x486: {  	[tilespmem:$0x1FEA0] =	vst v3;
	v3 =	vld [tilespmem:s25+$0x15FD0]  }
0x487: {  	v4 =	vmul.f32 $8.000000000e+00, v4;
	[tilespmem:$0x1FEC0] =	vst v0;
	v0 =	vld [tilespmem:s25+$0x15FF0]  }
0x488: {  	v16 =	vld [tilespmem:s25+$0x6400];
	v2 =	vmul.f32 $8.000000000e+00, v2  }
0x489: {  	[tilespmem:$0x1FEB0] =	vst v4;
	v4 =	vld [tilespmem:s25+$0x15FE0];
	v1 =	vmul.f32 $8.000000000e+00, v1  }
0x48a: {  	[tilespmem:$0x1FED0] =	vst v2;
	v2 =	vld [tilespmem:s25+$0x191E0]  }
0x48b: {  	v58 =	vmul.f32 $8.000000000e+00, v5;
	[tilespmem:$0x1FEE0] =	vst v1;
	v1 =	vld [tilespmem:s25+$0x191D0]  }
0x48c: {  	v5 =	vmul.f32 $8.000000000e+00, v3;
	v3 =	vmul.f32 $8.000000000e+00, v0;
	v0 =	vld [tilespmem:s25+$0x6420];
	_ =	sdelay $0x2  }
0x48d: {  	v20 =	vmul.f32 $8.000000000e+00, v2;
	v2 =	vadd.f32 v16, v43;
	_ =	sdelay $0x1  }
0x48e: {  	v18 =	vmul.f32 $8.000000000e+00, v4;
	v4 =	vmul.f32 $8.000000000e+00, v1;
	v1 =	vld [tilespmem:s25+$0x6430];
	[tilespmem:s25+$0x15E00] =	vst v2;
	v2 =	vadd.f32 v0, v48  }
0x48f: {  	v17 =	vld [tilespmem:s25+$0x6410]  }
0x490: {  	[tilespmem:s25+$0x15E20] =	vst v2;
	v2 =	vld [tilespmem:s25+$0x6440]  }
0x491: {  	v19 =	vld [tilespmem:s25+$0x6430];
	_ =	sdelay $0x1  }
0x492: {  	v1 =	vadd.f32 v1, v59  }
0x493: {  	v50 =	vadd.f32 v17, v50;
	v17 =	vadd.f32 v17, v61;
	v61 =	vld [tilespmem:s25+$0x6450]  }
0x494: {  	[tilespmem:s25+$0x19030] =	vst v1;
	v1 =	vadd.f32 v2, v54;
	v2 =	vld [tilespmem:s25+$0x6490]  }
0x495: {  	v19 =	vadd.f32 v19, v46;
	v46 =	vld [tilespmem:s25+$0x6470]  }
0x496: {  	[tilespmem:s25+$0x15E10] =	vst v50;
	v50 =	vld [tilespmem:s25+$0x64C0]  }
0x497: {  	v43 =	vld [tilespmem:s25+$0x6440]  }
0x498: {  	v16 =	vadd.f32 v16, v62;
	v62 =	vld [tilespmem:s25+$0x6460]  }
0x499: {  	[tilespmem:s25+$0x19040] =	vst v1;
	v1 =	vadd.f32 v2, v47;
	v2 =	vld [tilespmem:s25+$0x64A0]  }
0x49a: {  	[tilespmem:s25+$0x19000] =	vst v16;
	v16 =	vadd.f32 v61, v57;
	v61 =	vld [tilespmem:s25+$0x6460]  }
0x49b: {  	[tilespmem:s25+$0x15E30] =	vst v19;
	v57 =	vld [tilespmem:s25+$0x64A0]  }
0x49c: {  	[tilespmem:s25+$0x19010] =	vst v17;
	v0 =	vadd.f32 v0, v60;
	v60 =	vld [tilespmem:s25+$0x6450]  }
0x49d: {  	[tilespmem:s25+$0x15E50] =	vst v16;
	v17 =	vadd.f32 v62, v56;
	v62 =	vld [tilespmem:s25+$0x6470]  }
0x49e: {  	v19 =	vadd.f32 v43, v58;
	[tilespmem:s25+$0x15E90] =	vst v1;
	v1 =	vadd.f32 v2, v40;
	v2 =	vld [tilespmem:s25+$0x64F0]  }
0x49f: {  	v56 =	vld [tilespmem:s25+$0x6480];
	[tilespmem:s25+$0x19020] =	vst v0  }
0x4a0: {  	v58 =	vld [tilespmem:s25+$0x64B0];
	v0 =	vadd.f32 v46, v55;
	[tilespmem:s25+$0x15E40] =	vst v19  }
0x4a1: {  	v59 =	vld [tilespmem:s25+$0x6480];
	[tilespmem:s25+$0x15E60] =	vst v17  }
0x4a2: {  	v16 =	vadd.f32 v61, v52;
	[tilespmem:s25+$0x15E70] =	vst v0;
	v19 =	vadd.f32 v60, v53;
	v60 =	vld [tilespmem:s25+$0x6490]  }
0x4a3: {  	[tilespmem:s25+$0x190A0] =	vst v1;
	v1 =	vadd.f32 v2, v35;
	v2 =	vld [tilespmem:s25+$0x6500]  }
0x4a4: {  	v48 =	vld [tilespmem:s25+$0x64D0];
	[tilespmem:s25+$0x19060] =	vst v16;
	v17 =	vadd.f32 v62, v51  }
0x4a5: {  	v0 =	vadd.f32 v56, v49;
	v49 =	vld [tilespmem:s25+$0x64E0];
	[tilespmem:s25+$0x19050] =	vst v19  }
0x4a6: {  	v61 =	vld [tilespmem:s25+$0x64B0];
	[tilespmem:s25+$0x19070] =	vst v17  }
0x4a7: {  	v16 =	vadd.f32 v58, v44;
	v53 =	vld [tilespmem:s25+$0x64F0];
	[tilespmem:s25+$0x15E80] =	vst v0  }
0x4a8: {  	v0 =	vadd.f32 v60, v41;
	[tilespmem:s25+$0x15EF0] =	vst v1;
	v1 =	vadd.f32 v2, v30;
	v2 =	vld [tilespmem:s25+$0x6510]  }
0x4a9: {  	v52 =	vld [tilespmem:s25+$0x64E0];
	v19 =	vadd.f32 v57, v45;
	[tilespmem:s25+$0x15EB0] =	vst v16  }
0x4aa: {  	v57 =	vld [tilespmem:s25+$0x6500];
	[tilespmem:s25+$0x19090] =	vst v0;
	v0 =	vadd.f32 v49, v36  }
0x4ab: {  	v62 =	vld [tilespmem:s25+$0x64C0];
	[tilespmem:s25+$0x15EA0] =	vst v19  }
0x4ac: {  	v17 =	vadd.f32 v59, v42;
	v19 =	vadd.f32 v61, v39;
	v61 =	vld [tilespmem:s25+$0x6550];
	[tilespmem:s25+$0x15EE0] =	vst v0  }
0x4ad: {  	v0 =	vadd.f32 v53, v31;
	[tilespmem:s25+$0x15F00] =	vst v1;
	v1 =	vadd.f32 v2, v25;
	v2 =	vld [tilespmem:s25+$0x6560]  }
0x4ae: {  	v51 =	vld [tilespmem:s25+$0x64D0];
	[tilespmem:s25+$0x19080] =	vst v17;
	v17 =	vadd.f32 v48, v37  }
0x4af: {  	v56 =	vld [tilespmem:s25+$0x6530];
	[tilespmem:s25+$0x190F0] =	vst v0;
	v0 =	vadd.f32 v57, v26  }
0x4b0: {  	v16 =	vadd.f32 v62, v38;
	v62 =	vld [tilespmem:s25+$0x6570];
	[tilespmem:s25+$0x15ED0] =	vst v17  }
0x4b1: {  	[tilespmem:s25+$0x19100] =	vst v0;
	v0 =	vadd.f32 v61, v21;
	v21 =	vld [tilespmem:s25+$0x6560]  }
0x4b2: {  	v17 =	vadd.f32 v52, v32;
	[tilespmem:s25+$0x19110] =	vst v1;
	v1 =	vadd.f32 v2, v6;
	v2 =	vld [tilespmem:s25+$0x6570]  }
0x4b3: {  	v55 =	vld [tilespmem:s25+$0x6520];
	[tilespmem:s25+$0x15EC0] =	vst v16;
	v16 =	vadd.f32 v51, v33  }
0x4b4: {  	v60 =	vld [tilespmem:s25+$0x6540];
	[tilespmem:s25+$0x190E0] =	vst v17  }
0x4b5: {  	v59 =	vld [tilespmem:s25+$0x6530];
	[tilespmem:s25+$0x190D0] =	vst v16  }
0x4b6: {  	v17 =	vadd.f32 v56, v27;
	[tilespmem:s25+$0x15F50] =	vst v0;
	v0 =	vadd.f32 v21, v10;
	v10 =	vld [tilespmem:s25+$0x65B0]  }
0x4b7: {  	v6 =	vadd.f32 v62, v7;
	v7 =	vld [tilespmem:s25+$0x6580];
	[tilespmem:s25+$0x15F60] =	vst v1;
	v1 =	vadd.f32 v2, v15  }
0x4b8: {  	v16 =	vadd.f32 v55, v28;
	[tilespmem:s25+$0x15F30] =	vst v17;
	v2 =	vld [tilespmem:s25+$0x6580]  }
0x4b9: {  	v17 =	vadd.f32 v60, v22;
	[tilespmem:s25+$0x19170] =	vst v1;
	v1 =	vld [tilespmem:$0x1FEA0]  }
0x4ba: {  	[tilespmem:s25+$0x15F20] =	vst v16;
	v16 =	vadd.f32 v59, v23;
	v23 =	vld [tilespmem:s25+$0x6540]  }
0x4bb: {  	[tilespmem:s25+$0x15F40] =	vst v17;
	v17 =	vld [tilespmem:s25+$0x65A0]  }
0x4bc: {  	[tilespmem:s25+$0x19130] =	vst v16;
	v16 =	vld [tilespmem:s25+$0x6590]  }
0x4bd: {  	[tilespmem:s25+$0x15F70] =	vst v6;
	v6 =	vadd.f32 v7, v14;
	v7 =	vld [tilespmem:s25+$0x6590]  }
0x4be: {  	[tilespmem:s25+$0x19160] =	vst v0;
	v0 =	vadd.f32 v10, v11;
	v11 =	vadd.f32 v2, v1;
	v1 =	vld [tilespmem:$0x1FEB0]  }
0x4bf: {  	v63 =	vld [tilespmem:s25+$0x191C0]  }
0x4c0: {  	v54 =	vld [tilespmem:s25+$0x6510];
	v8 =	vadd.f32 v23, v8  }
0x4c1: {  	[tilespmem:s25+$0x190B0] =	vst v19;
	v22 =	vld [tilespmem:s25+$0x6550]  }
0x4c2: {  	v19 =	vadd.f32 v50, v34;
	[tilespmem:s25+$0x19140] =	vst v8;
	v8 =	vadd.f32 v16, v13;
	v13 =	vld [tilespmem:s25+$0x65A0]  }
0x4c3: {  	v14 =	vadd.f32 v17, v12;
	v12 =	vadd.f32 v7, v1;
	v1 =	vld [tilespmem:$0x1FEC0]  }
0x4c4: {  	v58 =	vld [tilespmem:s25+$0x6520]  }
0x4c5: {  	[tilespmem:s25+$0x190C0] =	vst v19;
	v16 =	vld [tilespmem:s25+$0x65C0]  }
0x4c6: {  	v19 =	vadd.f32 v54, v29;
	[tilespmem:s25+$0x15FB0] =	vst v0;
	v0 =	vld [tilespmem:$0x1FEE0]  }
0x4c7: {  	s26 =	sadd.s32 $0x8, s26;
	v9 =	vadd.f32 v22, v9;
	v15 =	vld [tilespmem:s25+$0x65B0]  }
0x4c8: {  	p0 =	slt.u32 s26, $0xC0;
	[tilespmem:s25+$0x15F10] =	vst v19;
	v13 =	vadd.f32 v13, v1;
	v1 =	vld [tilespmem:$0x1FED0]  }
.Ltmp4:
0x4c9: {  	v19 =	vadd.f32 v58, v24;
	[tilespmem:s25+$0x19150] =	vst v9;
	v9 =	vld [tilespmem:s25+$0x65E0];
	(pc) =	sbr.rel @p0 .LBB2_10-.Ltmp4, $4  }
0x4ca: {  	[tilespmem:s25+$0x15F90] =	vst v8;
	v8 =	vld [tilespmem:s25+$0x65F0]  }
0x4cb: {  	[tilespmem:s25+$0x19120] =	vst v19;
	v10 =	vld [tilespmem:s25+$0x65D0]  }
0x4cc: {  	[tilespmem:s25+$0x15F80] =	vst v6;
	v6 =	vld [tilespmem:s25+$0x65D0]  }
0x4cd: {  	s28 =	sadd.s32 $0x800, s28;
	v63 =	vmul.f32 $8.000000000e+00, v63;
	[tilespmem:s25+$0x15FA0] =	vst v14;
	v7 =	vld [tilespmem:s25+$0x65C0];
	v14 =	vadd.f32 v15, v1;
	v15 =	vadd.f32 v16, v0  }
0x4ce: {  	[tilespmem:s25+$0x19180] =	vst v11  }
0x4cf: {  	[tilespmem:s25+$0x19190] =	vst v12  }
0x4d0: {  	[tilespmem:s25+$0x191A0] =	vst v13  }
0x4d1: {  	v1 =	vld [tilespmem:s25+$0x65E0];
	v2 =	vadd.f32 v9, v18;
	[tilespmem:s25+$0x191B0] =	vst v14  }
0x4d2: {  	[tilespmem:s25+$0x15FC0] =	vst v15;
	v3 =	vadd.f32 v8, v3  }
0x4d3: {  	v0 =	vadd.f32 v10, v5;
	[tilespmem:s25+$0x15FE0] =	vst v2  }
0x4d4: {  	p0 =	seq.s32 s23, $0x14;
	[tilespmem:s25+$0x15FF0] =	vst v3;
	v62 =	vadd.f32 v7, v63  }
.Ltmp5:
0x4d5: {  	s26 =	sadd.s32 s24, s9;
	[tilespmem:s25+$0x15FD0] =	vst v0;
	v63 =	vadd.f32 v6, v4;
	(pc) =	sbr.rel @p0 .LBB2_13-.Ltmp5, $4  }
0x4d6: {  	s26 =	sshll.u32 s26, $0x3;
	v1 =	vadd.f32 v1, v20;
	[tilespmem:s25+$0x191C0] =	vst v62  }
0x4d7: {  	s26 =	sand.u32 $0x1FFFFF80, s26;
	[tilespmem:s25+$0x191D0] =	vst v63  }
0x4d8: {  	s29 =	sadd.s32 s2, s26;
	[tilespmem:s25+$0x191E0] =	vst v1  }
0x4d9: {  	[hbm4b:s29+s3] =	stream.linear.scatter [tilespmem:s17], [sflag:$0x6], $0x6400, $0x38;
	[tilespmem:$0x1C200] =	vst v63  }
0x4da: {  	_ =	swait.ge [sflag:s21], $0x6400  }
0x4db: {  	[sflag:s21] =	ssyncset.done $0x0  }
0x4dc: {  	[sflag:s21] =	ssyncadd.s32 $0xFFFF9C00  }
0x4dd: {  	v0 =	vld [tilespmem:s24+$0x640];
	_ =	sdelay $0x7  }
0x4de: {  	[tilespmem:s15], [sflag:$0x2] =	stream.indirect_vreg.gather [hbm4b:s5+s3], $0x40, v0, vm0, $0xb8;
	[tilespmem:$0x1C200] =	vst v63  }
0x4df: {  	v0 =	vld [tilespmem:s24+$0x650];
	_ =	sdelay $0x6  }
0x4e0: {  	s25 =	simm.s32 $0xFE00  }
0x4e1: {  	[tilespmem:s25], [sflag:$0x2] =	stream.indirect_vreg.gather [hbm4b:s5+s3], $0x40, v0, vm0, $0xb8;
	[tilespmem:$0x1C200] =	vst v63  }
0x4e2: {  	v0 =	vld [tilespmem:s24+$0x660];
	_ =	sdelay $0x6  }
0x4e3: {  	s28 =	simm.s32 $0x10200  }
0x4e4: {  	[tilespmem:s28], [sflag:$0x2] =	stream.indirect_vreg.gather [hbm4b:s5+s3], $0x40, v0, vm0, $0xb8;
	[tilespmem:$0x1C200] =	vst v63  }
0x4e5: {  	v0 =	vld [tilespmem:s24+$0x670];
	_ =	sdelay $0x6  }
0x4e6: {  	s29 =	simm.s32 $0x10600  }
0x4e7: {  	[tilespmem:s29], [sflag:$0x2] =	stream.indirect_vreg.gather [hbm4b:s5+s3], $0x40, v0, vm0, $0xb8;
	[tilespmem:$0x1C200] =	vst v63  }
0x4e8: {  	v0 =	vld [tilespmem:s24+$0x680];
	_ =	sdelay $0x6  }
0x4e9: {  	s26 =	simm.s32 $0x10A00  }
0x4ea: {  	[tilespmem:s26], [sflag:$0x2] =	stream.indirect_vreg.gather [hbm4b:s5+s3], $0x40, v0, vm0, $0xb8;
	[tilespmem:$0x1C200] =	vst v63  }
0x4eb: {  	v0 =	vld [tilespmem:s24+$0x690];
	_ =	sdelay $0x6  }
0x4ec: {  	s28 =	simm.s32 $0x10E00  }
0x4ed: {  	[tilespmem:s28], [sflag:$0x2] =	stream.indirect_vreg.gather [hbm4b:s5+s3], $0x40, v0, vm0, $0xb8;
	[tilespmem:$0x1C200] =	vst v63  }
0x4ee: {  	v0 =	vld [tilespmem:s24+$0x6A0];
	_ =	sdelay $0x6  }
0x4ef: {  	s29 =	simm.s32 $0x11200  }
0x4f0: {  	[tilespmem:s29], [sflag:$0x2] =	stream.indirect_vreg.gather [hbm4b:s5+s3], $0x40, v0, vm0, $0xb8;
	[tilespmem:$0x1C200] =	vst v63  }
0x4f1: {  	v0 =	vld [tilespmem:s24+$0x6B0];
	_ =	sdelay $0x6  }
0x4f2: {  	s26 =	simm.s32 $0x11600  }
0x4f3: {  	[tilespmem:s26], [sflag:$0x2] =	stream.indirect_vreg.gather [hbm4b:s5+s3], $0x40, v0, vm0, $0xb8;
	[tilespmem:$0x1C200] =	vst v63  }
0x4f4: {  	v0 =	vld [tilespmem:s24+$0x6C0];
	_ =	sdelay $0x6  }
0x4f5: {  	s28 =	simm.s32 $0x11A00  }
0x4f6: {  	[tilespmem:s28], [sflag:$0x2] =	stream.indirect_vreg.gather [hbm4b:s5+s3], $0x40, v0, vm0, $0xb8;
	[tilespmem:$0x1C200] =	vst v63  }
0x4f7: {  	v0 =	vld [tilespmem:s24+$0x6D0];
	_ =	sdelay $0x6  }
0x4f8: {  	s29 =	simm.s32 $0x11E00  }
0x4f9: {  	[tilespmem:s29], [sflag:$0x2] =	stream.indirect_vreg.gather [hbm4b:s5+s3], $0x40, v0, vm0, $0xb8;
	[tilespmem:$0x1C200] =	vst v63  }
0x4fa: {  	v0 =	vld [tilespmem:s24+$0x6E0];
	_ =	sdelay $0x6  }
0x4fb: {  	s26 =	simm.s32 $0x12200  }
0x4fc: {  	[tilespmem:s26], [sflag:$0x2] =	stream.indirect_vreg.gather [hbm4b:s5+s3], $0x40, v0, vm0, $0xb8;
	[tilespmem:$0x1C200] =	vst v63  }
0x4fd: {  	v0 =	vld [tilespmem:s24+$0x6F0];
	_ =	sdelay $0x6  }
0x4fe: {  	s28 =	simm.s32 $0x12600  }
0x4ff: {  	[tilespmem:s28], [sflag:$0x2] =	stream.indirect_vreg.gather [hbm4b:s5+s3], $0x40, v0, vm0, $0xb8;
	[tilespmem:$0x1C200] =	vst v63  }
0x500: {  	v0 =	vld [tilespmem:s24+$0x700];
	_ =	sdelay $0x6  }
0x501: {  	s29 =	simm.s32 $0x12A00  }
0x502: {  	[tilespmem:s29], [sflag:$0x2] =	stream.indirect_vreg.gather [hbm4b:s5+s3], $0x40, v0, vm0, $0xb8;
	[tilespmem:$0x1C200] =	vst v63  }
0x503: {  	v0 =	vld [tilespmem:s24+$0x710];
	_ =	sdelay $0x6  }
0x504: {  	s26 =	simm.s32 $0x12E00  }
0x505: {  	[tilespmem:s26], [sflag:$0x2] =	stream.indirect_vreg.gather [hbm4b:s5+s3], $0x40, v0, vm0, $0xb8;
	[tilespmem:$0x1C200] =	vst v63  }
0x506: {  	v0 =	vld [tilespmem:s24+$0x720];
	_ =	sdelay $0x6  }
0x507: {  	s28 =	simm.s32 $0x13200  }
0x508: {  	[tilespmem:s28], [sflag:$0x2] =	stream.indirect_vreg.gather [hbm4b:s5+s3], $0x40, v0, vm0, $0xb8;
	[tilespmem:$0x1C200] =	vst v63  }
0x509: {  	v0 =	vld [tilespmem:s24+$0x730];
	_ =	sdelay $0x6  }
0x50a: {  	s29 =	simm.s32 $0x13600  }
0x50b: {  	[tilespmem:s29], [sflag:$0x2] =	stream.indirect_vreg.gather [hbm4b:s5+s3], $0x40, v0, vm0, $0xb8;
	[tilespmem:$0x1C200] =	vst v63  }
0x50c: {  	v0 =	vld [tilespmem:s24+$0x740];
	_ =	sdelay $0x6  }
0x50d: {  	s26 =	simm.s32 $0x13A00  }
0x50e: {  	[tilespmem:s26], [sflag:$0x2] =	stream.indirect_vreg.gather [hbm4b:s5+s3], $0x40, v0, vm0, $0xb8;
	[tilespmem:$0x1C200] =	vst v63  }
0x50f: {  	v0 =	vld [tilespmem:s24+$0x750];
	_ =	sdelay $0x6  }
0x510: {  	s28 =	simm.s32 $0x13E00  }
0x511: {  	[tilespmem:s28], [sflag:$0x2] =	stream.indirect_vreg.gather [hbm4b:s5+s3], $0x40, v0, vm0, $0xb8;
	[tilespmem:$0x1C200] =	vst v63  }
0x512: {  	v0 =	vld [tilespmem:s24+$0x760];
	_ =	sdelay $0x6  }
0x513: {  	s29 =	simm.s32 $0x14200  }
0x514: {  	[tilespmem:s29], [sflag:$0x2] =	stream.indirect_vreg.gather [hbm4b:s5+s3], $0x40, v0, vm0, $0xb8;
	[tilespmem:$0x1C200] =	vst v63  }
0x515: {  	v0 =	vld [tilespmem:s24+$0x770];
	_ =	sdelay $0x6  }
0x516: {  	s26 =	simm.s32 $0x14600  }
0x517: {  	[tilespmem:s26], [sflag:$0x2] =	stream.indirect_vreg.gather [hbm4b:s5+s3], $0x40, v0, vm0, $0xb8;
	[tilespmem:$0x1C200] =	vst v63  }
0x518: {  	v0 =	vld [tilespmem:s24+$0x780];
	_ =	sdelay $0x6  }
0x519: {  	s28 =	simm.s32 $0x14A00  }
0x51a: {  	[tilespmem:s28], [sflag:$0x2] =	stream.indirect_vreg.gather [hbm4b:s5+s3], $0x40, v0, vm0, $0xb8;
	[tilespmem:$0x1C200] =	vst v63  }
0x51b: {  	v0 =	vld [tilespmem:s24+$0x790];
	_ =	sdelay $0x6  }
0x51c: {  	s29 =	simm.s32 $0x14E00  }
0x51d: {  	[tilespmem:s29], [sflag:$0x2] =	stream.indirect_vreg.gather [hbm4b:s5+s3], $0x40, v0, vm0, $0xb8;
	[tilespmem:$0x1C200] =	vst v63  }
0x51e: {  	v0 =	vld [tilespmem:s24+$0x7A0];
	_ =	sdelay $0x6  }
0x51f: {  	s26 =	simm.s32 $0x15200  }
0x520: {  	[tilespmem:s26], [sflag:$0x2] =	stream.indirect_vreg.gather [hbm4b:s5+s3], $0x40, v0, vm0, $0xb8;
	[tilespmem:$0x1C200] =	vst v63  }
0x521: {  	v0 =	vld [tilespmem:s24+$0x7B0];
	_ =	sdelay $0x6  }
0x522: {  	s28 =	simm.s32 $0x15600  }
0x523: {  	[tilespmem:s28], [sflag:$0x2] =	stream.indirect_vreg.gather [hbm4b:s5+s3], $0x40, v0, vm0, $0xb8;
	[tilespmem:$0x1C200] =	vst v63  }
0x524: {  	v0 =	vld [tilespmem:s24+$0x7C0];
	_ =	sdelay $0x3  }
.Ltmp6:
0x525: {  	_ = 	snop;
	(pc) =	sbr.rel .LBB2_2-.Ltmp6, $3  }
0x526: {  	_ =	sdelay $0x1  }
0x527: {  	s23 =	sadd.s32 $0x1, s23;
	s29 =	simm.s32 $0x15A00  }
0x528: {  	[tilespmem:s29], [sflag:$0x2] =	stream.indirect_vreg.gather [hbm4b:s5+s3], $0x40, v0, vm0, $0xb8;
	[tilespmem:$0x1C200] =	vst v63  }
.LBB2_13:
0x529: {  	_ =	swait.ge [sflag:s16], $0x6400  }
0x52a: {  	[sflag:s16] =	ssyncset.done $0x0  }
0x52b: {  	s23 =	simm.s32 $0xC9F0;
	[sflag:s16] =	ssyncadd.s32 $0xFFFF9C00  }
0x52c: {  	v0 =	vld [tilespmem:s23+$0xFFFFCDD0]  }
0x52d: {  	s24 =	simm.s32 $0x6500;
	v1 =	vld [tilespmem:s23+$0xFFFFCC50]  }
0x52e: {  	v2 =	vld [tilespmem:s24+$0xC0]  }
0x52f: {  	v3 =	vld [tilespmem:s23+$0xFFFFCC90]  }
0x530: {  	v4 =	vld [tilespmem:s23+$0xFFFFCCD0]  }
0x531: {  	v5 =	vld [tilespmem:s23+$0xFFFFCD10]  }
0x532: {  	v6 =	vld [tilespmem:s23+$0xFFFFCD50]  }
0x533: {  	v7 =	vld [tilespmem:s23+$0xFFFFCD90]  }
0x534: {  	v8 =	vld [tilespmem:s23+$0xFFFFCC10];
	v0 =	vmul.f32 $8.000000000e+00, v0  }
0x535: {  	v9 =	vld [tilespmem:s24+$0xFFFFFF00]  }
0x536: {  	v10 =	vld [tilespmem:s24+$0xFFFFFF40];
	v0 =	vadd.f32 v2, v0  }
0x537: {  	v2 =	vld [tilespmem:s23+$0xFFFFCDE0]  }
0x538: {  	v11 =	vld [tilespmem:s24+$0xFFFFFF80];
	[tilespmem:s23+$0xFFFFCDD0] =	vst v0  }
0x539: {  	v0 =	vld [tilespmem:s24+$0xD0]  }
0x53a: {  	v12 =	vld [tilespmem:s24+$0xFFFFFFC0];
	v8 =	vmul.f32 $8.000000000e+00, v8  }
0x53b: {  	v13 =	vld [tilespmem:s24+$0x0];
	v1 =	vmul.f32 $8.000000000e+00, v1  }
0x53c: {  	v8 =	vadd.f32 v9, v8;
	v9 =	vld [tilespmem:s24+$0x40];
	v2 =	vmul.f32 $8.000000000e+00, v2  }
0x53d: {  	v1 =	vadd.f32 v10, v1;
	v10 =	vld [tilespmem:s23+$0xFFFFCCE0]  }
0x53e: {  	v3 =	vmul.f32 $8.000000000e+00, v3;
	[tilespmem:s23+$0xFFFFCC10] =	vst v8;
	v8 =	vld [tilespmem:s24+$0x80];
	v0 =	vadd.f32 v0, v2  }
0x53f: {  	v5 =	vmul.f32 $8.000000000e+00, v5;
	[tilespmem:s23+$0xFFFFCC50] =	vst v1;
	v2 =	vld [tilespmem:s23+$0xFFFFCDF0]  }
0x540: {  	v3 =	vadd.f32 v11, v3;
	v1 =	vld [tilespmem:s23+$0xFFFFCC20];
	[tilespmem:s23+$0xFFFFCDE0] =	vst v0  }
0x541: {  	v5 =	vadd.f32 v13, v5;
	v0 =	vmul.f32 $8.000000000e+00, v4;
	v4 =	vld [tilespmem:s24+$0xE0]  }
0x542: {  	[tilespmem:s23+$0xFFFFCC90] =	vst v3;
	v3 =	vld [tilespmem:s23+$0xFFFFCC60]  }
0x543: {  	[tilespmem:s23+$0xFFFFCD10] =	vst v5;
	v5 =	vld [tilespmem:s23+$0xFFFFCE00];
	v0 =	vadd.f32 v12, v0  }
0x544: {  	v11 =	vld [tilespmem:s24+$0xFFFFFF90];
	v2 =	vmul.f32 $8.000000000e+00, v2  }
0x545: {  	v6 =	vmul.f32 $8.000000000e+00, v6;
	v7 =	vmul.f32 $8.000000000e+00, v7;
	[tilespmem:s23+$0xFFFFCCD0] =	vst v0;
	v0 =	vld [tilespmem:s23+$0xFFFFCCA0]  }
0x546: {  	v51 =	vld [tilespmem:s24+$0xFFFFFFD0];
	v2 =	vadd.f32 v4, v2  }
0x547: {  	v4 =	vadd.f32 v9, v6;
	v6 =	vadd.f32 v8, v7;
	v7 =	vld [tilespmem:s23+$0xFFFFCD20]  }
0x548: {  	v8 =	vld [tilespmem:s24+$0xFFFFFF10]  }
0x549: {  	v9 =	vld [tilespmem:s24+$0xFFFFFF50];
	[tilespmem:s23+$0xFFFFCDF0] =	vst v2  }
0x54a: {  	v10 =	vmul.f32 $8.000000000e+00, v10;
	[tilespmem:s23+$0xFFFFCD50] =	vst v4;
	v4 =	vld [tilespmem:s23+$0xFFFFCD60]  }
0x54b: {  	v1 =	vmul.f32 $8.000000000e+00, v1;
	[tilespmem:s23+$0xFFFFCD90] =	vst v6;
	v6 =	vld [tilespmem:s23+$0xFFFFCDA0]  }
0x54c: {  	v2 =	vld [tilespmem:s24+$0xF0];
	v0 =	vmul.f32 $8.000000000e+00, v0;
	v10 =	vadd.f32 v51, v10  }
0x54d: {  	v1 =	vadd.f32 v8, v1;
	v8 =	vld [tilespmem:s24+$0x10]  }
0x54e: {  	v0 =	vadd.f32 v11, v0;
	v11 =	vld [tilespmem:s23+$0xFFFFCC70];
	[tilespmem:s23+$0xFFFFCCE0] =	vst v10  }
0x54f: {  	v5 =	vmul.f32 $8.000000000e+00, v5;
	[tilespmem:s23+$0xFFFFCC20] =	vst v1;
	v1 =	vld [tilespmem:s24+$0x90]  }
0x550: {  	v53 =	vld [tilespmem:s24+$0xFFFFFFE0]  }
0x551: {  	v7 =	vmul.f32 $8.000000000e+00, v7;
	[tilespmem:s23+$0xFFFFCCA0] =	vst v0;
	v2 =	vadd.f32 v2, v5;
	v5 =	vld [tilespmem:s23+$0xFFFFFFD0]  }
0x552: {  	v52 =	vld [tilespmem:s24+$0xFFFFFFA0]  }
0x553: {  	v0 =	vadd.f32 v8, v7;
	v7 =	vld [tilespmem:s23+$0xFFFFFFE0]  }
0x554: {  	[tilespmem:s23+$0xFFFFCE00] =	vst v2;
	v2 =	vmul.f32 $8.000000000e+00, v3;
	v8 =	vld [tilespmem:s23+$0xFFFFCCB0]  }
0x555: {  	v6 =	vmul.f32 $8.000000000e+00, v6;
	v3 =	vld [tilespmem:s24+$0xC0]  }
0x556: {  	v2 =	vadd.f32 v9, v2;
	v9 =	vld [tilespmem:s24+$0x50]  }
0x557: {  	[tilespmem:s23+$0xFFFFCD20] =	vst v0;
	v0 =	vadd.f32 v1, v6;
	v1 =	vld [tilespmem:s23+$0xFFFFCCF0]  }
0x558: {  	v6 =	vld [tilespmem:s23+$0xFFFFCDB0]  }
0x559: {  	[tilespmem:s23+$0xFFFFCC60] =	vst v2;
	v2 =	vld [tilespmem:s23+$0xFFFFCC30]  }
0x55a: {  	v4 =	vmul.f32 $8.000000000e+00, v4;
	v5 =	vmul.f32 $8.000000000e+00, v5;
	v10 =	vld [tilespmem:s24+$0xFFFFFF60]  }
0x55b: {  	[tilespmem:s23+$0xFFFFCDA0] =	vst v0;
	v0 =	vld [tilespmem:s23+$0xFFFFCD70]  }
0x55c: {  	v3 =	vadd.f32 v3, v5;
	v5 =	vmul.f32 $8.000000000e+00, v11;
	v11 =	vld [tilespmem:s24+$0x20];
	v4 =	vadd.f32 v9, v4  }
0x55d: {  	v9 =	vld [tilespmem:s24+$0xFFFFFF20];
	v1 =	vmul.f32 $8.000000000e+00, v1  }
0x55e: {  	[tilespmem:s23+$0xFFFFCD60] =	vst v4;
	v4 =	vld [tilespmem:s23+$0xFFFFCD30]  }
0x55f: {  	[tilespmem:s23+$0xFFFFFFD0] =	vst v3;
	v1 =	vadd.f32 v53, v1;
	v3 =	vadd.f32 v10, v5;
	v5 =	vld [tilespmem:s24+$0xA0]  }
0x560: {  	v2 =	vmul.f32 $8.000000000e+00, v2;
	v10 =	vld [tilespmem:s24+$0xD0]  }
0x561: {  	[tilespmem:s23+$0xFFFFCCF0] =	vst v1;
	v1 =	vld [tilespmem:s23+$0xFFFFCCC0]  }
0x562: {  	v8 =	vmul.f32 $8.000000000e+00, v8;
	v2 =	vadd.f32 v9, v2;
	v9 =	vld [tilespmem:s24+$0x60]  }
0x563: {  	[tilespmem:s23+$0xFFFFCC70] =	vst v3;
	v3 =	vld [tilespmem:s23+$0xFFFFCC40]  }
0x564: {  	v54 =	vld [tilespmem:s24+$0xFFFFFFF0];
	v4 =	vmul.f32 $8.000000000e+00, v4;
	[tilespmem:s23+$0xFFFFCC30] =	vst v2;
	v2 =	vadd.f32 v52, v8  }
0x565: {  	v0 =	vmul.f32 $8.000000000e+00, v0;
	v8 =	vld [tilespmem:s24+$0xFFFFFF30]  }
0x566: {  	[tilespmem:s23+$0xFFFFCCB0] =	vst v2;
	v2 =	vadd.f32 v11, v4;
	v4 =	vld [tilespmem:s23+$0xFFFFCC80]  }
0x567: {  	v6 =	vmul.f32 $8.000000000e+00, v6;
	v0 =	vadd.f32 v9, v0;
	v9 =	vld [tilespmem:s24+$0xFFFFFF70]  }
0x568: {  	v11 =	vld [tilespmem:s24+$0xFFFFFFB0]  }
0x569: {  	[tilespmem:s23+$0xFFFFCD30] =	vst v2;
	v2 =	vadd.f32 v5, v6;
	v5 =	vld [tilespmem:s23+$0xFFFFCD00]  }
0x56a: {  	v6 =	vld [tilespmem:s23+$0xFFFFCDC0]  }
0x56b: {  	v3 =	vmul.f32 $8.000000000e+00, v3;
	[tilespmem:s23+$0xFFFFCD70] =	vst v0;
	v0 =	vld [tilespmem:s23+$0xFFFFCD40]  }
0x56c: {  	v55 =	vld [tilespmem:s24+$0x30]  }
0x56d: {  	[tilespmem:s23+$0xFFFFCDB0] =	vst v2;
	v2 =	vld [tilespmem:s23+$0xFFFFCD80];
	v3 =	vadd.f32 v8, v3  }
0x56e: {  	v1 =	vmul.f32 $8.000000000e+00, v1;
	v8 =	vld [tilespmem:s24+$0x70]  }
0x56f: {  	v4 =	vmul.f32 $8.000000000e+00, v4;
	[tilespmem:s23+$0xFFFFCC40] =	vst v3;
	v3 =	vld [tilespmem:s23+$0xFFFFFFF0]  }
0x570: {  	v1 =	vadd.f32 v11, v1;
	v11 =	vld [tilespmem:s23+$0xFFFFFE10]  }
0x571: {  	v5 =	vmul.f32 $8.000000000e+00, v5;
	v4 =	vadd.f32 v9, v4;
	v9 =	vld [tilespmem:s24+$0xB0]  }
0x572: {  	[tilespmem:s23+$0xFFFFCCC0] =	vst v1;
	v1 =	vld [tilespmem:s23+$0xFFFFFE90]  }
0x573: {  	v0 =	vmul.f32 $8.000000000e+00, v0;
	[tilespmem:s23+$0xFFFFCC80] =	vst v4;
	v4 =	vadd.f32 v54, v5;
	v5 =	vmul.f32 $8.000000000e+00, v6;
	v6 =	vld [tilespmem:s23+$0xFFFFFE50]  }
0x574: {  	v2 =	vmul.f32 $8.000000000e+00, v2;
	v56 =	vld [tilespmem:s24+$0xFFFFFF80]  }
0x575: {  	v0 =	vadd.f32 v55, v0;
	[tilespmem:s23+$0xFFFFCD00] =	vst v4;
	v4 =	vld [tilespmem:s23+$0xFFFFFED0]  }
0x576: {  	v2 =	vadd.f32 v8, v2;
	v8 =	vld [tilespmem:s24+$0xFFFFFF00]  }
0x577: {  	[tilespmem:s23+$0xFFFFCD40] =	vst v0;
	v0 =	vadd.f32 v9, v5;
	v5 =	vld [tilespmem:s23+$0xFFFFFF10]  }
0x578: {  	v9 =	vld [tilespmem:s24+$0xFFFFFF40]  }
0x579: {  	v7 =	vmul.f32 $8.000000000e+00, v7;
	v57 =	vld [tilespmem:s24+$0xFFFFFFC0]  }
0x57a: {  	[tilespmem:s23+$0xFFFFCD80] =	vst v2;
	v2 =	vld [tilespmem:s23+$0xFFFFFF50]  }
0x57b: {  	v7 =	vadd.f32 v10, v7;
	v10 =	vld [tilespmem:s24+$0x0]  }
0x57c: {  	v11 =	vmul.f32 $8.000000000e+00, v11;
	[tilespmem:s23+$0xFFFFCDC0] =	vst v0;
	v0 =	vld [tilespmem:s23+$0xFFFFFF90]  }
0x57d: {  	[tilespmem:s23+$0xFFFFFFE0] =	vst v7;
	v6 =	vmul.f32 $8.000000000e+00, v6;
	v7 =	vld [tilespmem:s24+$0x80]  }
0x57e: {  	v1 =	vmul.f32 $8.000000000e+00, v1;
	v8 =	vadd.f32 v8, v11;
	v11 =	vld [tilespmem:s24+$0x40]  }
0x57f: {  	v4 =	vmul.f32 $8.000000000e+00, v4;
	v6 =	vadd.f32 v9, v6;
	v9 =	vld [tilespmem:s24+$0xE0]  }
0x580: {  	v1 =	vadd.f32 v56, v1;
	v5 =	vmul.f32 $8.000000000e+00, v5;
	[tilespmem:s23+$0xFFFFFE10] =	vst v8;
	v8 =	vld [tilespmem:s23+$0xFFFFFE20]  }
0x581: {  	v4 =	vadd.f32 v57, v4;
	[tilespmem:s23+$0xFFFFFE50] =	vst v6;
	v6 =	vld [tilespmem:s23+$0xFFFFFE60]  }
0x582: {  	[tilespmem:s23+$0xFFFFFE90] =	vst v1;
	v1 =	vadd.f32 v10, v5;
	v5 =	vld [tilespmem:s23+$0xFFFFFEA0]  }
0x583: {  	[tilespmem:s23+$0xFFFFFED0] =	vst v4;
	v4 =	vld [tilespmem:s23+$0xFFFFFEE0]  }
0x584: {  	v0 =	vmul.f32 $8.000000000e+00, v0;
	v10 =	vld [tilespmem:s24+$0xFFFFFF50]  }
0x585: {  	v2 =	vmul.f32 $8.000000000e+00, v2;
	[tilespmem:s23+$0xFFFFFF10] =	vst v1;
	v1 =	vld [tilespmem:s23+$0xFFFFFF20]  }
0x586: {  	v0 =	vadd.f32 v7, v0;
	v7 =	vld [tilespmem:s24+$0xFFFFFF10]  }
0x587: {  	v2 =	vadd.f32 v11, v2;
	v11 =	vld [tilespmem:s24+$0xFFFFFF90]  }
0x588: {  	v58 =	vld [tilespmem:s24+$0xFFFFFFD0]  }
0x589: {  	v59 =	vld [tilespmem:s24+$0x10]  }
0x58a: {  	[tilespmem:s23+$0xFFFFFF50] =	vst v2;
	v2 =	vld [tilespmem:s23+$0xFFFFFF60];
	v8 =	vmul.f32 $8.000000000e+00, v8  }
0x58b: {  	[tilespmem:s23+$0xFFFFFF90] =	vst v0;
	v0 =	vld [tilespmem:s23+$0xFFFFFFA0];
	v6 =	vmul.f32 $8.000000000e+00, v6  }
0x58c: {  	v5 =	vmul.f32 $8.000000000e+00, v5;
	v7 =	vadd.f32 v7, v8;
	v8 =	vld [tilespmem:s24+$0x50]  }
0x58d: {  	v6 =	vadd.f32 v10, v6;
	v10 =	vld [tilespmem:s24+$0x90]  }
0x58e: {  	v4 =	vmul.f32 $8.000000000e+00, v4;
	v5 =	vadd.f32 v11, v5;
	v11 =	vld [tilespmem:s23+$0xFFFFFE30]  }
0x58f: {  	[tilespmem:s23+$0xFFFFFE20] =	vst v7;
	v7 =	vld [tilespmem:s23+$0x0]  }
0x590: {  	v1 =	vmul.f32 $8.000000000e+00, v1;
	v4 =	vadd.f32 v58, v4;
	[tilespmem:s23+$0xFFFFFE60] =	vst v6;
	v6 =	vld [tilespmem:s23+$0xFFFFFE70]  }
0x591: {  	[tilespmem:s23+$0xFFFFFEA0] =	vst v5;
	v5 =	vld [tilespmem:s23+$0xFFFFFEB0]  }
0x592: {  	v1 =	vadd.f32 v59, v1;
	[tilespmem:s23+$0xFFFFFEE0] =	vst v4;
	v4 =	vld [tilespmem:s23+$0xFFFFFEF0]  }
0x593: {  	v60 =	vld [tilespmem:s24+$0xFFFFFFA0]  }
0x594: {  	v2 =	vmul.f32 $8.000000000e+00, v2;
	[tilespmem:s23+$0xFFFFFF20] =	vst v1;
	v1 =	vld [tilespmem:s23+$0xFFFFFF30]  }
0x595: {  	v0 =	vmul.f32 $8.000000000e+00, v0;
	v61 =	vld [tilespmem:s24+$0xFFFFFFE0]  }
0x596: {  	v3 =	vmul.f32 $8.000000000e+00, v3;
	v2 =	vadd.f32 v8, v2;
	v8 =	vld [tilespmem:s24+$0xFFFFFF20]  }
0x597: {  	v0 =	vadd.f32 v10, v0;
	v10 =	vld [tilespmem:s24+$0xFFFFFF60]  }
0x598: {  	v3 =	vadd.f32 v9, v3;
	v9 =	vld [tilespmem:s24+$0x20]  }
0x599: {  	v11 =	vmul.f32 $8.000000000e+00, v11;
	[tilespmem:s23+$0xFFFFFF60] =	vst v2;
	v2 =	vld [tilespmem:s23+$0xFFFFFF70]  }
0x59a: {  	[tilespmem:s23+$0xFFFFFFA0] =	vst v0;
	v0 =	vld [tilespmem:s23+$0xFFFFFFB0];
	v6 =	vmul.f32 $8.000000000e+00, v6;
	v5 =	vmul.f32 $8.000000000e+00, v5  }
0x59b: {  	v8 =	vadd.f32 v8, v11;
	v11 =	vld [tilespmem:s24+$0x60]  }
0x59c: {  	[tilespmem:s23+$0xFFFFFFF0] =	vst v3;
	v3 =	vmul.f32 $8.000000000e+00, v4;
	v5 =	vadd.f32 v60, v5;
	v4 =	vadd.f32 v10, v6;
	v6 =	vld [tilespmem:s24+$0xA0]  }
0x59d: {  	v1 =	vmul.f32 $8.000000000e+00, v1;
	v10 =	vld [tilespmem:s24+$0xF0]  }
0x59e: {  	[tilespmem:s23+$0xFFFFFEB0] =	vst v5;
	v5 =	vld [tilespmem:s23+$0xFFFFFEC0]  }
0x59f: {  	v1 =	vadd.f32 v9, v1;
	v9 =	vld [tilespmem:s23+$0xFFFFFF80]  }
0x5a0: {  	v3 =	vadd.f32 v61, v3;
	[tilespmem:s23+$0xFFFFFE30] =	vst v8;
	v8 =	vld [tilespmem:s23+$0xFFFFFE40]  }
0x5a1: {  	[tilespmem:s23+$0xFFFFFE70] =	vst v4;
	v4 =	vld [tilespmem:s23+$0xFFFFFE80]  }
0x5a2: {  	[tilespmem:s23+$0xFFFFFEF0] =	vst v3;
	v3 =	vld [tilespmem:s23+$0xFFFFFF00]  }
0x5a3: {  	v2 =	vmul.f32 $8.000000000e+00, v2;
	v0 =	vmul.f32 $8.000000000e+00, v0;
	[tilespmem:s23+$0xFFFFFF30] =	vst v1;
	v1 =	vld [tilespmem:s23+$0xFFFFFF40]  }
0x5a4: {  	v62 =	vld [tilespmem:s24+$0xFFFFFF30]  }
0x5a5: {  	v2 =	vadd.f32 v11, v2;
	v0 =	vadd.f32 v6, v0;
	v11 =	vld [tilespmem:s23+$0xFFFFFFC0]  }
0x5a6: {  	v63 =	vld [tilespmem:s24+$0xFFFFFF70]  }
0x5a7: {  	[tilespmem:s23+$0xFFFFFFB0] =	vst v0;
	v0 =	vmul.f32 $8.000000000e+00, v7;
	v7 =	vld [tilespmem:s24+$0xFFFFFFB0]  }
0x5a8: {  	v14 =	vmul.f32 $8.000000000e+00, v8;
	v15 =	vmul.f32 $8.000000000e+00, v4;
	v4 =	vld [tilespmem:s24+$0xFFFFFFF0]  }
0x5a9: {  	v6 =	vmul.f32 $8.000000000e+00, v5;
	v5 =	vld [tilespmem:s24+$0x30];
	[tilespmem:s23+$0xFFFFFF70] =	vst v2;
	v10 =	vadd.f32 v10, v0  }
0x5aa: {  	v2 =	vmul.f32 $8.000000000e+00, v1;
	v8 =	vld [tilespmem:s24+$0x70];
	v1 =	vmul.f32 $8.000000000e+00, v11;
	v11 =	vadd.f32 v62, v14  }
0x5ab: {  	s25 =	simm.s32 $0x0;
	s26 =	simm.s32 $0xCBF0;
	v3 =	vmul.f32 $8.000000000e+00, v3;
	v0 =	vmul.f32 $8.000000000e+00, v9;
	v9 =	vld [tilespmem:s24+$0xB0];
	[tilespmem:s23+$0x0] =	vst v10;
	v10 =	vadd.f32 v63, v15  }
.LBB2_14:
0x5ac: {  	v12 =	vld [tilespmem:s26+$0xFFFFCDD0];
	s25 =	sadd.s32 $0x8, s25;
	[tilespmem:s23+$0xFFFFFE40] =	vst v11;
	v6 =	vadd.f32 v7, v6  }
0x5ad: {  	s24 =	sadd.s32 $0x200, s24;
	v7 =	vld [tilespmem:s26+$0xFFFFCC50];
	p0 =	slt.u32 s25, $0xC0;
	[tilespmem:s23+$0xFFFFFE80] =	vst v10;
	v3 =	vadd.f32 v4, v3  }
0x5ae: {  	v4 =	vld [tilespmem:s24+$0xC0];
	[tilespmem:s23+$0xFFFFFEC0] =	vst v6;
	v2 =	vadd.f32 v5, v2  }
0x5af: {  	v5 =	vld [tilespmem:s26+$0xFFFFCC90];
	[tilespmem:s23+$0xFFFFFF00] =	vst v3;
	v0 =	vadd.f32 v8, v0  }
0x5b0: {  	v3 =	vld [tilespmem:s26+$0xFFFFCCD0];
	[tilespmem:s23+$0xFFFFFF40] =	vst v2;
	v1 =	vadd.f32 v9, v1  }
0x5b1: {  	v2 =	vld [tilespmem:s26+$0xFFFFCD10];
	v6 =	vmul.f32 $8.000000000e+00, v12;
	[tilespmem:s23+$0xFFFFFF80] =	vst v0  }
0x5b2: {  	v0 =	vmul.f32 $8.000000000e+00, v7;
	v7 =	vld [tilespmem:s26+$0xFFFFCD50];
	[tilespmem:s23+$0xFFFFFFC0] =	vst v1;
	s23 =	smov.u32 s26  }
0x5b3: {  	v1 =	vld [tilespmem:s26+$0xFFFFCD90];
	v4 =	vadd.f32 v4, v6  }
0x5b4: {  	v5 =	vmul.f32 $8.000000000e+00, v5;
	v6 =	vld [tilespmem:s26+$0xFFFFCDE0]  }
0x5b5: {  	v8 =	vld [tilespmem:s26+$0xFFFFCC10];
	v3 =	vmul.f32 $8.000000000e+00, v3;
	[tilespmem:s26+$0xFFFFCDD0] =	vst v4  }
0x5b6: {  	v2 =	vmul.f32 $8.000000000e+00, v2;
	v4 =	vld [tilespmem:s24+$0xD0]  }
0x5b7: {  	v9 =	vld [tilespmem:s24+$0xFFFFFF00];
	v7 =	vmul.f32 $8.000000000e+00, v7  }
0x5b8: {  	v10 =	vld [tilespmem:s24+$0xFFFFFF40];
	v1 =	vmul.f32 $8.000000000e+00, v1  }
0x5b9: {  	v11 =	vld [tilespmem:s24+$0xFFFFFF80];
	v6 =	vmul.f32 $8.000000000e+00, v6  }
0x5ba: {  	v8 =	vmul.f32 $8.000000000e+00, v8;
	v12 =	vld [tilespmem:s24+$0xFFFFFFC0]  }
0x5bb: {  	v13 =	vld [tilespmem:s24+$0x0];
	v4 =	vadd.f32 v4, v6  }
0x5bc: {  	v6 =	vadd.f32 v9, v8;
	v8 =	vld [tilespmem:s26+$0xFFFFCDF0]  }
0x5bd: {  	v0 =	vadd.f32 v10, v0;
	v9 =	vld [tilespmem:s24+$0x40];
	[tilespmem:s26+$0xFFFFCDE0] =	vst v4  }
0x5be: {  	[tilespmem:s26+$0xFFFFCC10] =	vst v6;
	v4 =	vadd.f32 v11, v5;
	v5 =	vld [tilespmem:s24+$0xE0]  }
0x5bf: {  	[tilespmem:s26+$0xFFFFCC50] =	vst v0;
	v0 =	vadd.f32 v12, v3;
	v3 =	vld [tilespmem:s24+$0x80]  }
0x5c0: {  	v6 =	vld [tilespmem:s26+$0xFFFFCC20];
	[tilespmem:s26+$0xFFFFCC90] =	vst v4;
	v2 =	vadd.f32 v13, v2  }
0x5c1: {  	v4 =	vld [tilespmem:s26+$0xFFFFCC60];
	[tilespmem:s26+$0xFFFFCCD0] =	vst v0;
	v0 =	vmul.f32 $8.000000000e+00, v8  }
0x5c2: {  	v8 =	vld [tilespmem:s26+$0xFFFFCCA0];
	[tilespmem:s26+$0xFFFFCD10] =	vst v2;
	v2 =	vadd.f32 v9, v7  }
0x5c3: {  	v7 =	vld [tilespmem:s26+$0xFFFFCCE0];
	v0 =	vadd.f32 v5, v0  }
0x5c4: {  	[tilespmem:s26+$0xFFFFCD50] =	vst v2;
	v1 =	vadd.f32 v3, v1;
	v2 =	vld [tilespmem:s26+$0xFFFFCE00]  }
0x5c5: {  	v3 =	vmul.f32 $8.000000000e+00, v6;
	v5 =	vld [tilespmem:s26+$0xFFFFCD20];
	[tilespmem:s26+$0xFFFFCDF0] =	vst v0  }
0x5c6: {  	v0 =	vmul.f32 $8.000000000e+00, v4;
	[tilespmem:s26+$0xFFFFCD90] =	vst v1;
	v1 =	vld [tilespmem:s24+$0xF0]  }
0x5c7: {  	v4 =	vmul.f32 $8.000000000e+00, v8;
	v6 =	vld [tilespmem:s26+$0xFFFFCD60]  }
0x5c8: {  	v7 =	vmul.f32 $8.000000000e+00, v7;
	v8 =	vld [tilespmem:s26+$0xFFFFCDA0]  }
0x5c9: {  	v9 =	vld [tilespmem:s24+$0xFFFFFF10];
	v2 =	vmul.f32 $8.000000000e+00, v2  }
0x5ca: {  	v10 =	vld [tilespmem:s24+$0xFFFFFF50];
	v5 =	vmul.f32 $8.000000000e+00, v5  }
0x5cb: {  	v11 =	vld [tilespmem:s24+$0xFFFFFF90];
	v1 =	vadd.f32 v1, v2  }
0x5cc: {  	v2 =	vmul.f32 $8.000000000e+00, v6;
	v6 =	vld [tilespmem:s26+$0xFFFFFFD0]  }
0x5cd: {  	v12 =	vld [tilespmem:s24+$0xFFFFFFD0];
	v8 =	vmul.f32 $8.000000000e+00, v8;
	[tilespmem:s26+$0xFFFFCE00] =	vst v1  }
0x5ce: {  	v1 =	vadd.f32 v9, v3;
	v3 =	vld [tilespmem:s24+$0xC0]  }
0x5cf: {  	v0 =	vadd.f32 v10, v0;
	v9 =	vld [tilespmem:s24+$0x10]  }
0x5d0: {  	[tilespmem:s26+$0xFFFFCC20] =	vst v1;
	v1 =	vadd.f32 v11, v4;
	v4 =	vld [tilespmem:s24+$0x50]  }
0x5d1: {  	[tilespmem:s26+$0xFFFFCC60] =	vst v0;
	v0 =	vld [tilespmem:s24+$0x90];
	v6 =	vmul.f32 $8.000000000e+00, v6  }
0x5d2: {  	v10 =	vld [tilespmem:s26+$0xFFFFCC30];
	[tilespmem:s26+$0xFFFFCCA0] =	vst v1;
	v1 =	vadd.f32 v12, v7  }
0x5d3: {  	v7 =	vld [tilespmem:s26+$0xFFFFCC70];
	v3 =	vadd.f32 v3, v6  }
0x5d4: {  	[tilespmem:s26+$0xFFFFCCE0] =	vst v1;
	v1 =	vadd.f32 v9, v5;
	v5 =	vld [tilespmem:s26+$0xFFFFFFE0]  }
0x5d5: {  	v6 =	vld [tilespmem:s26+$0xFFFFCCB0];
	v2 =	vadd.f32 v4, v2;
	[tilespmem:s26+$0xFFFFFFD0] =	vst v3  }
0x5d6: {  	[tilespmem:s26+$0xFFFFCD20] =	vst v1;
	v0 =	vadd.f32 v0, v8;
	v1 =	vld [tilespmem:s24+$0xD0]  }
0x5d7: {  	v3 =	vmul.f32 $8.000000000e+00, v10;
	v4 =	vld [tilespmem:s26+$0xFFFFCCF0];
	[tilespmem:s26+$0xFFFFCD60] =	vst v2  }
0x5d8: {  	v2 =	vmul.f32 $8.000000000e+00, v7;
	v7 =	vld [tilespmem:s26+$0xFFFFCD30];
	[tilespmem:s26+$0xFFFFCDA0] =	vst v0  }
0x5d9: {  	v0 =	vld [tilespmem:s26+$0xFFFFCD70];
	v5 =	vmul.f32 $8.000000000e+00, v5  }
0x5da: {  	v6 =	vmul.f32 $8.000000000e+00, v6;
	v8 =	vld [tilespmem:s26+$0xFFFFCDB0]  }
0x5db: {  	v9 =	vld [tilespmem:s24+$0xFFFFFF20];
	v1 =	vadd.f32 v1, v5  }
0x5dc: {  	v4 =	vmul.f32 $8.000000000e+00, v4;
	v5 =	vld [tilespmem:s26+$0xFFFFFFF0]  }
0x5dd: {  	v10 =	vld [tilespmem:s24+$0xFFFFFF60];
	v7 =	vmul.f32 $8.000000000e+00, v7;
	[tilespmem:s26+$0xFFFFFFE0] =	vst v1  }
0x5de: {  	v0 =	vmul.f32 $8.000000000e+00, v0;
	v1 =	vld [tilespmem:s24+$0xE0]  }
0x5df: {  	v11 =	vld [tilespmem:s24+$0xFFFFFFA0];
	v8 =	vmul.f32 $8.000000000e+00, v8  }
0x5e0: {  	v3 =	vadd.f32 v9, v3;
	v9 =	vld [tilespmem:s24+$0xFFFFFFE0]  }
0x5e1: {  	v12 =	vld [tilespmem:s24+$0x20];
	v5 =	vmul.f32 $8.000000000e+00, v5  }
0x5e2: {  	[tilespmem:s26+$0xFFFFCC30] =	vst v3;
	v2 =	vadd.f32 v10, v2;
	v3 =	vld [tilespmem:s24+$0x60]  }
0x5e3: {  	v10 =	vld [tilespmem:s24+$0xA0];
	v1 =	vadd.f32 v1, v5  }
0x5e4: {  	[tilespmem:s26+$0xFFFFCC70] =	vst v2;
	v2 =	vadd.f32 v11, v6;
	v5 =	vld [tilespmem:s26+$0x0]  }
0x5e5: {  	v6 =	vld [tilespmem:s26+$0xFFFFCC40];
	v4 =	vadd.f32 v9, v4;
	[tilespmem:s26+$0xFFFFFFF0] =	vst v1  }
0x5e6: {  	[tilespmem:s26+$0xFFFFCCB0] =	vst v2;
	v1 =	vadd.f32 v12, v7;
	v2 =	vld [tilespmem:s24+$0xF0]  }
0x5e7: {  	v7 =	vld [tilespmem:s26+$0xFFFFCC80];
	[tilespmem:s26+$0xFFFFCCF0] =	vst v4;
	v0 =	vadd.f32 v3, v0  }
0x5e8: {  	v3 =	vld [tilespmem:s26+$0xFFFFCCC0];
	[tilespmem:s26+$0xFFFFCD30] =	vst v1;
	v1 =	vadd.f32 v10, v8  }
0x5e9: {  	v4 =	vld [tilespmem:s26+$0xFFFFCD00];
	[tilespmem:s26+$0xFFFFCD70] =	vst v0;
	v0 =	vmul.f32 $8.000000000e+00, v5  }
0x5ea: {  	v5 =	vmul.f32 $8.000000000e+00, v6;
	v6 =	vld [tilespmem:s26+$0xFFFFCD40];
	[tilespmem:s26+$0xFFFFCDB0] =	vst v1  }
0x5eb: {  	v1 =	vld [tilespmem:s26+$0xFFFFCD80];
	v0 =	vadd.f32 v2, v0  }
0x5ec: {  	v2 =	vmul.f32 $8.000000000e+00, v7;
	v7 =	vld [tilespmem:s26+$0xFFFFCDC0]  }
0x5ed: {  	v8 =	vld [tilespmem:s24+$0xFFFFFF30];
	v3 =	vmul.f32 $8.000000000e+00, v3;
	[tilespmem:s26+$0x0] =	vst v0  }
0x5ee: {  	v0 =	vld [tilespmem:s24+$0xFFFFFF70];
	v4 =	vmul.f32 $8.000000000e+00, v4  }
0x5ef: {  	v9 =	vld [tilespmem:s24+$0xFFFFFFB0];
	v6 =	vmul.f32 $8.000000000e+00, v6  }
0x5f0: {  	v10 =	vld [tilespmem:s24+$0xFFFFFFF0];
	v1 =	vmul.f32 $8.000000000e+00, v1  }
0x5f1: {  	v11 =	vld [tilespmem:s24+$0x30];
	v7 =	vmul.f32 $8.000000000e+00, v7  }
0x5f2: {  	v5 =	vadd.f32 v8, v5;
	v8 =	vld [tilespmem:s24+$0x70]  }
0x5f3: {  	v0 =	vadd.f32 v0, v2;
	v2 =	vld [tilespmem:s24+$0xB0]  }
0x5f4: {  	[tilespmem:s26+$0xFFFFCC40] =	vst v5;
	v5 =	vld [tilespmem:s26+$0xFFFFFE10];
	v3 =	vadd.f32 v9, v3  }
0x5f5: {  	[tilespmem:s26+$0xFFFFCC80] =	vst v0;
	v0 =	vld [tilespmem:s26+$0xFFFFFE50];
	v4 =	vadd.f32 v10, v4  }
0x5f6: {  	[tilespmem:s26+$0xFFFFCCC0] =	vst v3;
	v3 =	vld [tilespmem:s26+$0xFFFFFE90];
	v6 =	vadd.f32 v11, v6  }
0x5f7: {  	[tilespmem:s26+$0xFFFFCD00] =	vst v4;
	v4 =	vld [tilespmem:s26+$0xFFFFFED0];
	v1 =	vadd.f32 v8, v1  }
0x5f8: {  	[tilespmem:s26+$0xFFFFCD40] =	vst v6;
	v6 =	vld [tilespmem:s26+$0xFFFFFF10];
	v2 =	vadd.f32 v2, v7  }
0x5f9: {  	v5 =	vmul.f32 $8.000000000e+00, v5;
	[tilespmem:s26+$0xFFFFCD80] =	vst v1;
	v1 =	vld [tilespmem:s26+$0xFFFFFF50]  }
0x5fa: {  	v0 =	vmul.f32 $8.000000000e+00, v0;
	[tilespmem:s26+$0xFFFFCDC0] =	vst v2;
	v2 =	vld [tilespmem:s26+$0xFFFFFF90]  }
0x5fb: {  	v7 =	vld [tilespmem:s24+$0xFFFFFF00];
	v3 =	vmul.f32 $8.000000000e+00, v3  }
0x5fc: {  	v8 =	vld [tilespmem:s24+$0xFFFFFF40];
	v4 =	vmul.f32 $8.000000000e+00, v4  }
0x5fd: {  	v9 =	vld [tilespmem:s24+$0xFFFFFF80];
	v6 =	vmul.f32 $8.000000000e+00, v6  }
0x5fe: {  	v10 =	vld [tilespmem:s24+$0xFFFFFFC0];
	v1 =	vmul.f32 $8.000000000e+00, v1  }
0x5ff: {  	v11 =	vld [tilespmem:s24+$0x0];
	v2 =	vmul.f32 $8.000000000e+00, v2  }
0x600: {  	v5 =	vadd.f32 v7, v5;
	v7 =	vld [tilespmem:s24+$0x40]  }
0x601: {  	v0 =	vadd.f32 v8, v0;
	v8 =	vld [tilespmem:s24+$0x80]  }
0x602: {  	[tilespmem:s26+$0xFFFFFE10] =	vst v5;
	v5 =	vld [tilespmem:s26+$0xFFFFFE20];
	v3 =	vadd.f32 v9, v3  }
0x603: {  	[tilespmem:s26+$0xFFFFFE50] =	vst v0;
	v0 =	vld [tilespmem:s26+$0xFFFFFE60];
	v4 =	vadd.f32 v10, v4  }
0x604: {  	[tilespmem:s26+$0xFFFFFE90] =	vst v3;
	v3 =	vld [tilespmem:s26+$0xFFFFFEA0];
	v6 =	vadd.f32 v11, v6  }
0x605: {  	[tilespmem:s26+$0xFFFFFED0] =	vst v4;
	v4 =	vld [tilespmem:s26+$0xFFFFFEE0];
	v1 =	vadd.f32 v7, v1  }
0x606: {  	[tilespmem:s26+$0xFFFFFF10] =	vst v6;
	v6 =	vld [tilespmem:s26+$0xFFFFFF20];
	v2 =	vadd.f32 v8, v2  }
0x607: {  	v5 =	vmul.f32 $8.000000000e+00, v5;
	[tilespmem:s26+$0xFFFFFF50] =	vst v1;
	v1 =	vld [tilespmem:s26+$0xFFFFFF60]  }
0x608: {  	v0 =	vmul.f32 $8.000000000e+00, v0;
	[tilespmem:s26+$0xFFFFFF90] =	vst v2;
	v2 =	vld [tilespmem:s26+$0xFFFFFFA0]  }
0x609: {  	v7 =	vld [tilespmem:s24+$0xFFFFFF10];
	v3 =	vmul.f32 $8.000000000e+00, v3  }
0x60a: {  	v8 =	vld [tilespmem:s24+$0xFFFFFF50];
	v4 =	vmul.f32 $8.000000000e+00, v4  }
0x60b: {  	v9 =	vld [tilespmem:s24+$0xFFFFFF90];
	v6 =	vmul.f32 $8.000000000e+00, v6  }
0x60c: {  	v10 =	vld [tilespmem:s24+$0xFFFFFFD0];
	v1 =	vmul.f32 $8.000000000e+00, v1  }
0x60d: {  	v11 =	vld [tilespmem:s24+$0x10];
	v2 =	vmul.f32 $8.000000000e+00, v2  }
0x60e: {  	v5 =	vadd.f32 v7, v5;
	v7 =	vld [tilespmem:s24+$0x50]  }
0x60f: {  	v0 =	vadd.f32 v8, v0;
	v8 =	vld [tilespmem:s24+$0x90]  }
0x610: {  	[tilespmem:s26+$0xFFFFFE20] =	vst v5;
	v5 =	vld [tilespmem:s26+$0xFFFFFE30];
	v3 =	vadd.f32 v9, v3  }
0x611: {  	[tilespmem:s26+$0xFFFFFE60] =	vst v0;
	v0 =	vld [tilespmem:s26+$0xFFFFFE70];
	v4 =	vadd.f32 v10, v4  }
0x612: {  	[tilespmem:s26+$0xFFFFFEA0] =	vst v3;
	v3 =	vld [tilespmem:s26+$0xFFFFFEB0];
	v6 =	vadd.f32 v11, v6  }
0x613: {  	[tilespmem:s26+$0xFFFFFEE0] =	vst v4;
	v4 =	vld [tilespmem:s26+$0xFFFFFEF0];
	v1 =	vadd.f32 v7, v1  }
0x614: {  	[tilespmem:s26+$0xFFFFFF20] =	vst v6;
	v6 =	vld [tilespmem:s26+$0xFFFFFF30];
	v2 =	vadd.f32 v8, v2  }
0x615: {  	v5 =	vmul.f32 $8.000000000e+00, v5;
	[tilespmem:s26+$0xFFFFFF60] =	vst v1;
	v1 =	vld [tilespmem:s26+$0xFFFFFF70]  }
0x616: {  	v0 =	vmul.f32 $8.000000000e+00, v0;
	[tilespmem:s26+$0xFFFFFFA0] =	vst v2;
	v2 =	vld [tilespmem:s26+$0xFFFFFFB0]  }
0x617: {  	v7 =	vld [tilespmem:s24+$0xFFFFFF20];
	v3 =	vmul.f32 $8.000000000e+00, v3  }
0x618: {  	v8 =	vld [tilespmem:s24+$0xFFFFFF60];
	v4 =	vmul.f32 $8.000000000e+00, v4  }
0x619: {  	v9 =	vld [tilespmem:s24+$0xFFFFFFA0];
	v6 =	vmul.f32 $8.000000000e+00, v6  }
0x61a: {  	v10 =	vld [tilespmem:s24+$0xFFFFFFE0];
	v1 =	vmul.f32 $8.000000000e+00, v1  }
0x61b: {  	v11 =	vld [tilespmem:s24+$0x20];
	v2 =	vmul.f32 $8.000000000e+00, v2  }
0x61c: {  	v5 =	vadd.f32 v7, v5;
	v7 =	vld [tilespmem:s24+$0x60]  }
0x61d: {  	v0 =	vadd.f32 v8, v0;
	v8 =	vld [tilespmem:s24+$0xA0]  }
0x61e: {  	[tilespmem:s26+$0xFFFFFE30] =	vst v5;
	v5 =	vld [tilespmem:s26+$0xFFFFFE40];
	v3 =	vadd.f32 v9, v3  }
0x61f: {  	[tilespmem:s26+$0xFFFFFE70] =	vst v0;
	v0 =	vld [tilespmem:s26+$0xFFFFFE80];
	v4 =	vadd.f32 v10, v4  }
0x620: {  	[tilespmem:s26+$0xFFFFFEB0] =	vst v3;
	v3 =	vld [tilespmem:s26+$0xFFFFFEC0];
	v6 =	vadd.f32 v11, v6  }
0x621: {  	[tilespmem:s26+$0xFFFFFEF0] =	vst v4;
	v4 =	vld [tilespmem:s26+$0xFFFFFF00];
	v1 =	vadd.f32 v7, v1  }
0x622: {  	[tilespmem:s26+$0xFFFFFF30] =	vst v6;
	v9 =	vld [tilespmem:s26+$0xFFFFFF40];
	v2 =	vadd.f32 v8, v2  }
0x623: {  	v8 =	vmul.f32 $8.000000000e+00, v5;
	[tilespmem:s26+$0xFFFFFF70] =	vst v1;
	v1 =	vld [tilespmem:s26+$0xFFFFFF80]  }
0x624: {  	v10 =	vmul.f32 $8.000000000e+00, v0;
	[tilespmem:s26+$0xFFFFFFB0] =	vst v2;
	v11 =	vld [tilespmem:s26+$0xFFFFFFC0]  }
0x625: {  	v12 =	vld [tilespmem:s24+$0xFFFFFF30];
	v6 =	vmul.f32 $8.000000000e+00, v3  }
0x626: {  	v13 =	vld [tilespmem:s24+$0xFFFFFF70];
	v3 =	vmul.f32 $8.000000000e+00, v4  }
.Ltmp7:
0x627: {  	v7 =	vld [tilespmem:s24+$0xFFFFFFB0];
	v2 =	vmul.f32 $8.000000000e+00, v9;
	(pc) =	sbr.rel @p0 .LBB2_14-.Ltmp7, $4  }
0x628: {  	v4 =	vld [tilespmem:s24+$0xFFFFFFF0];
	v0 =	vmul.f32 $8.000000000e+00, v1  }
0x629: {  	v5 =	vld [tilespmem:s24+$0x30];
	v1 =	vmul.f32 $8.000000000e+00, v11  }
0x62a: {  	v11 =	vadd.f32 v12, v8;
	v8 =	vld [tilespmem:s24+$0x70]  }
0x62b: {  	s26 =	sadd.s32 $0x200, s26;
	v10 =	vadd.f32 v13, v10;
	v9 =	vld [tilespmem:s24+$0xB0]  }
0x62c: {  	[tilespmem:s23+$0xFFFFFE40] =	vst v11;
	v6 =	vadd.f32 v7, v6  }
0x62d: {  	[tilespmem:s23+$0xFFFFFE80] =	vst v10;
	v3 =	vadd.f32 v4, v3  }
0x62e: {  	[tilespmem:s23+$0xFFFFFEC0] =	vst v6;
	v2 =	vadd.f32 v5, v2  }
0x62f: {  	[tilespmem:s23+$0xFFFFFF00] =	vst v3;
	v0 =	vadd.f32 v8, v0  }
0x630: {  	[tilespmem:s23+$0xFFFFFF40] =	vst v2;
	v1 =	vadd.f32 v9, v1  }
0x631: {  	[tilespmem:s23+$0xFFFFFF80] =	vst v0  }
0x632: {  	[tilespmem:s23+$0xFFFFFFC0] =	vst v1  }
0x633: {  	s23 =	rddreg [dreg:$0x5]  }
0x634: {  	[hbm4b:s23+s3] =	stream.linear.scatter [tilespmem:s14], [sflag:$0x4], $0x6400, $0x38;
	[tilespmem:$0x1C200] =	vst v63  }
0x635: {  	_ =	swait.ge [sflag:s21], $0x6400  }
0x636: {  	[sflag:s21] =	ssyncset.done $0x0  }
0x637: {  	[sflag:s21] =	ssyncadd.s32 $0xFFFF9C00  }
0x638: {  	_ =	swait.ge [sflag:s22], $0x6400  }
0x639: {  	[sflag:s22] =	ssyncset.done $0x0  }
0x63a: {  	[sflag:s22] =	ssyncadd.s32 $0xFFFF9C00  }
0x63b: {  	_ =	swait.ge [sflag:s19], $0x6400  }
0x63c: {  	s24 =	rddreg [dreg:$0x7]  }
0x63d: {  	s29 =	rddreg [dreg:$0x6];
	s24 =	sadd.s32 $0x1, s24  }
0x63e: {  	p0 =	sne.s32 s24, s29  }
.Ltmp8:
0x63f: {  	_ = 	snop;
	(pc) =	sbr.rel @p0 .LBB2_1-.Ltmp8, $3  }
0x640: {  	_ =	sdelay $0x1  }
0x641: {  	[sflag:s19] =	ssyncset.done $0x0  }
0x642: {  	[sflag:s19] =	ssyncadd.s32 $0xFFFF9C00  }
0x643: {  	_ =	sfence.sel $0x180000  }
0x644: {  	[bflag:$0x0] =	sbarrier.arrive $0xFFFF  }
0x645: {  	_ =	strace $0x90000047  }
0x646: {  	s0 =	stileid.u32;
	[bflag:$0x2] =	sbarrier.arrive $0xFFFF  }
0x647: {  	p0 =	sne.s32 s0, $0x0;
	s0 =	rddreg [dreg:$0x2]  }
0x648: {  	s0 =	sadd.s32 @!p0 $0x100000, s0  }
0x649: {  	[sflag:s0] =	ssyncadd.tile.s32 @!p0 $0x1;
	_ =	shalt  }
.Lfunc_end2:
_tile_overlayer_lowered:
.L_overlay_start_2:
0x64a: {  	(tag) =	ssettag $0x2  }
0x64b: {  	s0 =	rddreg [dreg:$0x0];
	s2 =	stileid.u32  }
0x64c: {  	s1 =	rddreg [dreg:$0x1];
	p0 =	sne.s32 s2, $0x0  }
0x64d: {  	s3 =	rddreg [dreg:$0x2];
	[bflag:$0x3] =	sbarrier.arrive $0xFFFF;
	s2 =	simm.s32 @!p0 $0x1C07  }
0x64e: {  	[timem:s3], [sflag:s2] =	dma.local @!p0 [hbm:s0], s1  }
0x64f: {  	s0 =	simm.s32 @!p0 $0x7  }
0x650: {  	_ =	swait.ge @!p0 [sflag:s0], s1  }
0x651: {  	s1 =	ssub.s32 @!p0 $0x0, s1;
	[sflag:s0] =	ssyncset.done @!p0 $0x0  }
0x652: {  	[sflag:s0] =	ssyncadd.s32 @!p0 s1  }
0x653: {  	[bflag:$0x3] =	sbarrier.arrive $0xFFFF  }
0x654: {  	_ =	shalt  }

// kernel: sparse-core-data-format-call.cloned.1.call-start
scs
called_computation_lowered:
.L_overlay_start_0:
0x0: {  	s2 =	sld [smem:$0x3FD9]  }
0x1: {  	s3 =	sld [smem:$0x3FFE];
	_ =	sdelay $0x1  }
0x2: {  	s1 =	srdreg.scid  }
0x3: {  	s0 =	sand.u32 $0x1, s1  }
0x4: {  	s18 =	sshll.u32 s0, $0xA;
	s2 =	sadd.s32 s3, s2  }
0x5: {  	s2 =	sadd.s32 s2, s18  }
0x6: {  	[smem:$0x3FC6] =	sst s2  }
0x7: {  	_ = 	snop  }
0x8: {  	s2 =	sld [smem:$0x3FD0];
	(tm) =	ssettm $0x1  }
0x9: {  	s19 =	sld [smem:$0x3FFB];
	_ =	sdelay $0x3  }
0xa: {  	_ =	strace s19  }
0xb: {  	s3 =	sld [smem:$0x3FFC];
	_ =	sdelay $0x3  }
0xc: {  	_ =	strace s3  }
0xd: {  	s3 =	sld [smem:$0x3FFD];
	_ =	sdelay $0x3  }
0xe: {  	_ =	strace s3  }
0xf: {  	_ =	strace $0x8FFFFFFF  }
0x10: {  	s20 =	sld [smem:$0x3FDB];
	_ =	sdelay $0x1  }
0x11: {  	s4 =	simm.s32 $_scs_section_size  }
0x12: {  	s5 =	simm.s32 $_size__tile_overlayer_lowered;
	s6 =	simm.s32 $_tile_overlayer_lowered  }
0x13: {  	s23 =	simm.s32 $0x1BFF;
	s22 =	sshll.u32 s6, $0x1;
	s3 =	sadd.s32 s4, s20  }
0x14: {  	s7 =	simm.s32 $0x0;
	s21 =	sshll.u32 s5, $0x1;
	s5 =	sadd.s32 s22, s3  }
0x15: {  	[timem:s7], [sflag:s23] =	dma.local [hbm:s5], s21  }
0x16: {  	_ =	swait.ge [sflag:s23], s21  }
0x17: {  	s4 =	ssub.s32 $0x0, s21;
	[sflag:s23] =	ssyncset.done $0x0  }
0x18: {  	[sflag:s23] =	ssyncadd.s32 s4;
	_ =	sdelay $0x1  }
0x19: {  	s24 =	simm.s32 $0x1B8B  }
0x1a: {  	_ =	swait.ge [sflag:s24], $0x1  }
0x1b: {  	[sflag:s24] =	ssyncset.done $0x0  }
0x1c: {  	s26 =	simm.s32 $0x1B8E;
	s25 =	sld [smem:$0x3FFE];
	[sflag:s24] =	ssyncadd.s32 $0xFFFFFFFF  }
0x1d: {  	s27 =	simm.s32 $execute0_lowered;
	[smem:$0x3FD2] =	sst s26  }
0x1e: {  	s5 =	sshll.u32 s27, $0x1;
	_ =	strace $0x80000049;
	[dreg:$0x1] =	wrdreg $0xFFFFFFFF  }
0x1f: {  	s28 =	simm.s32 $_size_execute0_lowered;
	s3 =	sadd.s32 s3, s5;
	[dreg:$0x0] =	wrdreg $0x0  }
0x20: {  	s5 =	sshll.u32 s28, $0x1;
	[dreg:$0x2] =	wrdreg s3  }
0x21: {  	[dreg:$0x3] =	wrdreg s5  }
0x22: {  	[dreg:$0x4] =	wrdreg $0xC0  }
0x23: {  	_ =	task [dreg:s7], $0x5FFFF  }
0x24: {  	[dreg:$0x1] =	wrdreg $0xFFFFFFFF  }
0x25: {  	[dreg:$0x0] =	wrdreg $0x60  }
0x26: {  	[dreg:$0x2] =	wrdreg s25  }
0x27: {  	[dreg:$0x3] =	wrdreg s2  }
0x28: {  	[dreg:$0x4] =	wrdreg $0x9  }
0x29: {  	_ =	task.clear_ibuf [dreg:s7], $0x5FFFF;
	_ =	strace $0x90000049  }
0x2a: {  	s29 =	simm.s32 $0x9;
	_ =	strace $0x8000004B  }
0x2b: {  	_ =	swait.ge [sflag:s29], $0x1  }
0x2c: {  	[sflag:s29] =	ssyncadd.s32 $0xFFFFFFFF  }
0x2d: {  	_ =	strace $0x9000004B  }
0x2e: {  	_ =	sfence  }
0x2f: {  	s30 =	sld [smem:$0x0];
	_ =	sdelay $0x2  }
0x30: {  	s31 =	sshll.u32 s1, $0xD;
	s1 =	sshrl.u32 s1, $0x2  }
0x31: {  	s3 =	sand.u32 $0x4000, s31;
	s1 =	sadd.s32 s1, s30  }
0x32: {  	s0 =	sor.u32 s3, s0;
	s1 =	sshll.u32 s1, $0x11  }
0x33: {  	s0 =	sor.u32 s1, s0  }
0x34: {  	s0 =	sadd.s32 $0x8F2B, s0  }
0x35: {  	[sflag:s0] =	ssyncadd.remote.s32 $0x1  }
0x36: {  	_ =	sfence.sel $0xFFFF  }
0x37: {  	[dreg:$0x0] =	wrdreg $0xFFFFFFFF;
	(pc) =	sbr.abs _section_cstart, $3  }
0x38: {  	[dreg:$0x1] =	wrdreg $0xFFFFFFFF  }
0x39: {  	_ =	task.clear_ibuf [dreg:s7], $0x2FFFF;
	_ =	strace $0x9FFFFFFF  }
0x3a: {  	(tm) =	ssettm $0x7FFFFFFF  }
0x3b: {  	_ =	shalt  }
tec
execute0_lowered:
.L_overlay_start_1:
0x0: {  	(tag) =	ssettag $0x1  }
0x1: {  	s0 =	srdreg.scid  }
0x2: {  	s1 =	sshll.u32 s0, $0x4  }
0x3: {  	s0 =	stileid.u32;
	s1 =	sand.u32 $0x10, s1  }
0x4: {  	s1 =	sor.u32 s0, s1  }
0x5: {  	s6 =	rddreg [dreg:$0x0];
	s4 =	simm.s32 $0x1;
	s2 =	sshll.u32 s1, $0x7  }
0x6: {  	s7 =	simm.s32 $0x2;
	s12 =	simm.s32 $0x0;
	s1 =	ssub.s32 $0x1000, s2  }
0x7: {  	s8 =	simm.s32 $0x8000;
	s13 =	simm.s32 $0x0;
	s3 =	sand.u32 $0xF80, s1  }
0x8: {  	s9 =	simm.s32 $0x0;
	s5 =	sshrl.u32 s1, $0xC;
	p0 =	sne.s32 s3, $0x0  }
.Ltmp0:
0x9: {  	s1 =	rddreg [dreg:$0x2];
	s4 =	simm.s32 @!p0 $0x0;
	(pc) =	sbr.rel .LBB1_1-.Ltmp0, $4  }
0xa: {  	s11 =	simm.s32 $0x0;
	s3 =	rddreg [dreg:$0x1];
	s5 =	sadd.s32 s4, s5  }
0xb: {  	_ =	strace $0x8000004A;
	s4 =	simm.s32 $0x1;
	s5 =	smul.u32 $0xC8, s5  }
0xc: {  	s6 =	sadd.s32 $0x600, s6;
	s10 =	smov.u32 s2;
	[sflag:s4] =	ssyncpa.u1 $0x0  }
0xd: {  	p0 =	por $0x0, $0x0;
	[sflag:s7] =	ssyncpa.u1 $0x0;
	s7 =	sor.u32 $0x1, s5  }
.LBB1_4:
0xe: {  	s16 =	sshll.u32 s13, $0x3;
	s17 =	sand.u32 $0x78, s13  }
0xf: {  	s30 =	sand.u32 $0x7E00, s13;
	s12 =	sshll.u32 s12, $0xF;
	s16 =	sand.u32 $0xC00, s16  }
0x10: {  	[tilespmem:s15+$0x810 ss:$0x81] =	vst.msk $0xffff, v2;
	s31 =	sand.u32 $0x7, s13;
	s16 =	sor.u32 s17, s16;
	s17 =	sadd.s32 s3, s30  }
0x11: {  	[tilespmem:s15+$0x1020 ss:$0x81] =	vst.msk $0xffff, v0;
	s13 =	sshll.u32 s31, $0x12;
	s12 =	sadd.s32 s12, s17;
	s16 =	sshrl.u32 s16, $0x3  }
0x12: {  	[tilespmem:s15+$0x0 ss:$0x81] =	vst.msk $0xffff, v1;
	s13 =	sor.u32 $0x400, s13;
	s12 =	sadd.s32 s16, s12  }
0x13: {  	[hbm4b:s12+s13] =	stream.strided.scatter [tilespmem:s14], [sflag:$0x2], $0x2000, s8, s13, $0x20;
	[tilespmem:$0x8080] =	vst v63  }
.LBB1_5:
0x14: {  	s14 =	sadd.s32 $0x1, s9  }
0x15: {  	s12 =	sadd.s32 $0x1000, s10;
	s16 =	smov.u32 s10;
	p2 =	sgt.s32 s14, $0xC7  }
0x16: {  	s16 =	smov.u32 @p2 s12  }
0x17: {  	s14 =	simm.s32 @p2 $0x0;
	p2 =	sgt.s32 s16, $0xFFF  }
0x18: {  	s16 =	smov.u32 @p2 s2;
	p2 =	sne.s32 s11, s7  }
.Ltmp1:
0x19: {  	p1 =	slt.u32 s11, $0x2;
	(pc) =	sbr.rel @!p2 .LBB1_6-.Ltmp1, $4  }
0x1a: {  	s15 =	simm.s32 @!p1 $0x2  }
0x1b: {  	s13 =	smov.u32 s10;
	p0 =	por !p0, !p0;
	_ =	swait.ge @!p1 [sflag:s15], $0x2000  }
0x1c: {  	s12 =	smov.u32 s9;
	[sflag:s15] =	ssyncset.done @!p1 $0x0;
	s9 =	smov.u32 s14  }
0x1d: {  	s11 =	sadd.s32 $0x1, s11;
	[sflag:s15] =	ssyncadd.s32 @!p1 $0xFFFFE000;
	s10 =	smov.u32 s16  }
.LBB1_1:
0x1e: {  	p1 =	sge.u32 s11, s5  }
0x1f: {  	s14 =	sand.u32 @!p1 $0x1FFFFFF, s9  }
0x20: {  	s15 =	smulhi.u32 @!p1 $0x147AE15, s14;
	_ =	sdelay $0x1  }
0x21: {  	s15 =	smul.u32 @!p1 $0xC8, s15  }
0x22: {  	s16 =	sxor.u32 @!p1 $0xFFFFFFFF, s11;
	s17 =	smul.u32 @!p1 $0xC80, s10  }
0x23: {  	s31 =	sadd.s32 $0xFFFFFFFF, s11;
	s16 =	sshll.u32 @!p1 s16, $0xD;
	s14 =	ssub.s32 @!p1 s14, s15  }
0x24: {  	s15 =	sand.u32 @!p1 $0x2000, s16;
	s16 =	sadd.s32 @!p1 s6, s17;
	s14 =	sshll.u32 @!p1 s14, $0x4  }
0x25: {  	s17 =	simm.s32 @!p1 $0x6400;
	s14 =	sadd.s32 @!p1 s14, s16;
	s16 =	simm.s32 @!p1 $0x40  }
0x26: {  	[tilespmem:s15], [sflag:$0x1] =	stream.strided.gather @!p1 [hbm4b:s14+s16], $0x2000, s17, s16, $0x38;
	[tilespmem:$0x8080] =	vst v63  }
0x27: {  	p1 =	sge.u32 s31, s5  }
.Ltmp2:
0x28: {  	_ = 	snop;
	(pc) =	sbr.rel @p1 .LBB1_5-.Ltmp2, $1  }
0x29: {  	_ =	sdelay $0x3  }
0x2a: {  	s14 =	simm.s32 $0x1  }
0x2b: {  	_ =	swait.ge [sflag:s4], $0x2000;
	s14 =	simm.s32 @!p0 $0x0  }
0x2c: {  	[sflag:s4] =	ssyncset.done $0x0;
	s15 =	sshll.u32 s14, $0xD  }
0x2d: {  	[sflag:s4] =	ssyncadd.s32 $0xFFFFE000;
	s18 =	sor.u32 $0x20, s15  }
0x2e: {  	s14 =	smul.u32 $0x8100, s14;
	v3 =	vld [tilespmem:s18+$0x10]  }
0x2f: {  	s30 =	sand.u32 $0x1, s11;
	v2 =	vld [tilespmem:s18+$0xFFFFFFF0]  }
0x30: {  	s15 =	smul.u32 $0x8100, s30;
	s14 =	sshrl.u32 s14, $0x2;
	v0 =	vld [tilespmem:s18+$0x0]  }
0x31: {  	v1 =	vld [tilespmem:s18+$0xFFFFFFE0];
	s16 =	sor.u32 $0x4000, s14  }
0x32: {  	s31 =	sshrl.u32 s15, $0x2;
	s15 =	sadd.s32 $0x0, s16  }
0x33: {  	s17 =	simm.s32 $0x4;
	s18 =	sadd.s32 $0x40, s18;
	s14 =	sor.u32 $0x4000, s31;
	[tilespmem:s15+$0x1830 ss:$0x81] =	vst.msk $0xffff, v3  }
.LBB1_3:
0x34: {  	v3 =	vld [tilespmem:s18+$0x10];
	p1 =	sne.s32 s17, $0x1FC;
	[tilespmem:s15+$0x810 ss:$0x81] =	vst.msk $0xffff, v2;
	s19 =	smov.u32 s17;
	s17 =	sadd.s32 $0x4, s17  }
.Ltmp3:
0x35: {  	v2 =	vld [tilespmem:s18+$0xFFFFFFF0];
	[tilespmem:s15+$0x1020 ss:$0x81] =	vst.msk $0xffff, v0;
	(pc) =	sbr.rel @p1 .LBB1_3-.Ltmp3, $4  }
0x36: {  	v0 =	vld [tilespmem:s18+$0x0];
	[tilespmem:s15+$0x0 ss:$0x81] =	vst.msk $0xffff, v1  }
0x37: {  	s15 =	sshra.s32 s19, $0x2;
	v1 =	vld [tilespmem:s18+$0xFFFFFFE0]  }
0x38: {  	s15 =	sadd.s32 s15, s16  }
0x39: {  	s18 =	sadd.s32 $0x40, s18;
	[tilespmem:s15+$0x1830 ss:$0x81] =	vst.msk $0xffff, v3  }
.Ltmp4:
0x3a: {  	_ = 	snop;
	(pc) =	sbr.rel .LBB1_4-.Ltmp4, $1  }
0x3b: {  	_ =	sdelay $0x3  }
.LBB1_6:
0x3c: {  	_ =	sfence.sel $0x180000  }
0x3d: {  	s2 =	simm.s32 $0x1;
	[bflag:$0x0] =	sbarrier.arrive $0xFFFF  }
0x3e: {  	s31 =	simm.s32 $0x2;
	[sflag:s2] =	ssyncpa.u1 $0x1  }
0x3f: {  	[sflag:s31] =	ssyncpa.u1 $0x1  }
0x40: {  	p0 =	sne.s32 s0, $0x0;
	_ =	strace $0x9000004A  }
0x41: {  	s0 =	sadd.s32 @!p0 $0x100000, s1;
	[bflag:$0x2] =	sbarrier.arrive $0xFFFF  }
0x42: {  	[sflag:s0] =	ssyncadd.tile.s32 @!p0 $0x1;
	_ =	shalt  }
.Lfunc_end1:
_tile_overlayer_lowered:
.L_overlay_start_2:
0x43: {  	(tag) =	ssettag $0x2  }
0x44: {  	s0 =	rddreg [dreg:$0x0];
	s2 =	stileid.u32  }
0x45: {  	s1 =	rddreg [dreg:$0x1];
	p0 =	sne.s32 s2, $0x0  }
0x46: {  	s3 =	rddreg [dreg:$0x2];
	[bflag:$0x3] =	sbarrier.arrive $0xFFFF;
	s2 =	simm.s32 @!p0 $0x1C01  }
0x47: {  	[timem:s3], [sflag:s2] =	dma.local @!p0 [hbm:s0], s1  }
0x48: {  	s0 =	simm.s32 @!p0 $0x1  }
0x49: {  	_ =	swait.ge @!p0 [sflag:s0], s1  }
0x4a: {  	s1 =	ssub.s32 @!p0 $0x0, s1;
	[sflag:s0] =	ssyncset.done @!p0 $0x0  }
0x4b: {  	[sflag:s0] =	ssyncadd.s32 @!p0 s1  }
0x4c: {  	[bflag:$0x3] =	sbarrier.arrive $0xFFFF  }
0x4d: {  	_ =	shalt  }

</sc_bundles>
